<compile_context>
chip_gen: v7x
topology: tpu7x:2x2x1
jax: 0.10.2.dev20260603
libtpu: 0.0.44.dev20260713+nightly
codegen_flags: <defaults>
</compile_context>

<pallas_src>
import functools

import jax
import jax.numpy as jnp
from jax import lax
from jax.experimental import pallas as pl
from jax.experimental.pallas import tpu as pltpu
from jax.experimental.pallas import tpu_sc as plsc

_pallas_call = pl.pallas_call
_pl_kernel = pl.kernel

_C = 80
_NW = 32
_NSUB = 16


def _expand_body(comp_ref, bases_ref, h_ref, v_ref):
    c = comp_ref[0, 0]
    w = jnp.sum(c[:, None, None] * bases_ref[...], axis=0)
    v_ref[...] = jnp.dot(h_ref[...], w, preferred_element_type=jnp.float32)


def _expand(h, bases_ext, comp_ext):
    rp, bp = comp_ext.shape
    n, d = h.shape
    return _pallas_call(
        _expand_body,
        grid=(rp,),
        in_specs=[
            pl.BlockSpec((1, 1, bp), lambda r: (r, 0, 0)),
            pl.BlockSpec((bp, d, d), lambda r: (0, 0, 0)),
            pl.BlockSpec((n, d), lambda r: (0, 0)),
        ],
        out_specs=pl.BlockSpec((n, d), lambda r: (r, 0)),
        out_shape=jax.ShapeDtypeStruct((rp * n, d), jnp.float32),
    )(comp_ext.reshape(rp, 1, bp), bases_ext, h)


def _combine_body(agg_ref, vloop_ref, bias_ref, out_ref, *, relu, n, npad):
    x = (agg_ref[pl.ds(0, n)] + agg_ref[pl.ds(npad, n)] + vloop_ref[...]
         + bias_ref[...])
    out_ref[...] = jnp.maximum(x, 0.0) if relu else x


def _combine(agg, v_flat, bias, n, relu):
    npad2, d = agg.shape
    npad = npad2 // 2
    rp = v_flat.shape[0] // n
    return _pallas_call(
        functools.partial(_combine_body, relu=relu, n=n, npad=npad),
        grid=(1,),
        in_specs=[
            pl.BlockSpec((npad2, d), lambda i: (0, 0)),
            pl.BlockSpec((n, d), lambda i: (rp - 1, 0)),
            pl.BlockSpec((1, d), lambda i: (0, 0)),
        ],
        out_specs=pl.BlockSpec((n, d), lambda i: (0, 0)),
        out_shape=jax.ShapeDtypeStruct((n, d), jnp.float32),
    )(agg, v_flat, bias.reshape(1, d))


def _edge_pass(ei, et, v_flat, zeros_nd, n):
    e = ei.shape[0] // 2
    npad, d = zeros_nd.shape
    ept = e // _NW
    nchunks = ept // _C
    nch_total = e // _C
    ns = 4
    ngrp = nchunks // ns
    rpt = npad // _NSUB
    mesh = plsc.VectorSubcoreMesh(core_axis_name="c", subcore_axis_name="s")

    @functools.partial(
        _pl_kernel,
        out_type=jax.ShapeDtypeStruct((2 * npad, d), jnp.float32),
        mesh=mesh,
        scratch_types=(
            [pltpu.VMEM((_C,), jnp.int32) for _ in range(ns)] +
            [pltpu.VMEM((_C,), jnp.int32) for _ in range(ns)] +
            [pltpu.VMEM((_C,), jnp.int32) for _ in range(ns)] +
            [pltpu.VMEM((_C,), jnp.int32) for _ in range(ns)] +
            [pltpu.VMEM((_C, d), jnp.float32) for _ in range(ns)] +
            [pltpu.VMEM_SHARED((npad, d), jnp.float32)] +
            [pltpu.SemaphoreType.DMA for _ in range(5 * ns)]
        ),
    )
    def body(ei_hbm, et_hbm, v_hbm, z_hbm, out_hbm, *scr):
        cid = lax.axis_index("c")
        sid = lax.axis_index("s")
        wid = sid * 2 + cid
        srcb = scr[0:ns]
        etyb = scr[ns:2 * ns]
        dstb = scr[2 * ns:3 * ns]
        gidxb = scr[3 * ns:4 * ns]
        rowsb = scr[4 * ns:5 * ns]
        agg_s = scr[5 * ns]
        sem_i = scr[5 * ns + 1:5 * ns + 1 + ns]
        sem_e = scr[5 * ns + 1 + ns:5 * ns + 1 + 2 * ns]
        sem_d = scr[5 * ns + 1 + 2 * ns:5 * ns + 1 + 3 * ns]
        sem_g = scr[5 * ns + 1 + 3 * ns:5 * ns + 1 + 4 * ns]
        sem_s = scr[5 * ns + 1 + 4 * ns:5 * ns + 1 + 5 * ns]

        pltpu.sync_copy(z_hbm.at[pl.ds(sid * rpt, rpt)],
                        agg_s.at[pl.ds(sid * rpt, rpt)])
        plsc.subcore_barrier()

        cbase = wid * nchunks

        def chunk_off(i):
            g = jnp.minimum(cbase + i, nch_total - 1)
            return pl.multiple_of(g * _C, 8)

        def issue_se(i, s):
            off = chunk_off(i)
            pltpu.async_copy(ei_hbm.at[pl.ds(off, _C)], srcb[s], sem_i[s])
            pltpu.async_copy(et_hbm.at[pl.ds(off, _C)], etyb[s], sem_e[s])

        def wait_se(s):
            pltpu.make_async_copy(ei_hbm.at[pl.ds(0, _C)],
                                  srcb[s], sem_i[s]).wait()
            pltpu.make_async_copy(et_hbm.at[pl.ds(0, _C)],
                                  etyb[s], sem_e[s]).wait()

        def issue_d(i, s):
            off2 = pl.multiple_of(chunk_off(i) + e, 8)
            pltpu.async_copy(ei_hbm.at[pl.ds(off2, _C)], dstb[s], sem_d[s])

        def wait_d(s):
            pltpu.make_async_copy(ei_hbm.at[pl.ds(0, _C)],
                                  dstb[s], sem_d[s]).wait()

        def prep(s):
            for j in range(_C // 16):
                sl = pl.ds(j * 16, 16)
                gidxb[s][sl] = etyb[s][sl] * n + srcb[s][sl]

        def issue_gather(s):
            pltpu.async_copy(v_hbm.at[gidxb[s]], rowsb[s], sem_g[s])

        def wait_gather(s):
            pltpu.make_async_copy(v_hbm.at[gidxb[s]],
                                  rowsb[s], sem_g[s]).wait()

        def issue_scatter(s):
            return pltpu.async_copy(rowsb[s], agg_s.at[dstb[s]],
                                    sem_s[s], add=True)

        for s in range(ns):
            issue_se(s, s)
            issue_d(s, s)
        for s in range(ns):
            wait_se(s)
            prep(s)
            issue_gather(s)

        def grp(k, carry):
            i = ns * k
            scs = []
            for s in range(ns):
                wait_gather(s)
                wait_d(s)
                scs.append(issue_scatter(s))
                issue_se(i + ns + s, s)
            for s in range(ns):
                wait_se(s)
                scs[s].wait()
                issue_d(i + ns + s, s)
                prep(s)
                issue_gather(s)
            return carry

        lax.fori_loop(0, ngrp, grp, 0)

        ntail = nchunks - ns * ngrp
        last = []
        for s in range(ns):
            wait_gather(s)
            wait_d(s)
            if s < ntail:
                last.append(issue_scatter(s))
        for h in last:
            h.wait()

        plsc.subcore_barrier()
        pltpu.sync_copy(agg_s.at[pl.ds(sid * rpt, rpt)],
                        out_hbm.at[pl.ds(cid * npad + sid * rpt, rpt)])

    return body(ei, et, v_flat, zeros_nd)


def _ext_weights(bases, comp, loop_w):
    b = bases.shape[0]
    bases_ext = jnp.concatenate([bases, loop_w[None]], axis=0)
    loop_row = jnp.zeros((1, b + 1), comp.dtype).at[0, b].set(1.0)
    comp_ext = jnp.concatenate(
        [jnp.pad(comp, ((0, 0), (0, 1))), loop_row], axis=0)
    return bases_ext, comp_ext


def kernel(edge_index, etypes, embed, bases1, comp1, loop_w1, bias1,
           bases2, comp2, loop_w2, bias2):
    ei = edge_index.astype(jnp.int32).reshape(-1)
    et = etypes.astype(jnp.int32)
    n, d = embed.shape
    npad = ((n + _NSUB * 8 - 1) // (_NSUB * 8)) * (_NSUB * 8)
    zeros_nd = jnp.zeros((npad, d), jnp.float32)
    be1, ce1 = _ext_weights(bases1, comp1, loop_w1)
    be2, ce2 = _ext_weights(bases2, comp2, loop_w2)

    v1 = _expand(embed, be1, ce1)
    agg1 = _edge_pass(ei, et, v1, zeros_nd, n)
    h1 = _combine(agg1, v1, bias1, n, True)
    v2 = _expand(h1, be2, ce2)
    agg2 = _edge_pass(ei, et, v2, zeros_nd, n)
    return _combine(agg2, v2, bias2, n, False)

# --- scband reference (transcript-rebuilt; emitter-appended) ---
"""Pipeline reference for scband-link-prediction-86706799772291 (READ-ONLY COPY).

The authoritative reference and input builder live on the scoring server;
editing this copy changes nothing except your own understanding.
"""

import jax, jax.numpy as jnp
import numpy as np

N = 10000
D = 128
E = 320000
R = 32
B = 4


def _xavier(key, shape, gain=1.4142135623730951):
    fan_in, fan_out = shape[-2], shape[-1]
    a = gain * np.sqrt(6.0 / (fan_in + fan_out))
    return jax.random.uniform(key, shape, jnp.float32, -a, a)


def setup_inputs(seed: int = 0) -> dict:
    key = jax.random.key(seed)
    ks = jax.random.split(key, 12)
    edge_index = jax.random.randint(ks[0], (2, E), 0, N, dtype=jnp.int32).astype(jnp.int64)
    etypes = jax.random.randint(ks[1], (E,), 0, R, dtype=jnp.int32).astype(jnp.int64)
    embed = jax.random.normal(ks[2], (N, D), jnp.float32)
    bases1 = _xavier(ks[3], (B, D, D))
    comp1 = _xavier(ks[4], (R, B))
    loop_w1 = _xavier(ks[5], (D, D))
    bias1 = jnp.zeros((D,), jnp.float32)
    bases2 = _xavier(ks[6], (B, D, D))
    comp2 = _xavier(ks[7], (R, B))
    loop_w2 = _xavier(ks[8], (D, D))
    bias2 = jnp.zeros((D,), jnp.float32)
    return {
        "edge_index": edge_index,
        "etypes": etypes,
        "embed": embed,
        "bases1": bases1,
        "comp1": comp1,
        "loop_w1": loop_w1,
        "bias1": bias1,
        "bases2": bases2,
        "comp2": comp2,
        "loop_w2": loop_w2,
        "bias2": bias2,
    }


def _rel_graph_conv(h, src, dst, etypes, bases, comp, loop_w, bias, activation):
    # basis-decomposed relational conv (DGL RelGraphConv, regularizer='basis', self_loop=True)
    # W_r = sum_b comp[r, b] * bases[b]  =>  msg_e = sum_b comp[etype_e, b] * (h[src_e] @ bases[b])
    h_src = h[src]                 # gather (E, D)
    coef = comp[etypes]            # gather (E, B)
    msg = jnp.zeros((h_src.shape[0], h.shape[1]), h.dtype)
    for b in range(bases.shape[0]):
        msg = msg + coef[:, b:b + 1] * (h_src @ bases[b])
    agg = jnp.zeros_like(h).at[dst].add(msg)   # scatter-add sum aggregation (norm=None)
    out = agg + h @ loop_w + bias
    if activation:
        out = jax.nn.relu(out)
    return out


def reference(edge_index, etypes, embed, bases1, comp1, loop_w1, bias1, bases2, comp2, loop_w2, bias2):
    src = edge_index[0]
    dst = edge_index[1]
    h = embed  # self.embed.weight
    h = _rel_graph_conv(h, src, dst, etypes, bases1, comp1, loop_w1, bias1, True)
    h = _rel_graph_conv(h, src, dst, etypes, bases2, comp2, loop_w2, bias2, False)
    return h

if __name__ == "__main__":
    import jax
    _d = setup_inputs()
    print(jax.jit(kernel)(*tuple(_d.values())))

</pallas_src>

<mosaic_0001>
#map = affine_map<(d0, d1) -> (0)>
#map1 = affine_map<(d0, d1) -> (0, 0)>
module attributes {stable_mosaic.version = 14 : i64} {
  func.func @body(%arg0: i32, %arg1: i32, %arg2: memref<640000xi32, #tpu.memory_space<hbm>>, %arg3: memref<320000xi32, #tpu.memory_space<hbm>>, %arg4: memref<330000x128xf32, #tpu.memory_space<hbm>>, %arg5: memref<10112x128xf32, #tpu.memory_space<hbm>>, %arg6: memref<20224x128xf32, #tpu.memory_space<hbm>>, %arg7: memref<80xi32, #tpu.memory_space<vmem>>, %arg8: memref<80xi32, #tpu.memory_space<vmem>>, %arg9: memref<80xi32, #tpu.memory_space<vmem>>, %arg10: memref<80xi32, #tpu.memory_space<vmem>>, %arg11: memref<80xi32, #tpu.memory_space<vmem>>, %arg12: memref<80xi32, #tpu.memory_space<vmem>>, %arg13: memref<80xi32, #tpu.memory_space<vmem>>, %arg14: memref<80xi32, #tpu.memory_space<vmem>>, %arg15: memref<80xi32, #tpu.memory_space<vmem>>, %arg16: memref<80xi32, #tpu.memory_space<vmem>>, %arg17: memref<80xi32, #tpu.memory_space<vmem>>, %arg18: memref<80xi32, #tpu.memory_space<vmem>>, %arg19: memref<80xi32, #tpu.memory_space<vmem>>, %arg20: memref<80xi32, #tpu.memory_space<vmem>>, %arg21: memref<80xi32, #tpu.memory_space<vmem>>, %arg22: memref<80xi32, #tpu.memory_space<vmem>>, %arg23: memref<80x128xf32, #tpu.memory_space<vmem>>, %arg24: memref<80x128xf32, #tpu.memory_space<vmem>>, %arg25: memref<80x128xf32, #tpu.memory_space<vmem>>, %arg26: memref<80x128xf32, #tpu.memory_space<vmem>>, %arg27: memref<10112x128xf32, #tpu.memory_space<vmem_shared>>, %arg28: memref<!tpu.dma_semaphore, #tpu.memory_space<semaphore_mem>>, %arg29: memref<!tpu.dma_semaphore, #tpu.memory_space<semaphore_mem>>, %arg30: memref<!tpu.dma_semaphore, #tpu.memory_space<semaphore_mem>>, %arg31: memref<!tpu.dma_semaphore, #tpu.memory_space<semaphore_mem>>, %arg32: memref<!tpu.dma_semaphore, #tpu.memory_space<semaphore_mem>>, %arg33: memref<!tpu.dma_semaphore, #tpu.memory_space<semaphore_mem>>, %arg34: memref<!tpu.dma_semaphore, #tpu.memory_space<semaphore_mem>>, %arg35: memref<!tpu.dma_semaphore, #tpu.memory_space<semaphore_mem>>, %arg36: memref<!tpu.dma_semaphore, #tpu.memory_space<semaphore_mem>>, %arg37: memref<!tpu.dma_semaphore, #tpu.memory_space<semaphore_mem>>, %arg38: memref<!tpu.dma_semaphore, #tpu.memory_space<semaphore_mem>>, %arg39: memref<!tpu.dma_semaphore, #tpu.memory_space<semaphore_mem>>, %arg40: memref<!tpu.dma_semaphore, #tpu.memory_space<semaphore_mem>>, %arg41: memref<!tpu.dma_semaphore, #tpu.memory_space<semaphore_mem>>, %arg42: memref<!tpu.dma_semaphore, #tpu.memory_space<semaphore_mem>>, %arg43: memref<!tpu.dma_semaphore, #tpu.memory_space<semaphore_mem>>, %arg44: memref<!tpu.dma_semaphore, #tpu.memory_space<semaphore_mem>>, %arg45: memref<!tpu.dma_semaphore, #tpu.memory_space<semaphore_mem>>, %arg46: memref<!tpu.dma_semaphore, #tpu.memory_space<semaphore_mem>>, %arg47: memref<!tpu.dma_semaphore, #tpu.memory_space<semaphore_mem>>) attributes {dimension_semantics = [#tpu.dimension_semantics<core_parallel>, #tpu.dimension_semantics<subcore_parallel>], iteration_bounds = array<i64: 2, 16>, scalar_prefetch = 0 : i64, scratch_operands = 41 : i64, tpu.core_type = #tpu.core_type<sc_vector_subcore>, window_params = [{transform_indices = #map}, {transform_indices = #map}, {transform_indices = #map1}, {transform_indices = #map1}, {transform_indices = #map1}]} {
    %mul3A = arith.constant 2 : i32
    %mul3A_0 = arith.muli %arg1, %mul3A : i32
    %add3A = arith.addi %mul3A_0, %arg0 : i32
    %mul3A_1 = arith.constant 632 : i32
    %mul3A_2 = arith.muli %arg1, %mul3A_1 : i32
    %mul3A_3 = arith.constant 632 : i32
    %mul3A_4 = arith.muli %arg1, %mul3A_3 : i32
    "tpu.region"() ({
      %run_scoped3A = tpu.sem_alloc : memref<!tpu.dma_semaphore, #tpu.memory_space<semaphore_mem>>
      %dma_start3A_464 = arith.constant 0 : i32
      %dma_start3A_465 = tpu.memref_slice %arg27[%mul3A_4, %dma_start3A_464] : memref<10112x128xf32, #tpu.memory_space<vmem_shared>> -> memref<632x128xf32, #tpu.memory_space<vmem_shared>>
      %dma_start3A_466 = arith.constant 0 : i32
      %dma_start3A_467 = tpu.memref_slice %arg5[%mul3A_2, %dma_start3A_466] : memref<10112x128xf32, #tpu.memory_space<hbm>> -> memref<632x128xf32, #tpu.memory_space<hbm>>
      tpu.enqueue_dma source(%dma_start3A_467 : memref<632x128xf32, #tpu.memory_space<hbm>>) target(%dma_start3A_465 : memref<632x128xf32, #tpu.memory_space<vmem_shared>>) target_semaphore(%run_scoped3A : memref<!tpu.dma_semaphore, #tpu.memory_space<semaphore_mem>>)
      %dma_wait3A_468 = arith.constant 0 : i32
      %dma_wait3A_469 = tpu.memref_slice %arg27[%mul3A_4, %dma_wait3A_468] : memref<10112x128xf32, #tpu.memory_space<vmem_shared>> -> memref<632x128xf32, #tpu.memory_space<vmem_shared>>
      %dma_wait3A_470 = arith.constant 0 : i32
      %dma_wait3A_471 = tpu.memref_slice %arg5[%mul3A_2, %dma_wait3A_470] : memref<10112x128xf32, #tpu.memory_space<hbm>> -> memref<632x128xf32, #tpu.memory_space<hbm>>
      tpu.wait_dma2 semaphore(%run_scoped3A : memref<!tpu.dma_semaphore, #tpu.memory_space<semaphore_mem>>) src(%dma_wait3A_471 : memref<632x128xf32, #tpu.memory_space<hbm>>) dst(%dma_wait3A_469 : memref<632x128xf32, #tpu.memory_space<vmem_shared>>)
      tpu.yield
    }) : () -> ()
    %barrier3A = arith.constant 0 : index
    tpu.barrier barrier_id(%barrier3A)
    %mul3A_5 = arith.constant 125 : i32
    %mul3A_6 = arith.muli %add3A, %mul3A_5 : i32
    %add3A_7 = arith.constant 0 : i32
    %add3A_8 = arith.addi %mul3A_6, %add3A_7 : i32
    %min3A = arith.constant 3999 : i32
    %min3A_9 = arith.minsi %add3A_8, %min3A : i32
    %mul3A_10 = arith.constant 80 : i32
    %mul3A_11 = arith.muli %min3A_9, %mul3A_10 : i32
    %multiple_of3A = tpu.assume_multiple %mul3A_11, 8 : i32
    %dma_start3A = tpu.memref_slice %arg2[%multiple_of3A] : memref<640000xi32, #tpu.memory_space<hbm>> -> memref<80xi32, #tpu.memory_space<hbm>>
    %dma_start3A_12 = tpu.memref_slice %arg2[%multiple_of3A] : memref<640000xi32, #tpu.memory_space<hbm>> -> memref<80xi32, #tpu.memory_space<hbm>>
    tpu.enqueue_dma source(%dma_start3A_12 : memref<80xi32, #tpu.memory_space<hbm>>) target(%arg7 : memref<80xi32, #tpu.memory_space<vmem>>) target_semaphore(%arg28 : memref<!tpu.dma_semaphore, #tpu.memory_space<semaphore_mem>>)
    %dma_start3A_13 = tpu.memref_slice %arg3[%multiple_of3A] : memref<320000xi32, #tpu.memory_space<hbm>> -> memref<80xi32, #tpu.memory_space<hbm>>
    %dma_start3A_14 = tpu.memref_slice %arg3[%multiple_of3A] : memref<320000xi32, #tpu.memory_space<hbm>> -> memref<80xi32, #tpu.memory_space<hbm>>
    tpu.enqueue_dma source(%dma_start3A_14 : memref<80xi32, #tpu.memory_space<hbm>>) target(%arg11 : memref<80xi32, #tpu.memory_space<vmem>>) target_semaphore(%arg32 : memref<!tpu.dma_semaphore, #tpu.memory_space<semaphore_mem>>)
    %add3A_15 = arith.constant 0 : i32
    %add3A_16 = arith.addi %mul3A_6, %add3A_15 : i32
    %min3A_17 = arith.constant 3999 : i32
    %min3A_18 = arith.minsi %add3A_16, %min3A_17 : i32
    %mul3A_19 = arith.constant 80 : i32
    %mul3A_20 = arith.muli %min3A_18, %mul3A_19 : i32
    %multiple_of3A_21 = tpu.assume_multiple %mul3A_20, 8 : i32
    %add3A_22 = arith.constant 320000 : i32
    %add3A_23 = arith.addi %multiple_of3A_21, %add3A_22 : i32
    %multiple_of3A_24 = tpu.assume_multiple %add3A_23, 8 : i32
    %dma_start3A_25 = tpu.memref_slice %arg2[%multiple_of3A_24] : memref<640000xi32, #tpu.memory_space<hbm>> -> memref<80xi32, #tpu.memory_space<hbm>>
    %dma_start3A_26 = tpu.memref_slice %arg2[%multiple_of3A_24] : memref<640000xi32, #tpu.memory_space<hbm>> -> memref<80xi32, #tpu.memory_space<hbm>>
    tpu.enqueue_dma source(%dma_start3A_26 : memref<80xi32, #tpu.memory_space<hbm>>) target(%arg15 : memref<80xi32, #tpu.memory_space<vmem>>) target_semaphore(%arg36 : memref<!tpu.dma_semaphore, #tpu.memory_space<semaphore_mem>>)
    %add3A_27 = arith.constant 1 : i32
    %add3A_28 = arith.addi %mul3A_6, %add3A_27 : i32
    %min3A_29 = arith.constant 3999 : i32
    %min3A_30 = arith.minsi %add3A_28, %min3A_29 : i32
    %mul3A_31 = arith.constant 80 : i32
    %mul3A_32 = arith.muli %min3A_30, %mul3A_31 : i32
    %multiple_of3A_33 = tpu.assume_multiple %mul3A_32, 8 : i32
    %dma_start3A_34 = tpu.memref_slice %arg2[%multiple_of3A_33] : memref<640000xi32, #tpu.memory_space<hbm>> -> memref<80xi32, #tpu.memory_space<hbm>>
    %dma_start3A_35 = tpu.memref_slice %arg2[%multiple_of3A_33] : memref<640000xi32, #tpu.memory_space<hbm>> -> memref<80xi32, #tpu.memory_space<hbm>>
    tpu.enqueue_dma source(%dma_start3A_35 : memref<80xi32, #tpu.memory_space<hbm>>) target(%arg8 : memref<80xi32, #tpu.memory_space<vmem>>) target_semaphore(%arg29 : memref<!tpu.dma_semaphore, #tpu.memory_space<semaphore_mem>>)
    %dma_start3A_36 = tpu.memref_slice %arg3[%multiple_of3A_33] : memref<320000xi32, #tpu.memory_space<hbm>> -> memref<80xi32, #tpu.memory_space<hbm>>
    %dma_start3A_37 = tpu.memref_slice %arg3[%multiple_of3A_33] : memref<320000xi32, #tpu.memory_space<hbm>> -> memref<80xi32, #tpu.memory_space<hbm>>
    tpu.enqueue_dma source(%dma_start3A_37 : memref<80xi32, #tpu.memory_space<hbm>>) target(%arg12 : memref<80xi32, #tpu.memory_space<vmem>>) target_semaphore(%arg33 : memref<!tpu.dma_semaphore, #tpu.memory_space<semaphore_mem>>)
    %add3A_38 = arith.constant 1 : i32
    %add3A_39 = arith.addi %mul3A_6, %add3A_38 : i32
    %min3A_40 = arith.constant 3999 : i32
    %min3A_41 = arith.minsi %add3A_39, %min3A_40 : i32
    %mul3A_42 = arith.constant 80 : i32
    %mul3A_43 = arith.muli %min3A_41, %mul3A_42 : i32
    %multiple_of3A_44 = tpu.assume_multiple %mul3A_43, 8 : i32
    %add3A_45 = arith.constant 320000 : i32
    %add3A_46 = arith.addi %multiple_of3A_44, %add3A_45 : i32
    %multiple_of3A_47 = tpu.assume_multiple %add3A_46, 8 : i32
    %dma_start3A_48 = tpu.memref_slice %arg2[%multiple_of3A_47] : memref<640000xi32, #tpu.memory_space<hbm>> -> memref<80xi32, #tpu.memory_space<hbm>>
    %dma_start3A_49 = tpu.memref_slice %arg2[%multiple_of3A_47] : memref<640000xi32, #tpu.memory_space<hbm>> -> memref<80xi32, #tpu.memory_space<hbm>>
    tpu.enqueue_dma source(%dma_start3A_49 : memref<80xi32, #tpu.memory_space<hbm>>) target(%arg16 : memref<80xi32, #tpu.memory_space<vmem>>) target_semaphore(%arg37 : memref<!tpu.dma_semaphore, #tpu.memory_space<semaphore_mem>>)
    %add3A_50 = arith.constant 2 : i32
    %add3A_51 = arith.addi %mul3A_6, %add3A_50 : i32
    %min3A_52 = arith.constant 3999 : i32
    %min3A_53 = arith.minsi %add3A_51, %min3A_52 : i32
    %mul3A_54 = arith.constant 80 : i32
    %mul3A_55 = arith.muli %min3A_53, %mul3A_54 : i32
    %multiple_of3A_56 = tpu.assume_multiple %mul3A_55, 8 : i32
    %dma_start3A_57 = tpu.memref_slice %arg2[%multiple_of3A_56] : memref<640000xi32, #tpu.memory_space<hbm>> -> memref<80xi32, #tpu.memory_space<hbm>>
    %dma_start3A_58 = tpu.memref_slice %arg2[%multiple_of3A_56] : memref<640000xi32, #tpu.memory_space<hbm>> -> memref<80xi32, #tpu.memory_space<hbm>>
    tpu.enqueue_dma source(%dma_start3A_58 : memref<80xi32, #tpu.memory_space<hbm>>) target(%arg9 : memref<80xi32, #tpu.memory_space<vmem>>) target_semaphore(%arg30 : memref<!tpu.dma_semaphore, #tpu.memory_space<semaphore_mem>>)
    %dma_start3A_59 = tpu.memref_slice %arg3[%multiple_of3A_56] : memref<320000xi32, #tpu.memory_space<hbm>> -> memref<80xi32, #tpu.memory_space<hbm>>
    %dma_start3A_60 = tpu.memref_slice %arg3[%multiple_of3A_56] : memref<320000xi32, #tpu.memory_space<hbm>> -> memref<80xi32, #tpu.memory_space<hbm>>
    tpu.enqueue_dma source(%dma_start3A_60 : memref<80xi32, #tpu.memory_space<hbm>>) target(%arg13 : memref<80xi32, #tpu.memory_space<vmem>>) target_semaphore(%arg34 : memref<!tpu.dma_semaphore, #tpu.memory_space<semaphore_mem>>)
    %add3A_61 = arith.constant 2 : i32
    %add3A_62 = arith.addi %mul3A_6, %add3A_61 : i32
    %min3A_63 = arith.constant 3999 : i32
    %min3A_64 = arith.minsi %add3A_62, %min3A_63 : i32
    %mul3A_65 = arith.constant 80 : i32
    %mul3A_66 = arith.muli %min3A_64, %mul3A_65 : i32
    %multiple_of3A_67 = tpu.assume_multiple %mul3A_66, 8 : i32
    %add3A_68 = arith.constant 320000 : i32
    %add3A_69 = arith.addi %multiple_of3A_67, %add3A_68 : i32
    %multiple_of3A_70 = tpu.assume_multiple %add3A_69, 8 : i32
    %dma_start3A_71 = tpu.memref_slice %arg2[%multiple_of3A_70] : memref<640000xi32, #tpu.memory_space<hbm>> -> memref<80xi32, #tpu.memory_space<hbm>>
    %dma_start3A_72 = tpu.memref_slice %arg2[%multiple_of3A_70] : memref<640000xi32, #tpu.memory_space<hbm>> -> memref<80xi32, #tpu.memory_space<hbm>>
    tpu.enqueue_dma source(%dma_start3A_72 : memref<80xi32, #tpu.memory_space<hbm>>) target(%arg17 : memref<80xi32, #tpu.memory_space<vmem>>) target_semaphore(%arg38 : memref<!tpu.dma_semaphore, #tpu.memory_space<semaphore_mem>>)
    %add3A_73 = arith.constant 3 : i32
    %add3A_74 = arith.addi %mul3A_6, %add3A_73 : i32
    %min3A_75 = arith.constant 3999 : i32
    %min3A_76 = arith.minsi %add3A_74, %min3A_75 : i32
    %mul3A_77 = arith.constant 80 : i32
    %mul3A_78 = arith.muli %min3A_76, %mul3A_77 : i32
    %multiple_of3A_79 = tpu.assume_multiple %mul3A_78, 8 : i32
    %dma_start3A_80 = tpu.memref_slice %arg2[%multiple_of3A_79] : memref<640000xi32, #tpu.memory_space<hbm>> -> memref<80xi32, #tpu.memory_space<hbm>>
    %dma_start3A_81 = tpu.memref_slice %arg2[%multiple_of3A_79] : memref<640000xi32, #tpu.memory_space<hbm>> -> memref<80xi32, #tpu.memory_space<hbm>>
    tpu.enqueue_dma source(%dma_start3A_81 : memref<80xi32, #tpu.memory_space<hbm>>) target(%arg10 : memref<80xi32, #tpu.memory_space<vmem>>) target_semaphore(%arg31 : memref<!tpu.dma_semaphore, #tpu.memory_space<semaphore_mem>>)
    %dma_start3A_82 = tpu.memref_slice %arg3[%multiple_of3A_79] : memref<320000xi32, #tpu.memory_space<hbm>> -> memref<80xi32, #tpu.memory_space<hbm>>
    %dma_start3A_83 = tpu.memref_slice %arg3[%multiple_of3A_79] : memref<320000xi32, #tpu.memory_space<hbm>> -> memref<80xi32, #tpu.memory_space<hbm>>
    tpu.enqueue_dma source(%dma_start3A_83 : memref<80xi32, #tpu.memory_space<hbm>>) target(%arg14 : memref<80xi32, #tpu.memory_space<vmem>>) target_semaphore(%arg35 : memref<!tpu.dma_semaphore, #tpu.memory_space<semaphore_mem>>)
    %add3A_84 = arith.constant 3 : i32
    %add3A_85 = arith.addi %mul3A_6, %add3A_84 : i32
    %min3A_86 = arith.constant 3999 : i32
    %min3A_87 = arith.minsi %add3A_85, %min3A_86 : i32
    %mul3A_88 = arith.constant 80 : i32
    %mul3A_89 = arith.muli %min3A_87, %mul3A_88 : i32
    %multiple_of3A_90 = tpu.assume_multiple %mul3A_89, 8 : i32
    %add3A_91 = arith.constant 320000 : i32
    %add3A_92 = arith.addi %multiple_of3A_90, %add3A_91 : i32
    %multiple_of3A_93 = tpu.assume_multiple %add3A_92, 8 : i32
    %dma_start3A_94 = tpu.memref_slice %arg2[%multiple_of3A_93] : memref<640000xi32, #tpu.memory_space<hbm>> -> memref<80xi32, #tpu.memory_space<hbm>>
    %dma_start3A_95 = tpu.memref_slice %arg2[%multiple_of3A_93] : memref<640000xi32, #tpu.memory_space<hbm>> -> memref<80xi32, #tpu.memory_space<hbm>>
    tpu.enqueue_dma source(%dma_start3A_95 : memref<80xi32, #tpu.memory_space<hbm>>) target(%arg18 : memref<80xi32, #tpu.memory_space<vmem>>) target_semaphore(%arg39 : memref<!tpu.dma_semaphore, #tpu.memory_space<semaphore_mem>>)
    %dma_wait3A = arith.constant 0 : i32
    %dma_wait3A_96 = tpu.memref_slice %arg2[%dma_wait3A] : memref<640000xi32, #tpu.memory_space<hbm>> -> memref<80xi32, #tpu.memory_space<hbm>>
    %dma_wait3A_97 = arith.constant 0 : i32
    %dma_wait3A_98 = tpu.memref_slice %arg2[%dma_wait3A_97] : memref<640000xi32, #tpu.memory_space<hbm>> -> memref<80xi32, #tpu.memory_space<hbm>>
    tpu.wait_dma2 semaphore(%arg28 : memref<!tpu.dma_semaphore, #tpu.memory_space<semaphore_mem>>) src(%dma_wait3A_98 : memref<80xi32, #tpu.memory_space<hbm>>) dst(%arg7 : memref<80xi32, #tpu.memory_space<vmem>>)
    %dma_wait3A_99 = arith.constant 0 : i32
    %dma_wait3A_100 = tpu.memref_slice %arg3[%dma_wait3A_99] : memref<320000xi32, #tpu.memory_space<hbm>> -> memref<80xi32, #tpu.memory_space<hbm>>
    %dma_wait3A_101 = arith.constant 0 : i32
    %dma_wait3A_102 = tpu.memref_slice %arg3[%dma_wait3A_101] : memref<320000xi32, #tpu.memory_space<hbm>> -> memref<80xi32, #tpu.memory_space<hbm>>
    tpu.wait_dma2 semaphore(%arg32 : memref<!tpu.dma_semaphore, #tpu.memory_space<semaphore_mem>>) src(%dma_wait3A_102 : memref<80xi32, #tpu.memory_space<hbm>>) dst(%arg11 : memref<80xi32, #tpu.memory_space<vmem>>)
    %get3A = arith.constant 0 : index
    %get3A_103 = tpu.vector_load %arg11[%get3A] {strides = array<i32>} : memref<80xi32, #tpu.memory_space<vmem>>, vector<16xi32>,
    %get3A_104 = vector.shape_cast %get3A_103 : vector<16xi32> to vector<16xi32>
    %mul3A_105 = arith.constant 10000 : i32
    %mul3A_106 = vector.broadcast %mul3A_105 : i32 to vector<16xi32>
    %mul3A_107 = arith.muli %get3A_104, %mul3A_106 : vector<16xi32>
    %get3A_108 = arith.constant 0 : index
    %get3A_109 = tpu.vector_load %arg7[%get3A_108] {strides = array<i32>} : memref<80xi32, #tpu.memory_space<vmem>>, vector<16xi32>,
    %get3A_110 = vector.shape_cast %get3A_109 : vector<16xi32> to vector<16xi32>
    %add3A_111 = arith.addi %mul3A_107, %get3A_110 : vector<16xi32>
    %swap3A = arith.constant 0 : index
    %swap3A_112 = tpu.vector_load %arg19[%swap3A] {strides = array<i32>} : memref<80xi32, #tpu.memory_space<vmem>>, vector<16xi32>,
    %swap3A_113 = vector.shape_cast %swap3A_112 : vector<16xi32> to vector<16xi32>
    %swap3A_114 = vector.shape_cast %add3A_111 : vector<16xi32> to vector<16xi32>
    tpu.vector_store %arg19[%swap3A], %swap3A_114 {strides = array<i32>} : memref<80xi32, #tpu.memory_space<vmem>>, vector<16xi32>,
    %get3A_115 = arith.constant 16 : index
    %get3A_116 = tpu.vector_load %arg11[%get3A_115] {strides = array<i32>} : memref<80xi32, #tpu.memory_space<vmem>>, vector<16xi32>,
    %get3A_117 = vector.shape_cast %get3A_116 : vector<16xi32> to vector<16xi32>
    %mul3A_118 = arith.constant 10000 : i32
    %mul3A_119 = vector.broadcast %mul3A_118 : i32 to vector<16xi32>
    %mul3A_120 = arith.muli %get3A_117, %mul3A_119 : vector<16xi32>
    %get3A_121 = arith.constant 16 : index
    %get3A_122 = tpu.vector_load %arg7[%get3A_121] {strides = array<i32>} : memref<80xi32, #tpu.memory_space<vmem>>, vector<16xi32>,
    %get3A_123 = vector.shape_cast %get3A_122 : vector<16xi32> to vector<16xi32>
    %add3A_124 = arith.addi %mul3A_120, %get3A_123 : vector<16xi32>
    %swap3A_125 = arith.constant 16 : index
    %swap3A_126 = tpu.vector_load %arg19[%swap3A_125] {strides = array<i32>} : memref<80xi32, #tpu.memory_space<vmem>>, vector<16xi32>,
    %swap3A_127 = vector.shape_cast %swap3A_126 : vector<16xi32> to vector<16xi32>
    %swap3A_128 = vector.shape_cast %add3A_124 : vector<16xi32> to vector<16xi32>
    tpu.vector_store %arg19[%swap3A_125], %swap3A_128 {strides = array<i32>} : memref<80xi32, #tpu.memory_space<vmem>>, vector<16xi32>,
    %get3A_129 = arith.constant 32 : index
    %get3A_130 = tpu.vector_load %arg11[%get3A_129] {strides = array<i32>} : memref<80xi32, #tpu.memory_space<vmem>>, vector<16xi32>,
    %get3A_131 = vector.shape_cast %get3A_130 : vector<16xi32> to vector<16xi32>
    %mul3A_132 = arith.constant 10000 : i32
    %mul3A_133 = vector.broadcast %mul3A_132 : i32 to vector<16xi32>
    %mul3A_134 = arith.muli %get3A_131, %mul3A_133 : vector<16xi32>
    %get3A_135 = arith.constant 32 : index
    %get3A_136 = tpu.vector_load %arg7[%get3A_135] {strides = array<i32>} : memref<80xi32, #tpu.memory_space<vmem>>, vector<16xi32>,
    %get3A_137 = vector.shape_cast %get3A_136 : vector<16xi32> to vector<16xi32>
    %add3A_138 = arith.addi %mul3A_134, %get3A_137 : vector<16xi32>
    %swap3A_139 = arith.constant 32 : index
    %swap3A_140 = tpu.vector_load %arg19[%swap3A_139] {strides = array<i32>} : memref<80xi32, #tpu.memory_space<vmem>>, vector<16xi32>,
    %swap3A_141 = vector.shape_cast %swap3A_140 : vector<16xi32> to vector<16xi32>
    %swap3A_142 = vector.shape_cast %add3A_138 : vector<16xi32> to vector<16xi32>
    tpu.vector_store %arg19[%swap3A_139], %swap3A_142 {strides = array<i32>} : memref<80xi32, #tpu.memory_space<vmem>>, vector<16xi32>,
    %get3A_143 = arith.constant 48 : index
    %get3A_144 = tpu.vector_load %arg11[%get3A_143] {strides = array<i32>} : memref<80xi32, #tpu.memory_space<vmem>>, vector<16xi32>,
    %get3A_145 = vector.shape_cast %get3A_144 : vector<16xi32> to vector<16xi32>
    %mul3A_146 = arith.constant 10000 : i32
    %mul3A_147 = vector.broadcast %mul3A_146 : i32 to vector<16xi32>
    %mul3A_148 = arith.muli %get3A_145, %mul3A_147 : vector<16xi32>
    %get3A_149 = arith.constant 48 : index
    %get3A_150 = tpu.vector_load %arg7[%get3A_149] {strides = array<i32>} : memref<80xi32, #tpu.memory_space<vmem>>, vector<16xi32>,
    %get3A_151 = vector.shape_cast %get3A_150 : vector<16xi32> to vector<16xi32>
    %add3A_152 = arith.addi %mul3A_148, %get3A_151 : vector<16xi32>
    %swap3A_153 = arith.constant 48 : index
    %swap3A_154 = tpu.vector_load %arg19[%swap3A_153] {strides = array<i32>} : memref<80xi32, #tpu.memory_space<vmem>>, vector<16xi32>,
    %swap3A_155 = vector.shape_cast %swap3A_154 : vector<16xi32> to vector<16xi32>
    %swap3A_156 = vector.shape_cast %add3A_152 : vector<16xi32> to vector<16xi32>
    tpu.vector_store %arg19[%swap3A_153], %swap3A_156 {strides = array<i32>} : memref<80xi32, #tpu.memory_space<vmem>>, vector<16xi32>,
    %get3A_157 = arith.constant 64 : index
    %get3A_158 = tpu.vector_load %arg11[%get3A_157] {strides = array<i32>} : memref<80xi32, #tpu.memory_space<vmem>>, vector<16xi32>,
    %get3A_159 = vector.shape_cast %get3A_158 : vector<16xi32> to vector<16xi32>
    %mul3A_160 = arith.constant 10000 : i32
    %mul3A_161 = vector.broadcast %mul3A_160 : i32 to vector<16xi32>
    %mul3A_162 = arith.muli %get3A_159, %mul3A_161 : vector<16xi32>
    %get3A_163 = arith.constant 64 : index
    %get3A_164 = tpu.vector_load %arg7[%get3A_163] {strides = array<i32>} : memref<80xi32, #tpu.memory_space<vmem>>, vector<16xi32>,
    %get3A_165 = vector.shape_cast %get3A_164 : vector<16xi32> to vector<16xi32>
    %add3A_166 = arith.addi %mul3A_162, %get3A_165 : vector<16xi32>
    %swap3A_167 = arith.constant 64 : index
    %swap3A_168 = tpu.vector_load %arg19[%swap3A_167] {strides = array<i32>} : memref<80xi32, #tpu.memory_space<vmem>>, vector<16xi32>,
    %swap3A_169 = vector.shape_cast %swap3A_168 : vector<16xi32> to vector<16xi32>
    %swap3A_170 = vector.shape_cast %add3A_166 : vector<16xi32> to vector<16xi32>
    tpu.vector_store %arg19[%swap3A_167], %swap3A_170 {strides = array<i32>} : memref<80xi32, #tpu.memory_space<vmem>>, vector<16xi32>,
    %dma_start3A_171 = arith.constant 0 : i32
    %dma_start3A_172 = arith.constant 0 : i32
    %dma_start3A_173 = tpu.memref_slice %arg4[%dma_start3A_171, %dma_start3A_172] : memref<330000x128xf32, #tpu.memory_space<hbm>> -> memref<330000x128xf32, #tpu.memory_space<hbm>>
    tpu.enqueue_indirect_dma source(%dma_start3A_173 : memref<330000x128xf32, #tpu.memory_space<hbm>>) target(%arg23 : memref<80x128xf32, #tpu.memory_space<vmem>>) offsets(%arg19 : memref<80xi32, #tpu.memory_space<vmem>>) semaphore(%arg40 : memref<!tpu.dma_semaphore, #tpu.memory_space<semaphore_mem>>)
    %dma_wait3A_174 = arith.constant 0 : i32
    %dma_wait3A_175 = tpu.memref_slice %arg2[%dma_wait3A_174] : memref<640000xi32, #tpu.memory_space<hbm>> -> memref<80xi32, #tpu.memory_space<hbm>>
    %dma_wait3A_176 = arith.constant 0 : i32
    %dma_wait3A_177 = tpu.memref_slice %arg2[%dma_wait3A_176] : memref<640000xi32, #tpu.memory_space<hbm>> -> memref<80xi32, #tpu.memory_space<hbm>>
    tpu.wait_dma2 semaphore(%arg29 : memref<!tpu.dma_semaphore, #tpu.memory_space<semaphore_mem>>) src(%dma_wait3A_177 : memref<80xi32, #tpu.memory_space<hbm>>) dst(%arg8 : memref<80xi32, #tpu.memory_space<vmem>>)
    %dma_wait3A_178 = arith.constant 0 : i32
    %dma_wait3A_179 = tpu.memref_slice %arg3[%dma_wait3A_178] : memref<320000xi32, #tpu.memory_space<hbm>> -> memref<80xi32, #tpu.memory_space<hbm>>
    %dma_wait3A_180 = arith.constant 0 : i32
    %dma_wait3A_181 = tpu.memref_slice %arg3[%dma_wait3A_180] : memref<320000xi32, #tpu.memory_space<hbm>> -> memref<80xi32, #tpu.memory_space<hbm>>
    tpu.wait_dma2 semaphore(%arg33 : memref<!tpu.dma_semaphore, #tpu.memory_space<semaphore_mem>>) src(%dma_wait3A_181 : memref<80xi32, #tpu.memory_space<hbm>>) dst(%arg12 : memref<80xi32, #tpu.memory_space<vmem>>)
    %get3A_182 = arith.constant 0 : index
    %get3A_183 = tpu.vector_load %arg12[%get3A_182] {strides = array<i32>} : memref<80xi32, #tpu.memory_space<vmem>>, vector<16xi32>,
    %get3A_184 = vector.shape_cast %get3A_183 : vector<16xi32> to vector<16xi32>
    %mul3A_185 = arith.constant 10000 : i32
    %mul3A_186 = vector.broadcast %mul3A_185 : i32 to vector<16xi32>
    %mul3A_187 = arith.muli %get3A_184, %mul3A_186 : vector<16xi32>
    %get3A_188 = arith.constant 0 : index
    %get3A_189 = tpu.vector_load %arg8[%get3A_188] {strides = array<i32>} : memref<80xi32, #tpu.memory_space<vmem>>, vector<16xi32>,
    %get3A_190 = vector.shape_cast %get3A_189 : vector<16xi32> to vector<16xi32>
    %add3A_191 = arith.addi %mul3A_187, %get3A_190 : vector<16xi32>
    %swap3A_192 = arith.constant 0 : index
    %swap3A_193 = tpu.vector_load %arg20[%swap3A_192] {strides = array<i32>} : memref<80xi32, #tpu.memory_space<vmem>>, vector<16xi32>,
    %swap3A_194 = vector.shape_cast %swap3A_193 : vector<16xi32> to vector<16xi32>
    %swap3A_195 = vector.shape_cast %add3A_191 : vector<16xi32> to vector<16xi32>
    tpu.vector_store %arg20[%swap3A_192], %swap3A_195 {strides = array<i32>} : memref<80xi32, #tpu.memory_space<vmem>>, vector<16xi32>,
    %get3A_196 = arith.constant 16 : index
    %get3A_197 = tpu.vector_load %arg12[%get3A_196] {strides = array<i32>} : memref<80xi32, #tpu.memory_space<vmem>>, vector<16xi32>,
    %get3A_198 = vector.shape_cast %get3A_197 : vector<16xi32> to vector<16xi32>
    %mul3A_199 = arith.constant 10000 : i32
    %mul3A_200 = vector.broadcast %mul3A_199 : i32 to vector<16xi32>
    %mul3A_201 = arith.muli %get3A_198, %mul3A_200 : vector<16xi32>
    %get3A_202 = arith.constant 16 : index
    %get3A_203 = tpu.vector_load %arg8[%get3A_202] {strides = array<i32>} : memref<80xi32, #tpu.memory_space<vmem>>, vector<16xi32>,
    %get3A_204 = vector.shape_cast %get3A_203 : vector<16xi32> to vector<16xi32>
    %add3A_205 = arith.addi %mul3A_201, %get3A_204 : vector<16xi32>
    %swap3A_206 = arith.constant 16 : index
    %swap3A_207 = tpu.vector_load %arg20[%swap3A_206] {strides = array<i32>} : memref<80xi32, #tpu.memory_space<vmem>>, vector<16xi32>,
    %swap3A_208 = vector.shape_cast %swap3A_207 : vector<16xi32> to vector<16xi32>
    %swap3A_209 = vector.shape_cast %add3A_205 : vector<16xi32> to vector<16xi32>
    tpu.vector_store %arg20[%swap3A_206], %swap3A_209 {strides = array<i32>} : memref<80xi32, #tpu.memory_space<vmem>>, vector<16xi32>,
    %get3A_210 = arith.constant 32 : index
    %get3A_211 = tpu.vector_load %arg12[%get3A_210] {strides = array<i32>} : memref<80xi32, #tpu.memory_space<vmem>>, vector<16xi32>,
    %get3A_212 = vector.shape_cast %get3A_211 : vector<16xi32> to vector<16xi32>
    %mul3A_213 = arith.constant 10000 : i32
    %mul3A_214 = vector.broadcast %mul3A_213 : i32 to vector<16xi32>
    %mul3A_215 = arith.muli %get3A_212, %mul3A_214 : vector<16xi32>
    %get3A_216 = arith.constant 32 : index
    %get3A_217 = tpu.vector_load %arg8[%get3A_216] {strides = array<i32>} : memref<80xi32, #tpu.memory_space<vmem>>, vector<16xi32>,
    %get3A_218 = vector.shape_cast %get3A_217 : vector<16xi32> to vector<16xi32>
    %add3A_219 = arith.addi %mul3A_215, %get3A_218 : vector<16xi32>
    %swap3A_220 = arith.constant 32 : index
    %swap3A_221 = tpu.vector_load %arg20[%swap3A_220] {strides = array<i32>} : memref<80xi32, #tpu.memory_space<vmem>>, vector<16xi32>,
    %swap3A_222 = vector.shape_cast %swap3A_221 : vector<16xi32> to vector<16xi32>
    %swap3A_223 = vector.shape_cast %add3A_219 : vector<16xi32> to vector<16xi32>
    tpu.vector_store %arg20[%swap3A_220], %swap3A_223 {strides = array<i32>} : memref<80xi32, #tpu.memory_space<vmem>>, vector<16xi32>,
    %get3A_224 = arith.constant 48 : index
    %get3A_225 = tpu.vector_load %arg12[%get3A_224] {strides = array<i32>} : memref<80xi32, #tpu.memory_space<vmem>>, vector<16xi32>,
    %get3A_226 = vector.shape_cast %get3A_225 : vector<16xi32> to vector<16xi32>
    %mul3A_227 = arith.constant 10000 : i32
    %mul3A_228 = vector.broadcast %mul3A_227 : i32 to vector<16xi32>
    %mul3A_229 = arith.muli %get3A_226, %mul3A_228 : vector<16xi32>
    %get3A_230 = arith.constant 48 : index
    %get3A_231 = tpu.vector_load %arg8[%get3A_230] {strides = array<i32>} : memref<80xi32, #tpu.memory_space<vmem>>, vector<16xi32>,
    %get3A_232 = vector.shape_cast %get3A_231 : vector<16xi32> to vector<16xi32>
    %add3A_233 = arith.addi %mul3A_229, %get3A_232 : vector<16xi32>
    %swap3A_234 = arith.constant 48 : index
    %swap3A_235 = tpu.vector_load %arg20[%swap3A_234] {strides = array<i32>} : memref<80xi32, #tpu.memory_space<vmem>>, vector<16xi32>,
    %swap3A_236 = vector.shape_cast %swap3A_235 : vector<16xi32> to vector<16xi32>
    %swap3A_237 = vector.shape_cast %add3A_233 : vector<16xi32> to vector<16xi32>
    tpu.vector_store %arg20[%swap3A_234], %swap3A_237 {strides = array<i32>} : memref<80xi32, #tpu.memory_space<vmem>>, vector<16xi32>,
    %get3A_238 = arith.constant 64 : index
    %get3A_239 = tpu.vector_load %arg12[%get3A_238] {strides = array<i32>} : memref<80xi32, #tpu.memory_space<vmem>>, vector<16xi32>,
    %get3A_240 = vector.shape_cast %get3A_239 : vector<16xi32> to vector<16xi32>
    %mul3A_241 = arith.constant 10000 : i32
    %mul3A_242 = vector.broadcast %mul3A_241 : i32 to vector<16xi32>
    %mul3A_243 = arith.muli %get3A_240, %mul3A_242 : vector<16xi32>
    %get3A_244 = arith.constant 64 : index
    %get3A_245 = tpu.vector_load %arg8[%get3A_244] {strides = array<i32>} : memref<80xi32, #tpu.memory_space<vmem>>, vector<16xi32>,
    %get3A_246 = vector.shape_cast %get3A_245 : vector<16xi32> to vector<16xi32>
    %add3A_247 = arith.addi %mul3A_243, %get3A_246 : vector<16xi32>
    %swap3A_248 = arith.constant 64 : index
    %swap3A_249 = tpu.vector_load %arg20[%swap3A_248] {strides = array<i32>} : memref<80xi32, #tpu.memory_space<vmem>>, vector<16xi32>,
    %swap3A_250 = vector.shape_cast %swap3A_249 : vector<16xi32> to vector<16xi32>
    %swap3A_251 = vector.shape_cast %add3A_247 : vector<16xi32> to vector<16xi32>
    tpu.vector_store %arg20[%swap3A_248], %swap3A_251 {strides = array<i32>} : memref<80xi32, #tpu.memory_space<vmem>>, vector<16xi32>,
    %dma_start3A_252 = arith.constant 0 : i32
    %dma_start3A_253 = arith.constant 0 : i32
    %dma_start3A_254 = tpu.memref_slice %arg4[%dma_start3A_252, %dma_start3A_253] : memref<330000x128xf32, #tpu.memory_space<hbm>> -> memref<330000x128xf32, #tpu.memory_space<hbm>>
    tpu.enqueue_indirect_dma source(%dma_start3A_254 : memref<330000x128xf32, #tpu.memory_space<hbm>>) target(%arg24 : memref<80x128xf32, #tpu.memory_space<vmem>>) offsets(%arg20 : memref<80xi32, #tpu.memory_space<vmem>>) semaphore(%arg41 : memref<!tpu.dma_semaphore, #tpu.memory_space<semaphore_mem>>)
    %dma_wait3A_255 = arith.constant 0 : i32
    %dma_wait3A_256 = tpu.memref_slice %arg2[%dma_wait3A_255] : memref<640000xi32, #tpu.memory_space<hbm>> -> memref<80xi32, #tpu.memory_space<hbm>>
    %dma_wait3A_257 = arith.constant 0 : i32
    %dma_wait3A_258 = tpu.memref_slice %arg2[%dma_wait3A_257] : memref<640000xi32, #tpu.memory_space<hbm>> -> memref<80xi32, #tpu.memory_space<hbm>>
    tpu.wait_dma2 semaphore(%arg30 : memref<!tpu.dma_semaphore, #tpu.memory_space<semaphore_mem>>) src(%dma_wait3A_258 : memref<80xi32, #tpu.memory_space<hbm>>) dst(%arg9 : memref<80xi32, #tpu.memory_space<vmem>>)
    %dma_wait3A_259 = arith.constant 0 : i32
    %dma_wait3A_260 = tpu.memref_slice %arg3[%dma_wait3A_259] : memref<320000xi32, #tpu.memory_space<hbm>> -> memref<80xi32, #tpu.memory_space<hbm>>
    %dma_wait3A_261 = arith.constant 0 : i32
    %dma_wait3A_262 = tpu.memref_slice %arg3[%dma_wait3A_261] : memref<320000xi32, #tpu.memory_space<hbm>> -> memref<80xi32, #tpu.memory_space<hbm>>
    tpu.wait_dma2 semaphore(%arg34 : memref<!tpu.dma_semaphore, #tpu.memory_space<semaphore_mem>>) src(%dma_wait3A_262 : memref<80xi32, #tpu.memory_space<hbm>>) dst(%arg13 : memref<80xi32, #tpu.memory_space<vmem>>)
    %get3A_263 = arith.constant 0 : index
    %get3A_264 = tpu.vector_load %arg13[%get3A_263] {strides = array<i32>} : memref<80xi32, #tpu.memory_space<vmem>>, vector<16xi32>,
    %get3A_265 = vector.shape_cast %get3A_264 : vector<16xi32> to vector<16xi32>
    %mul3A_266 = arith.constant 10000 : i32
    %mul3A_267 = vector.broadcast %mul3A_266 : i32 to vector<16xi32>
    %mul3A_268 = arith.muli %get3A_265, %mul3A_267 : vector<16xi32>
    %get3A_269 = arith.constant 0 : index
    %get3A_270 = tpu.vector_load %arg9[%get3A_269] {strides = array<i32>} : memref<80xi32, #tpu.memory_space<vmem>>, vector<16xi32>,
    %get3A_271 = vector.shape_cast %get3A_270 : vector<16xi32> to vector<16xi32>
    %add3A_272 = arith.addi %mul3A_268, %get3A_271 : vector<16xi32>
    %swap3A_273 = arith.constant 0 : index
    %swap3A_274 = tpu.vector_load %arg21[%swap3A_273] {strides = array<i32>} : memref<80xi32, #tpu.memory_space<vmem>>, vector<16xi32>,
    %swap3A_275 = vector.shape_cast %swap3A_274 : vector<16xi32> to vector<16xi32>
    %swap3A_276 = vector.shape_cast %add3A_272 : vector<16xi32> to vector<16xi32>
    tpu.vector_store %arg21[%swap3A_273], %swap3A_276 {strides = array<i32>} : memref<80xi32, #tpu.memory_space<vmem>>, vector<16xi32>,
    %get3A_277 = arith.constant 16 : index
    %get3A_278 = tpu.vector_load %arg13[%get3A_277] {strides = array<i32>} : memref<80xi32, #tpu.memory_space<vmem>>, vector<16xi32>,
    %get3A_279 = vector.shape_cast %get3A_278 : vector<16xi32> to vector<16xi32>
    %mul3A_280 = arith.constant 10000 : i32
    %mul3A_281 = vector.broadcast %mul3A_280 : i32 to vector<16xi32>
    %mul3A_282 = arith.muli %get3A_279, %mul3A_281 : vector<16xi32>
    %get3A_283 = arith.constant 16 : index
    %get3A_284 = tpu.vector_load %arg9[%get3A_283] {strides = array<i32>} : memref<80xi32, #tpu.memory_space<vmem>>, vector<16xi32>,
    %get3A_285 = vector.shape_cast %get3A_284 : vector<16xi32> to vector<16xi32>
    %add3A_286 = arith.addi %mul3A_282, %get3A_285 : vector<16xi32>
    %swap3A_287 = arith.constant 16 : index
    %swap3A_288 = tpu.vector_load %arg21[%swap3A_287] {strides = array<i32>} : memref<80xi32, #tpu.memory_space<vmem>>, vector<16xi32>,
    %swap3A_289 = vector.shape_cast %swap3A_288 : vector<16xi32> to vector<16xi32>
    %swap3A_290 = vector.shape_cast %add3A_286 : vector<16xi32> to vector<16xi32>
    tpu.vector_store %arg21[%swap3A_287], %swap3A_290 {strides = array<i32>} : memref<80xi32, #tpu.memory_space<vmem>>, vector<16xi32>,
    %get3A_291 = arith.constant 32 : index
    %get3A_292 = tpu.vector_load %arg13[%get3A_291] {strides = array<i32>} : memref<80xi32, #tpu.memory_space<vmem>>, vector<16xi32>,
    %get3A_293 = vector.shape_cast %get3A_292 : vector<16xi32> to vector<16xi32>
    %mul3A_294 = arith.constant 10000 : i32
    %mul3A_295 = vector.broadcast %mul3A_294 : i32 to vector<16xi32>
    %mul3A_296 = arith.muli %get3A_293, %mul3A_295 : vector<16xi32>
    %get3A_297 = arith.constant 32 : index
    %get3A_298 = tpu.vector_load %arg9[%get3A_297] {strides = array<i32>} : memref<80xi32, #tpu.memory_space<vmem>>, vector<16xi32>,
    %get3A_299 = vector.shape_cast %get3A_298 : vector<16xi32> to vector<16xi32>
    %add3A_300 = arith.addi %mul3A_296, %get3A_299 : vector<16xi32>
    %swap3A_301 = arith.constant 32 : index
    %swap3A_302 = tpu.vector_load %arg21[%swap3A_301] {strides = array<i32>} : memref<80xi32, #tpu.memory_space<vmem>>, vector<16xi32>,
    %swap3A_303 = vector.shape_cast %swap3A_302 : vector<16xi32> to vector<16xi32>
    %swap3A_304 = vector.shape_cast %add3A_300 : vector<16xi32> to vector<16xi32>
    tpu.vector_store %arg21[%swap3A_301], %swap3A_304 {strides = array<i32>} : memref<80xi32, #tpu.memory_space<vmem>>, vector<16xi32>,
    %get3A_305 = arith.constant 48 : index
    %get3A_306 = tpu.vector_load %arg13[%get3A_305] {strides = array<i32>} : memref<80xi32, #tpu.memory_space<vmem>>, vector<16xi32>,
    %get3A_307 = vector.shape_cast %get3A_306 : vector<16xi32> to vector<16xi32>
    %mul3A_308 = arith.constant 10000 : i32
    %mul3A_309 = vector.broadcast %mul3A_308 : i32 to vector<16xi32>
    %mul3A_310 = arith.muli %get3A_307, %mul3A_309 : vector<16xi32>
    %get3A_311 = arith.constant 48 : index
    %get3A_312 = tpu.vector_load %arg9[%get3A_311] {strides = array<i32>} : memref<80xi32, #tpu.memory_space<vmem>>, vector<16xi32>,
    %get3A_313 = vector.shape_cast %get3A_312 : vector<16xi32> to vector<16xi32>
    %add3A_314 = arith.addi %mul3A_310, %get3A_313 : vector<16xi32>
    %swap3A_315 = arith.constant 48 : index
    %swap3A_316 = tpu.vector_load %arg21[%swap3A_315] {strides = array<i32>} : memref<80xi32, #tpu.memory_space<vmem>>, vector<16xi32>,
    %swap3A_317 = vector.shape_cast %swap3A_316 : vector<16xi32> to vector<16xi32>
    %swap3A_318 = vector.shape_cast %add3A_314 : vector<16xi32> to vector<16xi32>
    tpu.vector_store %arg21[%swap3A_315], %swap3A_318 {strides = array<i32>} : memref<80xi32, #tpu.memory_space<vmem>>, vector<16xi32>,
    %get3A_319 = arith.constant 64 : index
    %get3A_320 = tpu.vector_load %arg13[%get3A_319] {strides = array<i32>} : memref<80xi32, #tpu.memory_space<vmem>>, vector<16xi32>,
    %get3A_321 = vector.shape_cast %get3A_320 : vector<16xi32> to vector<16xi32>
    %mul3A_322 = arith.constant 10000 : i32
    %mul3A_323 = vector.broadcast %mul3A_322 : i32 to vector<16xi32>
    %mul3A_324 = arith.muli %get3A_321, %mul3A_323 : vector<16xi32>
    %get3A_325 = arith.constant 64 : index
    %get3A_326 = tpu.vector_load %arg9[%get3A_325] {strides = array<i32>} : memref<80xi32, #tpu.memory_space<vmem>>, vector<16xi32>,
    %get3A_327 = vector.shape_cast %get3A_326 : vector<16xi32> to vector<16xi32>
    %add3A_328 = arith.addi %mul3A_324, %get3A_327 : vector<16xi32>
    %swap3A_329 = arith.constant 64 : index
    %swap3A_330 = tpu.vector_load %arg21[%swap3A_329] {strides = array<i32>} : memref<80xi32, #tpu.memory_space<vmem>>, vector<16xi32>,
    %swap3A_331 = vector.shape_cast %swap3A_330 : vector<16xi32> to vector<16xi32>
    %swap3A_332 = vector.shape_cast %add3A_328 : vector<16xi32> to vector<16xi32>
    tpu.vector_store %arg21[%swap3A_329], %swap3A_332 {strides = array<i32>} : memref<80xi32, #tpu.memory_space<vmem>>, vector<16xi32>,
    %dma_start3A_333 = arith.constant 0 : i32
    %dma_start3A_334 = arith.constant 0 : i32
    %dma_start3A_335 = tpu.memref_slice %arg4[%dma_start3A_333, %dma_start3A_334] : memref<330000x128xf32, #tpu.memory_space<hbm>> -> memref<330000x128xf32, #tpu.memory_space<hbm>>
    tpu.enqueue_indirect_dma source(%dma_start3A_335 : memref<330000x128xf32, #tpu.memory_space<hbm>>) target(%arg25 : memref<80x128xf32, #tpu.memory_space<vmem>>) offsets(%arg21 : memref<80xi32, #tpu.memory_space<vmem>>) semaphore(%arg42 : memref<!tpu.dma_semaphore, #tpu.memory_space<semaphore_mem>>)
    %dma_wait3A_336 = arith.constant 0 : i32
    %dma_wait3A_337 = tpu.memref_slice %arg2[%dma_wait3A_336] : memref<640000xi32, #tpu.memory_space<hbm>> -> memref<80xi32, #tpu.memory_space<hbm>>
    %dma_wait3A_338 = arith.constant 0 : i32
    %dma_wait3A_339 = tpu.memref_slice %arg2[%dma_wait3A_338] : memref<640000xi32, #tpu.memory_space<hbm>> -> memref<80xi32, #tpu.memory_space<hbm>>
    tpu.wait_dma2 semaphore(%arg31 : memref<!tpu.dma_semaphore, #tpu.memory_space<semaphore_mem>>) src(%dma_wait3A_339 : memref<80xi32, #tpu.memory_space<hbm>>) dst(%arg10 : memref<80xi32, #tpu.memory_space<vmem>>)
    %dma_wait3A_340 = arith.constant 0 : i32
    %dma_wait3A_341 = tpu.memref_slice %arg3[%dma_wait3A_340] : memref<320000xi32, #tpu.memory_space<hbm>> -> memref<80xi32, #tpu.memory_space<hbm>>
    %dma_wait3A_342 = arith.constant 0 : i32
    %dma_wait3A_343 = tpu.memref_slice %arg3[%dma_wait3A_342] : memref<320000xi32, #tpu.memory_space<hbm>> -> memref<80xi32, #tpu.memory_space<hbm>>
    tpu.wait_dma2 semaphore(%arg35 : memref<!tpu.dma_semaphore, #tpu.memory_space<semaphore_mem>>) src(%dma_wait3A_343 : memref<80xi32, #tpu.memory_space<hbm>>) dst(%arg14 : memref<80xi32, #tpu.memory_space<vmem>>)
    %get3A_344 = arith.constant 0 : index
    %get3A_345 = tpu.vector_load %arg14[%get3A_344] {strides = array<i32>} : memref<80xi32, #tpu.memory_space<vmem>>, vector<16xi32>,
    %get3A_346 = vector.shape_cast %get3A_345 : vector<16xi32> to vector<16xi32>
    %mul3A_347 = arith.constant 10000 : i32
    %mul3A_348 = vector.broadcast %mul3A_347 : i32 to vector<16xi32>
    %mul3A_349 = arith.muli %get3A_346, %mul3A_348 : vector<16xi32>
    %get3A_350 = arith.constant 0 : index
    %get3A_351 = tpu.vector_load %arg10[%get3A_350] {strides = array<i32>} : memref<80xi32, #tpu.memory_space<vmem>>, vector<16xi32>,
    %get3A_352 = vector.shape_cast %get3A_351 : vector<16xi32> to vector<16xi32>
    %add3A_353 = arith.addi %mul3A_349, %get3A_352 : vector<16xi32>
    %swap3A_354 = arith.constant 0 : index
    %swap3A_355 = tpu.vector_load %arg22[%swap3A_354] {strides = array<i32>} : memref<80xi32, #tpu.memory_space<vmem>>, vector<16xi32>,
    %swap3A_356 = vector.shape_cast %swap3A_355 : vector<16xi32> to vector<16xi32>
    %swap3A_357 = vector.shape_cast %add3A_353 : vector<16xi32> to vector<16xi32>
    tpu.vector_store %arg22[%swap3A_354], %swap3A_357 {strides = array<i32>} : memref<80xi32, #tpu.memory_space<vmem>>, vector<16xi32>,
    %get3A_358 = arith.constant 16 : index
    %get3A_359 = tpu.vector_load %arg14[%get3A_358] {strides = array<i32>} : memref<80xi32, #tpu.memory_space<vmem>>, vector<16xi32>,
    %get3A_360 = vector.shape_cast %get3A_359 : vector<16xi32> to vector<16xi32>
    %mul3A_361 = arith.constant 10000 : i32
    %mul3A_362 = vector.broadcast %mul3A_361 : i32 to vector<16xi32>
    %mul3A_363 = arith.muli %get3A_360, %mul3A_362 : vector<16xi32>
    %get3A_364 = arith.constant 16 : index
    %get3A_365 = tpu.vector_load %arg10[%get3A_364] {strides = array<i32>} : memref<80xi32, #tpu.memory_space<vmem>>, vector<16xi32>,
    %get3A_366 = vector.shape_cast %get3A_365 : vector<16xi32> to vector<16xi32>
    %add3A_367 = arith.addi %mul3A_363, %get3A_366 : vector<16xi32>
    %swap3A_368 = arith.constant 16 : index
    %swap3A_369 = tpu.vector_load %arg22[%swap3A_368] {strides = array<i32>} : memref<80xi32, #tpu.memory_space<vmem>>, vector<16xi32>,
    %swap3A_370 = vector.shape_cast %swap3A_369 : vector<16xi32> to vector<16xi32>
    %swap3A_371 = vector.shape_cast %add3A_367 : vector<16xi32> to vector<16xi32>
    tpu.vector_store %arg22[%swap3A_368], %swap3A_371 {strides = array<i32>} : memref<80xi32, #tpu.memory_space<vmem>>, vector<16xi32>,
    %get3A_372 = arith.constant 32 : index
    %get3A_373 = tpu.vector_load %arg14[%get3A_372] {strides = array<i32>} : memref<80xi32, #tpu.memory_space<vmem>>, vector<16xi32>,
    %get3A_374 = vector.shape_cast %get3A_373 : vector<16xi32> to vector<16xi32>
    %mul3A_375 = arith.constant 10000 : i32
    %mul3A_376 = vector.broadcast %mul3A_375 : i32 to vector<16xi32>
    %mul3A_377 = arith.muli %get3A_374, %mul3A_376 : vector<16xi32>
    %get3A_378 = arith.constant 32 : index
    %get3A_379 = tpu.vector_load %arg10[%get3A_378] {strides = array<i32>} : memref<80xi32, #tpu.memory_space<vmem>>, vector<16xi32>,
    %get3A_380 = vector.shape_cast %get3A_379 : vector<16xi32> to vector<16xi32>
    %add3A_381 = arith.addi %mul3A_377, %get3A_380 : vector<16xi32>
    %swap3A_382 = arith.constant 32 : index
    %swap3A_383 = tpu.vector_load %arg22[%swap3A_382] {strides = array<i32>} : memref<80xi32, #tpu.memory_space<vmem>>, vector<16xi32>,
    %swap3A_384 = vector.shape_cast %swap3A_383 : vector<16xi32> to vector<16xi32>
    %swap3A_385 = vector.shape_cast %add3A_381 : vector<16xi32> to vector<16xi32>
    tpu.vector_store %arg22[%swap3A_382], %swap3A_385 {strides = array<i32>} : memref<80xi32, #tpu.memory_space<vmem>>, vector<16xi32>,
    %get3A_386 = arith.constant 48 : index
    %get3A_387 = tpu.vector_load %arg14[%get3A_386] {strides = array<i32>} : memref<80xi32, #tpu.memory_space<vmem>>, vector<16xi32>,
    %get3A_388 = vector.shape_cast %get3A_387 : vector<16xi32> to vector<16xi32>
    %mul3A_389 = arith.constant 10000 : i32
    %mul3A_390 = vector.broadcast %mul3A_389 : i32 to vector<16xi32>
    %mul3A_391 = arith.muli %get3A_388, %mul3A_390 : vector<16xi32>
    %get3A_392 = arith.constant 48 : index
    %get3A_393 = tpu.vector_load %arg10[%get3A_392] {strides = array<i32>} : memref<80xi32, #tpu.memory_space<vmem>>, vector<16xi32>,
    %get3A_394 = vector.shape_cast %get3A_393 : vector<16xi32> to vector<16xi32>
    %add3A_395 = arith.addi %mul3A_391, %get3A_394 : vector<16xi32>
    %swap3A_396 = arith.constant 48 : index
    %swap3A_397 = tpu.vector_load %arg22[%swap3A_396] {strides = array<i32>} : memref<80xi32, #tpu.memory_space<vmem>>, vector<16xi32>,
    %swap3A_398 = vector.shape_cast %swap3A_397 : vector<16xi32> to vector<16xi32>
    %swap3A_399 = vector.shape_cast %add3A_395 : vector<16xi32> to vector<16xi32>
    tpu.vector_store %arg22[%swap3A_396], %swap3A_399 {strides = array<i32>} : memref<80xi32, #tpu.memory_space<vmem>>, vector<16xi32>,
    %get3A_400 = arith.constant 64 : index
    %get3A_401 = tpu.vector_load %arg14[%get3A_400] {strides = array<i32>} : memref<80xi32, #tpu.memory_space<vmem>>, vector<16xi32>,
    %get3A_402 = vector.shape_cast %get3A_401 : vector<16xi32> to vector<16xi32>
    %mul3A_403 = arith.constant 10000 : i32
    %mul3A_404 = vector.broadcast %mul3A_403 : i32 to vector<16xi32>
    %mul3A_405 = arith.muli %get3A_402, %mul3A_404 : vector<16xi32>
    %get3A_406 = arith.constant 64 : index
    %get3A_407 = tpu.vector_load %arg10[%get3A_406] {strides = array<i32>} : memref<80xi32, #tpu.memory_space<vmem>>, vector<16xi32>,
    %get3A_408 = vector.shape_cast %get3A_407 : vector<16xi32> to vector<16xi32>
    %add3A_409 = arith.addi %mul3A_405, %get3A_408 : vector<16xi32>
    %swap3A_410 = arith.constant 64 : index
    %swap3A_411 = tpu.vector_load %arg22[%swap3A_410] {strides = array<i32>} : memref<80xi32, #tpu.memory_space<vmem>>, vector<16xi32>,
    %swap3A_412 = vector.shape_cast %swap3A_411 : vector<16xi32> to vector<16xi32>
    %swap3A_413 = vector.shape_cast %add3A_409 : vector<16xi32> to vector<16xi32>
    tpu.vector_store %arg22[%swap3A_410], %swap3A_413 {strides = array<i32>} : memref<80xi32, #tpu.memory_space<vmem>>, vector<16xi32>,
    %dma_start3A_414 = arith.constant 0 : i32
    %dma_start3A_415 = arith.constant 0 : i32
    %dma_start3A_416 = tpu.memref_slice %arg4[%dma_start3A_414, %dma_start3A_415] : memref<330000x128xf32, #tpu.memory_space<hbm>> -> memref<330000x128xf32, #tpu.memory_space<hbm>>
    tpu.enqueue_indirect_dma source(%dma_start3A_416 : memref<330000x128xf32, #tpu.memory_space<hbm>>) target(%arg26 : memref<80x128xf32, #tpu.memory_space<vmem>>) offsets(%arg22 : memref<80xi32, #tpu.memory_space<vmem>>) semaphore(%arg43 : memref<!tpu.dma_semaphore, #tpu.memory_space<semaphore_mem>>)
    %scan3A = arith.constant 0 : i32
    %scan3A_417 = arith.constant 0 : i32
    %scan3A_418 = arith.constant 31 : i32
    %scan3A_419 = arith.addi %scan3A_417, %scan3A_418 : i32
    %scan3A_420 = arith.constant 1 : i32
    scf.for %scan3A_464 = %scan3A_417 to %scan3A_419 step %scan3A_420  : i32 {
      %mul3A_465 = arith.constant 4 : i32
      %mul3A_466 = arith.muli %mul3A_465, %scan3A_464 : i32
      %dma_wait3A_467 = arith.constant 0 : i32
      %dma_wait3A_468 = arith.constant 0 : i32
      %dma_wait3A_469 = tpu.memref_slice %arg4[%dma_wait3A_467, %dma_wait3A_468] : memref<330000x128xf32, #tpu.memory_space<hbm>> -> memref<330000x128xf32, #tpu.memory_space<hbm>>
      tpu.wait_indirect_dma semaphore(%arg40 : memref<!tpu.dma_semaphore, #tpu.memory_space<semaphore_mem>>) src(%dma_wait3A_469 : memref<330000x128xf32, #tpu.memory_space<hbm>>) dst(%arg23 : memref<80x128xf32, #tpu.memory_space<vmem>>)
      %dma_wait3A_470 = arith.constant 0 : i32
      %dma_wait3A_471 = tpu.memref_slice %arg2[%dma_wait3A_470] : memref<640000xi32, #tpu.memory_space<hbm>> -> memref<80xi32, #tpu.memory_space<hbm>>
      %dma_wait3A_472 = arith.constant 0 : i32
      %dma_wait3A_473 = tpu.memref_slice %arg2[%dma_wait3A_472] : memref<640000xi32, #tpu.memory_space<hbm>> -> memref<80xi32, #tpu.memory_space<hbm>>
      tpu.wait_dma2 semaphore(%arg36 : memref<!tpu.dma_semaphore, #tpu.memory_space<semaphore_mem>>) src(%dma_wait3A_473 : memref<80xi32, #tpu.memory_space<hbm>>) dst(%arg15 : memref<80xi32, #tpu.memory_space<vmem>>)
      %dma_start3A_474 = arith.constant 0 : i32
      %dma_start3A_475 = arith.constant 0 : i32
      %dma_start3A_476 = tpu.memref_slice %arg27[%dma_start3A_474, %dma_start3A_475] : memref<10112x128xf32, #tpu.memory_space<vmem_shared>> -> memref<10112x128xf32, #tpu.memory_space<vmem_shared>>
      tpu.enqueue_indirect_dma source(%arg23 : memref<80x128xf32, #tpu.memory_space<vmem>>) target(%dma_start3A_476 : memref<10112x128xf32, #tpu.memory_space<vmem_shared>>) offsets(%arg15 : memref<80xi32, #tpu.memory_space<vmem>>) semaphore(%arg44 : memref<!tpu.dma_semaphore, #tpu.memory_space<semaphore_mem>>) {add = true}
      %add3A_477 = arith.constant 4 : i32
      %add3A_478 = arith.addi %mul3A_466, %add3A_477 : i32
      %add3A_479 = arith.constant 0 : i32
      %add3A_480 = arith.addi %add3A_478, %add3A_479 : i32
      %add3A_481 = arith.addi %mul3A_6, %add3A_480 : i32
      %min3A_482 = arith.constant 3999 : i32
      %min3A_483 = arith.minsi %add3A_481, %min3A_482 : i32
      %mul3A_484 = arith.constant 80 : i32
      %mul3A_485 = arith.muli %min3A_483, %mul3A_484 : i32
      %multiple_of3A_486 = tpu.assume_multiple %mul3A_485, 8 : i32
      %dma_start3A_487 = tpu.memref_slice %arg2[%multiple_of3A_486] : memref<640000xi32, #tpu.memory_space<hbm>> -> memref<80xi32, #tpu.memory_space<hbm>>
      %dma_start3A_488 = tpu.memref_slice %arg2[%multiple_of3A_486] : memref<640000xi32, #tpu.memory_space<hbm>> -> memref<80xi32, #tpu.memory_space<hbm>>
      tpu.enqueue_dma source(%dma_start3A_488 : memref<80xi32, #tpu.memory_space<hbm>>) target(%arg7 : memref<80xi32, #tpu.memory_space<vmem>>) target_semaphore(%arg28 : memref<!tpu.dma_semaphore, #tpu.memory_space<semaphore_mem>>)
      %dma_start3A_489 = tpu.memref_slice %arg3[%multiple_of3A_486] : memref<320000xi32, #tpu.memory_space<hbm>> -> memref<80xi32, #tpu.memory_space<hbm>>
      %dma_start3A_490 = tpu.memref_slice %arg3[%multiple_of3A_486] : memref<320000xi32, #tpu.memory_space<hbm>> -> memref<80xi32, #tpu.memory_space<hbm>>
      tpu.enqueue_dma source(%dma_start3A_490 : memref<80xi32, #tpu.memory_space<hbm>>) target(%arg11 : memref<80xi32, #tpu.memory_space<vmem>>) target_semaphore(%arg32 : memref<!tpu.dma_semaphore, #tpu.memory_space<semaphore_mem>>)
      %dma_wait3A_491 = arith.constant 0 : i32
      %dma_wait3A_492 = arith.constant 0 : i32
      %dma_wait3A_493 = tpu.memref_slice %arg4[%dma_wait3A_491, %dma_wait3A_492] : memref<330000x128xf32, #tpu.memory_space<hbm>> -> memref<330000x128xf32, #tpu.memory_space<hbm>>
      tpu.wait_indirect_dma semaphore(%arg41 : memref<!tpu.dma_semaphore, #tpu.memory_space<semaphore_mem>>) src(%dma_wait3A_493 : memref<330000x128xf32, #tpu.memory_space<hbm>>) dst(%arg24 : memref<80x128xf32, #tpu.memory_space<vmem>>)
      %dma_wait3A_494 = arith.constant 0 : i32
      %dma_wait3A_495 = tpu.memref_slice %arg2[%dma_wait3A_494] : memref<640000xi32, #tpu.memory_space<hbm>> -> memref<80xi32, #tpu.memory_space<hbm>>
      %dma_wait3A_496 = arith.constant 0 : i32
      %dma_wait3A_497 = tpu.memref_slice %arg2[%dma_wait3A_496] : memref<640000xi32, #tpu.memory_space<hbm>> -> memref<80xi32, #tpu.memory_space<hbm>>
      tpu.wait_dma2 semaphore(%arg37 : memref<!tpu.dma_semaphore, #tpu.memory_space<semaphore_mem>>) src(%dma_wait3A_497 : memref<80xi32, #tpu.memory_space<hbm>>) dst(%arg16 : memref<80xi32, #tpu.memory_space<vmem>>)
      %dma_start3A_498 = arith.constant 0 : i32
      %dma_start3A_499 = arith.constant 0 : i32
      %dma_start3A_500 = tpu.memref_slice %arg27[%dma_start3A_498, %dma_start3A_499] : memref<10112x128xf32, #tpu.memory_space<vmem_shared>> -> memref<10112x128xf32, #tpu.memory_space<vmem_shared>>
      tpu.enqueue_indirect_dma source(%arg24 : memref<80x128xf32, #tpu.memory_space<vmem>>) target(%dma_start3A_500 : memref<10112x128xf32, #tpu.memory_space<vmem_shared>>) offsets(%arg16 : memref<80xi32, #tpu.memory_space<vmem>>) semaphore(%arg45 : memref<!tpu.dma_semaphore, #tpu.memory_space<semaphore_mem>>) {add = true}
      %add3A_501 = arith.constant 4 : i32
      %add3A_502 = arith.addi %mul3A_466, %add3A_501 : i32
      %add3A_503 = arith.constant 1 : i32
      %add3A_504 = arith.addi %add3A_502, %add3A_503 : i32
      %add3A_505 = arith.addi %mul3A_6, %add3A_504 : i32
      %min3A_506 = arith.constant 3999 : i32
      %min3A_507 = arith.minsi %add3A_505, %min3A_506 : i32
      %mul3A_508 = arith.constant 80 : i32
      %mul3A_509 = arith.muli %min3A_507, %mul3A_508 : i32
      %multiple_of3A_510 = tpu.assume_multiple %mul3A_509, 8 : i32
      %dma_start3A_511 = tpu.memref_slice %arg2[%multiple_of3A_510] : memref<640000xi32, #tpu.memory_space<hbm>> -> memref<80xi32, #tpu.memory_space<hbm>>
      %dma_start3A_512 = tpu.memref_slice %arg2[%multiple_of3A_510] : memref<640000xi32, #tpu.memory_space<hbm>> -> memref<80xi32, #tpu.memory_space<hbm>>
      tpu.enqueue_dma source(%dma_start3A_512 : memref<80xi32, #tpu.memory_space<hbm>>) target(%arg8 : memref<80xi32, #tpu.memory_space<vmem>>) target_semaphore(%arg29 : memref<!tpu.dma_semaphore, #tpu.memory_space<semaphore_mem>>)
      %dma_start3A_513 = tpu.memref_slice %arg3[%multiple_of3A_510] : memref<320000xi32, #tpu.memory_space<hbm>> -> memref<80xi32, #tpu.memory_space<hbm>>
      %dma_start3A_514 = tpu.memref_slice %arg3[%multiple_of3A_510] : memref<320000xi32, #tpu.memory_space<hbm>> -> memref<80xi32, #tpu.memory_space<hbm>>
      tpu.enqueue_dma source(%dma_start3A_514 : memref<80xi32, #tpu.memory_space<hbm>>) target(%arg12 : memref<80xi32, #tpu.memory_space<vmem>>) target_semaphore(%arg33 : memref<!tpu.dma_semaphore, #tpu.memory_space<semaphore_mem>>)
      %dma_wait3A_515 = arith.constant 0 : i32
      %dma_wait3A_516 = arith.constant 0 : i32
      %dma_wait3A_517 = tpu.memref_slice %arg4[%dma_wait3A_515, %dma_wait3A_516] : memref<330000x128xf32, #tpu.memory_space<hbm>> -> memref<330000x128xf32, #tpu.memory_space<hbm>>
      tpu.wait_indirect_dma semaphore(%arg42 : memref<!tpu.dma_semaphore, #tpu.memory_space<semaphore_mem>>) src(%dma_wait3A_517 : memref<330000x128xf32, #tpu.memory_space<hbm>>) dst(%arg25 : memref<80x128xf32, #tpu.memory_space<vmem>>)
      %dma_wait3A_518 = arith.constant 0 : i32
      %dma_wait3A_519 = tpu.memref_slice %arg2[%dma_wait3A_518] : memref<640000xi32, #tpu.memory_space<hbm>> -> memref<80xi32, #tpu.memory_space<hbm>>
      %dma_wait3A_520 = arith.constant 0 : i32
      %dma_wait3A_521 = tpu.memref_slice %arg2[%dma_wait3A_520] : memref<640000xi32, #tpu.memory_space<hbm>> -> memref<80xi32, #tpu.memory_space<hbm>>
      tpu.wait_dma2 semaphore(%arg38 : memref<!tpu.dma_semaphore, #tpu.memory_space<semaphore_mem>>) src(%dma_wait3A_521 : memref<80xi32, #tpu.memory_space<hbm>>) dst(%arg17 : memref<80xi32, #tpu.memory_space<vmem>>)
      %dma_start3A_522 = arith.constant 0 : i32
      %dma_start3A_523 = arith.constant 0 : i32
      %dma_start3A_524 = tpu.memref_slice %arg27[%dma_start3A_522, %dma_start3A_523] : memref<10112x128xf32, #tpu.memory_space<vmem_shared>> -> memref<10112x128xf32, #tpu.memory_space<vmem_shared>>
      tpu.enqueue_indirect_dma source(%arg25 : memref<80x128xf32, #tpu.memory_space<vmem>>) target(%dma_start3A_524 : memref<10112x128xf32, #tpu.memory_space<vmem_shared>>) offsets(%arg17 : memref<80xi32, #tpu.memory_space<vmem>>) semaphore(%arg46 : memref<!tpu.dma_semaphore, #tpu.memory_space<semaphore_mem>>) {add = true}
      %add3A_525 = arith.constant 4 : i32
      %add3A_526 = arith.addi %mul3A_466, %add3A_525 : i32
      %add3A_527 = arith.constant 2 : i32
      %add3A_528 = arith.addi %add3A_526, %add3A_527 : i32
      %add3A_529 = arith.addi %mul3A_6, %add3A_528 : i32
      %min3A_530 = arith.constant 3999 : i32
      %min3A_531 = arith.minsi %add3A_529, %min3A_530 : i32
      %mul3A_532 = arith.constant 80 : i32
      %mul3A_533 = arith.muli %min3A_531, %mul3A_532 : i32
      %multiple_of3A_534 = tpu.assume_multiple %mul3A_533, 8 : i32
      %dma_start3A_535 = tpu.memref_slice %arg2[%multiple_of3A_534] : memref<640000xi32, #tpu.memory_space<hbm>> -> memref<80xi32, #tpu.memory_space<hbm>>
      %dma_start3A_536 = tpu.memref_slice %arg2[%multiple_of3A_534] : memref<640000xi32, #tpu.memory_space<hbm>> -> memref<80xi32, #tpu.memory_space<hbm>>
      tpu.enqueue_dma source(%dma_start3A_536 : memref<80xi32, #tpu.memory_space<hbm>>) target(%arg9 : memref<80xi32, #tpu.memory_space<vmem>>) target_semaphore(%arg30 : memref<!tpu.dma_semaphore, #tpu.memory_space<semaphore_mem>>)
      %dma_start3A_537 = tpu.memref_slice %arg3[%multiple_of3A_534] : memref<320000xi32, #tpu.memory_space<hbm>> -> memref<80xi32, #tpu.memory_space<hbm>>
      %dma_start3A_538 = tpu.memref_slice %arg3[%multiple_of3A_534] : memref<320000xi32, #tpu.memory_space<hbm>> -> memref<80xi32, #tpu.memory_space<hbm>>
      tpu.enqueue_dma source(%dma_start3A_538 : memref<80xi32, #tpu.memory_space<hbm>>) target(%arg13 : memref<80xi32, #tpu.memory_space<vmem>>) target_semaphore(%arg34 : memref<!tpu.dma_semaphore, #tpu.memory_space<semaphore_mem>>)
      %dma_wait3A_539 = arith.constant 0 : i32
      %dma_wait3A_540 = arith.constant 0 : i32
      %dma_wait3A_541 = tpu.memref_slice %arg4[%dma_wait3A_539, %dma_wait3A_540] : memref<330000x128xf32, #tpu.memory_space<hbm>> -> memref<330000x128xf32, #tpu.memory_space<hbm>>
      tpu.wait_indirect_dma semaphore(%arg43 : memref<!tpu.dma_semaphore, #tpu.memory_space<semaphore_mem>>) src(%dma_wait3A_541 : memref<330000x128xf32, #tpu.memory_space<hbm>>) dst(%arg26 : memref<80x128xf32, #tpu.memory_space<vmem>>)
      %dma_wait3A_542 = arith.constant 0 : i32
      %dma_wait3A_543 = tpu.memref_slice %arg2[%dma_wait3A_542] : memref<640000xi32, #tpu.memory_space<hbm>> -> memref<80xi32, #tpu.memory_space<hbm>>
      %dma_wait3A_544 = arith.constant 0 : i32
      %dma_wait3A_545 = tpu.memref_slice %arg2[%dma_wait3A_544] : memref<640000xi32, #tpu.memory_space<hbm>> -> memref<80xi32, #tpu.memory_space<hbm>>
      tpu.wait_dma2 semaphore(%arg39 : memref<!tpu.dma_semaphore, #tpu.memory_space<semaphore_mem>>) src(%dma_wait3A_545 : memref<80xi32, #tpu.memory_space<hbm>>) dst(%arg18 : memref<80xi32, #tpu.memory_space<vmem>>)
      %dma_start3A_546 = arith.constant 0 : i32
      %dma_start3A_547 = arith.constant 0 : i32
      %dma_start3A_548 = tpu.memref_slice %arg27[%dma_start3A_546, %dma_start3A_547] : memref<10112x128xf32, #tpu.memory_space<vmem_shared>> -> memref<10112x128xf32, #tpu.memory_space<vmem_shared>>
      tpu.enqueue_indirect_dma source(%arg26 : memref<80x128xf32, #tpu.memory_space<vmem>>) target(%dma_start3A_548 : memref<10112x128xf32, #tpu.memory_space<vmem_shared>>) offsets(%arg18 : memref<80xi32, #tpu.memory_space<vmem>>) semaphore(%arg47 : memref<!tpu.dma_semaphore, #tpu.memory_space<semaphore_mem>>) {add = true}
      %add3A_549 = arith.constant 4 : i32
      %add3A_550 = arith.addi %mul3A_466, %add3A_549 : i32
      %add3A_551 = arith.constant 3 : i32
      %add3A_552 = arith.addi %add3A_550, %add3A_551 : i32
      %add3A_553 = arith.addi %mul3A_6, %add3A_552 : i32
      %min3A_554 = arith.constant 3999 : i32
      %min3A_555 = arith.minsi %add3A_553, %min3A_554 : i32
      %mul3A_556 = arith.constant 80 : i32
      %mul3A_557 = arith.muli %min3A_555, %mul3A_556 : i32
      %multiple_of3A_558 = tpu.assume_multiple %mul3A_557, 8 : i32
      %dma_start3A_559 = tpu.memref_slice %arg2[%multiple_of3A_558] : memref<640000xi32, #tpu.memory_space<hbm>> -> memref<80xi32, #tpu.memory_space<hbm>>
      %dma_start3A_560 = tpu.memref_slice %arg2[%multiple_of3A_558] : memref<640000xi32, #tpu.memory_space<hbm>> -> memref<80xi32, #tpu.memory_space<hbm>>
      tpu.enqueue_dma source(%dma_start3A_560 : memref<80xi32, #tpu.memory_space<hbm>>) target(%arg10 : memref<80xi32, #tpu.memory_space<vmem>>) target_semaphore(%arg31 : memref<!tpu.dma_semaphore, #tpu.memory_space<semaphore_mem>>)
      %dma_start3A_561 = tpu.memref_slice %arg3[%multiple_of3A_558] : memref<320000xi32, #tpu.memory_space<hbm>> -> memref<80xi32, #tpu.memory_space<hbm>>
      %dma_start3A_562 = tpu.memref_slice %arg3[%multiple_of3A_558] : memref<320000xi32, #tpu.memory_space<hbm>> -> memref<80xi32, #tpu.memory_space<hbm>>
      tpu.enqueue_dma source(%dma_start3A_562 : memref<80xi32, #tpu.memory_space<hbm>>) target(%arg14 : memref<80xi32, #tpu.memory_space<vmem>>) target_semaphore(%arg35 : memref<!tpu.dma_semaphore, #tpu.memory_space<semaphore_mem>>)
      %dma_wait3A_563 = arith.constant 0 : i32
      %dma_wait3A_564 = tpu.memref_slice %arg2[%dma_wait3A_563] : memref<640000xi32, #tpu.memory_space<hbm>> -> memref<80xi32, #tpu.memory_space<hbm>>
      %dma_wait3A_565 = arith.constant 0 : i32
      %dma_wait3A_566 = tpu.memref_slice %arg2[%dma_wait3A_565] : memref<640000xi32, #tpu.memory_space<hbm>> -> memref<80xi32, #tpu.memory_space<hbm>>
      tpu.wait_dma2 semaphore(%arg28 : memref<!tpu.dma_semaphore, #tpu.memory_space<semaphore_mem>>) src(%dma_wait3A_566 : memref<80xi32, #tpu.memory_space<hbm>>) dst(%arg7 : memref<80xi32, #tpu.memory_space<vmem>>)
      %dma_wait3A_567 = arith.constant 0 : i32
      %dma_wait3A_568 = tpu.memref_slice %arg3[%dma_wait3A_567] : memref<320000xi32, #tpu.memory_space<hbm>> -> memref<80xi32, #tpu.memory_space<hbm>>
      %dma_wait3A_569 = arith.constant 0 : i32
      %dma_wait3A_570 = tpu.memref_slice %arg3[%dma_wait3A_569] : memref<320000xi32, #tpu.memory_space<hbm>> -> memref<80xi32, #tpu.memory_space<hbm>>
      tpu.wait_dma2 semaphore(%arg32 : memref<!tpu.dma_semaphore, #tpu.memory_space<semaphore_mem>>) src(%dma_wait3A_570 : memref<80xi32, #tpu.memory_space<hbm>>) dst(%arg11 : memref<80xi32, #tpu.memory_space<vmem>>)
      %dma_wait3A_571 = arith.constant 0 : i32
      %dma_wait3A_572 = arith.constant 0 : i32
      %dma_wait3A_573 = tpu.memref_slice %arg27[%dma_wait3A_571, %dma_wait3A_572] : memref<10112x128xf32, #tpu.memory_space<vmem_shared>> -> memref<10112x128xf32, #tpu.memory_space<vmem_shared>>
      tpu.wait_indirect_dma semaphore(%arg44 : memref<!tpu.dma_semaphore, #tpu.memory_space<semaphore_mem>>) src(%arg23 : memref<80x128xf32, #tpu.memory_space<vmem>>) dst(%dma_wait3A_573 : memref<10112x128xf32, #tpu.memory_space<vmem_shared>>)
      %add3A_574 = arith.constant 4 : i32
      %add3A_575 = arith.addi %mul3A_466, %add3A_574 : i32
      %add3A_576 = arith.constant 0 : i32
      %add3A_577 = arith.addi %add3A_575, %add3A_576 : i32
      %add3A_578 = arith.addi %mul3A_6, %add3A_577 : i32
      %min3A_579 = arith.constant 3999 : i32
      %min3A_580 = arith.minsi %add3A_578, %min3A_579 : i32
      %mul3A_581 = arith.constant 80 : i32
      %mul3A_582 = arith.muli %min3A_580, %mul3A_581 : i32
      %multiple_of3A_583 = tpu.assume_multiple %mul3A_582, 8 : i32
      %add3A_584 = arith.constant 320000 : i32
      %add3A_585 = arith.addi %multiple_of3A_583, %add3A_584 : i32
      %multiple_of3A_586 = tpu.assume_multiple %add3A_585, 8 : i32
      %dma_start3A_587 = tpu.memref_slice %arg2[%multiple_of3A_586] : memref<640000xi32, #tpu.memory_space<hbm>> -> memref<80xi32, #tpu.memory_space<hbm>>
      %dma_start3A_588 = tpu.memref_slice %arg2[%multiple_of3A_586] : memref<640000xi32, #tpu.memory_space<hbm>> -> memref<80xi32, #tpu.memory_space<hbm>>
      tpu.enqueue_dma source(%dma_start3A_588 : memref<80xi32, #tpu.memory_space<hbm>>) target(%arg15 : memref<80xi32, #tpu.memory_space<vmem>>) target_semaphore(%arg36 : memref<!tpu.dma_semaphore, #tpu.memory_space<semaphore_mem>>)
      %get3A_589 = arith.constant 0 : index
      %get3A_590 = tpu.vector_load %arg11[%get3A_589] {strides = array<i32>} : memref<80xi32, #tpu.memory_space<vmem>>, vector<16xi32>,
      %get3A_591 = vector.shape_cast %get3A_590 : vector<16xi32> to vector<16xi32>
      %mul3A_592 = arith.constant 10000 : i32
      %mul3A_593 = vector.broadcast %mul3A_592 : i32 to vector<16xi32>
      %mul3A_594 = arith.muli %get3A_591, %mul3A_593 : vector<16xi32>
      %get3A_595 = arith.constant 0 : index
      %get3A_596 = tpu.vector_load %arg7[%get3A_595] {strides = array<i32>} : memref<80xi32, #tpu.memory_space<vmem>>, vector<16xi32>,
      %get3A_597 = vector.shape_cast %get3A_596 : vector<16xi32> to vector<16xi32>
      %add3A_598 = arith.addi %mul3A_594, %get3A_597 : vector<16xi32>
      %swap3A_599 = arith.constant 0 : index
      %swap3A_600 = tpu.vector_load %arg19[%swap3A_599] {strides = array<i32>} : memref<80xi32, #tpu.memory_space<vmem>>, vector<16xi32>,
      %swap3A_601 = vector.shape_cast %swap3A_600 : vector<16xi32> to vector<16xi32>
      %swap3A_602 = vector.shape_cast %add3A_598 : vector<16xi32> to vector<16xi32>
      tpu.vector_store %arg19[%swap3A_599], %swap3A_602 {strides = array<i32>} : memref<80xi32, #tpu.memory_space<vmem>>, vector<16xi32>,
      %get3A_603 = arith.constant 16 : index
      %get3A_604 = tpu.vector_load %arg11[%get3A_603] {strides = array<i32>} : memref<80xi32, #tpu.memory_space<vmem>>, vector<16xi32>,
      %get3A_605 = vector.shape_cast %get3A_604 : vector<16xi32> to vector<16xi32>
      %mul3A_606 = arith.constant 10000 : i32
      %mul3A_607 = vector.broadcast %mul3A_606 : i32 to vector<16xi32>
      %mul3A_608 = arith.muli %get3A_605, %mul3A_607 : vector<16xi32>
      %get3A_609 = arith.constant 16 : index
      %get3A_610 = tpu.vector_load %arg7[%get3A_609] {strides = array<i32>} : memref<80xi32, #tpu.memory_space<vmem>>, vector<16xi32>,
      %get3A_611 = vector.shape_cast %get3A_610 : vector<16xi32> to vector<16xi32>
      %add3A_612 = arith.addi %mul3A_608, %get3A_611 : vector<16xi32>
      %swap3A_613 = arith.constant 16 : index
      %swap3A_614 = tpu.vector_load %arg19[%swap3A_613] {strides = array<i32>} : memref<80xi32, #tpu.memory_space<vmem>>, vector<16xi32>,
      %swap3A_615 = vector.shape_cast %swap3A_614 : vector<16xi32> to vector<16xi32>
      %swap3A_616 = vector.shape_cast %add3A_612 : vector<16xi32> to vector<16xi32>
      tpu.vector_store %arg19[%swap3A_613], %swap3A_616 {strides = array<i32>} : memref<80xi32, #tpu.memory_space<vmem>>, vector<16xi32>,
      %get3A_617 = arith.constant 32 : index
      %get3A_618 = tpu.vector_load %arg11[%get3A_617] {strides = array<i32>} : memref<80xi32, #tpu.memory_space<vmem>>, vector<16xi32>,
      %get3A_619 = vector.shape_cast %get3A_618 : vector<16xi32> to vector<16xi32>
      %mul3A_620 = arith.constant 10000 : i32
      %mul3A_621 = vector.broadcast %mul3A_620 : i32 to vector<16xi32>
      %mul3A_622 = arith.muli %get3A_619, %mul3A_621 : vector<16xi32>
      %get3A_623 = arith.constant 32 : index
      %get3A_624 = tpu.vector_load %arg7[%get3A_623] {strides = array<i32>} : memref<80xi32, #tpu.memory_space<vmem>>, vector<16xi32>,
      %get3A_625 = vector.shape_cast %get3A_624 : vector<16xi32> to vector<16xi32>
      %add3A_626 = arith.addi %mul3A_622, %get3A_625 : vector<16xi32>
      %swap3A_627 = arith.constant 32 : index
      %swap3A_628 = tpu.vector_load %arg19[%swap3A_627] {strides = array<i32>} : memref<80xi32, #tpu.memory_space<vmem>>, vector<16xi32>,
      %swap3A_629 = vector.shape_cast %swap3A_628 : vector<16xi32> to vector<16xi32>
      %swap3A_630 = vector.shape_cast %add3A_626 : vector<16xi32> to vector<16xi32>
      tpu.vector_store %arg19[%swap3A_627], %swap3A_630 {strides = array<i32>} : memref<80xi32, #tpu.memory_space<vmem>>, vector<16xi32>,
      %get3A_631 = arith.constant 48 : index
      %get3A_632 = tpu.vector_load %arg11[%get3A_631] {strides = array<i32>} : memref<80xi32, #tpu.memory_space<vmem>>, vector<16xi32>,
      %get3A_633 = vector.shape_cast %get3A_632 : vector<16xi32> to vector<16xi32>
      %mul3A_634 = arith.constant 10000 : i32
      %mul3A_635 = vector.broadcast %mul3A_634 : i32 to vector<16xi32>
      %mul3A_636 = arith.muli %get3A_633, %mul3A_635 : vector<16xi32>
      %get3A_637 = arith.constant 48 : index
      %get3A_638 = tpu.vector_load %arg7[%get3A_637] {strides = array<i32>} : memref<80xi32, #tpu.memory_space<vmem>>, vector<16xi32>,
      %get3A_639 = vector.shape_cast %get3A_638 : vector<16xi32> to vector<16xi32>
      %add3A_640 = arith.addi %mul3A_636, %get3A_639 : vector<16xi32>
      %swap3A_641 = arith.constant 48 : index
      %swap3A_642 = tpu.vector_load %arg19[%swap3A_641] {strides = array<i32>} : memref<80xi32, #tpu.memory_space<vmem>>, vector<16xi32>,
      %swap3A_643 = vector.shape_cast %swap3A_642 : vector<16xi32> to vector<16xi32>
      %swap3A_644 = vector.shape_cast %add3A_640 : vector<16xi32> to vector<16xi32>
      tpu.vector_store %arg19[%swap3A_641], %swap3A_644 {strides = array<i32>} : memref<80xi32, #tpu.memory_space<vmem>>, vector<16xi32>,
      %get3A_645 = arith.constant 64 : index
      %get3A_646 = tpu.vector_load %arg11[%get3A_645] {strides = array<i32>} : memref<80xi32, #tpu.memory_space<vmem>>, vector<16xi32>,
      %get3A_647 = vector.shape_cast %get3A_646 : vector<16xi32> to vector<16xi32>
      %mul3A_648 = arith.constant 10000 : i32
      %mul3A_649 = vector.broadcast %mul3A_648 : i32 to vector<16xi32>
      %mul3A_650 = arith.muli %get3A_647, %mul3A_649 : vector<16xi32>
      %get3A_651 = arith.constant 64 : index
      %get3A_652 = tpu.vector_load %arg7[%get3A_651] {strides = array<i32>} : memref<80xi32, #tpu.memory_space<vmem>>, vector<16xi32>,
      %get3A_653 = vector.shape_cast %get3A_652 : vector<16xi32> to vector<16xi32>
      %add3A_654 = arith.addi %mul3A_650, %get3A_653 : vector<16xi32>
      %swap3A_655 = arith.constant 64 : index
      %swap3A_656 = tpu.vector_load %arg19[%swap3A_655] {strides = array<i32>} : memref<80xi32, #tpu.memory_space<vmem>>, vector<16xi32>,
      %swap3A_657 = vector.shape_cast %swap3A_656 : vector<16xi32> to vector<16xi32>
      %swap3A_658 = vector.shape_cast %add3A_654 : vector<16xi32> to vector<16xi32>
      tpu.vector_store %arg19[%swap3A_655], %swap3A_658 {strides = array<i32>} : memref<80xi32, #tpu.memory_space<vmem>>, vector<16xi32>,
      %dma_start3A_659 = arith.constant 0 : i32
      %dma_start3A_660 = arith.constant 0 : i32
      %dma_start3A_661 = tpu.memref_slice %arg4[%dma_start3A_659, %dma_start3A_660] : memref<330000x128xf32, #tpu.memory_space<hbm>> -> memref<330000x128xf32, #tpu.memory_space<hbm>>
      tpu.enqueue_indirect_dma source(%dma_start3A_661 : memref<330000x128xf32, #tpu.memory_space<hbm>>) target(%arg23 : memref<80x128xf32, #tpu.memory_space<vmem>>) offsets(%arg19 : memref<80xi32, #tpu.memory_space<vmem>>) semaphore(%arg40 : memref<!tpu.dma_semaphore, #tpu.memory_space<semaphore_mem>>)
      %dma_wait3A_662 = arith.constant 0 : i32
      %dma_wait3A_663 = tpu.memref_slice %arg2[%dma_wait3A_662] : memref<640000xi32, #tpu.memory_space<hbm>> -> memref<80xi32, #tpu.memory_space<hbm>>
      %dma_wait3A_664 = arith.constant 0 : i32
      %dma_wait3A_665 = tpu.memref_slice %arg2[%dma_wait3A_664] : memref<640000xi32, #tpu.memory_space<hbm>> -> memref<80xi32, #tpu.memory_space<hbm>>
      tpu.wait_dma2 semaphore(%arg29 : memref<!tpu.dma_semaphore, #tpu.memory_space<semaphore_mem>>) src(%dma_wait3A_665 : memref<80xi32, #tpu.memory_space<hbm>>) dst(%arg8 : memref<80xi32, #tpu.memory_space<vmem>>)
      %dma_wait3A_666 = arith.constant 0 : i32
      %dma_wait3A_667 = tpu.memref_slice %arg3[%dma_wait3A_666] : memref<320000xi32, #tpu.memory_space<hbm>> -> memref<80xi32, #tpu.memory_space<hbm>>
      %dma_wait3A_668 = arith.constant 0 : i32
      %dma_wait3A_669 = tpu.memref_slice %arg3[%dma_wait3A_668] : memref<320000xi32, #tpu.memory_space<hbm>> -> memref<80xi32, #tpu.memory_space<hbm>>
      tpu.wait_dma2 semaphore(%arg33 : memref<!tpu.dma_semaphore, #tpu.memory_space<semaphore_mem>>) src(%dma_wait3A_669 : memref<80xi32, #tpu.memory_space<hbm>>) dst(%arg12 : memref<80xi32, #tpu.memory_space<vmem>>)
      %dma_wait3A_670 = arith.constant 0 : i32
      %dma_wait3A_671 = arith.constant 0 : i32
      %dma_wait3A_672 = tpu.memref_slice %arg27[%dma_wait3A_670, %dma_wait3A_671] : memref<10112x128xf32, #tpu.memory_space<vmem_shared>> -> memref<10112x128xf32, #tpu.memory_space<vmem_shared>>
      tpu.wait_indirect_dma semaphore(%arg45 : memref<!tpu.dma_semaphore, #tpu.memory_space<semaphore_mem>>) src(%arg24 : memref<80x128xf32, #tpu.memory_space<vmem>>) dst(%dma_wait3A_672 : memref<10112x128xf32, #tpu.memory_space<vmem_shared>>)
      %add3A_673 = arith.constant 4 : i32
      %add3A_674 = arith.addi %mul3A_466, %add3A_673 : i32
      %add3A_675 = arith.constant 1 : i32
      %add3A_676 = arith.addi %add3A_674, %add3A_675 : i32
      %add3A_677 = arith.addi %mul3A_6, %add3A_676 : i32
      %min3A_678 = arith.constant 3999 : i32
      %min3A_679 = arith.minsi %add3A_677, %min3A_678 : i32
      %mul3A_680 = arith.constant 80 : i32
      %mul3A_681 = arith.muli %min3A_679, %mul3A_680 : i32
      %multiple_of3A_682 = tpu.assume_multiple %mul3A_681, 8 : i32
      %add3A_683 = arith.constant 320000 : i32
      %add3A_684 = arith.addi %multiple_of3A_682, %add3A_683 : i32
      %multiple_of3A_685 = tpu.assume_multiple %add3A_684, 8 : i32
      %dma_start3A_686 = tpu.memref_slice %arg2[%multiple_of3A_685] : memref<640000xi32, #tpu.memory_space<hbm>> -> memref<80xi32, #tpu.memory_space<hbm>>
      %dma_start3A_687 = tpu.memref_slice %arg2[%multiple_of3A_685] : memref<640000xi32, #tpu.memory_space<hbm>> -> memref<80xi32, #tpu.memory_space<hbm>>
      tpu.enqueue_dma source(%dma_start3A_687 : memref<80xi32, #tpu.memory_space<hbm>>) target(%arg16 : memref<80xi32, #tpu.memory_space<vmem>>) target_semaphore(%arg37 : memref<!tpu.dma_semaphore, #tpu.memory_space<semaphore_mem>>)
      %get3A_688 = arith.constant 0 : index
      %get3A_689 = tpu.vector_load %arg12[%get3A_688] {strides = array<i32>} : memref<80xi32, #tpu.memory_space<vmem>>, vector<16xi32>,
      %get3A_690 = vector.shape_cast %get3A_689 : vector<16xi32> to vector<16xi32>
      %mul3A_691 = arith.constant 10000 : i32
      %mul3A_692 = vector.broadcast %mul3A_691 : i32 to vector<16xi32>
      %mul3A_693 = arith.muli %get3A_690, %mul3A_692 : vector<16xi32>
      %get3A_694 = arith.constant 0 : index
      %get3A_695 = tpu.vector_load %arg8[%get3A_694] {strides = array<i32>} : memref<80xi32, #tpu.memory_space<vmem>>, vector<16xi32>,
      %get3A_696 = vector.shape_cast %get3A_695 : vector<16xi32> to vector<16xi32>
      %add3A_697 = arith.addi %mul3A_693, %get3A_696 : vector<16xi32>
      %swap3A_698 = arith.constant 0 : index
      %swap3A_699 = tpu.vector_load %arg20[%swap3A_698] {strides = array<i32>} : memref<80xi32, #tpu.memory_space<vmem>>, vector<16xi32>,
      %swap3A_700 = vector.shape_cast %swap3A_699 : vector<16xi32> to vector<16xi32>
      %swap3A_701 = vector.shape_cast %add3A_697 : vector<16xi32> to vector<16xi32>
      tpu.vector_store %arg20[%swap3A_698], %swap3A_701 {strides = array<i32>} : memref<80xi32, #tpu.memory_space<vmem>>, vector<16xi32>,
      %get3A_702 = arith.constant 16 : index
      %get3A_703 = tpu.vector_load %arg12[%get3A_702] {strides = array<i32>} : memref<80xi32, #tpu.memory_space<vmem>>, vector<16xi32>,
      %get3A_704 = vector.shape_cast %get3A_703 : vector<16xi32> to vector<16xi32>
      %mul3A_705 = arith.constant 10000 : i32
      %mul3A_706 = vector.broadcast %mul3A_705 : i32 to vector<16xi32>
      %mul3A_707 = arith.muli %get3A_704, %mul3A_706 : vector<16xi32>
      %get3A_708 = arith.constant 16 : index
      %get3A_709 = tpu.vector_load %arg8[%get3A_708] {strides = array<i32>} : memref<80xi32, #tpu.memory_space<vmem>>, vector<16xi32>,
      %get3A_710 = vector.shape_cast %get3A_709 : vector<16xi32> to vector<16xi32>
      %add3A_711 = arith.addi %mul3A_707, %get3A_710 : vector<16xi32>
      %swap3A_712 = arith.constant 16 : index
      %swap3A_713 = tpu.vector_load %arg20[%swap3A_712] {strides = array<i32>} : memref<80xi32, #tpu.memory_space<vmem>>, vector<16xi32>,
      %swap3A_714 = vector.shape_cast %swap3A_713 : vector<16xi32> to vector<16xi32>
      %swap3A_715 = vector.shape_cast %add3A_711 : vector<16xi32> to vector<16xi32>
      tpu.vector_store %arg20[%swap3A_712], %swap3A_715 {strides = array<i32>} : memref<80xi32, #tpu.memory_space<vmem>>, vector<16xi32>,
      %get3A_716 = arith.constant 32 : index
      %get3A_717 = tpu.vector_load %arg12[%get3A_716] {strides = array<i32>} : memref<80xi32, #tpu.memory_space<vmem>>, vector<16xi32>,
      %get3A_718 = vector.shape_cast %get3A_717 : vector<16xi32> to vector<16xi32>
      %mul3A_719 = arith.constant 10000 : i32
      %mul3A_720 = vector.broadcast %mul3A_719 : i32 to vector<16xi32>
      %mul3A_721 = arith.muli %get3A_718, %mul3A_720 : vector<16xi32>
      %get3A_722 = arith.constant 32 : index
      %get3A_723 = tpu.vector_load %arg8[%get3A_722] {strides = array<i32>} : memref<80xi32, #tpu.memory_space<vmem>>, vector<16xi32>,
      %get3A_724 = vector.shape_cast %get3A_723 : vector<16xi32> to vector<16xi32>
      %add3A_725 = arith.addi %mul3A_721, %get3A_724 : vector<16xi32>
      %swap3A_726 = arith.constant 32 : index
      %swap3A_727 = tpu.vector_load %arg20[%swap3A_726] {strides = array<i32>} : memref<80xi32, #tpu.memory_space<vmem>>, vector<16xi32>,
      %swap3A_728 = vector.shape_cast %swap3A_727 : vector<16xi32> to vector<16xi32>
      %swap3A_729 = vector.shape_cast %add3A_725 : vector<16xi32> to vector<16xi32>
      tpu.vector_store %arg20[%swap3A_726], %swap3A_729 {strides = array<i32>} : memref<80xi32, #tpu.memory_space<vmem>>, vector<16xi32>,
      %get3A_730 = arith.constant 48 : index
      %get3A_731 = tpu.vector_load %arg12[%get3A_730] {strides = array<i32>} : memref<80xi32, #tpu.memory_space<vmem>>, vector<16xi32>,
      %get3A_732 = vector.shape_cast %get3A_731 : vector<16xi32> to vector<16xi32>
      %mul3A_733 = arith.constant 10000 : i32
      %mul3A_734 = vector.broadcast %mul3A_733 : i32 to vector<16xi32>
      %mul3A_735 = arith.muli %get3A_732, %mul3A_734 : vector<16xi32>
      %get3A_736 = arith.constant 48 : index
      %get3A_737 = tpu.vector_load %arg8[%get3A_736] {strides = array<i32>} : memref<80xi32, #tpu.memory_space<vmem>>, vector<16xi32>,
      %get3A_738 = vector.shape_cast %get3A_737 : vector<16xi32> to vector<16xi32>
      %add3A_739 = arith.addi %mul3A_735, %get3A_738 : vector<16xi32>
      %swap3A_740 = arith.constant 48 : index
      %swap3A_741 = tpu.vector_load %arg20[%swap3A_740] {strides = array<i32>} : memref<80xi32, #tpu.memory_space<vmem>>, vector<16xi32>,
      %swap3A_742 = vector.shape_cast %swap3A_741 : vector<16xi32> to vector<16xi32>
      %swap3A_743 = vector.shape_cast %add3A_739 : vector<16xi32> to vector<16xi32>
      tpu.vector_store %arg20[%swap3A_740], %swap3A_743 {strides = array<i32>} : memref<80xi32, #tpu.memory_space<vmem>>, vector<16xi32>,
      %get3A_744 = arith.constant 64 : index
      %get3A_745 = tpu.vector_load %arg12[%get3A_744] {strides = array<i32>} : memref<80xi32, #tpu.memory_space<vmem>>, vector<16xi32>,
      %get3A_746 = vector.shape_cast %get3A_745 : vector<16xi32> to vector<16xi32>
      %mul3A_747 = arith.constant 10000 : i32
      %mul3A_748 = vector.broadcast %mul3A_747 : i32 to vector<16xi32>
      %mul3A_749 = arith.muli %get3A_746, %mul3A_748 : vector<16xi32>
      %get3A_750 = arith.constant 64 : index
      %get3A_751 = tpu.vector_load %arg8[%get3A_750] {strides = array<i32>} : memref<80xi32, #tpu.memory_space<vmem>>, vector<16xi32>,
      %get3A_752 = vector.shape_cast %get3A_751 : vector<16xi32> to vector<16xi32>
      %add3A_753 = arith.addi %mul3A_749, %get3A_752 : vector<16xi32>
      %swap3A_754 = arith.constant 64 : index
      %swap3A_755 = tpu.vector_load %arg20[%swap3A_754] {strides = array<i32>} : memref<80xi32, #tpu.memory_space<vmem>>, vector<16xi32>,
      %swap3A_756 = vector.shape_cast %swap3A_755 : vector<16xi32> to vector<16xi32>
      %swap3A_757 = vector.shape_cast %add3A_753 : vector<16xi32> to vector<16xi32>
      tpu.vector_store %arg20[%swap3A_754], %swap3A_757 {strides = array<i32>} : memref<80xi32, #tpu.memory_space<vmem>>, vector<16xi32>,
      %dma_start3A_758 = arith.constant 0 : i32
      %dma_start3A_759 = arith.constant 0 : i32
      %dma_start3A_760 = tpu.memref_slice %arg4[%dma_start3A_758, %dma_start3A_759] : memref<330000x128xf32, #tpu.memory_space<hbm>> -> memref<330000x128xf32, #tpu.memory_space<hbm>>
      tpu.enqueue_indirect_dma source(%dma_start3A_760 : memref<330000x128xf32, #tpu.memory_space<hbm>>) target(%arg24 : memref<80x128xf32, #tpu.memory_space<vmem>>) offsets(%arg20 : memref<80xi32, #tpu.memory_space<vmem>>) semaphore(%arg41 : memref<!tpu.dma_semaphore, #tpu.memory_space<semaphore_mem>>)
      %dma_wait3A_761 = arith.constant 0 : i32
      %dma_wait3A_762 = tpu.memref_slice %arg2[%dma_wait3A_761] : memref<640000xi32, #tpu.memory_space<hbm>> -> memref<80xi32, #tpu.memory_space<hbm>>
      %dma_wait3A_763 = arith.constant 0 : i32
      %dma_wait3A_764 = tpu.memref_slice %arg2[%dma_wait3A_763] : memref<640000xi32, #tpu.memory_space<hbm>> -> memref<80xi32, #tpu.memory_space<hbm>>
      tpu.wait_dma2 semaphore(%arg30 : memref<!tpu.dma_semaphore, #tpu.memory_space<semaphore_mem>>) src(%dma_wait3A_764 : memref<80xi32, #tpu.memory_space<hbm>>) dst(%arg9 : memref<80xi32, #tpu.memory_space<vmem>>)
      %dma_wait3A_765 = arith.constant 0 : i32
      %dma_wait3A_766 = tpu.memref_slice %arg3[%dma_wait3A_765] : memref<320000xi32, #tpu.memory_space<hbm>> -> memref<80xi32, #tpu.memory_space<hbm>>
      %dma_wait3A_767 = arith.constant 0 : i32
      %dma_wait3A_768 = tpu.memref_slice %arg3[%dma_wait3A_767] : memref<320000xi32, #tpu.memory_space<hbm>> -> memref<80xi32, #tpu.memory_space<hbm>>
      tpu.wait_dma2 semaphore(%arg34 : memref<!tpu.dma_semaphore, #tpu.memory_space<semaphore_mem>>) src(%dma_wait3A_768 : memref<80xi32, #tpu.memory_space<hbm>>) dst(%arg13 : memref<80xi32, #tpu.memory_space<vmem>>)
      %dma_wait3A_769 = arith.constant 0 : i32
      %dma_wait3A_770 = arith.constant 0 : i32
      %dma_wait3A_771 = tpu.memref_slice %arg27[%dma_wait3A_769, %dma_wait3A_770] : memref<10112x128xf32, #tpu.memory_space<vmem_shared>> -> memref<10112x128xf32, #tpu.memory_space<vmem_shared>>
      tpu.wait_indirect_dma semaphore(%arg46 : memref<!tpu.dma_semaphore, #tpu.memory_space<semaphore_mem>>) src(%arg25 : memref<80x128xf32, #tpu.memory_space<vmem>>) dst(%dma_wait3A_771 : memref<10112x128xf32, #tpu.memory_space<vmem_shared>>)
      %add3A_772 = arith.constant 4 : i32
      %add3A_773 = arith.addi %mul3A_466, %add3A_772 : i32
      %add3A_774 = arith.constant 2 : i32
      %add3A_775 = arith.addi %add3A_773, %add3A_774 : i32
      %add3A_776 = arith.addi %mul3A_6, %add3A_775 : i32
      %min3A_777 = arith.constant 3999 : i32
      %min3A_778 = arith.minsi %add3A_776, %min3A_777 : i32
      %mul3A_779 = arith.constant 80 : i32
      %mul3A_780 = arith.muli %min3A_778, %mul3A_779 : i32
      %multiple_of3A_781 = tpu.assume_multiple %mul3A_780, 8 : i32
      %add3A_782 = arith.constant 320000 : i32
      %add3A_783 = arith.addi %multiple_of3A_781, %add3A_782 : i32
      %multiple_of3A_784 = tpu.assume_multiple %add3A_783, 8 : i32
      %dma_start3A_785 = tpu.memref_slice %arg2[%multiple_of3A_784] : memref<640000xi32, #tpu.memory_space<hbm>> -> memref<80xi32, #tpu.memory_space<hbm>>
      %dma_start3A_786 = tpu.memref_slice %arg2[%multiple_of3A_784] : memref<640000xi32, #tpu.memory_space<hbm>> -> memref<80xi32, #tpu.memory_space<hbm>>
      tpu.enqueue_dma source(%dma_start3A_786 : memref<80xi32, #tpu.memory_space<hbm>>) target(%arg17 : memref<80xi32, #tpu.memory_space<vmem>>) target_semaphore(%arg38 : memref<!tpu.dma_semaphore, #tpu.memory_space<semaphore_mem>>)
      %get3A_787 = arith.constant 0 : index
      %get3A_788 = tpu.vector_load %arg13[%get3A_787] {strides = array<i32>} : memref<80xi32, #tpu.memory_space<vmem>>, vector<16xi32>,
      %get3A_789 = vector.shape_cast %get3A_788 : vector<16xi32> to vector<16xi32>
      %mul3A_790 = arith.constant 10000 : i32
      %mul3A_791 = vector.broadcast %mul3A_790 : i32 to vector<16xi32>
      %mul3A_792 = arith.muli %get3A_789, %mul3A_791 : vector<16xi32>
      %get3A_793 = arith.constant 0 : index
      %get3A_794 = tpu.vector_load %arg9[%get3A_793] {strides = array<i32>} : memref<80xi32, #tpu.memory_space<vmem>>, vector<16xi32>,
      %get3A_795 = vector.shape_cast %get3A_794 : vector<16xi32> to vector<16xi32>
      %add3A_796 = arith.addi %mul3A_792, %get3A_795 : vector<16xi32>
      %swap3A_797 = arith.constant 0 : index
      %swap3A_798 = tpu.vector_load %arg21[%swap3A_797] {strides = array<i32>} : memref<80xi32, #tpu.memory_space<vmem>>, vector<16xi32>,
      %swap3A_799 = vector.shape_cast %swap3A_798 : vector<16xi32> to vector<16xi32>
      %swap3A_800 = vector.shape_cast %add3A_796 : vector<16xi32> to vector<16xi32>
      tpu.vector_store %arg21[%swap3A_797], %swap3A_800 {strides = array<i32>} : memref<80xi32, #tpu.memory_space<vmem>>, vector<16xi32>,
      %get3A_801 = arith.constant 16 : index
      %get3A_802 = tpu.vector_load %arg13[%get3A_801] {strides = array<i32>} : memref<80xi32, #tpu.memory_space<vmem>>, vector<16xi32>,
      %get3A_803 = vector.shape_cast %get3A_802 : vector<16xi32> to vector<16xi32>
      %mul3A_804 = arith.constant 10000 : i32
      %mul3A_805 = vector.broadcast %mul3A_804 : i32 to vector<16xi32>
      %mul3A_806 = arith.muli %get3A_803, %mul3A_805 : vector<16xi32>
      %get3A_807 = arith.constant 16 : index
      %get3A_808 = tpu.vector_load %arg9[%get3A_807] {strides = array<i32>} : memref<80xi32, #tpu.memory_space<vmem>>, vector<16xi32>,
      %get3A_809 = vector.shape_cast %get3A_808 : vector<16xi32> to vector<16xi32>
      %add3A_810 = arith.addi %mul3A_806, %get3A_809 : vector<16xi32>
      %swap3A_811 = arith.constant 16 : index
      %swap3A_812 = tpu.vector_load %arg21[%swap3A_811] {strides = array<i32>} : memref<80xi32, #tpu.memory_space<vmem>>, vector<16xi32>,
      %swap3A_813 = vector.shape_cast %swap3A_812 : vector<16xi32> to vector<16xi32>
      %swap3A_814 = vector.shape_cast %add3A_810 : vector<16xi32> to vector<16xi32>
      tpu.vector_store %arg21[%swap3A_811], %swap3A_814 {strides = array<i32>} : memref<80xi32, #tpu.memory_space<vmem>>, vector<16xi32>,
      %get3A_815 = arith.constant 32 : index
      %get3A_816 = tpu.vector_load %arg13[%get3A_815] {strides = array<i32>} : memref<80xi32, #tpu.memory_space<vmem>>, vector<16xi32>,
      %get3A_817 = vector.shape_cast %get3A_816 : vector<16xi32> to vector<16xi32>
      %mul3A_818 = arith.constant 10000 : i32
      %mul3A_819 = vector.broadcast %mul3A_818 : i32 to vector<16xi32>
      %mul3A_820 = arith.muli %get3A_817, %mul3A_819 : vector<16xi32>
      %get3A_821 = arith.constant 32 : index
      %get3A_822 = tpu.vector_load %arg9[%get3A_821] {strides = array<i32>} : memref<80xi32, #tpu.memory_space<vmem>>, vector<16xi32>,
      %get3A_823 = vector.shape_cast %get3A_822 : vector<16xi32> to vector<16xi32>
      %add3A_824 = arith.addi %mul3A_820, %get3A_823 : vector<16xi32>
      %swap3A_825 = arith.constant 32 : index
      %swap3A_826 = tpu.vector_load %arg21[%swap3A_825] {strides = array<i32>} : memref<80xi32, #tpu.memory_space<vmem>>, vector<16xi32>,
      %swap3A_827 = vector.shape_cast %swap3A_826 : vector<16xi32> to vector<16xi32>
      %swap3A_828 = vector.shape_cast %add3A_824 : vector<16xi32> to vector<16xi32>
      tpu.vector_store %arg21[%swap3A_825], %swap3A_828 {strides = array<i32>} : memref<80xi32, #tpu.memory_space<vmem>>, vector<16xi32>,
      %get3A_829 = arith.constant 48 : index
      %get3A_830 = tpu.vector_load %arg13[%get3A_829] {strides = array<i32>} : memref<80xi32, #tpu.memory_space<vmem>>, vector<16xi32>,
      %get3A_831 = vector.shape_cast %get3A_830 : vector<16xi32> to vector<16xi32>
      %mul3A_832 = arith.constant 10000 : i32
      %mul3A_833 = vector.broadcast %mul3A_832 : i32 to vector<16xi32>
      %mul3A_834 = arith.muli %get3A_831, %mul3A_833 : vector<16xi32>
      %get3A_835 = arith.constant 48 : index
      %get3A_836 = tpu.vector_load %arg9[%get3A_835] {strides = array<i32>} : memref<80xi32, #tpu.memory_space<vmem>>, vector<16xi32>,
      %get3A_837 = vector.shape_cast %get3A_836 : vector<16xi32> to vector<16xi32>
      %add3A_838 = arith.addi %mul3A_834, %get3A_837 : vector<16xi32>
      %swap3A_839 = arith.constant 48 : index
      %swap3A_840 = tpu.vector_load %arg21[%swap3A_839] {strides = array<i32>} : memref<80xi32, #tpu.memory_space<vmem>>, vector<16xi32>,
      %swap3A_841 = vector.shape_cast %swap3A_840 : vector<16xi32> to vector<16xi32>
      %swap3A_842 = vector.shape_cast %add3A_838 : vector<16xi32> to vector<16xi32>
      tpu.vector_store %arg21[%swap3A_839], %swap3A_842 {strides = array<i32>} : memref<80xi32, #tpu.memory_space<vmem>>, vector<16xi32>,
      %get3A_843 = arith.constant 64 : index
      %get3A_844 = tpu.vector_load %arg13[%get3A_843] {strides = array<i32>} : memref<80xi32, #tpu.memory_space<vmem>>, vector<16xi32>,
      %get3A_845 = vector.shape_cast %get3A_844 : vector<16xi32> to vector<16xi32>
      %mul3A_846 = arith.constant 10000 : i32
      %mul3A_847 = vector.broadcast %mul3A_846 : i32 to vector<16xi32>
      %mul3A_848 = arith.muli %get3A_845, %mul3A_847 : vector<16xi32>
      %get3A_849 = arith.constant 64 : index
      %get3A_850 = tpu.vector_load %arg9[%get3A_849] {strides = array<i32>} : memref<80xi32, #tpu.memory_space<vmem>>, vector<16xi32>,
      %get3A_851 = vector.shape_cast %get3A_850 : vector<16xi32> to vector<16xi32>
      %add3A_852 = arith.addi %mul3A_848, %get3A_851 : vector<16xi32>
      %swap3A_853 = arith.constant 64 : index
      %swap3A_854 = tpu.vector_load %arg21[%swap3A_853] {strides = array<i32>} : memref<80xi32, #tpu.memory_space<vmem>>, vector<16xi32>,
      %swap3A_855 = vector.shape_cast %swap3A_854 : vector<16xi32> to vector<16xi32>
      %swap3A_856 = vector.shape_cast %add3A_852 : vector<16xi32> to vector<16xi32>
      tpu.vector_store %arg21[%swap3A_853], %swap3A_856 {strides = array<i32>} : memref<80xi32, #tpu.memory_space<vmem>>, vector<16xi32>,
      %dma_start3A_857 = arith.constant 0 : i32
      %dma_start3A_858 = arith.constant 0 : i32
      %dma_start3A_859 = tpu.memref_slice %arg4[%dma_start3A_857, %dma_start3A_858] : memref<330000x128xf32, #tpu.memory_space<hbm>> -> memref<330000x128xf32, #tpu.memory_space<hbm>>
      tpu.enqueue_indirect_dma source(%dma_start3A_859 : memref<330000x128xf32, #tpu.memory_space<hbm>>) target(%arg25 : memref<80x128xf32, #tpu.memory_space<vmem>>) offsets(%arg21 : memref<80xi32, #tpu.memory_space<vmem>>) semaphore(%arg42 : memref<!tpu.dma_semaphore, #tpu.memory_space<semaphore_mem>>)
      %dma_wait3A_860 = arith.constant 0 : i32
      %dma_wait3A_861 = tpu.memref_slice %arg2[%dma_wait3A_860] : memref<640000xi32, #tpu.memory_space<hbm>> -> memref<80xi32, #tpu.memory_space<hbm>>
      %dma_wait3A_862 = arith.constant 0 : i32
      %dma_wait3A_863 = tpu.memref_slice %arg2[%dma_wait3A_862] : memref<640000xi32, #tpu.memory_space<hbm>> -> memref<80xi32, #tpu.memory_space<hbm>>
      tpu.wait_dma2 semaphore(%arg31 : memref<!tpu.dma_semaphore, #tpu.memory_space<semaphore_mem>>) src(%dma_wait3A_863 : memref<80xi32, #tpu.memory_space<hbm>>) dst(%arg10 : memref<80xi32, #tpu.memory_space<vmem>>)
      %dma_wait3A_864 = arith.constant 0 : i32
      %dma_wait3A_865 = tpu.memref_slice %arg3[%dma_wait3A_864] : memref<320000xi32, #tpu.memory_space<hbm>> -> memref<80xi32, #tpu.memory_space<hbm>>
      %dma_wait3A_866 = arith.constant 0 : i32
      %dma_wait3A_867 = tpu.memref_slice %arg3[%dma_wait3A_866] : memref<320000xi32, #tpu.memory_space<hbm>> -> memref<80xi32, #tpu.memory_space<hbm>>
      tpu.wait_dma2 semaphore(%arg35 : memref<!tpu.dma_semaphore, #tpu.memory_space<semaphore_mem>>) src(%dma_wait3A_867 : memref<80xi32, #tpu.memory_space<hbm>>) dst(%arg14 : memref<80xi32, #tpu.memory_space<vmem>>)
      %dma_wait3A_868 = arith.constant 0 : i32
      %dma_wait3A_869 = arith.constant 0 : i32
      %dma_wait3A_870 = tpu.memref_slice %arg27[%dma_wait3A_868, %dma_wait3A_869] : memref<10112x128xf32, #tpu.memory_space<vmem_shared>> -> memref<10112x128xf32, #tpu.memory_space<vmem_shared>>
      tpu.wait_indirect_dma semaphore(%arg47 : memref<!tpu.dma_semaphore, #tpu.memory_space<semaphore_mem>>) src(%arg26 : memref<80x128xf32, #tpu.memory_space<vmem>>) dst(%dma_wait3A_870 : memref<10112x128xf32, #tpu.memory_space<vmem_shared>>)
      %add3A_871 = arith.constant 4 : i32
      %add3A_872 = arith.addi %mul3A_466, %add3A_871 : i32
      %add3A_873 = arith.constant 3 : i32
      %add3A_874 = arith.addi %add3A_872, %add3A_873 : i32
      %add3A_875 = arith.addi %mul3A_6, %add3A_874 : i32
      %min3A_876 = arith.constant 3999 : i32
      %min3A_877 = arith.minsi %add3A_875, %min3A_876 : i32
      %mul3A_878 = arith.constant 80 : i32
      %mul3A_879 = arith.muli %min3A_877, %mul3A_878 : i32
      %multiple_of3A_880 = tpu.assume_multiple %mul3A_879, 8 : i32
      %add3A_881 = arith.constant 320000 : i32
      %add3A_882 = arith.addi %multiple_of3A_880, %add3A_881 : i32
      %multiple_of3A_883 = tpu.assume_multiple %add3A_882, 8 : i32
      %dma_start3A_884 = tpu.memref_slice %arg2[%multiple_of3A_883] : memref<640000xi32, #tpu.memory_space<hbm>> -> memref<80xi32, #tpu.memory_space<hbm>>
      %dma_start3A_885 = tpu.memref_slice %arg2[%multiple_of3A_883] : memref<640000xi32, #tpu.memory_space<hbm>> -> memref<80xi32, #tpu.memory_space<hbm>>
      tpu.enqueue_dma source(%dma_start3A_885 : memref<80xi32, #tpu.memory_space<hbm>>) target(%arg18 : memref<80xi32, #tpu.memory_space<vmem>>) target_semaphore(%arg39 : memref<!tpu.dma_semaphore, #tpu.memory_space<semaphore_mem>>)
      %get3A_886 = arith.constant 0 : index
      %get3A_887 = tpu.vector_load %arg14[%get3A_886] {strides = array<i32>} : memref<80xi32, #tpu.memory_space<vmem>>, vector<16xi32>,
      %get3A_888 = vector.shape_cast %get3A_887 : vector<16xi32> to vector<16xi32>
      %mul3A_889 = arith.constant 10000 : i32
      %mul3A_890 = vector.broadcast %mul3A_889 : i32 to vector<16xi32>
      %mul3A_891 = arith.muli %get3A_888, %mul3A_890 : vector<16xi32>
      %get3A_892 = arith.constant 0 : index
      %get3A_893 = tpu.vector_load %arg10[%get3A_892] {strides = array<i32>} : memref<80xi32, #tpu.memory_space<vmem>>, vector<16xi32>,
      %get3A_894 = vector.shape_cast %get3A_893 : vector<16xi32> to vector<16xi32>
      %add3A_895 = arith.addi %mul3A_891, %get3A_894 : vector<16xi32>
      %swap3A_896 = arith.constant 0 : index
      %swap3A_897 = tpu.vector_load %arg22[%swap3A_896] {strides = array<i32>} : memref<80xi32, #tpu.memory_space<vmem>>, vector<16xi32>,
      %swap3A_898 = vector.shape_cast %swap3A_897 : vector<16xi32> to vector<16xi32>
      %swap3A_899 = vector.shape_cast %add3A_895 : vector<16xi32> to vector<16xi32>
      tpu.vector_store %arg22[%swap3A_896], %swap3A_899 {strides = array<i32>} : memref<80xi32, #tpu.memory_space<vmem>>, vector<16xi32>,
      %get3A_900 = arith.constant 16 : index
      %get3A_901 = tpu.vector_load %arg14[%get3A_900] {strides = array<i32>} : memref<80xi32, #tpu.memory_space<vmem>>, vector<16xi32>,
      %get3A_902 = vector.shape_cast %get3A_901 : vector<16xi32> to vector<16xi32>
      %mul3A_903 = arith.constant 10000 : i32
      %mul3A_904 = vector.broadcast %mul3A_903 : i32 to vector<16xi32>
      %mul3A_905 = arith.muli %get3A_902, %mul3A_904 : vector<16xi32>
      %get3A_906 = arith.constant 16 : index
      %get3A_907 = tpu.vector_load %arg10[%get3A_906] {strides = array<i32>} : memref<80xi32, #tpu.memory_space<vmem>>, vector<16xi32>,
      %get3A_908 = vector.shape_cast %get3A_907 : vector<16xi32> to vector<16xi32>
      %add3A_909 = arith.addi %mul3A_905, %get3A_908 : vector<16xi32>
      %swap3A_910 = arith.constant 16 : index
      %swap3A_911 = tpu.vector_load %arg22[%swap3A_910] {strides = array<i32>} : memref<80xi32, #tpu.memory_space<vmem>>, vector<16xi32>,
      %swap3A_912 = vector.shape_cast %swap3A_911 : vector<16xi32> to vector<16xi32>
      %swap3A_913 = vector.shape_cast %add3A_909 : vector<16xi32> to vector<16xi32>
      tpu.vector_store %arg22[%swap3A_910], %swap3A_913 {strides = array<i32>} : memref<80xi32, #tpu.memory_space<vmem>>, vector<16xi32>,
      %get3A_914 = arith.constant 32 : index
      %get3A_915 = tpu.vector_load %arg14[%get3A_914] {strides = array<i32>} : memref<80xi32, #tpu.memory_space<vmem>>, vector<16xi32>,
      %get3A_916 = vector.shape_cast %get3A_915 : vector<16xi32> to vector<16xi32>
      %mul3A_917 = arith.constant 10000 : i32
      %mul3A_918 = vector.broadcast %mul3A_917 : i32 to vector<16xi32>
      %mul3A_919 = arith.muli %get3A_916, %mul3A_918 : vector<16xi32>
      %get3A_920 = arith.constant 32 : index
      %get3A_921 = tpu.vector_load %arg10[%get3A_920] {strides = array<i32>} : memref<80xi32, #tpu.memory_space<vmem>>, vector<16xi32>,
      %get3A_922 = vector.shape_cast %get3A_921 : vector<16xi32> to vector<16xi32>
      %add3A_923 = arith.addi %mul3A_919, %get3A_922 : vector<16xi32>
      %swap3A_924 = arith.constant 32 : index
      %swap3A_925 = tpu.vector_load %arg22[%swap3A_924] {strides = array<i32>} : memref<80xi32, #tpu.memory_space<vmem>>, vector<16xi32>,
      %swap3A_926 = vector.shape_cast %swap3A_925 : vector<16xi32> to vector<16xi32>
      %swap3A_927 = vector.shape_cast %add3A_923 : vector<16xi32> to vector<16xi32>
      tpu.vector_store %arg22[%swap3A_924], %swap3A_927 {strides = array<i32>} : memref<80xi32, #tpu.memory_space<vmem>>, vector<16xi32>,
      %get3A_928 = arith.constant 48 : index
      %get3A_929 = tpu.vector_load %arg14[%get3A_928] {strides = array<i32>} : memref<80xi32, #tpu.memory_space<vmem>>, vector<16xi32>,
      %get3A_930 = vector.shape_cast %get3A_929 : vector<16xi32> to vector<16xi32>
      %mul3A_931 = arith.constant 10000 : i32
      %mul3A_932 = vector.broadcast %mul3A_931 : i32 to vector<16xi32>
      %mul3A_933 = arith.muli %get3A_930, %mul3A_932 : vector<16xi32>
      %get3A_934 = arith.constant 48 : index
      %get3A_935 = tpu.vector_load %arg10[%get3A_934] {strides = array<i32>} : memref<80xi32, #tpu.memory_space<vmem>>, vector<16xi32>,
      %get3A_936 = vector.shape_cast %get3A_935 : vector<16xi32> to vector<16xi32>
      %add3A_937 = arith.addi %mul3A_933, %get3A_936 : vector<16xi32>
      %swap3A_938 = arith.constant 48 : index
      %swap3A_939 = tpu.vector_load %arg22[%swap3A_938] {strides = array<i32>} : memref<80xi32, #tpu.memory_space<vmem>>, vector<16xi32>,
      %swap3A_940 = vector.shape_cast %swap3A_939 : vector<16xi32> to vector<16xi32>
      %swap3A_941 = vector.shape_cast %add3A_937 : vector<16xi32> to vector<16xi32>
      tpu.vector_store %arg22[%swap3A_938], %swap3A_941 {strides = array<i32>} : memref<80xi32, #tpu.memory_space<vmem>>, vector<16xi32>,
      %get3A_942 = arith.constant 64 : index
      %get3A_943 = tpu.vector_load %arg14[%get3A_942] {strides = array<i32>} : memref<80xi32, #tpu.memory_space<vmem>>, vector<16xi32>,
      %get3A_944 = vector.shape_cast %get3A_943 : vector<16xi32> to vector<16xi32>
      %mul3A_945 = arith.constant 10000 : i32
      %mul3A_946 = vector.broadcast %mul3A_945 : i32 to vector<16xi32>
      %mul3A_947 = arith.muli %get3A_944, %mul3A_946 : vector<16xi32>
      %get3A_948 = arith.constant 64 : index
      %get3A_949 = tpu.vector_load %arg10[%get3A_948] {strides = array<i32>} : memref<80xi32, #tpu.memory_space<vmem>>, vector<16xi32>,
      %get3A_950 = vector.shape_cast %get3A_949 : vector<16xi32> to vector<16xi32>
      %add3A_951 = arith.addi %mul3A_947, %get3A_950 : vector<16xi32>
      %swap3A_952 = arith.constant 64 : index
      %swap3A_953 = tpu.vector_load %arg22[%swap3A_952] {strides = array<i32>} : memref<80xi32, #tpu.memory_space<vmem>>, vector<16xi32>,
      %swap3A_954 = vector.shape_cast %swap3A_953 : vector<16xi32> to vector<16xi32>
      %swap3A_955 = vector.shape_cast %add3A_951 : vector<16xi32> to vector<16xi32>
      tpu.vector_store %arg22[%swap3A_952], %swap3A_955 {strides = array<i32>} : memref<80xi32, #tpu.memory_space<vmem>>, vector<16xi32>,
      %dma_start3A_956 = arith.constant 0 : i32
      %dma_start3A_957 = arith.constant 0 : i32
      %dma_start3A_958 = tpu.memref_slice %arg4[%dma_start3A_956, %dma_start3A_957] : memref<330000x128xf32, #tpu.memory_space<hbm>> -> memref<330000x128xf32, #tpu.memory_space<hbm>>
      tpu.enqueue_indirect_dma source(%dma_start3A_958 : memref<330000x128xf32, #tpu.memory_space<hbm>>) target(%arg26 : memref<80x128xf32, #tpu.memory_space<vmem>>) offsets(%arg22 : memref<80xi32, #tpu.memory_space<vmem>>) semaphore(%arg43 : memref<!tpu.dma_semaphore, #tpu.memory_space<semaphore_mem>>)
    }
    %scan3A_421 = arith.constant 31 : i32
    %dma_wait3A_422 = arith.constant 0 : i32
    %dma_wait3A_423 = arith.constant 0 : i32
    %dma_wait3A_424 = tpu.memref_slice %arg4[%dma_wait3A_422, %dma_wait3A_423] : memref<330000x128xf32, #tpu.memory_space<hbm>> -> memref<330000x128xf32, #tpu.memory_space<hbm>>
    tpu.wait_indirect_dma semaphore(%arg40 : memref<!tpu.dma_semaphore, #tpu.memory_space<semaphore_mem>>) src(%dma_wait3A_424 : memref<330000x128xf32, #tpu.memory_space<hbm>>) dst(%arg23 : memref<80x128xf32, #tpu.memory_space<vmem>>)
    %dma_wait3A_425 = arith.constant 0 : i32
    %dma_wait3A_426 = tpu.memref_slice %arg2[%dma_wait3A_425] : memref<640000xi32, #tpu.memory_space<hbm>> -> memref<80xi32, #tpu.memory_space<hbm>>
    %dma_wait3A_427 = arith.constant 0 : i32
    %dma_wait3A_428 = tpu.memref_slice %arg2[%dma_wait3A_427] : memref<640000xi32, #tpu.memory_space<hbm>> -> memref<80xi32, #tpu.memory_space<hbm>>
    tpu.wait_dma2 semaphore(%arg36 : memref<!tpu.dma_semaphore, #tpu.memory_space<semaphore_mem>>) src(%dma_wait3A_428 : memref<80xi32, #tpu.memory_space<hbm>>) dst(%arg15 : memref<80xi32, #tpu.memory_space<vmem>>)
    %dma_start3A_429 = arith.constant 0 : i32
    %dma_start3A_430 = arith.constant 0 : i32
    %dma_start3A_431 = tpu.memref_slice %arg27[%dma_start3A_429, %dma_start3A_430] : memref<10112x128xf32, #tpu.memory_space<vmem_shared>> -> memref<10112x128xf32, #tpu.memory_space<vmem_shared>>
    tpu.enqueue_indirect_dma source(%arg23 : memref<80x128xf32, #tpu.memory_space<vmem>>) target(%dma_start3A_431 : memref<10112x128xf32, #tpu.memory_space<vmem_shared>>) offsets(%arg15 : memref<80xi32, #tpu.memory_space<vmem>>) semaphore(%arg44 : memref<!tpu.dma_semaphore, #tpu.memory_space<semaphore_mem>>) {add = true}
    %dma_wait3A_432 = arith.constant 0 : i32
    %dma_wait3A_433 = arith.constant 0 : i32
    %dma_wait3A_434 = tpu.memref_slice %arg4[%dma_wait3A_432, %dma_wait3A_433] : memref<330000x128xf32, #tpu.memory_space<hbm>> -> memref<330000x128xf32, #tpu.memory_space<hbm>>
    tpu.wait_indirect_dma semaphore(%arg41 : memref<!tpu.dma_semaphore, #tpu.memory_space<semaphore_mem>>) src(%dma_wait3A_434 : memref<330000x128xf32, #tpu.memory_space<hbm>>) dst(%arg24 : memref<80x128xf32, #tpu.memory_space<vmem>>)
    %dma_wait3A_435 = arith.constant 0 : i32
    %dma_wait3A_436 = tpu.memref_slice %arg2[%dma_wait3A_435] : memref<640000xi32, #tpu.memory_space<hbm>> -> memref<80xi32, #tpu.memory_space<hbm>>
    %dma_wait3A_437 = arith.constant 0 : i32
    %dma_wait3A_438 = tpu.memref_slice %arg2[%dma_wait3A_437] : memref<640000xi32, #tpu.memory_space<hbm>> -> memref<80xi32, #tpu.memory_space<hbm>>
    tpu.wait_dma2 semaphore(%arg37 : memref<!tpu.dma_semaphore, #tpu.memory_space<semaphore_mem>>) src(%dma_wait3A_438 : memref<80xi32, #tpu.memory_space<hbm>>) dst(%arg16 : memref<80xi32, #tpu.memory_space<vmem>>)
    %dma_wait3A_439 = arith.constant 0 : i32
    %dma_wait3A_440 = arith.constant 0 : i32
    %dma_wait3A_441 = tpu.memref_slice %arg4[%dma_wait3A_439, %dma_wait3A_440] : memref<330000x128xf32, #tpu.memory_space<hbm>> -> memref<330000x128xf32, #tpu.memory_space<hbm>>
    tpu.wait_indirect_dma semaphore(%arg42 : memref<!tpu.dma_semaphore, #tpu.memory_space<semaphore_mem>>) src(%dma_wait3A_441 : memref<330000x128xf32, #tpu.memory_space<hbm>>) dst(%arg25 : memref<80x128xf32, #tpu.memory_space<vmem>>)
    %dma_wait3A_442 = arith.constant 0 : i32
    %dma_wait3A_443 = tpu.memref_slice %arg2[%dma_wait3A_442] : memref<640000xi32, #tpu.memory_space<hbm>> -> memref<80xi32, #tpu.memory_space<hbm>>
    %dma_wait3A_444 = arith.constant 0 : i32
    %dma_wait3A_445 = tpu.memref_slice %arg2[%dma_wait3A_444] : memref<640000xi32, #tpu.memory_space<hbm>> -> memref<80xi32, #tpu.memory_space<hbm>>
    tpu.wait_dma2 semaphore(%arg38 : memref<!tpu.dma_semaphore, #tpu.memory_space<semaphore_mem>>) src(%dma_wait3A_445 : memref<80xi32, #tpu.memory_space<hbm>>) dst(%arg17 : memref<80xi32, #tpu.memory_space<vmem>>)
    %dma_wait3A_446 = arith.constant 0 : i32
    %dma_wait3A_447 = arith.constant 0 : i32
    %dma_wait3A_448 = tpu.memref_slice %arg4[%dma_wait3A_446, %dma_wait3A_447] : memref<330000x128xf32, #tpu.memory_space<hbm>> -> memref<330000x128xf32, #tpu.memory_space<hbm>>
    tpu.wait_indirect_dma semaphore(%arg43 : memref<!tpu.dma_semaphore, #tpu.memory_space<semaphore_mem>>) src(%dma_wait3A_448 : memref<330000x128xf32, #tpu.memory_space<hbm>>) dst(%arg26 : memref<80x128xf32, #tpu.memory_space<vmem>>)
    %dma_wait3A_449 = arith.constant 0 : i32
    %dma_wait3A_450 = tpu.memref_slice %arg2[%dma_wait3A_449] : memref<640000xi32, #tpu.memory_space<hbm>> -> memref<80xi32, #tpu.memory_space<hbm>>
    %dma_wait3A_451 = arith.constant 0 : i32
    %dma_wait3A_452 = tpu.memref_slice %arg2[%dma_wait3A_451] : memref<640000xi32, #tpu.memory_space<hbm>> -> memref<80xi32, #tpu.memory_space<hbm>>
    tpu.wait_dma2 semaphore(%arg39 : memref<!tpu.dma_semaphore, #tpu.memory_space<semaphore_mem>>) src(%dma_wait3A_452 : memref<80xi32, #tpu.memory_space<hbm>>) dst(%arg18 : memref<80xi32, #tpu.memory_space<vmem>>)
    %dma_wait3A_453 = arith.constant 0 : i32
    %dma_wait3A_454 = arith.constant 0 : i32
    %dma_wait3A_455 = tpu.memref_slice %arg27[%dma_wait3A_453, %dma_wait3A_454] : memref<10112x128xf32, #tpu.memory_space<vmem_shared>> -> memref<10112x128xf32, #tpu.memory_space<vmem_shared>>
    tpu.wait_indirect_dma semaphore(%arg44 : memref<!tpu.dma_semaphore, #tpu.memory_space<semaphore_mem>>) src(%arg23 : memref<80x128xf32, #tpu.memory_space<vmem>>) dst(%dma_wait3A_455 : memref<10112x128xf32, #tpu.memory_space<vmem_shared>>)
    %barrier3A_456 = arith.constant 0 : index
    tpu.barrier barrier_id(%barrier3A_456)
    %mul3A_457 = arith.constant 632 : i32
    %mul3A_458 = arith.muli %arg1, %mul3A_457 : i32
    %mul3A_459 = arith.constant 10112 : i32
    %mul3A_460 = arith.muli %arg0, %mul3A_459 : i32
    %mul3A_461 = arith.constant 632 : i32
    %mul3A_462 = arith.muli %arg1, %mul3A_461 : i32
    %add3A_463 = arith.addi %mul3A_460, %mul3A_462 : i32
    "tpu.region"() ({
      %run_scoped3A = tpu.sem_alloc : memref<!tpu.dma_semaphore, #tpu.memory_space<semaphore_mem>>
      %dma_start3A_464 = arith.constant 0 : i32
      %dma_start3A_465 = tpu.memref_slice %arg6[%add3A_463, %dma_start3A_464] : memref<20224x128xf32, #tpu.memory_space<hbm>> -> memref<632x128xf32, #tpu.memory_space<hbm>>
      %dma_start3A_466 = arith.constant 0 : i32
      %dma_start3A_467 = tpu.memref_slice %arg27[%mul3A_458, %dma_start3A_466] : memref<10112x128xf32, #tpu.memory_space<vmem_shared>> -> memref<632x128xf32, #tpu.memory_space<vmem_shared>>
      tpu.enqueue_dma source(%dma_start3A_467 : memref<632x128xf32, #tpu.memory_space<vmem_shared>>) target(%dma_start3A_465 : memref<632x128xf32, #tpu.memory_space<hbm>>) target_semaphore(%run_scoped3A : memref<!tpu.dma_semaphore, #tpu.memory_space<semaphore_mem>>)
      %dma_wait3A_468 = arith.constant 0 : i32
      %dma_wait3A_469 = tpu.memref_slice %arg6[%add3A_463, %dma_wait3A_468] : memref<20224x128xf32, #tpu.memory_space<hbm>> -> memref<632x128xf32, #tpu.memory_space<hbm>>
      %dma_wait3A_470 = arith.constant 0 : i32
      %dma_wait3A_471 = tpu.memref_slice %arg27[%mul3A_458, %dma_wait3A_470] : memref<10112x128xf32, #tpu.memory_space<vmem_shared>> -> memref<632x128xf32, #tpu.memory_space<vmem_shared>>
      tpu.wait_dma2 semaphore(%run_scoped3A : memref<!tpu.dma_semaphore, #tpu.memory_space<semaphore_mem>>) src(%dma_wait3A_471 : memref<632x128xf32, #tpu.memory_space<vmem_shared>>) dst(%dma_wait3A_469 : memref<632x128xf32, #tpu.memory_space<hbm>>)
      tpu.yield
    }) : () -> ()
    return
  }
}

#map = affine_map<(d0, d1) -> (0)>
#map1 = affine_map<(d0, d1) -> (0, 0)>
module attributes {stable_mosaic.version = 14 : i64} {
  func.func @body(%arg0: i32, %arg1: i32, %arg2: memref<640000xi32, #tpu.memory_space<hbm>>, %arg3: memref<320000xi32, #tpu.memory_space<hbm>>, %arg4: memref<330000x128xf32, #tpu.memory_space<hbm>>, %arg5: memref<10112x128xf32, #tpu.memory_space<hbm>>, %arg6: memref<20224x128xf32, #tpu.memory_space<hbm>>, %arg7: memref<80xi32, #tpu.memory_space<vmem>>, %arg8: memref<80xi32, #tpu.memory_space<vmem>>, %arg9: memref<80xi32, #tpu.memory_space<vmem>>, %arg10: memref<80xi32, #tpu.memory_space<vmem>>, %arg11: memref<80xi32, #tpu.memory_space<vmem>>, %arg12: memref<80xi32, #tpu.memory_space<vmem>>, %arg13: memref<80xi32, #tpu.memory_space<vmem>>, %arg14: memref<80xi32, #tpu.memory_space<vmem>>, %arg15: memref<80xi32, #tpu.memory_space<vmem>>, %arg16: memref<80xi32, #tpu.memory_space<vmem>>, %arg17: memref<80xi32, #tpu.memory_space<vmem>>, %arg18: memref<80xi32, #tpu.memory_space<vmem>>, %arg19: memref<80xi32, #tpu.memory_space<vmem>>, %arg20: memref<80xi32, #tpu.memory_space<vmem>>, %arg21: memref<80xi32, #tpu.memory_space<vmem>>, %arg22: memref<80xi32, #tpu.memory_space<vmem>>, %arg23: memref<80x128xf32, #tpu.memory_space<vmem>>, %arg24: memref<80x128xf32, #tpu.memory_space<vmem>>, %arg25: memref<80x128xf32, #tpu.memory_space<vmem>>, %arg26: memref<80x128xf32, #tpu.memory_space<vmem>>, %arg27: memref<10112x128xf32, #tpu.memory_space<vmem_shared>>, %arg28: memref<!tpu.dma_semaphore, #tpu.memory_space<semaphore_mem>>, %arg29: memref<!tpu.dma_semaphore, #tpu.memory_space<semaphore_mem>>, %arg30: memref<!tpu.dma_semaphore, #tpu.memory_space<semaphore_mem>>, %arg31: memref<!tpu.dma_semaphore, #tpu.memory_space<semaphore_mem>>, %arg32: memref<!tpu.dma_semaphore, #tpu.memory_space<semaphore_mem>>, %arg33: memref<!tpu.dma_semaphore, #tpu.memory_space<semaphore_mem>>, %arg34: memref<!tpu.dma_semaphore, #tpu.memory_space<semaphore_mem>>, %arg35: memref<!tpu.dma_semaphore, #tpu.memory_space<semaphore_mem>>, %arg36: memref<!tpu.dma_semaphore, #tpu.memory_space<semaphore_mem>>, %arg37: memref<!tpu.dma_semaphore, #tpu.memory_space<semaphore_mem>>, %arg38: memref<!tpu.dma_semaphore, #tpu.memory_space<semaphore_mem>>, %arg39: memref<!tpu.dma_semaphore, #tpu.memory_space<semaphore_mem>>, %arg40: memref<!tpu.dma_semaphore, #tpu.memory_space<semaphore_mem>>, %arg41: memref<!tpu.dma_semaphore, #tpu.memory_space<semaphore_mem>>, %arg42: memref<!tpu.dma_semaphore, #tpu.memory_space<semaphore_mem>>, %arg43: memref<!tpu.dma_semaphore, #tpu.memory_space<semaphore_mem>>, %arg44: memref<!tpu.dma_semaphore, #tpu.memory_space<semaphore_mem>>, %arg45: memref<!tpu.dma_semaphore, #tpu.memory_space<semaphore_mem>>, %arg46: memref<!tpu.dma_semaphore, #tpu.memory_space<semaphore_mem>>, %arg47: memref<!tpu.dma_semaphore, #tpu.memory_space<semaphore_mem>>) attributes {dimension_semantics = [#tpu.dimension_semantics<core_parallel>, #tpu.dimension_semantics<subcore_parallel>], iteration_bounds = array<i64: 2, 16>, scalar_prefetch = 0 : i64, scratch_operands = 41 : i64, tpu.core_type = #tpu.core_type<sc_vector_subcore>, window_params = [{transform_indices = #map}, {transform_indices = #map}, {transform_indices = #map1}, {transform_indices = #map1}, {transform_indices = #map1}]} {
    %mul3A = arith.constant 2 : i32
    %mul3A_0 = arith.muli %arg1, %mul3A : i32
    %add3A = arith.addi %mul3A_0, %arg0 : i32
    %mul3A_1 = arith.constant 632 : i32
    %mul3A_2 = arith.muli %arg1, %mul3A_1 : i32
    %mul3A_3 = arith.constant 632 : i32
    %mul3A_4 = arith.muli %arg1, %mul3A_3 : i32
    "tpu.region"() ({
      %run_scoped3A = tpu.sem_alloc : memref<!tpu.dma_semaphore, #tpu.memory_space<semaphore_mem>>
      %dma_start3A_464 = arith.constant 0 : i32
      %dma_start3A_465 = tpu.memref_slice %arg27[%mul3A_4, %dma_start3A_464] : memref<10112x128xf32, #tpu.memory_space<vmem_shared>> -> memref<632x128xf32, #tpu.memory_space<vmem_shared>>
      %dma_start3A_466 = arith.constant 0 : i32
      %dma_start3A_467 = tpu.memref_slice %arg5[%mul3A_2, %dma_start3A_466] : memref<10112x128xf32, #tpu.memory_space<hbm>> -> memref<632x128xf32, #tpu.memory_space<hbm>>
      tpu.enqueue_dma source(%dma_start3A_467 : memref<632x128xf32, #tpu.memory_space<hbm>>) target(%dma_start3A_465 : memref<632x128xf32, #tpu.memory_space<vmem_shared>>) target_semaphore(%run_scoped3A : memref<!tpu.dma_semaphore, #tpu.memory_space<semaphore_mem>>)
      %dma_wait3A_468 = arith.constant 0 : i32
      %dma_wait3A_469 = tpu.memref_slice %arg27[%mul3A_4, %dma_wait3A_468] : memref<10112x128xf32, #tpu.memory_space<vmem_shared>> -> memref<632x128xf32, #tpu.memory_space<vmem_shared>>
      %dma_wait3A_470 = arith.constant 0 : i32
      %dma_wait3A_471 = tpu.memref_slice %arg5[%mul3A_2, %dma_wait3A_470] : memref<10112x128xf32, #tpu.memory_space<hbm>> -> memref<632x128xf32, #tpu.memory_space<hbm>>
      tpu.wait_dma2 semaphore(%run_scoped3A : memref<!tpu.dma_semaphore, #tpu.memory_space<semaphore_mem>>) src(%dma_wait3A_471 : memref<632x128xf32, #tpu.memory_space<hbm>>) dst(%dma_wait3A_469 : memref<632x128xf32, #tpu.memory_space<vmem_shared>>)
      tpu.yield
    }) : () -> ()
    %barrier3A = arith.constant 0 : index
    tpu.barrier barrier_id(%barrier3A)
    %mul3A_5 = arith.constant 125 : i32
    %mul3A_6 = arith.muli %add3A, %mul3A_5 : i32
    %add3A_7 = arith.constant 0 : i32
    %add3A_8 = arith.addi %mul3A_6, %add3A_7 : i32
    %min3A = arith.constant 3999 : i32
    %min3A_9 = arith.minsi %add3A_8, %min3A : i32
    %mul3A_10 = arith.constant 80 : i32
    %mul3A_11 = arith.muli %min3A_9, %mul3A_10 : i32
    %multiple_of3A = tpu.assume_multiple %mul3A_11, 8 : i32
    %dma_start3A = tpu.memref_slice %arg2[%multiple_of3A] : memref<640000xi32, #tpu.memory_space<hbm>> -> memref<80xi32, #tpu.memory_space<hbm>>
    %dma_start3A_12 = tpu.memref_slice %arg2[%multiple_of3A] : memref<640000xi32, #tpu.memory_space<hbm>> -> memref<80xi32, #tpu.memory_space<hbm>>
    tpu.enqueue_dma source(%dma_start3A_12 : memref<80xi32, #tpu.memory_space<hbm>>) target(%arg7 : memref<80xi32, #tpu.memory_space<vmem>>) target_semaphore(%arg28 : memref<!tpu.dma_semaphore, #tpu.memory_space<semaphore_mem>>)
    %dma_start3A_13 = tpu.memref_slice %arg3[%multiple_of3A] : memref<320000xi32, #tpu.memory_space<hbm>> -> memref<80xi32, #tpu.memory_space<hbm>>
    %dma_start3A_14 = tpu.memref_slice %arg3[%multiple_of3A] : memref<320000xi32, #tpu.memory_space<hbm>> -> memref<80xi32, #tpu.memory_space<hbm>>
    tpu.enqueue_dma source(%dma_start3A_14 : memref<80xi32, #tpu.memory_space<hbm>>) target(%arg11 : memref<80xi32, #tpu.memory_space<vmem>>) target_semaphore(%arg32 : memref<!tpu.dma_semaphore, #tpu.memory_space<semaphore_mem>>)
    %add3A_15 = arith.constant 0 : i32
    %add3A_16 = arith.addi %mul3A_6, %add3A_15 : i32
    %min3A_17 = arith.constant 3999 : i32
    %min3A_18 = arith.minsi %add3A_16, %min3A_17 : i32
    %mul3A_19 = arith.constant 80 : i32
    %mul3A_20 = arith.muli %min3A_18, %mul3A_19 : i32
    %multiple_of3A_21 = tpu.assume_multiple %mul3A_20, 8 : i32
    %add3A_22 = arith.constant 320000 : i32
    %add3A_23 = arith.addi %multiple_of3A_21, %add3A_22 : i32
    %multiple_of3A_24 = tpu.assume_multiple %add3A_23, 8 : i32
    %dma_start3A_25 = tpu.memref_slice %arg2[%multiple_of3A_24] : memref<640000xi32, #tpu.memory_space<hbm>> -> memref<80xi32, #tpu.memory_space<hbm>>
    %dma_start3A_26 = tpu.memref_slice %arg2[%multiple_of3A_24] : memref<640000xi32, #tpu.memory_space<hbm>> -> memref<80xi32, #tpu.memory_space<hbm>>
    tpu.enqueue_dma source(%dma_start3A_26 : memref<80xi32, #tpu.memory_space<hbm>>) target(%arg15 : memref<80xi32, #tpu.memory_space<vmem>>) target_semaphore(%arg36 : memref<!tpu.dma_semaphore, #tpu.memory_space<semaphore_mem>>)
    %add3A_27 = arith.constant 1 : i32
    %add3A_28 = arith.addi %mul3A_6, %add3A_27 : i32
    %min3A_29 = arith.constant 3999 : i32
    %min3A_30 = arith.minsi %add3A_28, %min3A_29 : i32
    %mul3A_31 = arith.constant 80 : i32
    %mul3A_32 = arith.muli %min3A_30, %mul3A_31 : i32
    %multiple_of3A_33 = tpu.assume_multiple %mul3A_32, 8 : i32
    %dma_start3A_34 = tpu.memref_slice %arg2[%multiple_of3A_33] : memref<640000xi32, #tpu.memory_space<hbm>> -> memref<80xi32, #tpu.memory_space<hbm>>
    %dma_start3A_35 = tpu.memref_slice %arg2[%multiple_of3A_33] : memref<640000xi32, #tpu.memory_space<hbm>> -> memref<80xi32, #tpu.memory_space<hbm>>
    tpu.enqueue_dma source(%dma_start3A_35 : memref<80xi32, #tpu.memory_space<hbm>>) target(%arg8 : memref<80xi32, #tpu.memory_space<vmem>>) target_semaphore(%arg29 : memref<!tpu.dma_semaphore, #tpu.memory_space<semaphore_mem>>)
    %dma_start3A_36 = tpu.memref_slice %arg3[%multiple_of3A_33] : memref<320000xi32, #tpu.memory_space<hbm>> -> memref<80xi32, #tpu.memory_space<hbm>>
    %dma_start3A_37 = tpu.memref_slice %arg3[%multiple_of3A_33] : memref<320000xi32, #tpu.memory_space<hbm>> -> memref<80xi32, #tpu.memory_space<hbm>>
    tpu.enqueue_dma source(%dma_start3A_37 : memref<80xi32, #tpu.memory_space<hbm>>) target(%arg12 : memref<80xi32, #tpu.memory_space<vmem>>) target_semaphore(%arg33 : memref<!tpu.dma_semaphore, #tpu.memory_space<semaphore_mem>>)
    %add3A_38 = arith.constant 1 : i32
    %add3A_39 = arith.addi %mul3A_6, %add3A_38 : i32
    %min3A_40 = arith.constant 3999 : i32
    %min3A_41 = arith.minsi %add3A_39, %min3A_40 : i32
    %mul3A_42 = arith.constant 80 : i32
    %mul3A_43 = arith.muli %min3A_41, %mul3A_42 : i32
    %multiple_of3A_44 = tpu.assume_multiple %mul3A_43, 8 : i32
    %add3A_45 = arith.constant 320000 : i32
    %add3A_46 = arith.addi %multiple_of3A_44, %add3A_45 : i32
    %multiple_of3A_47 = tpu.assume_multiple %add3A_46, 8 : i32
    %dma_start3A_48 = tpu.memref_slice %arg2[%multiple_of3A_47] : memref<640000xi32, #tpu.memory_space<hbm>> -> memref<80xi32, #tpu.memory_space<hbm>>
    %dma_start3A_49 = tpu.memref_slice %arg2[%multiple_of3A_47] : memref<640000xi32, #tpu.memory_space<hbm>> -> memref<80xi32, #tpu.memory_space<hbm>>
    tpu.enqueue_dma source(%dma_start3A_49 : memref<80xi32, #tpu.memory_space<hbm>>) target(%arg16 : memref<80xi32, #tpu.memory_space<vmem>>) target_semaphore(%arg37 : memref<!tpu.dma_semaphore, #tpu.memory_space<semaphore_mem>>)
    %add3A_50 = arith.constant 2 : i32
    %add3A_51 = arith.addi %mul3A_6, %add3A_50 : i32
    %min3A_52 = arith.constant 3999 : i32
    %min3A_53 = arith.minsi %add3A_51, %min3A_52 : i32
    %mul3A_54 = arith.constant 80 : i32
    %mul3A_55 = arith.muli %min3A_53, %mul3A_54 : i32
    %multiple_of3A_56 = tpu.assume_multiple %mul3A_55, 8 : i32
    %dma_start3A_57 = tpu.memref_slice %arg2[%multiple_of3A_56] : memref<640000xi32, #tpu.memory_space<hbm>> -> memref<80xi32, #tpu.memory_space<hbm>>
    %dma_start3A_58 = tpu.memref_slice %arg2[%multiple_of3A_56] : memref<640000xi32, #tpu.memory_space<hbm>> -> memref<80xi32, #tpu.memory_space<hbm>>
    tpu.enqueue_dma source(%dma_start3A_58 : memref<80xi32, #tpu.memory_space<hbm>>) target(%arg9 : memref<80xi32, #tpu.memory_space<vmem>>) target_semaphore(%arg30 : memref<!tpu.dma_semaphore, #tpu.memory_space<semaphore_mem>>)
    %dma_start3A_59 = tpu.memref_slice %arg3[%multiple_of3A_56] : memref<320000xi32, #tpu.memory_space<hbm>> -> memref<80xi32, #tpu.memory_space<hbm>>
    %dma_start3A_60 = tpu.memref_slice %arg3[%multiple_of3A_56] : memref<320000xi32, #tpu.memory_space<hbm>> -> memref<80xi32, #tpu.memory_space<hbm>>
    tpu.enqueue_dma source(%dma_start3A_60 : memref<80xi32, #tpu.memory_space<hbm>>) target(%arg13 : memref<80xi32, #tpu.memory_space<vmem>>) target_semaphore(%arg34 : memref<!tpu.dma_semaphore, #tpu.memory_space<semaphore_mem>>)
    %add3A_61 = arith.constant 2 : i32
    %add3A_62 = arith.addi %mul3A_6, %add3A_61 : i32
    %min3A_63 = arith.constant 3999 : i32
    %min3A_64 = arith.minsi %add3A_62, %min3A_63 : i32
    %mul3A_65 = arith.constant 80 : i32
    %mul3A_66 = arith.muli %min3A_64, %mul3A_65 : i32
    %multiple_of3A_67 = tpu.assume_multiple %mul3A_66, 8 : i32
    %add3A_68 = arith.constant 320000 : i32
    %add3A_69 = arith.addi %multiple_of3A_67, %add3A_68 : i32
    %multiple_of3A_70 = tpu.assume_multiple %add3A_69, 8 : i32
    %dma_start3A_71 = tpu.memref_slice %arg2[%multiple_of3A_70] : memref<640000xi32, #tpu.memory_space<hbm>> -> memref<80xi32, #tpu.memory_space<hbm>>
    %dma_start3A_72 = tpu.memref_slice %arg2[%multiple_of3A_70] : memref<640000xi32, #tpu.memory_space<hbm>> -> memref<80xi32, #tpu.memory_space<hbm>>
    tpu.enqueue_dma source(%dma_start3A_72 : memref<80xi32, #tpu.memory_space<hbm>>) target(%arg17 : memref<80xi32, #tpu.memory_space<vmem>>) target_semaphore(%arg38 : memref<!tpu.dma_semaphore, #tpu.memory_space<semaphore_mem>>)
    %add3A_73 = arith.constant 3 : i32
    %add3A_74 = arith.addi %mul3A_6, %add3A_73 : i32
    %min3A_75 = arith.constant 3999 : i32
    %min3A_76 = arith.minsi %add3A_74, %min3A_75 : i32
    %mul3A_77 = arith.constant 80 : i32
    %mul3A_78 = arith.muli %min3A_76, %mul3A_77 : i32
    %multiple_of3A_79 = tpu.assume_multiple %mul3A_78, 8 : i32
    %dma_start3A_80 = tpu.memref_slice %arg2[%multiple_of3A_79] : memref<640000xi32, #tpu.memory_space<hbm>> -> memref<80xi32, #tpu.memory_space<hbm>>
    %dma_start3A_81 = tpu.memref_slice %arg2[%multiple_of3A_79] : memref<640000xi32, #tpu.memory_space<hbm>> -> memref<80xi32, #tpu.memory_space<hbm>>
    tpu.enqueue_dma source(%dma_start3A_81 : memref<80xi32, #tpu.memory_space<hbm>>) target(%arg10 : memref<80xi32, #tpu.memory_space<vmem>>) target_semaphore(%arg31 : memref<!tpu.dma_semaphore, #tpu.memory_space<semaphore_mem>>)
    %dma_start3A_82 = tpu.memref_slice %arg3[%multiple_of3A_79] : memref<320000xi32, #tpu.memory_space<hbm>> -> memref<80xi32, #tpu.memory_space<hbm>>
    %dma_start3A_83 = tpu.memref_slice %arg3[%multiple_of3A_79] : memref<320000xi32, #tpu.memory_space<hbm>> -> memref<80xi32, #tpu.memory_space<hbm>>
    tpu.enqueue_dma source(%dma_start3A_83 : memref<80xi32, #tpu.memory_space<hbm>>) target(%arg14 : memref<80xi32, #tpu.memory_space<vmem>>) target_semaphore(%arg35 : memref<!tpu.dma_semaphore, #tpu.memory_space<semaphore_mem>>)
    %add3A_84 = arith.constant 3 : i32
    %add3A_85 = arith.addi %mul3A_6, %add3A_84 : i32
    %min3A_86 = arith.constant 3999 : i32
    %min3A_87 = arith.minsi %add3A_85, %min3A_86 : i32
    %mul3A_88 = arith.constant 80 : i32
    %mul3A_89 = arith.muli %min3A_87, %mul3A_88 : i32
    %multiple_of3A_90 = tpu.assume_multiple %mul3A_89, 8 : i32
    %add3A_91 = arith.constant 320000 : i32
    %add3A_92 = arith.addi %multiple_of3A_90, %add3A_91 : i32
    %multiple_of3A_93 = tpu.assume_multiple %add3A_92, 8 : i32
    %dma_start3A_94 = tpu.memref_slice %arg2[%multiple_of3A_93] : memref<640000xi32, #tpu.memory_space<hbm>> -> memref<80xi32, #tpu.memory_space<hbm>>
    %dma_start3A_95 = tpu.memref_slice %arg2[%multiple_of3A_93] : memref<640000xi32, #tpu.memory_space<hbm>> -> memref<80xi32, #tpu.memory_space<hbm>>
    tpu.enqueue_dma source(%dma_start3A_95 : memref<80xi32, #tpu.memory_space<hbm>>) target(%arg18 : memref<80xi32, #tpu.memory_space<vmem>>) target_semaphore(%arg39 : memref<!tpu.dma_semaphore, #tpu.memory_space<semaphore_mem>>)
    %dma_wait3A = arith.constant 0 : i32
    %dma_wait3A_96 = tpu.memref_slice %arg2[%dma_wait3A] : memref<640000xi32, #tpu.memory_space<hbm>> -> memref<80xi32, #tpu.memory_space<hbm>>
    %dma_wait3A_97 = arith.constant 0 : i32
    %dma_wait3A_98 = tpu.memref_slice %arg2[%dma_wait3A_97] : memref<640000xi32, #tpu.memory_space<hbm>> -> memref<80xi32, #tpu.memory_space<hbm>>
    tpu.wait_dma2 semaphore(%arg28 : memref<!tpu.dma_semaphore, #tpu.memory_space<semaphore_mem>>) src(%dma_wait3A_98 : memref<80xi32, #tpu.memory_space<hbm>>) dst(%arg7 : memref<80xi32, #tpu.memory_space<vmem>>)
    %dma_wait3A_99 = arith.constant 0 : i32
    %dma_wait3A_100 = tpu.memref_slice %arg3[%dma_wait3A_99] : memref<320000xi32, #tpu.memory_space<hbm>> -> memref<80xi32, #tpu.memory_space<hbm>>
    %dma_wait3A_101 = arith.constant 0 : i32
    %dma_wait3A_102 = tpu.memref_slice %arg3[%dma_wait3A_101] : memref<320000xi32, #tpu.memory_space<hbm>> -> memref<80xi32, #tpu.memory_space<hbm>>
    tpu.wait_dma2 semaphore(%arg32 : memref<!tpu.dma_semaphore, #tpu.memory_space<semaphore_mem>>) src(%dma_wait3A_102 : memref<80xi32, #tpu.memory_space<hbm>>) dst(%arg11 : memref<80xi32, #tpu.memory_space<vmem>>)
    %get3A = arith.constant 0 : index
    %get3A_103 = tpu.vector_load %arg11[%get3A] {strides = array<i32>} : memref<80xi32, #tpu.memory_space<vmem>>, vector<16xi32>,
    %get3A_104 = vector.shape_cast %get3A_103 : vector<16xi32> to vector<16xi32>
    %mul3A_105 = arith.constant 10000 : i32
    %mul3A_106 = vector.broadcast %mul3A_105 : i32 to vector<16xi32>
    %mul3A_107 = arith.muli %get3A_104, %mul3A_106 : vector<16xi32>
    %get3A_108 = arith.constant 0 : index
    %get3A_109 = tpu.vector_load %arg7[%get3A_108] {strides = array<i32>} : memref<80xi32, #tpu.memory_space<vmem>>, vector<16xi32>,
    %get3A_110 = vector.shape_cast %get3A_109 : vector<16xi32> to vector<16xi32>
    %add3A_111 = arith.addi %mul3A_107, %get3A_110 : vector<16xi32>
    %swap3A = arith.constant 0 : index
    %swap3A_112 = tpu.vector_load %arg19[%swap3A] {strides = array<i32>} : memref<80xi32, #tpu.memory_space<vmem>>, vector<16xi32>,
    %swap3A_113 = vector.shape_cast %swap3A_112 : vector<16xi32> to vector<16xi32>
    %swap3A_114 = vector.shape_cast %add3A_111 : vector<16xi32> to vector<16xi32>
    tpu.vector_store %arg19[%swap3A], %swap3A_114 {strides = array<i32>} : memref<80xi32, #tpu.memory_space<vmem>>, vector<16xi32>,
    %get3A_115 = arith.constant 16 : index
    %get3A_116 = tpu.vector_load %arg11[%get3A_115] {strides = array<i32>} : memref<80xi32, #tpu.memory_space<vmem>>, vector<16xi32>,
    %get3A_117 = vector.shape_cast %get3A_116 : vector<16xi32> to vector<16xi32>
    %mul3A_118 = arith.constant 10000 : i32
    %mul3A_119 = vector.broadcast %mul3A_118 : i32 to vector<16xi32>
    %mul3A_120 = arith.muli %get3A_117, %mul3A_119 : vector<16xi32>
    %get3A_121 = arith.constant 16 : index
    %get3A_122 = tpu.vector_load %arg7[%get3A_121] {strides = array<i32>} : memref<80xi32, #tpu.memory_space<vmem>>, vector<16xi32>,
    %get3A_123 = vector.shape_cast %get3A_122 : vector<16xi32> to vector<16xi32>
    %add3A_124 = arith.addi %mul3A_120, %get3A_123 : vector<16xi32>
    %swap3A_125 = arith.constant 16 : index
    %swap3A_126 = tpu.vector_load %arg19[%swap3A_125] {strides = array<i32>} : memref<80xi32, #tpu.memory_space<vmem>>, vector<16xi32>,
    %swap3A_127 = vector.shape_cast %swap3A_126 : vector<16xi32> to vector<16xi32>
    %swap3A_128 = vector.shape_cast %add3A_124 : vector<16xi32> to vector<16xi32>
    tpu.vector_store %arg19[%swap3A_125], %swap3A_128 {strides = array<i32>} : memref<80xi32, #tpu.memory_space<vmem>>, vector<16xi32>,
    %get3A_129 = arith.constant 32 : index
    %get3A_130 = tpu.vector_load %arg11[%get3A_129] {strides = array<i32>} : memref<80xi32, #tpu.memory_space<vmem>>, vector<16xi32>,
    %get3A_131 = vector.shape_cast %get3A_130 : vector<16xi32> to vector<16xi32>
    %mul3A_132 = arith.constant 10000 : i32
    %mul3A_133 = vector.broadcast %mul3A_132 : i32 to vector<16xi32>
    %mul3A_134 = arith.muli %get3A_131, %mul3A_133 : vector<16xi32>
    %get3A_135 = arith.constant 32 : index
    %get3A_136 = tpu.vector_load %arg7[%get3A_135] {strides = array<i32>} : memref<80xi32, #tpu.memory_space<vmem>>, vector<16xi32>,
    %get3A_137 = vector.shape_cast %get3A_136 : vector<16xi32> to vector<16xi32>
    %add3A_138 = arith.addi %mul3A_134, %get3A_137 : vector<16xi32>
    %swap3A_139 = arith.constant 32 : index
    %swap3A_140 = tpu.vector_load %arg19[%swap3A_139] {strides = array<i32>} : memref<80xi32, #tpu.memory_space<vmem>>, vector<16xi32>,
    %swap3A_141 = vector.shape_cast %swap3A_140 : vector<16xi32> to vector<16xi32>
    %swap3A_142 = vector.shape_cast %add3A_138 : vector<16xi32> to vector<16xi32>
    tpu.vector_store %arg19[%swap3A_139], %swap3A_142 {strides = array<i32>} : memref<80xi32, #tpu.memory_space<vmem>>, vector<16xi32>,
    %get3A_143 = arith.constant 48 : index
    %get3A_144 = tpu.vector_load %arg11[%get3A_143] {strides = array<i32>} : memref<80xi32, #tpu.memory_space<vmem>>, vector<16xi32>,
    %get3A_145 = vector.shape_cast %get3A_144 : vector<16xi32> to vector<16xi32>
    %mul3A_146 = arith.constant 10000 : i32
    %mul3A_147 = vector.broadcast %mul3A_146 : i32 to vector<16xi32>
    %mul3A_148 = arith.muli %get3A_145, %mul3A_147 : vector<16xi32>
    %get3A_149 = arith.constant 48 : index
    %get3A_150 = tpu.vector_load %arg7[%get3A_149] {strides = array<i32>} : memref<80xi32, #tpu.memory_space<vmem>>, vector<16xi32>,
    %get3A_151 = vector.shape_cast %get3A_150 : vector<16xi32> to vector<16xi32>
    %add3A_152 = arith.addi %mul3A_148, %get3A_151 : vector<16xi32>
    %swap3A_153 = arith.constant 48 : index
    %swap3A_154 = tpu.vector_load %arg19[%swap3A_153] {strides = array<i32>} : memref<80xi32, #tpu.memory_space<vmem>>, vector<16xi32>,
    %swap3A_155 = vector.shape_cast %swap3A_154 : vector<16xi32> to vector<16xi32>
    %swap3A_156 = vector.shape_cast %add3A_152 : vector<16xi32> to vector<16xi32>
    tpu.vector_store %arg19[%swap3A_153], %swap3A_156 {strides = array<i32>} : memref<80xi32, #tpu.memory_space<vmem>>, vector<16xi32>,
    %get3A_157 = arith.constant 64 : index
    %get3A_158 = tpu.vector_load %arg11[%get3A_157] {strides = array<i32>} : memref<80xi32, #tpu.memory_space<vmem>>, vector<16xi32>,
    %get3A_159 = vector.shape_cast %get3A_158 : vector<16xi32> to vector<16xi32>
    %mul3A_160 = arith.constant 10000 : i32
    %mul3A_161 = vector.broadcast %mul3A_160 : i32 to vector<16xi32>
    %mul3A_162 = arith.muli %get3A_159, %mul3A_161 : vector<16xi32>
    %get3A_163 = arith.constant 64 : index
    %get3A_164 = tpu.vector_load %arg7[%get3A_163] {strides = array<i32>} : memref<80xi32, #tpu.memory_space<vmem>>, vector<16xi32>,
    %get3A_165 = vector.shape_cast %get3A_164 : vector<16xi32> to vector<16xi32>
    %add3A_166 = arith.addi %mul3A_162, %get3A_165 : vector<16xi32>
    %swap3A_167 = arith.constant 64 : index
    %swap3A_168 = tpu.vector_load %arg19[%swap3A_167] {strides = array<i32>} : memref<80xi32, #tpu.memory_space<vmem>>, vector<16xi32>,
    %swap3A_169 = vector.shape_cast %swap3A_168 : vector<16xi32> to vector<16xi32>
    %swap3A_170 = vector.shape_cast %add3A_166 : vector<16xi32> to vector<16xi32>
    tpu.vector_store %arg19[%swap3A_167], %swap3A_170 {strides = array<i32>} : memref<80xi32, #tpu.memory_space<vmem>>, vector<16xi32>,
    %dma_start3A_171 = arith.constant 0 : i32
    %dma_start3A_172 = arith.constant 0 : i32
    %dma_start3A_173 = tpu.memref_slice %arg4[%dma_start3A_171, %dma_start3A_172] : memref<330000x128xf32, #tpu.memory_space<hbm>> -> memref<330000x128xf32, #tpu.memory_space<hbm>>
    tpu.enqueue_indirect_dma source(%dma_start3A_173 : memref<330000x128xf32, #tpu.memory_space<hbm>>) target(%arg23 : memref<80x128xf32, #tpu.memory_space<vmem>>) offsets(%arg19 : memref<80xi32, #tpu.memory_space<vmem>>) semaphore(%arg40 : memref<!tpu.dma_semaphore, #tpu.memory_space<semaphore_mem>>)
    %dma_wait3A_174 = arith.constant 0 : i32
    %dma_wait3A_175 = tpu.memref_slice %arg2[%dma_wait3A_174] : memref<640000xi32, #tpu.memory_space<hbm>> -> memref<80xi32, #tpu.memory_space<hbm>>
    %dma_wait3A_176 = arith.constant 0 : i32
    %dma_wait3A_177 = tpu.memref_slice %arg2[%dma_wait3A_176] : memref<640000xi32, #tpu.memory_space<hbm>> -> memref<80xi32, #tpu.memory_space<hbm>>
    tpu.wait_dma2 semaphore(%arg29 : memref<!tpu.dma_semaphore, #tpu.memory_space<semaphore_mem>>) src(%dma_wait3A_177 : memref<80xi32, #tpu.memory_space<hbm>>) dst(%arg8 : memref<80xi32, #tpu.memory_space<vmem>>)
    %dma_wait3A_178 = arith.constant 0 : i32
    %dma_wait3A_179 = tpu.memref_slice %arg3[%dma_wait3A_178] : memref<320000xi32, #tpu.memory_space<hbm>> -> memref<80xi32, #tpu.memory_space<hbm>>
    %dma_wait3A_180 = arith.constant 0 : i32
    %dma_wait3A_181 = tpu.memref_slice %arg3[%dma_wait3A_180] : memref<320000xi32, #tpu.memory_space<hbm>> -> memref<80xi32, #tpu.memory_space<hbm>>
    tpu.wait_dma2 semaphore(%arg33 : memref<!tpu.dma_semaphore, #tpu.memory_space<semaphore_mem>>) src(%dma_wait3A_181 : memref<80xi32, #tpu.memory_space<hbm>>) dst(%arg12 : memref<80xi32, #tpu.memory_space<vmem>>)
    %get3A_182 = arith.constant 0 : index
    %get3A_183 = tpu.vector_load %arg12[%get3A_182] {strides = array<i32>} : memref<80xi32, #tpu.memory_space<vmem>>, vector<16xi32>,
    %get3A_184 = vector.shape_cast %get3A_183 : vector<16xi32> to vector<16xi32>
    %mul3A_185 = arith.constant 10000 : i32
    %mul3A_186 = vector.broadcast %mul3A_185 : i32 to vector<16xi32>
    %mul3A_187 = arith.muli %get3A_184, %mul3A_186 : vector<16xi32>
    %get3A_188 = arith.constant 0 : index
    %get3A_189 = tpu.vector_load %arg8[%get3A_188] {strides = array<i32>} : memref<80xi32, #tpu.memory_space<vmem>>, vector<16xi32>,
    %get3A_190 = vector.shape_cast %get3A_189 : vector<16xi32> to vector<16xi32>
    %add3A_191 = arith.addi %mul3A_187, %get3A_190 : vector<16xi32>
    %swap3A_192 = arith.constant 0 : index
    %swap3A_193 = tpu.vector_load %arg20[%swap3A_192] {strides = array<i32>} : memref<80xi32, #tpu.memory_space<vmem>>, vector<16xi32>,
    %swap3A_194 = vector.shape_cast %swap3A_193 : vector<16xi32> to vector<16xi32>
    %swap3A_195 = vector.shape_cast %add3A_191 : vector<16xi32> to vector<16xi32>
    tpu.vector_store %arg20[%swap3A_192], %swap3A_195 {strides = array<i32>} : memref<80xi32, #tpu.memory_space<vmem>>, vector<16xi32>,
    %get3A_196 = arith.constant 16 : index
    %get3A_197 = tpu.vector_load %arg12[%get3A_196] {strides = array<i32>} : memref<80xi32, #tpu.memory_space<vmem>>, vector<16xi32>,
    %get3A_198 = vector.shape_cast %get3A_197 : vector<16xi32> to vector<16xi32>
    %mul3A_199 = arith.constant 10000 : i32
    %mul3A_200 = vector.broadcast %mul3A_199 : i32 to vector<16xi32>
    %mul3A_201 = arith.muli %get3A_198, %mul3A_200 : vector<16xi32>
    %get3A_202 = arith.constant 16 : index
    %get3A_203 = tpu.vector_load %arg8[%get3A_202] {strides = array<i32>} : memref<80xi32, #tpu.memory_space<vmem>>, vector<16xi32>,
    %get3A_204 = vector.shape_cast %get3A_203 : vector<16xi32> to vector<16xi32>
    %add3A_205 = arith.addi %mul3A_201, %get3A_204 : vector<16xi32>
    %swap3A_206 = arith.constant 16 : index
    %swap3A_207 = tpu.vector_load %arg20[%swap3A_206] {strides = array<i32>} : memref<80xi32, #tpu.memory_space<vmem>>, vector<16xi32>,
    %swap3A_208 = vector.shape_cast %swap3A_207 : vector<16xi32> to vector<16xi32>
    %swap3A_209 = vector.shape_cast %add3A_205 : vector<16xi32> to vector<16xi32>
    tpu.vector_store %arg20[%swap3A_206], %swap3A_209 {strides = array<i32>} : memref<80xi32, #tpu.memory_space<vmem>>, vector<16xi32>,
    %get3A_210 = arith.constant 32 : index
    %get3A_211 = tpu.vector_load %arg12[%get3A_210] {strides = array<i32>} : memref<80xi32, #tpu.memory_space<vmem>>, vector<16xi32>,
    %get3A_212 = vector.shape_cast %get3A_211 : vector<16xi32> to vector<16xi32>
    %mul3A_213 = arith.constant 10000 : i32
    %mul3A_214 = vector.broadcast %mul3A_213 : i32 to vector<16xi32>
    %mul3A_215 = arith.muli %get3A_212, %mul3A_214 : vector<16xi32>
    %get3A_216 = arith.constant 32 : index
    %get3A_217 = tpu.vector_load %arg8[%get3A_216] {strides = array<i32>} : memref<80xi32, #tpu.memory_space<vmem>>, vector<16xi32>,
    %get3A_218 = vector.shape_cast %get3A_217 : vector<16xi32> to vector<16xi32>
    %add3A_219 = arith.addi %mul3A_215, %get3A_218 : vector<16xi32>
    %swap3A_220 = arith.constant 32 : index
    %swap3A_221 = tpu.vector_load %arg20[%swap3A_220] {strides = array<i32>} : memref<80xi32, #tpu.memory_space<vmem>>, vector<16xi32>,
    %swap3A_222 = vector.shape_cast %swap3A_221 : vector<16xi32> to vector<16xi32>
    %swap3A_223 = vector.shape_cast %add3A_219 : vector<16xi32> to vector<16xi32>
    tpu.vector_store %arg20[%swap3A_220], %swap3A_223 {strides = array<i32>} : memref<80xi32, #tpu.memory_space<vmem>>, vector<16xi32>,
    %get3A_224 = arith.constant 48 : index
    %get3A_225 = tpu.vector_load %arg12[%get3A_224] {strides = array<i32>} : memref<80xi32, #tpu.memory_space<vmem>>, vector<16xi32>,
    %get3A_226 = vector.shape_cast %get3A_225 : vector<16xi32> to vector<16xi32>
    %mul3A_227 = arith.constant 10000 : i32
    %mul3A_228 = vector.broadcast %mul3A_227 : i32 to vector<16xi32>
    %mul3A_229 = arith.muli %get3A_226, %mul3A_228 : vector<16xi32>
    %get3A_230 = arith.constant 48 : index
    %get3A_231 = tpu.vector_load %arg8[%get3A_230] {strides = array<i32>} : memref<80xi32, #tpu.memory_space<vmem>>, vector<16xi32>,
    %get3A_232 = vector.shape_cast %get3A_231 : vector<16xi32> to vector<16xi32>
    %add3A_233 = arith.addi %mul3A_229, %get3A_232 : vector<16xi32>
    %swap3A_234 = arith.constant 48 : index
    %swap3A_235 = tpu.vector_load %arg20[%swap3A_234] {strides = array<i32>} : memref<80xi32, #tpu.memory_space<vmem>>, vector<16xi32>,
    %swap3A_236 = vector.shape_cast %swap3A_235 : vector<16xi32> to vector<16xi32>
    %swap3A_237 = vector.shape_cast %add3A_233 : vector<16xi32> to vector<16xi32>
    tpu.vector_store %arg20[%swap3A_234], %swap3A_237 {strides = array<i32>} : memref<80xi32, #tpu.memory_space<vmem>>, vector<16xi32>,
    %get3A_238 = arith.constant 64 : index
    %get3A_239 = tpu.vector_load %arg12[%get3A_238] {strides = array<i32>} : memref<80xi32, #tpu.memory_space<vmem>>, vector<16xi32>,
    %get3A_240 = vector.shape_cast %get3A_239 : vector<16xi32> to vector<16xi32>
    %mul3A_241 = arith.constant 10000 : i32
    %mul3A_242 = vector.broadcast %mul3A_241 : i32 to vector<16xi32>
    %mul3A_243 = arith.muli %get3A_240, %mul3A_242 : vector<16xi32>
    %get3A_244 = arith.constant 64 : index
    %get3A_245 = tpu.vector_load %arg8[%get3A_244] {strides = array<i32>} : memref<80xi32, #tpu.memory_space<vmem>>, vector<16xi32>,
    %get3A_246 = vector.shape_cast %get3A_245 : vector<16xi32> to vector<16xi32>
    %add3A_247 = arith.addi %mul3A_243, %get3A_246 : vector<16xi32>
    %swap3A_248 = arith.constant 64 : index
    %swap3A_249 = tpu.vector_load %arg20[%swap3A_248] {strides = array<i32>} : memref<80xi32, #tpu.memory_space<vmem>>, vector<16xi32>,
    %swap3A_250 = vector.shape_cast %swap3A_249 : vector<16xi32> to vector<16xi32>
    %swap3A_251 = vector.shape_cast %add3A_247 : vector<16xi32> to vector<16xi32>
    tpu.vector_store %arg20[%swap3A_248], %swap3A_251 {strides = array<i32>} : memref<80xi32, #tpu.memory_space<vmem>>, vector<16xi32>,
    %dma_start3A_252 = arith.constant 0 : i32
    %dma_start3A_253 = arith.constant 0 : i32
    %dma_start3A_254 = tpu.memref_slice %arg4[%dma_start3A_252, %dma_start3A_253] : memref<330000x128xf32, #tpu.memory_space<hbm>> -> memref<330000x128xf32, #tpu.memory_space<hbm>>
    tpu.enqueue_indirect_dma source(%dma_start3A_254 : memref<330000x128xf32, #tpu.memory_space<hbm>>) target(%arg24 : memref<80x128xf32, #tpu.memory_space<vmem>>) offsets(%arg20 : memref<80xi32, #tpu.memory_space<vmem>>) semaphore(%arg41 : memref<!tpu.dma_semaphore, #tpu.memory_space<semaphore_mem>>)
    %dma_wait3A_255 = arith.constant 0 : i32
    %dma_wait3A_256 = tpu.memref_slice %arg2[%dma_wait3A_255] : memref<640000xi32, #tpu.memory_space<hbm>> -> memref<80xi32, #tpu.memory_space<hbm>>
    %dma_wait3A_257 = arith.constant 0 : i32
    %dma_wait3A_258 = tpu.memref_slice %arg2[%dma_wait3A_257] : memref<640000xi32, #tpu.memory_space<hbm>> -> memref<80xi32, #tpu.memory_space<hbm>>
    tpu.wait_dma2 semaphore(%arg30 : memref<!tpu.dma_semaphore, #tpu.memory_space<semaphore_mem>>) src(%dma_wait3A_258 : memref<80xi32, #tpu.memory_space<hbm>>) dst(%arg9 : memref<80xi32, #tpu.memory_space<vmem>>)
    %dma_wait3A_259 = arith.constant 0 : i32
    %dma_wait3A_260 = tpu.memref_slice %arg3[%dma_wait3A_259] : memref<320000xi32, #tpu.memory_space<hbm>> -> memref<80xi32, #tpu.memory_space<hbm>>
    %dma_wait3A_261 = arith.constant 0 : i32
    %dma_wait3A_262 = tpu.memref_slice %arg3[%dma_wait3A_261] : memref<320000xi32, #tpu.memory_space<hbm>> -> memref<80xi32, #tpu.memory_space<hbm>>
    tpu.wait_dma2 semaphore(%arg34 : memref<!tpu.dma_semaphore, #tpu.memory_space<semaphore_mem>>) src(%dma_wait3A_262 : memref<80xi32, #tpu.memory_space<hbm>>) dst(%arg13 : memref<80xi32, #tpu.memory_space<vmem>>)
    %get3A_263 = arith.constant 0 : index
    %get3A_264 = tpu.vector_load %arg13[%get3A_263] {strides = array<i32>} : memref<80xi32, #tpu.memory_space<vmem>>, vector<16xi32>,
    %get3A_265 = vector.shape_cast %get3A_264 : vector<16xi32> to vector<16xi32>
    %mul3A_266 = arith.constant 10000 : i32
    %mul3A_267 = vector.broadcast %mul3A_266 : i32 to vector<16xi32>
    %mul3A_268 = arith.muli %get3A_265, %mul3A_267 : vector<16xi32>
    %get3A_269 = arith.constant 0 : index
    %get3A_270 = tpu.vector_load %arg9[%get3A_269] {strides = array<i32>} : memref<80xi32, #tpu.memory_space<vmem>>, vector<16xi32>,
    %get3A_271 = vector.shape_cast %get3A_270 : vector<16xi32> to vector<16xi32>
    %add3A_272 = arith.addi %mul3A_268, %get3A_271 : vector<16xi32>
    %swap3A_273 = arith.constant 0 : index
    %swap3A_274 = tpu.vector_load %arg21[%swap3A_273] {strides = array<i32>} : memref<80xi32, #tpu.memory_space<vmem>>, vector<16xi32>,
    %swap3A_275 = vector.shape_cast %swap3A_274 : vector<16xi32> to vector<16xi32>
    %swap3A_276 = vector.shape_cast %add3A_272 : vector<16xi32> to vector<16xi32>
    tpu.vector_store %arg21[%swap3A_273], %swap3A_276 {strides = array<i32>} : memref<80xi32, #tpu.memory_space<vmem>>, vector<16xi32>,
    %get3A_277 = arith.constant 16 : index
    %get3A_278 = tpu.vector_load %arg13[%get3A_277] {strides = array<i32>} : memref<80xi32, #tpu.memory_space<vmem>>, vector<16xi32>,
    %get3A_279 = vector.shape_cast %get3A_278 : vector<16xi32> to vector<16xi32>
    %mul3A_280 = arith.constant 10000 : i32
    %mul3A_281 = vector.broadcast %mul3A_280 : i32 to vector<16xi32>
    %mul3A_282 = arith.muli %get3A_279, %mul3A_281 : vector<16xi32>
    %get3A_283 = arith.constant 16 : index
    %get3A_284 = tpu.vector_load %arg9[%get3A_283] {strides = array<i32>} : memref<80xi32, #tpu.memory_space<vmem>>, vector<16xi32>,
    %get3A_285 = vector.shape_cast %get3A_284 : vector<16xi32> to vector<16xi32>
    %add3A_286 = arith.addi %mul3A_282, %get3A_285 : vector<16xi32>
    %swap3A_287 = arith.constant 16 : index
    %swap3A_288 = tpu.vector_load %arg21[%swap3A_287] {strides = array<i32>} : memref<80xi32, #tpu.memory_space<vmem>>, vector<16xi32>,
    %swap3A_289 = vector.shape_cast %swap3A_288 : vector<16xi32> to vector<16xi32>
    %swap3A_290 = vector.shape_cast %add3A_286 : vector<16xi32> to vector<16xi32>
    tpu.vector_store %arg21[%swap3A_287], %swap3A_290 {strides = array<i32>} : memref<80xi32, #tpu.memory_space<vmem>>, vector<16xi32>,
    %get3A_291 = arith.constant 32 : index
    %get3A_292 = tpu.vector_load %arg13[%get3A_291] {strides = array<i32>} : memref<80xi32, #tpu.memory_space<vmem>>, vector<16xi32>,
    %get3A_293 = vector.shape_cast %get3A_292 : vector<16xi32> to vector<16xi32>
    %mul3A_294 = arith.constant 10000 : i32
    %mul3A_295 = vector.broadcast %mul3A_294 : i32 to vector<16xi32>
    %mul3A_296 = arith.muli %get3A_293, %mul3A_295 : vector<16xi32>
    %get3A_297 = arith.constant 32 : index
    %get3A_298 = tpu.vector_load %arg9[%get3A_297] {strides = array<i32>} : memref<80xi32, #tpu.memory_space<vmem>>, vector<16xi32>,
    %get3A_299 = vector.shape_cast %get3A_298 : vector<16xi32> to vector<16xi32>
    %add3A_300 = arith.addi %mul3A_296, %get3A_299 : vector<16xi32>
    %swap3A_301 = arith.constant 32 : index
    %swap3A_302 = tpu.vector_load %arg21[%swap3A_301] {strides = array<i32>} : memref<80xi32, #tpu.memory_space<vmem>>, vector<16xi32>,
    %swap3A_303 = vector.shape_cast %swap3A_302 : vector<16xi32> to vector<16xi32>
    %swap3A_304 = vector.shape_cast %add3A_300 : vector<16xi32> to vector<16xi32>
    tpu.vector_store %arg21[%swap3A_301], %swap3A_304 {strides = array<i32>} : memref<80xi32, #tpu.memory_space<vmem>>, vector<16xi32>,
    %get3A_305 = arith.constant 48 : index
    %get3A_306 = tpu.vector_load %arg13[%get3A_305] {strides = array<i32>} : memref<80xi32, #tpu.memory_space<vmem>>, vector<16xi32>,
    %get3A_307 = vector.shape_cast %get3A_306 : vector<16xi32> to vector<16xi32>
    %mul3A_308 = arith.constant 10000 : i32
    %mul3A_309 = vector.broadcast %mul3A_308 : i32 to vector<16xi32>
    %mul3A_310 = arith.muli %get3A_307, %mul3A_309 : vector<16xi32>
    %get3A_311 = arith.constant 48 : index
    %get3A_312 = tpu.vector_load %arg9[%get3A_311] {strides = array<i32>} : memref<80xi32, #tpu.memory_space<vmem>>, vector<16xi32>,
    %get3A_313 = vector.shape_cast %get3A_312 : vector<16xi32> to vector<16xi32>
    %add3A_314 = arith.addi %mul3A_310, %get3A_313 : vector<16xi32>
    %swap3A_315 = arith.constant 48 : index
    %swap3A_316 = tpu.vector_load %arg21[%swap3A_315] {strides = array<i32>} : memref<80xi32, #tpu.memory_space<vmem>>, vector<16xi32>,
    %swap3A_317 = vector.shape_cast %swap3A_316 : vector<16xi32> to vector<16xi32>
    %swap3A_318 = vector.shape_cast %add3A_314 : vector<16xi32> to vector<16xi32>
    tpu.vector_store %arg21[%swap3A_315], %swap3A_318 {strides = array<i32>} : memref<80xi32, #tpu.memory_space<vmem>>, vector<16xi32>,
    %get3A_319 = arith.constant 64 : index
    %get3A_320 = tpu.vector_load %arg13[%get3A_319] {strides = array<i32>} : memref<80xi32, #tpu.memory_space<vmem>>, vector<16xi32>,
    %get3A_321 = vector.shape_cast %get3A_320 : vector<16xi32> to vector<16xi32>
    %mul3A_322 = arith.constant 10000 : i32
    %mul3A_323 = vector.broadcast %mul3A_322 : i32 to vector<16xi32>
    %mul3A_324 = arith.muli %get3A_321, %mul3A_323 : vector<16xi32>
    %get3A_325 = arith.constant 64 : index
    %get3A_326 = tpu.vector_load %arg9[%get3A_325] {strides = array<i32>} : memref<80xi32, #tpu.memory_space<vmem>>, vector<16xi32>,
    %get3A_327 = vector.shape_cast %get3A_326 : vector<16xi32> to vector<16xi32>
    %add3A_328 = arith.addi %mul3A_324, %get3A_327 : vector<16xi32>
    %swap3A_329 = arith.constant 64 : index
    %swap3A_330 = tpu.vector_load %arg21[%swap3A_329] {strides = array<i32>} : memref<80xi32, #tpu.memory_space<vmem>>, vector<16xi32>,
    %swap3A_331 = vector.shape_cast %swap3A_330 : vector<16xi32> to vector<16xi32>
    %swap3A_332 = vector.shape_cast %add3A_328 : vector<16xi32> to vector<16xi32>
    tpu.vector_store %arg21[%swap3A_329], %swap3A_332 {strides = array<i32>} : memref<80xi32, #tpu.memory_space<vmem>>, vector<16xi32>,
    %dma_start3A_333 = arith.constant 0 : i32
    %dma_start3A_334 = arith.constant 0 : i32
    %dma_start3A_335 = tpu.memref_slice %arg4[%dma_start3A_333, %dma_start3A_334] : memref<330000x128xf32, #tpu.memory_space<hbm>> -> memref<330000x128xf32, #tpu.memory_space<hbm>>
    tpu.enqueue_indirect_dma source(%dma_start3A_335 : memref<330000x128xf32, #tpu.memory_space<hbm>>) target(%arg25 : memref<80x128xf32, #tpu.memory_space<vmem>>) offsets(%arg21 : memref<80xi32, #tpu.memory_space<vmem>>) semaphore(%arg42 : memref<!tpu.dma_semaphore, #tpu.memory_space<semaphore_mem>>)
    %dma_wait3A_336 = arith.constant 0 : i32
    %dma_wait3A_337 = tpu.memref_slice %arg2[%dma_wait3A_336] : memref<640000xi32, #tpu.memory_space<hbm>> -> memref<80xi32, #tpu.memory_space<hbm>>
    %dma_wait3A_338 = arith.constant 0 : i32
    %dma_wait3A_339 = tpu.memref_slice %arg2[%dma_wait3A_338] : memref<640000xi32, #tpu.memory_space<hbm>> -> memref<80xi32, #tpu.memory_space<hbm>>
    tpu.wait_dma2 semaphore(%arg31 : memref<!tpu.dma_semaphore, #tpu.memory_space<semaphore_mem>>) src(%dma_wait3A_339 : memref<80xi32, #tpu.memory_space<hbm>>) dst(%arg10 : memref<80xi32, #tpu.memory_space<vmem>>)
    %dma_wait3A_340 = arith.constant 0 : i32
    %dma_wait3A_341 = tpu.memref_slice %arg3[%dma_wait3A_340] : memref<320000xi32, #tpu.memory_space<hbm>> -> memref<80xi32, #tpu.memory_space<hbm>>
    %dma_wait3A_342 = arith.constant 0 : i32
    %dma_wait3A_343 = tpu.memref_slice %arg3[%dma_wait3A_342] : memref<320000xi32, #tpu.memory_space<hbm>> -> memref<80xi32, #tpu.memory_space<hbm>>
    tpu.wait_dma2 semaphore(%arg35 : memref<!tpu.dma_semaphore, #tpu.memory_space<semaphore_mem>>) src(%dma_wait3A_343 : memref<80xi32, #tpu.memory_space<hbm>>) dst(%arg14 : memref<80xi32, #tpu.memory_space<vmem>>)
    %get3A_344 = arith.constant 0 : index
    %get3A_345 = tpu.vector_load %arg14[%get3A_344] {strides = array<i32>} : memref<80xi32, #tpu.memory_space<vmem>>, vector<16xi32>,
    %get3A_346 = vector.shape_cast %get3A_345 : vector<16xi32> to vector<16xi32>
    %mul3A_347 = arith.constant 10000 : i32
    %mul3A_348 = vector.broadcast %mul3A_347 : i32 to vector<16xi32>
    %mul3A_349 = arith.muli %get3A_346, %mul3A_348 : vector<16xi32>
    %get3A_350 = arith.constant 0 : index
    %get3A_351 = tpu.vector_load %arg10[%get3A_350] {strides = array<i32>} : memref<80xi32, #tpu.memory_space<vmem>>, vector<16xi32>,
    %get3A_352 = vector.shape_cast %get3A_351 : vector<16xi32> to vector<16xi32>
    %add3A_353 = arith.addi %mul3A_349, %get3A_352 : vector<16xi32>
    %swap3A_354 = arith.constant 0 : index
    %swap3A_355 = tpu.vector_load %arg22[%swap3A_354] {strides = array<i32>} : memref<80xi32, #tpu.memory_space<vmem>>, vector<16xi32>,
    %swap3A_356 = vector.shape_cast %swap3A_355 : vector<16xi32> to vector<16xi32>
    %swap3A_357 = vector.shape_cast %add3A_353 : vector<16xi32> to vector<16xi32>
    tpu.vector_store %arg22[%swap3A_354], %swap3A_357 {strides = array<i32>} : memref<80xi32, #tpu.memory_space<vmem>>, vector<16xi32>,
    %get3A_358 = arith.constant 16 : index
    %get3A_359 = tpu.vector_load %arg14[%get3A_358] {strides = array<i32>} : memref<80xi32, #tpu.memory_space<vmem>>, vector<16xi32>,
    %get3A_360 = vector.shape_cast %get3A_359 : vector<16xi32> to vector<16xi32>
    %mul3A_361 = arith.constant 10000 : i32
    %mul3A_362 = vector.broadcast %mul3A_361 : i32 to vector<16xi32>
    %mul3A_363 = arith.muli %get3A_360, %mul3A_362 : vector<16xi32>
    %get3A_364 = arith.constant 16 : index
    %get3A_365 = tpu.vector_load %arg10[%get3A_364] {strides = array<i32>} : memref<80xi32, #tpu.memory_space<vmem>>, vector<16xi32>,
    %get3A_366 = vector.shape_cast %get3A_365 : vector<16xi32> to vector<16xi32>
    %add3A_367 = arith.addi %mul3A_363, %get3A_366 : vector<16xi32>
    %swap3A_368 = arith.constant 16 : index
    %swap3A_369 = tpu.vector_load %arg22[%swap3A_368] {strides = array<i32>} : memref<80xi32, #tpu.memory_space<vmem>>, vector<16xi32>,
    %swap3A_370 = vector.shape_cast %swap3A_369 : vector<16xi32> to vector<16xi32>
    %swap3A_371 = vector.shape_cast %add3A_367 : vector<16xi32> to vector<16xi32>
    tpu.vector_store %arg22[%swap3A_368], %swap3A_371 {strides = array<i32>} : memref<80xi32, #tpu.memory_space<vmem>>, vector<16xi32>,
    %get3A_372 = arith.constant 32 : index
    %get3A_373 = tpu.vector_load %arg14[%get3A_372] {strides = array<i32>} : memref<80xi32, #tpu.memory_space<vmem>>, vector<16xi32>,
    %get3A_374 = vector.shape_cast %get3A_373 : vector<16xi32> to vector<16xi32>
    %mul3A_375 = arith.constant 10000 : i32
    %mul3A_376 = vector.broadcast %mul3A_375 : i32 to vector<16xi32>
    %mul3A_377 = arith.muli %get3A_374, %mul3A_376 : vector<16xi32>
    %get3A_378 = arith.constant 32 : index
    %get3A_379 = tpu.vector_load %arg10[%get3A_378] {strides = array<i32>} : memref<80xi32, #tpu.memory_space<vmem>>, vector<16xi32>,
    %get3A_380 = vector.shape_cast %get3A_379 : vector<16xi32> to vector<16xi32>
    %add3A_381 = arith.addi %mul3A_377, %get3A_380 : vector<16xi32>
    %swap3A_382 = arith.constant 32 : index
    %swap3A_383 = tpu.vector_load %arg22[%swap3A_382] {strides = array<i32>} : memref<80xi32, #tpu.memory_space<vmem>>, vector<16xi32>,
    %swap3A_384 = vector.shape_cast %swap3A_383 : vector<16xi32> to vector<16xi32>
    %swap3A_385 = vector.shape_cast %add3A_381 : vector<16xi32> to vector<16xi32>
    tpu.vector_store %arg22[%swap3A_382], %swap3A_385 {strides = array<i32>} : memref<80xi32, #tpu.memory_space<vmem>>, vector<16xi32>,
    %get3A_386 = arith.constant 48 : index
    %get3A_387 = tpu.vector_load %arg14[%get3A_386] {strides = array<i32>} : memref<80xi32, #tpu.memory_space<vmem>>, vector<16xi32>,
    %get3A_388 = vector.shape_cast %get3A_387 : vector<16xi32> to vector<16xi32>
    %mul3A_389 = arith.constant 10000 : i32
    %mul3A_390 = vector.broadcast %mul3A_389 : i32 to vector<16xi32>
    %mul3A_391 = arith.muli %get3A_388, %mul3A_390 : vector<16xi32>
    %get3A_392 = arith.constant 48 : index
    %get3A_393 = tpu.vector_load %arg10[%get3A_392] {strides = array<i32>} : memref<80xi32, #tpu.memory_space<vmem>>, vector<16xi32>,
    %get3A_394 = vector.shape_cast %get3A_393 : vector<16xi32> to vector<16xi32>
    %add3A_395 = arith.addi %mul3A_391, %get3A_394 : vector<16xi32>
    %swap3A_396 = arith.constant 48 : index
    %swap3A_397 = tpu.vector_load %arg22[%swap3A_396] {strides = array<i32>} : memref<80xi32, #tpu.memory_space<vmem>>, vector<16xi32>,
    %swap3A_398 = vector.shape_cast %swap3A_397 : vector<16xi32> to vector<16xi32>
    %swap3A_399 = vector.shape_cast %add3A_395 : vector<16xi32> to vector<16xi32>
    tpu.vector_store %arg22[%swap3A_396], %swap3A_399 {strides = array<i32>} : memref<80xi32, #tpu.memory_space<vmem>>, vector<16xi32>,
    %get3A_400 = arith.constant 64 : index
    %get3A_401 = tpu.vector_load %arg14[%get3A_400] {strides = array<i32>} : memref<80xi32, #tpu.memory_space<vmem>>, vector<16xi32>,
    %get3A_402 = vector.shape_cast %get3A_401 : vector<16xi32> to vector<16xi32>
    %mul3A_403 = arith.constant 10000 : i32
    %mul3A_404 = vector.broadcast %mul3A_403 : i32 to vector<16xi32>
    %mul3A_405 = arith.muli %get3A_402, %mul3A_404 : vector<16xi32>
    %get3A_406 = arith.constant 64 : index
    %get3A_407 = tpu.vector_load %arg10[%get3A_406] {strides = array<i32>} : memref<80xi32, #tpu.memory_space<vmem>>, vector<16xi32>,
    %get3A_408 = vector.shape_cast %get3A_407 : vector<16xi32> to vector<16xi32>
    %add3A_409 = arith.addi %mul3A_405, %get3A_408 : vector<16xi32>
    %swap3A_410 = arith.constant 64 : index
    %swap3A_411 = tpu.vector_load %arg22[%swap3A_410] {strides = array<i32>} : memref<80xi32, #tpu.memory_space<vmem>>, vector<16xi32>,
    %swap3A_412 = vector.shape_cast %swap3A_411 : vector<16xi32> to vector<16xi32>
    %swap3A_413 = vector.shape_cast %add3A_409 : vector<16xi32> to vector<16xi32>
    tpu.vector_store %arg22[%swap3A_410], %swap3A_413 {strides = array<i32>} : memref<80xi32, #tpu.memory_space<vmem>>, vector<16xi32>,
    %dma_start3A_414 = arith.constant 0 : i32
    %dma_start3A_415 = arith.constant 0 : i32
    %dma_start3A_416 = tpu.memref_slice %arg4[%dma_start3A_414, %dma_start3A_415] : memref<330000x128xf32, #tpu.memory_space<hbm>> -> memref<330000x128xf32, #tpu.memory_space<hbm>>
    tpu.enqueue_indirect_dma source(%dma_start3A_416 : memref<330000x128xf32, #tpu.memory_space<hbm>>) target(%arg26 : memref<80x128xf32, #tpu.memory_space<vmem>>) offsets(%arg22 : memref<80xi32, #tpu.memory_space<vmem>>) semaphore(%arg43 : memref<!tpu.dma_semaphore, #tpu.memory_space<semaphore_mem>>)
    %scan3A = arith.constant 0 : i32
    %scan3A_417 = arith.constant 0 : i32
    %scan3A_418 = arith.constant 31 : i32
    %scan3A_419 = arith.addi %scan3A_417, %scan3A_418 : i32
    %scan3A_420 = arith.constant 1 : i32
    scf.for %scan3A_464 = %scan3A_417 to %scan3A_419 step %scan3A_420  : i32 {
      %mul3A_465 = arith.constant 4 : i32
      %mul3A_466 = arith.muli %mul3A_465, %scan3A_464 : i32
      %dma_wait3A_467 = arith.constant 0 : i32
      %dma_wait3A_468 = arith.constant 0 : i32
      %dma_wait3A_469 = tpu.memref_slice %arg4[%dma_wait3A_467, %dma_wait3A_468] : memref<330000x128xf32, #tpu.memory_space<hbm>> -> memref<330000x128xf32, #tpu.memory_space<hbm>>
      tpu.wait_indirect_dma semaphore(%arg40 : memref<!tpu.dma_semaphore, #tpu.memory_space<semaphore_mem>>) src(%dma_wait3A_469 : memref<330000x128xf32, #tpu.memory_space<hbm>>) dst(%arg23 : memref<80x128xf32, #tpu.memory_space<vmem>>)
      %dma_wait3A_470 = arith.constant 0 : i32
      %dma_wait3A_471 = tpu.memref_slice %arg2[%dma_wait3A_470] : memref<640000xi32, #tpu.memory_space<hbm>> -> memref<80xi32, #tpu.memory_space<hbm>>
      %dma_wait3A_472 = arith.constant 0 : i32
      %dma_wait3A_473 = tpu.memref_slice %arg2[%dma_wait3A_472] : memref<640000xi32, #tpu.memory_space<hbm>> -> memref<80xi32, #tpu.memory_space<hbm>>
      tpu.wait_dma2 semaphore(%arg36 : memref<!tpu.dma_semaphore, #tpu.memory_space<semaphore_mem>>) src(%dma_wait3A_473 : memref<80xi32, #tpu.memory_space<hbm>>) dst(%arg15 : memref<80xi32, #tpu.memory_space<vmem>>)
      %dma_start3A_474 = arith.constant 0 : i32
      %dma_start3A_475 = arith.constant 0 : i32
      %dma_start3A_476 = tpu.memref_slice %arg27[%dma_start3A_474, %dma_start3A_475] : memref<10112x128xf32, #tpu.memory_space<vmem_shared>> -> memref<10112x128xf32, #tpu.memory_space<vmem_shared>>
      tpu.enqueue_indirect_dma source(%arg23 : memref<80x128xf32, #tpu.memory_space<vmem>>) target(%dma_start3A_476 : memref<10112x128xf32, #tpu.memory_space<vmem_shared>>) offsets(%arg15 : memref<80xi32, #tpu.memory_space<vmem>>) semaphore(%arg44 : memref<!tpu.dma_semaphore, #tpu.memory_space<semaphore_mem>>) {add = true}
      %add3A_477 = arith.constant 4 : i32
      %add3A_478 = arith.addi %mul3A_466, %add3A_477 : i32
      %add3A_479 = arith.constant 0 : i32
      %add3A_480 = arith.addi %add3A_478, %add3A_479 : i32
      %add3A_481 = arith.addi %mul3A_6, %add3A_480 : i32
      %min3A_482 = arith.constant 3999 : i32
      %min3A_483 = arith.minsi %add3A_481, %min3A_482 : i32
      %mul3A_484 = arith.constant 80 : i32
      %mul3A_485 = arith.muli %min3A_483, %mul3A_484 : i32
      %multiple_of3A_486 = tpu.assume_multiple %mul3A_485, 8 : i32
      %dma_start3A_487 = tpu.memref_slice %arg2[%multiple_of3A_486] : memref<640000xi32, #tpu.memory_space<hbm>> -> memref<80xi32, #tpu.memory_space<hbm>>
      %dma_start3A_488 = tpu.memref_slice %arg2[%multiple_of3A_486] : memref<640000xi32, #tpu.memory_space<hbm>> -> memref<80xi32, #tpu.memory_space<hbm>>
      tpu.enqueue_dma source(%dma_start3A_488 : memref<80xi32, #tpu.memory_space<hbm>>) target(%arg7 : memref<80xi32, #tpu.memory_space<vmem>>) target_semaphore(%arg28 : memref<!tpu.dma_semaphore, #tpu.memory_space<semaphore_mem>>)
      %dma_start3A_489 = tpu.memref_slice %arg3[%multiple_of3A_486] : memref<320000xi32, #tpu.memory_space<hbm>> -> memref<80xi32, #tpu.memory_space<hbm>>
      %dma_start3A_490 = tpu.memref_slice %arg3[%multiple_of3A_486] : memref<320000xi32, #tpu.memory_space<hbm>> -> memref<80xi32, #tpu.memory_space<hbm>>
      tpu.enqueue_dma source(%dma_start3A_490 : memref<80xi32, #tpu.memory_space<hbm>>) target(%arg11 : memref<80xi32, #tpu.memory_space<vmem>>) target_semaphore(%arg32 : memref<!tpu.dma_semaphore, #tpu.memory_space<semaphore_mem>>)
      %dma_wait3A_491 = arith.constant 0 : i32
      %dma_wait3A_492 = arith.constant 0 : i32
      %dma_wait3A_493 = tpu.memref_slice %arg4[%dma_wait3A_491, %dma_wait3A_492] : memref<330000x128xf32, #tpu.memory_space<hbm>> -> memref<330000x128xf32, #tpu.memory_space<hbm>>
      tpu.wait_indirect_dma semaphore(%arg41 : memref<!tpu.dma_semaphore, #tpu.memory_space<semaphore_mem>>) src(%dma_wait3A_493 : memref<330000x128xf32, #tpu.memory_space<hbm>>) dst(%arg24 : memref<80x128xf32, #tpu.memory_space<vmem>>)
      %dma_wait3A_494 = arith.constant 0 : i32
      %dma_wait3A_495 = tpu.memref_slice %arg2[%dma_wait3A_494] : memref<640000xi32, #tpu.memory_space<hbm>> -> memref<80xi32, #tpu.memory_space<hbm>>
      %dma_wait3A_496 = arith.constant 0 : i32
      %dma_wait3A_497 = tpu.memref_slice %arg2[%dma_wait3A_496] : memref<640000xi32, #tpu.memory_space<hbm>> -> memref<80xi32, #tpu.memory_space<hbm>>
      tpu.wait_dma2 semaphore(%arg37 : memref<!tpu.dma_semaphore, #tpu.memory_space<semaphore_mem>>) src(%dma_wait3A_497 : memref<80xi32, #tpu.memory_space<hbm>>) dst(%arg16 : memref<80xi32, #tpu.memory_space<vmem>>)
      %dma_start3A_498 = arith.constant 0 : i32
      %dma_start3A_499 = arith.constant 0 : i32
      %dma_start3A_500 = tpu.memref_slice %arg27[%dma_start3A_498, %dma_start3A_499] : memref<10112x128xf32, #tpu.memory_space<vmem_shared>> -> memref<10112x128xf32, #tpu.memory_space<vmem_shared>>
      tpu.enqueue_indirect_dma source(%arg24 : memref<80x128xf32, #tpu.memory_space<vmem>>) target(%dma_start3A_500 : memref<10112x128xf32, #tpu.memory_space<vmem_shared>>) offsets(%arg16 : memref<80xi32, #tpu.memory_space<vmem>>) semaphore(%arg45 : memref<!tpu.dma_semaphore, #tpu.memory_space<semaphore_mem>>) {add = true}
      %add3A_501 = arith.constant 4 : i32
      %add3A_502 = arith.addi %mul3A_466, %add3A_501 : i32
      %add3A_503 = arith.constant 1 : i32
      %add3A_504 = arith.addi %add3A_502, %add3A_503 : i32
      %add3A_505 = arith.addi %mul3A_6, %add3A_504 : i32
      %min3A_506 = arith.constant 3999 : i32
      %min3A_507 = arith.minsi %add3A_505, %min3A_506 : i32
      %mul3A_508 = arith.constant 80 : i32
      %mul3A_509 = arith.muli %min3A_507, %mul3A_508 : i32
      %multiple_of3A_510 = tpu.assume_multiple %mul3A_509, 8 : i32
      %dma_start3A_511 = tpu.memref_slice %arg2[%multiple_of3A_510] : memref<640000xi32, #tpu.memory_space<hbm>> -> memref<80xi32, #tpu.memory_space<hbm>>
      %dma_start3A_512 = tpu.memref_slice %arg2[%multiple_of3A_510] : memref<640000xi32, #tpu.memory_space<hbm>> -> memref<80xi32, #tpu.memory_space<hbm>>
      tpu.enqueue_dma source(%dma_start3A_512 : memref<80xi32, #tpu.memory_space<hbm>>) target(%arg8 : memref<80xi32, #tpu.memory_space<vmem>>) target_semaphore(%arg29 : memref<!tpu.dma_semaphore, #tpu.memory_space<semaphore_mem>>)
      %dma_start3A_513 = tpu.memref_slice %arg3[%multiple_of3A_510] : memref<320000xi32, #tpu.memory_space<hbm>> -> memref<80xi32, #tpu.memory_space<hbm>>
      %dma_start3A_514 = tpu.memref_slice %arg3[%multiple_of3A_510] : memref<320000xi32, #tpu.memory_space<hbm>> -> memref<80xi32, #tpu.memory_space<hbm>>
      tpu.enqueue_dma source(%dma_start3A_514 : memref<80xi32, #tpu.memory_space<hbm>>) target(%arg12 : memref<80xi32, #tpu.memory_space<vmem>>) target_semaphore(%arg33 : memref<!tpu.dma_semaphore, #tpu.memory_space<semaphore_mem>>)
      %dma_wait3A_515 = arith.constant 0 : i32
      %dma_wait3A_516 = arith.constant 0 : i32
      %dma_wait3A_517 = tpu.memref_slice %arg4[%dma_wait3A_515, %dma_wait3A_516] : memref<330000x128xf32, #tpu.memory_space<hbm>> -> memref<330000x128xf32, #tpu.memory_space<hbm>>
      tpu.wait_indirect_dma semaphore(%arg42 : memref<!tpu.dma_semaphore, #tpu.memory_space<semaphore_mem>>) src(%dma_wait3A_517 : memref<330000x128xf32, #tpu.memory_space<hbm>>) dst(%arg25 : memref<80x128xf32, #tpu.memory_space<vmem>>)
      %dma_wait3A_518 = arith.constant 0 : i32
      %dma_wait3A_519 = tpu.memref_slice %arg2[%dma_wait3A_518] : memref<640000xi32, #tpu.memory_space<hbm>> -> memref<80xi32, #tpu.memory_space<hbm>>
      %dma_wait3A_520 = arith.constant 0 : i32
      %dma_wait3A_521 = tpu.memref_slice %arg2[%dma_wait3A_520] : memref<640000xi32, #tpu.memory_space<hbm>> -> memref<80xi32, #tpu.memory_space<hbm>>
      tpu.wait_dma2 semaphore(%arg38 : memref<!tpu.dma_semaphore, #tpu.memory_space<semaphore_mem>>) src(%dma_wait3A_521 : memref<80xi32, #tpu.memory_space<hbm>>) dst(%arg17 : memref<80xi32, #tpu.memory_space<vmem>>)
      %dma_start3A_522 = arith.constant 0 : i32
      %dma_start3A_523 = arith.constant 0 : i32
      %dma_start3A_524 = tpu.memref_slice %arg27[%dma_start3A_522, %dma_start3A_523] : memref<10112x128xf32, #tpu.memory_space<vmem_shared>> -> memref<10112x128xf32, #tpu.memory_space<vmem_shared>>
      tpu.enqueue_indirect_dma source(%arg25 : memref<80x128xf32, #tpu.memory_space<vmem>>) target(%dma_start3A_524 : memref<10112x128xf32, #tpu.memory_space<vmem_shared>>) offsets(%arg17 : memref<80xi32, #tpu.memory_space<vmem>>) semaphore(%arg46 : memref<!tpu.dma_semaphore, #tpu.memory_space<semaphore_mem>>) {add = true}
      %add3A_525 = arith.constant 4 : i32
      %add3A_526 = arith.addi %mul3A_466, %add3A_525 : i32
      %add3A_527 = arith.constant 2 : i32
      %add3A_528 = arith.addi %add3A_526, %add3A_527 : i32
      %add3A_529 = arith.addi %mul3A_6, %add3A_528 : i32
      %min3A_530 = arith.constant 3999 : i32
      %min3A_531 = arith.minsi %add3A_529, %min3A_530 : i32
      %mul3A_532 = arith.constant 80 : i32
      %mul3A_533 = arith.muli %min3A_531, %mul3A_532 : i32
      %multiple_of3A_534 = tpu.assume_multiple %mul3A_533, 8 : i32
      %dma_start3A_535 = tpu.memref_slice %arg2[%multiple_of3A_534] : memref<640000xi32, #tpu.memory_space<hbm>> -> memref<80xi32, #tpu.memory_space<hbm>>
      %dma_start3A_536 = tpu.memref_slice %arg2[%multiple_of3A_534] : memref<640000xi32, #tpu.memory_space<hbm>> -> memref<80xi32, #tpu.memory_space<hbm>>
      tpu.enqueue_dma source(%dma_start3A_536 : memref<80xi32, #tpu.memory_space<hbm>>) target(%arg9 : memref<80xi32, #tpu.memory_space<vmem>>) target_semaphore(%arg30 : memref<!tpu.dma_semaphore, #tpu.memory_space<semaphore_mem>>)
      %dma_start3A_537 = tpu.memref_slice %arg3[%multiple_of3A_534] : memref<320000xi32, #tpu.memory_space<hbm>> -> memref<80xi32, #tpu.memory_space<hbm>>
      %dma_start3A_538 = tpu.memref_slice %arg3[%multiple_of3A_534] : memref<320000xi32, #tpu.memory_space<hbm>> -> memref<80xi32, #tpu.memory_space<hbm>>
      tpu.enqueue_dma source(%dma_start3A_538 : memref<80xi32, #tpu.memory_space<hbm>>) target(%arg13 : memref<80xi32, #tpu.memory_space<vmem>>) target_semaphore(%arg34 : memref<!tpu.dma_semaphore, #tpu.memory_space<semaphore_mem>>)
      %dma_wait3A_539 = arith.constant 0 : i32
      %dma_wait3A_540 = arith.constant 0 : i32
      %dma_wait3A_541 = tpu.memref_slice %arg4[%dma_wait3A_539, %dma_wait3A_540] : memref<330000x128xf32, #tpu.memory_space<hbm>> -> memref<330000x128xf32, #tpu.memory_space<hbm>>
      tpu.wait_indirect_dma semaphore(%arg43 : memref<!tpu.dma_semaphore, #tpu.memory_space<semaphore_mem>>) src(%dma_wait3A_541 : memref<330000x128xf32, #tpu.memory_space<hbm>>) dst(%arg26 : memref<80x128xf32, #tpu.memory_space<vmem>>)
      %dma_wait3A_542 = arith.constant 0 : i32
      %dma_wait3A_543 = tpu.memref_slice %arg2[%dma_wait3A_542] : memref<640000xi32, #tpu.memory_space<hbm>> -> memref<80xi32, #tpu.memory_space<hbm>>
      %dma_wait3A_544 = arith.constant 0 : i32
      %dma_wait3A_545 = tpu.memref_slice %arg2[%dma_wait3A_544] : memref<640000xi32, #tpu.memory_space<hbm>> -> memref<80xi32, #tpu.memory_space<hbm>>
      tpu.wait_dma2 semaphore(%arg39 : memref<!tpu.dma_semaphore, #tpu.memory_space<semaphore_mem>>) src(%dma_wait3A_545 : memref<80xi32, #tpu.memory_space<hbm>>) dst(%arg18 : memref<80xi32, #tpu.memory_space<vmem>>)
      %dma_start3A_546 = arith.constant 0 : i32
      %dma_start3A_547 = arith.constant 0 : i32
      %dma_start3A_548 = tpu.memref_slice %arg27[%dma_start3A_546, %dma_start3A_547] : memref<10112x128xf32, #tpu.memory_space<vmem_shared>> -> memref<10112x128xf32, #tpu.memory_space<vmem_shared>>
      tpu.enqueue_indirect_dma source(%arg26 : memref<80x128xf32, #tpu.memory_space<vmem>>) target(%dma_start3A_548 : memref<10112x128xf32, #tpu.memory_space<vmem_shared>>) offsets(%arg18 : memref<80xi32, #tpu.memory_space<vmem>>) semaphore(%arg47 : memref<!tpu.dma_semaphore, #tpu.memory_space<semaphore_mem>>) {add = true}
      %add3A_549 = arith.constant 4 : i32
      %add3A_550 = arith.addi %mul3A_466, %add3A_549 : i32
      %add3A_551 = arith.constant 3 : i32
      %add3A_552 = arith.addi %add3A_550, %add3A_551 : i32
      %add3A_553 = arith.addi %mul3A_6, %add3A_552 : i32
      %min3A_554 = arith.constant 3999 : i32
      %min3A_555 = arith.minsi %add3A_553, %min3A_554 : i32
      %mul3A_556 = arith.constant 80 : i32
      %mul3A_557 = arith.muli %min3A_555, %mul3A_556 : i32
      %multiple_of3A_558 = tpu.assume_multiple %mul3A_557, 8 : i32
      %dma_start3A_559 = tpu.memref_slice %arg2[%multiple_of3A_558] : memref<640000xi32, #tpu.memory_space<hbm>> -> memref<80xi32, #tpu.memory_space<hbm>>
      %dma_start3A_560 = tpu.memref_slice %arg2[%multiple_of3A_558] : memref<640000xi32, #tpu.memory_space<hbm>> -> memref<80xi32, #tpu.memory_space<hbm>>
      tpu.enqueue_dma source(%dma_start3A_560 : memref<80xi32, #tpu.memory_space<hbm>>) target(%arg10 : memref<80xi32, #tpu.memory_space<vmem>>) target_semaphore(%arg31 : memref<!tpu.dma_semaphore, #tpu.memory_space<semaphore_mem>>)
      %dma_start3A_561 = tpu.memref_slice %arg3[%multiple_of3A_558] : memref<320000xi32, #tpu.memory_space<hbm>> -> memref<80xi32, #tpu.memory_space<hbm>>
      %dma_start3A_562 = tpu.memref_slice %arg3[%multiple_of3A_558] : memref<320000xi32, #tpu.memory_space<hbm>> -> memref<80xi32, #tpu.memory_space<hbm>>
      tpu.enqueue_dma source(%dma_start3A_562 : memref<80xi32, #tpu.memory_space<hbm>>) target(%arg14 : memref<80xi32, #tpu.memory_space<vmem>>) target_semaphore(%arg35 : memref<!tpu.dma_semaphore, #tpu.memory_space<semaphore_mem>>)
      %dma_wait3A_563 = arith.constant 0 : i32
      %dma_wait3A_564 = tpu.memref_slice %arg2[%dma_wait3A_563] : memref<640000xi32, #tpu.memory_space<hbm>> -> memref<80xi32, #tpu.memory_space<hbm>>
      %dma_wait3A_565 = arith.constant 0 : i32
      %dma_wait3A_566 = tpu.memref_slice %arg2[%dma_wait3A_565] : memref<640000xi32, #tpu.memory_space<hbm>> -> memref<80xi32, #tpu.memory_space<hbm>>
      tpu.wait_dma2 semaphore(%arg28 : memref<!tpu.dma_semaphore, #tpu.memory_space<semaphore_mem>>) src(%dma_wait3A_566 : memref<80xi32, #tpu.memory_space<hbm>>) dst(%arg7 : memref<80xi32, #tpu.memory_space<vmem>>)
      %dma_wait3A_567 = arith.constant 0 : i32
      %dma_wait3A_568 = tpu.memref_slice %arg3[%dma_wait3A_567] : memref<320000xi32, #tpu.memory_space<hbm>> -> memref<80xi32, #tpu.memory_space<hbm>>
      %dma_wait3A_569 = arith.constant 0 : i32
      %dma_wait3A_570 = tpu.memref_slice %arg3[%dma_wait3A_569] : memref<320000xi32, #tpu.memory_space<hbm>> -> memref<80xi32, #tpu.memory_space<hbm>>
      tpu.wait_dma2 semaphore(%arg32 : memref<!tpu.dma_semaphore, #tpu.memory_space<semaphore_mem>>) src(%dma_wait3A_570 : memref<80xi32, #tpu.memory_space<hbm>>) dst(%arg11 : memref<80xi32, #tpu.memory_space<vmem>>)
      %dma_wait3A_571 = arith.constant 0 : i32
      %dma_wait3A_572 = arith.constant 0 : i32
      %dma_wait3A_573 = tpu.memref_slice %arg27[%dma_wait3A_571, %dma_wait3A_572] : memref<10112x128xf32, #tpu.memory_space<vmem_shared>> -> memref<10112x128xf32, #tpu.memory_space<vmem_shared>>
      tpu.wait_indirect_dma semaphore(%arg44 : memref<!tpu.dma_semaphore, #tpu.memory_space<semaphore_mem>>) src(%arg23 : memref<80x128xf32, #tpu.memory_space<vmem>>) dst(%dma_wait3A_573 : memref<10112x128xf32, #tpu.memory_space<vmem_shared>>)
      %add3A_574 = arith.constant 4 : i32
      %add3A_575 = arith.addi %mul3A_466, %add3A_574 : i32
      %add3A_576 = arith.constant 0 : i32
      %add3A_577 = arith.addi %add3A_575, %add3A_576 : i32
      %add3A_578 = arith.addi %mul3A_6, %add3A_577 : i32
      %min3A_579 = arith.constant 3999 : i32
      %min3A_580 = arith.minsi %add3A_578, %min3A_579 : i32
      %mul3A_581 = arith.constant 80 : i32
      %mul3A_582 = arith.muli %min3A_580, %mul3A_581 : i32
      %multiple_of3A_583 = tpu.assume_multiple %mul3A_582, 8 : i32
      %add3A_584 = arith.constant 320000 : i32
      %add3A_585 = arith.addi %multiple_of3A_583, %add3A_584 : i32
      %multiple_of3A_586 = tpu.assume_multiple %add3A_585, 8 : i32
      %dma_start3A_587 = tpu.memref_slice %arg2[%multiple_of3A_586] : memref<640000xi32, #tpu.memory_space<hbm>> -> memref<80xi32, #tpu.memory_space<hbm>>
      %dma_start3A_588 = tpu.memref_slice %arg2[%multiple_of3A_586] : memref<640000xi32, #tpu.memory_space<hbm>> -> memref<80xi32, #tpu.memory_space<hbm>>
      tpu.enqueue_dma source(%dma_start3A_588 : memref<80xi32, #tpu.memory_space<hbm>>) target(%arg15 : memref<80xi32, #tpu.memory_space<vmem>>) target_semaphore(%arg36 : memref<!tpu.dma_semaphore, #tpu.memory_space<semaphore_mem>>)
      %get3A_589 = arith.constant 0 : index
      %get3A_590 = tpu.vector_load %arg11[%get3A_589] {strides = array<i32>} : memref<80xi32, #tpu.memory_space<vmem>>, vector<16xi32>,
      %get3A_591 = vector.shape_cast %get3A_590 : vector<16xi32> to vector<16xi32>
      %mul3A_592 = arith.constant 10000 : i32
      %mul3A_593 = vector.broadcast %mul3A_592 : i32 to vector<16xi32>
      %mul3A_594 = arith.muli %get3A_591, %mul3A_593 : vector<16xi32>
      %get3A_595 = arith.constant 0 : index
      %get3A_596 = tpu.vector_load %arg7[%get3A_595] {strides = array<i32>} : memref<80xi32, #tpu.memory_space<vmem>>, vector<16xi32>,
      %get3A_597 = vector.shape_cast %get3A_596 : vector<16xi32> to vector<16xi32>
      %add3A_598 = arith.addi %mul3A_594, %get3A_597 : vector<16xi32>
      %swap3A_599 = arith.constant 0 : index
      %swap3A_600 = tpu.vector_load %arg19[%swap3A_599] {strides = array<i32>} : memref<80xi32, #tpu.memory_space<vmem>>, vector<16xi32>,
      %swap3A_601 = vector.shape_cast %swap3A_600 : vector<16xi32> to vector<16xi32>
      %swap3A_602 = vector.shape_cast %add3A_598 : vector<16xi32> to vector<16xi32>
      tpu.vector_store %arg19[%swap3A_599], %swap3A_602 {strides = array<i32>} : memref<80xi32, #tpu.memory_space<vmem>>, vector<16xi32>,
      %get3A_603 = arith.constant 16 : index
      %get3A_604 = tpu.vector_load %arg11[%get3A_603] {strides = array<i32>} : memref<80xi32, #tpu.memory_space<vmem>>, vector<16xi32>,
      %get3A_605 = vector.shape_cast %get3A_604 : vector<16xi32> to vector<16xi32>
      %mul3A_606 = arith.constant 10000 : i32
      %mul3A_607 = vector.broadcast %mul3A_606 : i32 to vector<16xi32>
      %mul3A_608 = arith.muli %get3A_605, %mul3A_607 : vector<16xi32>
      %get3A_609 = arith.constant 16 : index
      %get3A_610 = tpu.vector_load %arg7[%get3A_609] {strides = array<i32>} : memref<80xi32, #tpu.memory_space<vmem>>, vector<16xi32>,
      %get3A_611 = vector.shape_cast %get3A_610 : vector<16xi32> to vector<16xi32>
      %add3A_612 = arith.addi %mul3A_608, %get3A_611 : vector<16xi32>
      %swap3A_613 = arith.constant 16 : index
      %swap3A_614 = tpu.vector_load %arg19[%swap3A_613] {strides = array<i32>} : memref<80xi32, #tpu.memory_space<vmem>>, vector<16xi32>,
      %swap3A_615 = vector.shape_cast %swap3A_614 : vector<16xi32> to vector<16xi32>
      %swap3A_616 = vector.shape_cast %add3A_612 : vector<16xi32> to vector<16xi32>
      tpu.vector_store %arg19[%swap3A_613], %swap3A_616 {strides = array<i32>} : memref<80xi32, #tpu.memory_space<vmem>>, vector<16xi32>,
      %get3A_617 = arith.constant 32 : index
      %get3A_618 = tpu.vector_load %arg11[%get3A_617] {strides = array<i32>} : memref<80xi32, #tpu.memory_space<vmem>>, vector<16xi32>,
      %get3A_619 = vector.shape_cast %get3A_618 : vector<16xi32> to vector<16xi32>
      %mul3A_620 = arith.constant 10000 : i32
      %mul3A_621 = vector.broadcast %mul3A_620 : i32 to vector<16xi32>
      %mul3A_622 = arith.muli %get3A_619, %mul3A_621 : vector<16xi32>
      %get3A_623 = arith.constant 32 : index
      %get3A_624 = tpu.vector_load %arg7[%get3A_623] {strides = array<i32>} : memref<80xi32, #tpu.memory_space<vmem>>, vector<16xi32>,
      %get3A_625 = vector.shape_cast %get3A_624 : vector<16xi32> to vector<16xi32>
      %add3A_626 = arith.addi %mul3A_622, %get3A_625 : vector<16xi32>
      %swap3A_627 = arith.constant 32 : index
      %swap3A_628 = tpu.vector_load %arg19[%swap3A_627] {strides = array<i32>} : memref<80xi32, #tpu.memory_space<vmem>>, vector<16xi32>,
      %swap3A_629 = vector.shape_cast %swap3A_628 : vector<16xi32> to vector<16xi32>
      %swap3A_630 = vector.shape_cast %add3A_626 : vector<16xi32> to vector<16xi32>
      tpu.vector_store %arg19[%swap3A_627], %swap3A_630 {strides = array<i32>} : memref<80xi32, #tpu.memory_space<vmem>>, vector<16xi32>,
      %get3A_631 = arith.constant 48 : index
      %get3A_632 = tpu.vector_load %arg11[%get3A_631] {strides = array<i32>} : memref<80xi32, #tpu.memory_space<vmem>>, vector<16xi32>,
      %get3A_633 = vector.shape_cast %get3A_632 : vector<16xi32> to vector<16xi32>
      %mul3A_634 = arith.constant 10000 : i32
      %mul3A_635 = vector.broadcast %mul3A_634 : i32 to vector<16xi32>
      %mul3A_636 = arith.muli %get3A_633, %mul3A_635 : vector<16xi32>
      %get3A_637 = arith.constant 48 : index
      %get3A_638 = tpu.vector_load %arg7[%get3A_637] {strides = array<i32>} : memref<80xi32, #tpu.memory_space<vmem>>, vector<16xi32>,
      %get3A_639 = vector.shape_cast %get3A_638 : vector<16xi32> to vector<16xi32>
      %add3A_640 = arith.addi %mul3A_636, %get3A_639 : vector<16xi32>
      %swap3A_641 = arith.constant 48 : index
      %swap3A_642 = tpu.vector_load %arg19[%swap3A_641] {strides = array<i32>} : memref<80xi32, #tpu.memory_space<vmem>>, vector<16xi32>,
      %swap3A_643 = vector.shape_cast %swap3A_642 : vector<16xi32> to vector<16xi32>
      %swap3A_644 = vector.shape_cast %add3A_640 : vector<16xi32> to vector<16xi32>
      tpu.vector_store %arg19[%swap3A_641], %swap3A_644 {strides = array<i32>} : memref<80xi32, #tpu.memory_space<vmem>>, vector<16xi32>,
      %get3A_645 = arith.constant 64 : index
      %get3A_646 = tpu.vector_load %arg11[%get3A_645] {strides = array<i32>} : memref<80xi32, #tpu.memory_space<vmem>>, vector<16xi32>,
      %get3A_647 = vector.shape_cast %get3A_646 : vector<16xi32> to vector<16xi32>
      %mul3A_648 = arith.constant 10000 : i32
      %mul3A_649 = vector.broadcast %mul3A_648 : i32 to vector<16xi32>
      %mul3A_650 = arith.muli %get3A_647, %mul3A_649 : vector<16xi32>
      %get3A_651 = arith.constant 64 : index
      %get3A_652 = tpu.vector_load %arg7[%get3A_651] {strides = array<i32>} : memref<80xi32, #tpu.memory_space<vmem>>, vector<16xi32>,
      %get3A_653 = vector.shape_cast %get3A_652 : vector<16xi32> to vector<16xi32>
      %add3A_654 = arith.addi %mul3A_650, %get3A_653 : vector<16xi32>
      %swap3A_655 = arith.constant 64 : index
      %swap3A_656 = tpu.vector_load %arg19[%swap3A_655] {strides = array<i32>} : memref<80xi32, #tpu.memory_space<vmem>>, vector<16xi32>,
      %swap3A_657 = vector.shape_cast %swap3A_656 : vector<16xi32> to vector<16xi32>
      %swap3A_658 = vector.shape_cast %add3A_654 : vector<16xi32> to vector<16xi32>
      tpu.vector_store %arg19[%swap3A_655], %swap3A_658 {strides = array<i32>} : memref<80xi32, #tpu.memory_space<vmem>>, vector<16xi32>,
      %dma_start3A_659 = arith.constant 0 : i32
      %dma_start3A_660 = arith.constant 0 : i32
      %dma_start3A_661 = tpu.memref_slice %arg4[%dma_start3A_659, %dma_start3A_660] : memref<330000x128xf32, #tpu.memory_space<hbm>> -> memref<330000x128xf32, #tpu.memory_space<hbm>>
      tpu.enqueue_indirect_dma source(%dma_start3A_661 : memref<330000x128xf32, #tpu.memory_space<hbm>>) target(%arg23 : memref<80x128xf32, #tpu.memory_space<vmem>>) offsets(%arg19 : memref<80xi32, #tpu.memory_space<vmem>>) semaphore(%arg40 : memref<!tpu.dma_semaphore, #tpu.memory_space<semaphore_mem>>)
      %dma_wait3A_662 = arith.constant 0 : i32
      %dma_wait3A_663 = tpu.memref_slice %arg2[%dma_wait3A_662] : memref<640000xi32, #tpu.memory_space<hbm>> -> memref<80xi32, #tpu.memory_space<hbm>>
      %dma_wait3A_664 = arith.constant 0 : i32
      %dma_wait3A_665 = tpu.memref_slice %arg2[%dma_wait3A_664] : memref<640000xi32, #tpu.memory_space<hbm>> -> memref<80xi32, #tpu.memory_space<hbm>>
      tpu.wait_dma2 semaphore(%arg29 : memref<!tpu.dma_semaphore, #tpu.memory_space<semaphore_mem>>) src(%dma_wait3A_665 : memref<80xi32, #tpu.memory_space<hbm>>) dst(%arg8 : memref<80xi32, #tpu.memory_space<vmem>>)
      %dma_wait3A_666 = arith.constant 0 : i32
      %dma_wait3A_667 = tpu.memref_slice %arg3[%dma_wait3A_666] : memref<320000xi32, #tpu.memory_space<hbm>> -> memref<80xi32, #tpu.memory_space<hbm>>
      %dma_wait3A_668 = arith.constant 0 : i32
      %dma_wait3A_669 = tpu.memref_slice %arg3[%dma_wait3A_668] : memref<320000xi32, #tpu.memory_space<hbm>> -> memref<80xi32, #tpu.memory_space<hbm>>
      tpu.wait_dma2 semaphore(%arg33 : memref<!tpu.dma_semaphore, #tpu.memory_space<semaphore_mem>>) src(%dma_wait3A_669 : memref<80xi32, #tpu.memory_space<hbm>>) dst(%arg12 : memref<80xi32, #tpu.memory_space<vmem>>)
      %dma_wait3A_670 = arith.constant 0 : i32
      %dma_wait3A_671 = arith.constant 0 : i32
      %dma_wait3A_672 = tpu.memref_slice %arg27[%dma_wait3A_670, %dma_wait3A_671] : memref<10112x128xf32, #tpu.memory_space<vmem_shared>> -> memref<10112x128xf32, #tpu.memory_space<vmem_shared>>
      tpu.wait_indirect_dma semaphore(%arg45 : memref<!tpu.dma_semaphore, #tpu.memory_space<semaphore_mem>>) src(%arg24 : memref<80x128xf32, #tpu.memory_space<vmem>>) dst(%dma_wait3A_672 : memref<10112x128xf32, #tpu.memory_space<vmem_shared>>)
      %add3A_673 = arith.constant 4 : i32
      %add3A_674 = arith.addi %mul3A_466, %add3A_673 : i32
      %add3A_675 = arith.constant 1 : i32
      %add3A_676 = arith.addi %add3A_674, %add3A_675 : i32
      %add3A_677 = arith.addi %mul3A_6, %add3A_676 : i32
      %min3A_678 = arith.constant 3999 : i32
      %min3A_679 = arith.minsi %add3A_677, %min3A_678 : i32
      %mul3A_680 = arith.constant 80 : i32
      %mul3A_681 = arith.muli %min3A_679, %mul3A_680 : i32
      %multiple_of3A_682 = tpu.assume_multiple %mul3A_681, 8 : i32
      %add3A_683 = arith.constant 320000 : i32
      %add3A_684 = arith.addi %multiple_of3A_682, %add3A_683 : i32
      %multiple_of3A_685 = tpu.assume_multiple %add3A_684, 8 : i32
      %dma_start3A_686 = tpu.memref_slice %arg2[%multiple_of3A_685] : memref<640000xi32, #tpu.memory_space<hbm>> -> memref<80xi32, #tpu.memory_space<hbm>>
      %dma_start3A_687 = tpu.memref_slice %arg2[%multiple_of3A_685] : memref<640000xi32, #tpu.memory_space<hbm>> -> memref<80xi32, #tpu.memory_space<hbm>>
      tpu.enqueue_dma source(%dma_start3A_687 : memref<80xi32, #tpu.memory_space<hbm>>) target(%arg16 : memref<80xi32, #tpu.memory_space<vmem>>) target_semaphore(%arg37 : memref<!tpu.dma_semaphore, #tpu.memory_space<semaphore_mem>>)
      %get3A_688 = arith.constant 0 : index
      %get3A_689 = tpu.vector_load %arg12[%get3A_688] {strides = array<i32>} : memref<80xi32, #tpu.memory_space<vmem>>, vector<16xi32>,
      %get3A_690 = vector.shape_cast %get3A_689 : vector<16xi32> to vector<16xi32>
      %mul3A_691 = arith.constant 10000 : i32
      %mul3A_692 = vector.broadcast %mul3A_691 : i32 to vector<16xi32>
      %mul3A_693 = arith.muli %get3A_690, %mul3A_692 : vector<16xi32>
      %get3A_694 = arith.constant 0 : index
      %get3A_695 = tpu.vector_load %arg8[%get3A_694] {strides = array<i32>} : memref<80xi32, #tpu.memory_space<vmem>>, vector<16xi32>,
      %get3A_696 = vector.shape_cast %get3A_695 : vector<16xi32> to vector<16xi32>
      %add3A_697 = arith.addi %mul3A_693, %get3A_696 : vector<16xi32>
      %swap3A_698 = arith.constant 0 : index
      %swap3A_699 = tpu.vector_load %arg20[%swap3A_698] {strides = array<i32>} : memref<80xi32, #tpu.memory_space<vmem>>, vector<16xi32>,
      %swap3A_700 = vector.shape_cast %swap3A_699 : vector<16xi32> to vector<16xi32>
      %swap3A_701 = vector.shape_cast %add3A_697 : vector<16xi32> to vector<16xi32>
      tpu.vector_store %arg20[%swap3A_698], %swap3A_701 {strides = array<i32>} : memref<80xi32, #tpu.memory_space<vmem>>, vector<16xi32>,
      %get3A_702 = arith.constant 16 : index
      %get3A_703 = tpu.vector_load %arg12[%get3A_702] {strides = array<i32>} : memref<80xi32, #tpu.memory_space<vmem>>, vector<16xi32>,
      %get3A_704 = vector.shape_cast %get3A_703 : vector<16xi32> to vector<16xi32>
      %mul3A_705 = arith.constant 10000 : i32
      %mul3A_706 = vector.broadcast %mul3A_705 : i32 to vector<16xi32>
      %mul3A_707 = arith.muli %get3A_704, %mul3A_706 : vector<16xi32>
      %get3A_708 = arith.constant 16 : index
      %get3A_709 = tpu.vector_load %arg8[%get3A_708] {strides = array<i32>} : memref<80xi32, #tpu.memory_space<vmem>>, vector<16xi32>,
      %get3A_710 = vector.shape_cast %get3A_709 : vector<16xi32> to vector<16xi32>
      %add3A_711 = arith.addi %mul3A_707, %get3A_710 : vector<16xi32>
      %swap3A_712 = arith.constant 16 : index
      %swap3A_713 = tpu.vector_load %arg20[%swap3A_712] {strides = array<i32>} : memref<80xi32, #tpu.memory_space<vmem>>, vector<16xi32>,
      %swap3A_714 = vector.shape_cast %swap3A_713 : vector<16xi32> to vector<16xi32>
      %swap3A_715 = vector.shape_cast %add3A_711 : vector<16xi32> to vector<16xi32>
      tpu.vector_store %arg20[%swap3A_712], %swap3A_715 {strides = array<i32>} : memref<80xi32, #tpu.memory_space<vmem>>, vector<16xi32>,
      %get3A_716 = arith.constant 32 : index
      %get3A_717 = tpu.vector_load %arg12[%get3A_716] {strides = array<i32>} : memref<80xi32, #tpu.memory_space<vmem>>, vector<16xi32>,
      %get3A_718 = vector.shape_cast %get3A_717 : vector<16xi32> to vector<16xi32>
      %mul3A_719 = arith.constant 10000 : i32
      %mul3A_720 = vector.broadcast %mul3A_719 : i32 to vector<16xi32>
      %mul3A_721 = arith.muli %get3A_718, %mul3A_720 : vector<16xi32>
      %get3A_722 = arith.constant 32 : index
      %get3A_723 = tpu.vector_load %arg8[%get3A_722] {strides = array<i32>} : memref<80xi32, #tpu.memory_space<vmem>>, vector<16xi32>,
      %get3A_724 = vector.shape_cast %get3A_723 : vector<16xi32> to vector<16xi32>
      %add3A_725 = arith.addi %mul3A_721, %get3A_724 : vector<16xi32>
      %swap3A_726 = arith.constant 32 : index
      %swap3A_727 = tpu.vector_load %arg20[%swap3A_726] {strides = array<i32>} : memref<80xi32, #tpu.memory_space<vmem>>, vector<16xi32>,
      %swap3A_728 = vector.shape_cast %swap3A_727 : vector<16xi32> to vector<16xi32>
      %swap3A_729 = vector.shape_cast %add3A_725 : vector<16xi32> to vector<16xi32>
      tpu.vector_store %arg20[%swap3A_726], %swap3A_729 {strides = array<i32>} : memref<80xi32, #tpu.memory_space<vmem>>, vector<16xi32>,
      %get3A_730 = arith.constant 48 : index
      %get3A_731 = tpu.vector_load %arg12[%get3A_730] {strides = array<i32>} : memref<80xi32, #tpu.memory_space<vmem>>, vector<16xi32>,
      %get3A_732 = vector.shape_cast %get3A_731 : vector<16xi32> to vector<16xi32>
      %mul3A_733 = arith.constant 10000 : i32
      %mul3A_734 = vector.broadcast %mul3A_733 : i32 to vector<16xi32>
      %mul3A_735 = arith.muli %get3A_732, %mul3A_734 : vector<16xi32>
      %get3A_736 = arith.constant 48 : index
      %get3A_737 = tpu.vector_load %arg8[%get3A_736] {strides = array<i32>} : memref<80xi32, #tpu.memory_space<vmem>>, vector<16xi32>,
      %get3A_738 = vector.shape_cast %get3A_737 : vector<16xi32> to vector<16xi32>
      %add3A_739 = arith.addi %mul3A_735, %get3A_738 : vector<16xi32>
      %swap3A_740 = arith.constant 48 : index
      %swap3A_741 = tpu.vector_load %arg20[%swap3A_740] {strides = array<i32>} : memref<80xi32, #tpu.memory_space<vmem>>, vector<16xi32>,
      %swap3A_742 = vector.shape_cast %swap3A_741 : vector<16xi32> to vector<16xi32>
      %swap3A_743 = vector.shape_cast %add3A_739 : vector<16xi32> to vector<16xi32>
      tpu.vector_store %arg20[%swap3A_740], %swap3A_743 {strides = array<i32>} : memref<80xi32, #tpu.memory_space<vmem>>, vector<16xi32>,
      %get3A_744 = arith.constant 64 : index
      %get3A_745 = tpu.vector_load %arg12[%get3A_744] {strides = array<i32>} : memref<80xi32, #tpu.memory_space<vmem>>, vector<16xi32>,
      %get3A_746 = vector.shape_cast %get3A_745 : vector<16xi32> to vector<16xi32>
      %mul3A_747 = arith.constant 10000 : i32
      %mul3A_748 = vector.broadcast %mul3A_747 : i32 to vector<16xi32>
      %mul3A_749 = arith.muli %get3A_746, %mul3A_748 : vector<16xi32>
      %get3A_750 = arith.constant 64 : index
      %get3A_751 = tpu.vector_load %arg8[%get3A_750] {strides = array<i32>} : memref<80xi32, #tpu.memory_space<vmem>>, vector<16xi32>,
      %get3A_752 = vector.shape_cast %get3A_751 : vector<16xi32> to vector<16xi32>
      %add3A_753 = arith.addi %mul3A_749, %get3A_752 : vector<16xi32>
      %swap3A_754 = arith.constant 64 : index
      %swap3A_755 = tpu.vector_load %arg20[%swap3A_754] {strides = array<i32>} : memref<80xi32, #tpu.memory_space<vmem>>, vector<16xi32>,
      %swap3A_756 = vector.shape_cast %swap3A_755 : vector<16xi32> to vector<16xi32>
      %swap3A_757 = vector.shape_cast %add3A_753 : vector<16xi32> to vector<16xi32>
      tpu.vector_store %arg20[%swap3A_754], %swap3A_757 {strides = array<i32>} : memref<80xi32, #tpu.memory_space<vmem>>, vector<16xi32>,
      %dma_start3A_758 = arith.constant 0 : i32
      %dma_start3A_759 = arith.constant 0 : i32
      %dma_start3A_760 = tpu.memref_slice %arg4[%dma_start3A_758, %dma_start3A_759] : memref<330000x128xf32, #tpu.memory_space<hbm>> -> memref<330000x128xf32, #tpu.memory_space<hbm>>
      tpu.enqueue_indirect_dma source(%dma_start3A_760 : memref<330000x128xf32, #tpu.memory_space<hbm>>) target(%arg24 : memref<80x128xf32, #tpu.memory_space<vmem>>) offsets(%arg20 : memref<80xi32, #tpu.memory_space<vmem>>) semaphore(%arg41 : memref<!tpu.dma_semaphore, #tpu.memory_space<semaphore_mem>>)
      %dma_wait3A_761 = arith.constant 0 : i32
      %dma_wait3A_762 = tpu.memref_slice %arg2[%dma_wait3A_761] : memref<640000xi32, #tpu.memory_space<hbm>> -> memref<80xi32, #tpu.memory_space<hbm>>
      %dma_wait3A_763 = arith.constant 0 : i32
      %dma_wait3A_764 = tpu.memref_slice %arg2[%dma_wait3A_763] : memref<640000xi32, #tpu.memory_space<hbm>> -> memref<80xi32, #tpu.memory_space<hbm>>
      tpu.wait_dma2 semaphore(%arg30 : memref<!tpu.dma_semaphore, #tpu.memory_space<semaphore_mem>>) src(%dma_wait3A_764 : memref<80xi32, #tpu.memory_space<hbm>>) dst(%arg9 : memref<80xi32, #tpu.memory_space<vmem>>)
      %dma_wait3A_765 = arith.constant 0 : i32
      %dma_wait3A_766 = tpu.memref_slice %arg3[%dma_wait3A_765] : memref<320000xi32, #tpu.memory_space<hbm>> -> memref<80xi32, #tpu.memory_space<hbm>>
      %dma_wait3A_767 = arith.constant 0 : i32
      %dma_wait3A_768 = tpu.memref_slice %arg3[%dma_wait3A_767] : memref<320000xi32, #tpu.memory_space<hbm>> -> memref<80xi32, #tpu.memory_space<hbm>>
      tpu.wait_dma2 semaphore(%arg34 : memref<!tpu.dma_semaphore, #tpu.memory_space<semaphore_mem>>) src(%dma_wait3A_768 : memref<80xi32, #tpu.memory_space<hbm>>) dst(%arg13 : memref<80xi32, #tpu.memory_space<vmem>>)
      %dma_wait3A_769 = arith.constant 0 : i32
      %dma_wait3A_770 = arith.constant 0 : i32
      %dma_wait3A_771 = tpu.memref_slice %arg27[%dma_wait3A_769, %dma_wait3A_770] : memref<10112x128xf32, #tpu.memory_space<vmem_shared>> -> memref<10112x128xf32, #tpu.memory_space<vmem_shared>>
      tpu.wait_indirect_dma semaphore(%arg46 : memref<!tpu.dma_semaphore, #tpu.memory_space<semaphore_mem>>) src(%arg25 : memref<80x128xf32, #tpu.memory_space<vmem>>) dst(%dma_wait3A_771 : memref<10112x128xf32, #tpu.memory_space<vmem_shared>>)
      %add3A_772 = arith.constant 4 : i32
      %add3A_773 = arith.addi %mul3A_466, %add3A_772 : i32
      %add3A_774 = arith.constant 2 : i32
      %add3A_775 = arith.addi %add3A_773, %add3A_774 : i32
      %add3A_776 = arith.addi %mul3A_6, %add3A_775 : i32
      %min3A_777 = arith.constant 3999 : i32
      %min3A_778 = arith.minsi %add3A_776, %min3A_777 : i32
      %mul3A_779 = arith.constant 80 : i32
      %mul3A_780 = arith.muli %min3A_778, %mul3A_779 : i32
      %multiple_of3A_781 = tpu.assume_multiple %mul3A_780, 8 : i32
      %add3A_782 = arith.constant 320000 : i32
      %add3A_783 = arith.addi %multiple_of3A_781, %add3A_782 : i32
      %multiple_of3A_784 = tpu.assume_multiple %add3A_783, 8 : i32
      %dma_start3A_785 = tpu.memref_slice %arg2[%multiple_of3A_784] : memref<640000xi32, #tpu.memory_space<hbm>> -> memref<80xi32, #tpu.memory_space<hbm>>
      %dma_start3A_786 = tpu.memref_slice %arg2[%multiple_of3A_784] : memref<640000xi32, #tpu.memory_space<hbm>> -> memref<80xi32, #tpu.memory_space<hbm>>
      tpu.enqueue_dma source(%dma_start3A_786 : memref<80xi32, #tpu.memory_space<hbm>>) target(%arg17 : memref<80xi32, #tpu.memory_space<vmem>>) target_semaphore(%arg38 : memref<!tpu.dma_semaphore, #tpu.memory_space<semaphore_mem>>)
      %get3A_787 = arith.constant 0 : index
      %get3A_788 = tpu.vector_load %arg13[%get3A_787] {strides = array<i32>} : memref<80xi32, #tpu.memory_space<vmem>>, vector<16xi32>,
      %get3A_789 = vector.shape_cast %get3A_788 : vector<16xi32> to vector<16xi32>
      %mul3A_790 = arith.constant 10000 : i32
      %mul3A_791 = vector.broadcast %mul3A_790 : i32 to vector<16xi32>
      %mul3A_792 = arith.muli %get3A_789, %mul3A_791 : vector<16xi32>
      %get3A_793 = arith.constant 0 : index
      %get3A_794 = tpu.vector_load %arg9[%get3A_793] {strides = array<i32>} : memref<80xi32, #tpu.memory_space<vmem>>, vector<16xi32>,
      %get3A_795 = vector.shape_cast %get3A_794 : vector<16xi32> to vector<16xi32>
      %add3A_796 = arith.addi %mul3A_792, %get3A_795 : vector<16xi32>
      %swap3A_797 = arith.constant 0 : index
      %swap3A_798 = tpu.vector_load %arg21[%swap3A_797] {strides = array<i32>} : memref<80xi32, #tpu.memory_space<vmem>>, vector<16xi32>,
      %swap3A_799 = vector.shape_cast %swap3A_798 : vector<16xi32> to vector<16xi32>
      %swap3A_800 = vector.shape_cast %add3A_796 : vector<16xi32> to vector<16xi32>
      tpu.vector_store %arg21[%swap3A_797], %swap3A_800 {strides = array<i32>} : memref<80xi32, #tpu.memory_space<vmem>>, vector<16xi32>,
      %get3A_801 = arith.constant 16 : index
      %get3A_802 = tpu.vector_load %arg13[%get3A_801] {strides = array<i32>} : memref<80xi32, #tpu.memory_space<vmem>>, vector<16xi32>,
      %get3A_803 = vector.shape_cast %get3A_802 : vector<16xi32> to vector<16xi32>
      %mul3A_804 = arith.constant 10000 : i32
      %mul3A_805 = vector.broadcast %mul3A_804 : i32 to vector<16xi32>
      %mul3A_806 = arith.muli %get3A_803, %mul3A_805 : vector<16xi32>
      %get3A_807 = arith.constant 16 : index
      %get3A_808 = tpu.vector_load %arg9[%get3A_807] {strides = array<i32>} : memref<80xi32, #tpu.memory_space<vmem>>, vector<16xi32>,
      %get3A_809 = vector.shape_cast %get3A_808 : vector<16xi32> to vector<16xi32>
      %add3A_810 = arith.addi %mul3A_806, %get3A_809 : vector<16xi32>
      %swap3A_811 = arith.constant 16 : index
      %swap3A_812 = tpu.vector_load %arg21[%swap3A_811] {strides = array<i32>} : memref<80xi32, #tpu.memory_space<vmem>>, vector<16xi32>,
      %swap3A_813 = vector.shape_cast %swap3A_812 : vector<16xi32> to vector<16xi32>
      %swap3A_814 = vector.shape_cast %add3A_810 : vector<16xi32> to vector<16xi32>
      tpu.vector_store %arg21[%swap3A_811], %swap3A_814 {strides = array<i32>} : memref<80xi32, #tpu.memory_space<vmem>>, vector<16xi32>,
      %get3A_815 = arith.constant 32 : index
      %get3A_816 = tpu.vector_load %arg13[%get3A_815] {strides = array<i32>} : memref<80xi32, #tpu.memory_space<vmem>>, vector<16xi32>,
      %get3A_817 = vector.shape_cast %get3A_816 : vector<16xi32> to vector<16xi32>
      %mul3A_818 = arith.constant 10000 : i32
      %mul3A_819 = vector.broadcast %mul3A_818 : i32 to vector<16xi32>
      %mul3A_820 = arith.muli %get3A_817, %mul3A_819 : vector<16xi32>
      %get3A_821 = arith.constant 32 : index
      %get3A_822 = tpu.vector_load %arg9[%get3A_821] {strides = array<i32>} : memref<80xi32, #tpu.memory_space<vmem>>, vector<16xi32>,
      %get3A_823 = vector.shape_cast %get3A_822 : vector<16xi32> to vector<16xi32>
      %add3A_824 = arith.addi %mul3A_820, %get3A_823 : vector<16xi32>
      %swap3A_825 = arith.constant 32 : index
      %swap3A_826 = tpu.vector_load %arg21[%swap3A_825] {strides = array<i32>} : memref<80xi32, #tpu.memory_space<vmem>>, vector<16xi32>,
      %swap3A_827 = vector.shape_cast %swap3A_826 : vector<16xi32> to vector<16xi32>
      %swap3A_828 = vector.shape_cast %add3A_824 : vector<16xi32> to vector<16xi32>
      tpu.vector_store %arg21[%swap3A_825], %swap3A_828 {strides = array<i32>} : memref<80xi32, #tpu.memory_space<vmem>>, vector<16xi32>,
      %get3A_829 = arith.constant 48 : index
      %get3A_830 = tpu.vector_load %arg13[%get3A_829] {strides = array<i32>} : memref<80xi32, #tpu.memory_space<vmem>>, vector<16xi32>,
      %get3A_831 = vector.shape_cast %get3A_830 : vector<16xi32> to vector<16xi32>
      %mul3A_832 = arith.constant 10000 : i32
      %mul3A_833 = vector.broadcast %mul3A_832 : i32 to vector<16xi32>
      %mul3A_834 = arith.muli %get3A_831, %mul3A_833 : vector<16xi32>
      %get3A_835 = arith.constant 48 : index
      %get3A_836 = tpu.vector_load %arg9[%get3A_835] {strides = array<i32>} : memref<80xi32, #tpu.memory_space<vmem>>, vector<16xi32>,
      %get3A_837 = vector.shape_cast %get3A_836 : vector<16xi32> to vector<16xi32>
      %add3A_838 = arith.addi %mul3A_834, %get3A_837 : vector<16xi32>
      %swap3A_839 = arith.constant 48 : index
      %swap3A_840 = tpu.vector_load %arg21[%swap3A_839] {strides = array<i32>} : memref<80xi32, #tpu.memory_space<vmem>>, vector<16xi32>,
      %swap3A_841 = vector.shape_cast %swap3A_840 : vector<16xi32> to vector<16xi32>
      %swap3A_842 = vector.shape_cast %add3A_838 : vector<16xi32> to vector<16xi32>
      tpu.vector_store %arg21[%swap3A_839], %swap3A_842 {strides = array<i32>} : memref<80xi32, #tpu.memory_space<vmem>>, vector<16xi32>,
      %get3A_843 = arith.constant 64 : index
      %get3A_844 = tpu.vector_load %arg13[%get3A_843] {strides = array<i32>} : memref<80xi32, #tpu.memory_space<vmem>>, vector<16xi32>,
      %get3A_845 = vector.shape_cast %get3A_844 : vector<16xi32> to vector<16xi32>
      %mul3A_846 = arith.constant 10000 : i32
      %mul3A_847 = vector.broadcast %mul3A_846 : i32 to vector<16xi32>
      %mul3A_848 = arith.muli %get3A_845, %mul3A_847 : vector<16xi32>
      %get3A_849 = arith.constant 64 : index
      %get3A_850 = tpu.vector_load %arg9[%get3A_849] {strides = array<i32>} : memref<80xi32, #tpu.memory_space<vmem>>, vector<16xi32>,
      %get3A_851 = vector.shape_cast %get3A_850 : vector<16xi32> to vector<16xi32>
      %add3A_852 = arith.addi %mul3A_848, %get3A_851 : vector<16xi32>
      %swap3A_853 = arith.constant 64 : index
      %swap3A_854 = tpu.vector_load %arg21[%swap3A_853] {strides = array<i32>} : memref<80xi32, #tpu.memory_space<vmem>>, vector<16xi32>,
      %swap3A_855 = vector.shape_cast %swap3A_854 : vector<16xi32> to vector<16xi32>
      %swap3A_856 = vector.shape_cast %add3A_852 : vector<16xi32> to vector<16xi32>
      tpu.vector_store %arg21[%swap3A_853], %swap3A_856 {strides = array<i32>} : memref<80xi32, #tpu.memory_space<vmem>>, vector<16xi32>,
      %dma_start3A_857 = arith.constant 0 : i32
      %dma_start3A_858 = arith.constant 0 : i32
      %dma_start3A_859 = tpu.memref_slice %arg4[%dma_start3A_857, %dma_start3A_858] : memref<330000x128xf32, #tpu.memory_space<hbm>> -> memref<330000x128xf32, #tpu.memory_space<hbm>>
      tpu.enqueue_indirect_dma source(%dma_start3A_859 : memref<330000x128xf32, #tpu.memory_space<hbm>>) target(%arg25 : memref<80x128xf32, #tpu.memory_space<vmem>>) offsets(%arg21 : memref<80xi32, #tpu.memory_space<vmem>>) semaphore(%arg42 : memref<!tpu.dma_semaphore, #tpu.memory_space<semaphore_mem>>)
      %dma_wait3A_860 = arith.constant 0 : i32
      %dma_wait3A_861 = tpu.memref_slice %arg2[%dma_wait3A_860] : memref<640000xi32, #tpu.memory_space<hbm>> -> memref<80xi32, #tpu.memory_space<hbm>>
      %dma_wait3A_862 = arith.constant 0 : i32
      %dma_wait3A_863 = tpu.memref_slice %arg2[%dma_wait3A_862] : memref<640000xi32, #tpu.memory_space<hbm>> -> memref<80xi32, #tpu.memory_space<hbm>>
      tpu.wait_dma2 semaphore(%arg31 : memref<!tpu.dma_semaphore, #tpu.memory_space<semaphore_mem>>) src(%dma_wait3A_863 : memref<80xi32, #tpu.memory_space<hbm>>) dst(%arg10 : memref<80xi32, #tpu.memory_space<vmem>>)
      %dma_wait3A_864 = arith.constant 0 : i32
      %dma_wait3A_865 = tpu.memref_slice %arg3[%dma_wait3A_864] : memref<320000xi32, #tpu.memory_space<hbm>> -> memref<80xi32, #tpu.memory_space<hbm>>
      %dma_wait3A_866 = arith.constant 0 : i32
      %dma_wait3A_867 = tpu.memref_slice %arg3[%dma_wait3A_866] : memref<320000xi32, #tpu.memory_space<hbm>> -> memref<80xi32, #tpu.memory_space<hbm>>
      tpu.wait_dma2 semaphore(%arg35 : memref<!tpu.dma_semaphore, #tpu.memory_space<semaphore_mem>>) src(%dma_wait3A_867 : memref<80xi32, #tpu.memory_space<hbm>>) dst(%arg14 : memref<80xi32, #tpu.memory_space<vmem>>)
      %dma_wait3A_868 = arith.constant 0 : i32
      %dma_wait3A_869 = arith.constant 0 : i32
      %dma_wait3A_870 = tpu.memref_slice %arg27[%dma_wait3A_868, %dma_wait3A_869] : memref<10112x128xf32, #tpu.memory_space<vmem_shared>> -> memref<10112x128xf32, #tpu.memory_space<vmem_shared>>
      tpu.wait_indirect_dma semaphore(%arg47 : memref<!tpu.dma_semaphore, #tpu.memory_space<semaphore_mem>>) src(%arg26 : memref<80x128xf32, #tpu.memory_space<vmem>>) dst(%dma_wait3A_870 : memref<10112x128xf32, #tpu.memory_space<vmem_shared>>)
      %add3A_871 = arith.constant 4 : i32
      %add3A_872 = arith.addi %mul3A_466, %add3A_871 : i32
      %add3A_873 = arith.constant 3 : i32
      %add3A_874 = arith.addi %add3A_872, %add3A_873 : i32
      %add3A_875 = arith.addi %mul3A_6, %add3A_874 : i32
      %min3A_876 = arith.constant 3999 : i32
      %min3A_877 = arith.minsi %add3A_875, %min3A_876 : i32
      %mul3A_878 = arith.constant 80 : i32
      %mul3A_879 = arith.muli %min3A_877, %mul3A_878 : i32
      %multiple_of3A_880 = tpu.assume_multiple %mul3A_879, 8 : i32
      %add3A_881 = arith.constant 320000 : i32
      %add3A_882 = arith.addi %multiple_of3A_880, %add3A_881 : i32
      %multiple_of3A_883 = tpu.assume_multiple %add3A_882, 8 : i32
      %dma_start3A_884 = tpu.memref_slice %arg2[%multiple_of3A_883] : memref<640000xi32, #tpu.memory_space<hbm>> -> memref<80xi32, #tpu.memory_space<hbm>>
      %dma_start3A_885 = tpu.memref_slice %arg2[%multiple_of3A_883] : memref<640000xi32, #tpu.memory_space<hbm>> -> memref<80xi32, #tpu.memory_space<hbm>>
      tpu.enqueue_dma source(%dma_start3A_885 : memref<80xi32, #tpu.memory_space<hbm>>) target(%arg18 : memref<80xi32, #tpu.memory_space<vmem>>) target_semaphore(%arg39 : memref<!tpu.dma_semaphore, #tpu.memory_space<semaphore_mem>>)
      %get3A_886 = arith.constant 0 : index
      %get3A_887 = tpu.vector_load %arg14[%get3A_886] {strides = array<i32>} : memref<80xi32, #tpu.memory_space<vmem>>, vector<16xi32>,
      %get3A_888 = vector.shape_cast %get3A_887 : vector<16xi32> to vector<16xi32>
      %mul3A_889 = arith.constant 10000 : i32
      %mul3A_890 = vector.broadcast %mul3A_889 : i32 to vector<16xi32>
      %mul3A_891 = arith.muli %get3A_888, %mul3A_890 : vector<16xi32>
      %get3A_892 = arith.constant 0 : index
      %get3A_893 = tpu.vector_load %arg10[%get3A_892] {strides = array<i32>} : memref<80xi32, #tpu.memory_space<vmem>>, vector<16xi32>,
      %get3A_894 = vector.shape_cast %get3A_893 : vector<16xi32> to vector<16xi32>
      %add3A_895 = arith.addi %mul3A_891, %get3A_894 : vector<16xi32>
      %swap3A_896 = arith.constant 0 : index
      %swap3A_897 = tpu.vector_load %arg22[%swap3A_896] {strides = array<i32>} : memref<80xi32, #tpu.memory_space<vmem>>, vector<16xi32>,
      %swap3A_898 = vector.shape_cast %swap3A_897 : vector<16xi32> to vector<16xi32>
      %swap3A_899 = vector.shape_cast %add3A_895 : vector<16xi32> to vector<16xi32>
      tpu.vector_store %arg22[%swap3A_896], %swap3A_899 {strides = array<i32>} : memref<80xi32, #tpu.memory_space<vmem>>, vector<16xi32>,
      %get3A_900 = arith.constant 16 : index
      %get3A_901 = tpu.vector_load %arg14[%get3A_900] {strides = array<i32>} : memref<80xi32, #tpu.memory_space<vmem>>, vector<16xi32>,
      %get3A_902 = vector.shape_cast %get3A_901 : vector<16xi32> to vector<16xi32>
      %mul3A_903 = arith.constant 10000 : i32
      %mul3A_904 = vector.broadcast %mul3A_903 : i32 to vector<16xi32>
      %mul3A_905 = arith.muli %get3A_902, %mul3A_904 : vector<16xi32>
      %get3A_906 = arith.constant 16 : index
      %get3A_907 = tpu.vector_load %arg10[%get3A_906] {strides = array<i32>} : memref<80xi32, #tpu.memory_space<vmem>>, vector<16xi32>,
      %get3A_908 = vector.shape_cast %get3A_907 : vector<16xi32> to vector<16xi32>
      %add3A_909 = arith.addi %mul3A_905, %get3A_908 : vector<16xi32>
      %swap3A_910 = arith.constant 16 : index
      %swap3A_911 = tpu.vector_load %arg22[%swap3A_910] {strides = array<i32>} : memref<80xi32, #tpu.memory_space<vmem>>, vector<16xi32>,
      %swap3A_912 = vector.shape_cast %swap3A_911 : vector<16xi32> to vector<16xi32>
      %swap3A_913 = vector.shape_cast %add3A_909 : vector<16xi32> to vector<16xi32>
      tpu.vector_store %arg22[%swap3A_910], %swap3A_913 {strides = array<i32>} : memref<80xi32, #tpu.memory_space<vmem>>, vector<16xi32>,
      %get3A_914 = arith.constant 32 : index
      %get3A_915 = tpu.vector_load %arg14[%get3A_914] {strides = array<i32>} : memref<80xi32, #tpu.memory_space<vmem>>, vector<16xi32>,
      %get3A_916 = vector.shape_cast %get3A_915 : vector<16xi32> to vector<16xi32>
      %mul3A_917 = arith.constant 10000 : i32
      %mul3A_918 = vector.broadcast %mul3A_917 : i32 to vector<16xi32>
      %mul3A_919 = arith.muli %get3A_916, %mul3A_918 : vector<16xi32>
      %get3A_920 = arith.constant 32 : index
      %get3A_921 = tpu.vector_load %arg10[%get3A_920] {strides = array<i32>} : memref<80xi32, #tpu.memory_space<vmem>>, vector<16xi32>,
      %get3A_922 = vector.shape_cast %get3A_921 : vector<16xi32> to vector<16xi32>
      %add3A_923 = arith.addi %mul3A_919, %get3A_922 : vector<16xi32>
      %swap3A_924 = arith.constant 32 : index
      %swap3A_925 = tpu.vector_load %arg22[%swap3A_924] {strides = array<i32>} : memref<80xi32, #tpu.memory_space<vmem>>, vector<16xi32>,
      %swap3A_926 = vector.shape_cast %swap3A_925 : vector<16xi32> to vector<16xi32>
      %swap3A_927 = vector.shape_cast %add3A_923 : vector<16xi32> to vector<16xi32>
      tpu.vector_store %arg22[%swap3A_924], %swap3A_927 {strides = array<i32>} : memref<80xi32, #tpu.memory_space<vmem>>, vector<16xi32>,
      %get3A_928 = arith.constant 48 : index
      %get3A_929 = tpu.vector_load %arg14[%get3A_928] {strides = array<i32>} : memref<80xi32, #tpu.memory_space<vmem>>, vector<16xi32>,
      %get3A_930 = vector.shape_cast %get3A_929 : vector<16xi32> to vector<16xi32>
      %mul3A_931 = arith.constant 10000 : i32
      %mul3A_932 = vector.broadcast %mul3A_931 : i32 to vector<16xi32>
      %mul3A_933 = arith.muli %get3A_930, %mul3A_932 : vector<16xi32>
      %get3A_934 = arith.constant 48 : index
      %get3A_935 = tpu.vector_load %arg10[%get3A_934] {strides = array<i32>} : memref<80xi32, #tpu.memory_space<vmem>>, vector<16xi32>,
      %get3A_936 = vector.shape_cast %get3A_935 : vector<16xi32> to vector<16xi32>
      %add3A_937 = arith.addi %mul3A_933, %get3A_936 : vector<16xi32>
      %swap3A_938 = arith.constant 48 : index
      %swap3A_939 = tpu.vector_load %arg22[%swap3A_938] {strides = array<i32>} : memref<80xi32, #tpu.memory_space<vmem>>, vector<16xi32>,
      %swap3A_940 = vector.shape_cast %swap3A_939 : vector<16xi32> to vector<16xi32>
      %swap3A_941 = vector.shape_cast %add3A_937 : vector<16xi32> to vector<16xi32>
      tpu.vector_store %arg22[%swap3A_938], %swap3A_941 {strides = array<i32>} : memref<80xi32, #tpu.memory_space<vmem>>, vector<16xi32>,
      %get3A_942 = arith.constant 64 : index
      %get3A_943 = tpu.vector_load %arg14[%get3A_942] {strides = array<i32>} : memref<80xi32, #tpu.memory_space<vmem>>, vector<16xi32>,
      %get3A_944 = vector.shape_cast %get3A_943 : vector<16xi32> to vector<16xi32>
      %mul3A_945 = arith.constant 10000 : i32
      %mul3A_946 = vector.broadcast %mul3A_945 : i32 to vector<16xi32>
      %mul3A_947 = arith.muli %get3A_944, %mul3A_946 : vector<16xi32>
      %get3A_948 = arith.constant 64 : index
      %get3A_949 = tpu.vector_load %arg10[%get3A_948] {strides = array<i32>} : memref<80xi32, #tpu.memory_space<vmem>>, vector<16xi32>,
      %get3A_950 = vector.shape_cast %get3A_949 : vector<16xi32> to vector<16xi32>
      %add3A_951 = arith.addi %mul3A_947, %get3A_950 : vector<16xi32>
      %swap3A_952 = arith.constant 64 : index
      %swap3A_953 = tpu.vector_load %arg22[%swap3A_952] {strides = array<i32>} : memref<80xi32, #tpu.memory_space<vmem>>, vector<16xi32>,
      %swap3A_954 = vector.shape_cast %swap3A_953 : vector<16xi32> to vector<16xi32>
      %swap3A_955 = vector.shape_cast %add3A_951 : vector<16xi32> to vector<16xi32>
      tpu.vector_store %arg22[%swap3A_952], %swap3A_955 {strides = array<i32>} : memref<80xi32, #tpu.memory_space<vmem>>, vector<16xi32>,
      %dma_start3A_956 = arith.constant 0 : i32
      %dma_start3A_957 = arith.constant 0 : i32
      %dma_start3A_958 = tpu.memref_slice %arg4[%dma_start3A_956, %dma_start3A_957] : memref<330000x128xf32, #tpu.memory_space<hbm>> -> memref<330000x128xf32, #tpu.memory_space<hbm>>
      tpu.enqueue_indirect_dma source(%dma_start3A_958 : memref<330000x128xf32, #tpu.memory_space<hbm>>) target(%arg26 : memref<80x128xf32, #tpu.memory_space<vmem>>) offsets(%arg22 : memref<80xi32, #tpu.memory_space<vmem>>) semaphore(%arg43 : memref<!tpu.dma_semaphore, #tpu.memory_space<semaphore_mem>>)
    }
    %scan3A_421 = arith.constant 31 : i32
    %dma_wait3A_422 = arith.constant 0 : i32
    %dma_wait3A_423 = arith.constant 0 : i32
    %dma_wait3A_424 = tpu.memref_slice %arg4[%dma_wait3A_422, %dma_wait3A_423] : memref<330000x128xf32, #tpu.memory_space<hbm>> -> memref<330000x128xf32, #tpu.memory_space<hbm>>
    tpu.wait_indirect_dma semaphore(%arg40 : memref<!tpu.dma_semaphore, #tpu.memory_space<semaphore_mem>>) src(%dma_wait3A_424 : memref<330000x128xf32, #tpu.memory_space<hbm>>) dst(%arg23 : memref<80x128xf32, #tpu.memory_space<vmem>>)
    %dma_wait3A_425 = arith.constant 0 : i32
    %dma_wait3A_426 = tpu.memref_slice %arg2[%dma_wait3A_425] : memref<640000xi32, #tpu.memory_space<hbm>> -> memref<80xi32, #tpu.memory_space<hbm>>
    %dma_wait3A_427 = arith.constant 0 : i32
    %dma_wait3A_428 = tpu.memref_slice %arg2[%dma_wait3A_427] : memref<640000xi32, #tpu.memory_space<hbm>> -> memref<80xi32, #tpu.memory_space<hbm>>
    tpu.wait_dma2 semaphore(%arg36 : memref<!tpu.dma_semaphore, #tpu.memory_space<semaphore_mem>>) src(%dma_wait3A_428 : memref<80xi32, #tpu.memory_space<hbm>>) dst(%arg15 : memref<80xi32, #tpu.memory_space<vmem>>)
    %dma_start3A_429 = arith.constant 0 : i32
    %dma_start3A_430 = arith.constant 0 : i32
    %dma_start3A_431 = tpu.memref_slice %arg27[%dma_start3A_429, %dma_start3A_430] : memref<10112x128xf32, #tpu.memory_space<vmem_shared>> -> memref<10112x128xf32, #tpu.memory_space<vmem_shared>>
    tpu.enqueue_indirect_dma source(%arg23 : memref<80x128xf32, #tpu.memory_space<vmem>>) target(%dma_start3A_431 : memref<10112x128xf32, #tpu.memory_space<vmem_shared>>) offsets(%arg15 : memref<80xi32, #tpu.memory_space<vmem>>) semaphore(%arg44 : memref<!tpu.dma_semaphore, #tpu.memory_space<semaphore_mem>>) {add = true}
    %dma_wait3A_432 = arith.constant 0 : i32
    %dma_wait3A_433 = arith.constant 0 : i32
    %dma_wait3A_434 = tpu.memref_slice %arg4[%dma_wait3A_432, %dma_wait3A_433] : memref<330000x128xf32, #tpu.memory_space<hbm>> -> memref<330000x128xf32, #tpu.memory_space<hbm>>
    tpu.wait_indirect_dma semaphore(%arg41 : memref<!tpu.dma_semaphore, #tpu.memory_space<semaphore_mem>>) src(%dma_wait3A_434 : memref<330000x128xf32, #tpu.memory_space<hbm>>) dst(%arg24 : memref<80x128xf32, #tpu.memory_space<vmem>>)
    %dma_wait3A_435 = arith.constant 0 : i32
    %dma_wait3A_436 = tpu.memref_slice %arg2[%dma_wait3A_435] : memref<640000xi32, #tpu.memory_space<hbm>> -> memref<80xi32, #tpu.memory_space<hbm>>
    %dma_wait3A_437 = arith.constant 0 : i32
    %dma_wait3A_438 = tpu.memref_slice %arg2[%dma_wait3A_437] : memref<640000xi32, #tpu.memory_space<hbm>> -> memref<80xi32, #tpu.memory_space<hbm>>
    tpu.wait_dma2 semaphore(%arg37 : memref<!tpu.dma_semaphore, #tpu.memory_space<semaphore_mem>>) src(%dma_wait3A_438 : memref<80xi32, #tpu.memory_space<hbm>>) dst(%arg16 : memref<80xi32, #tpu.memory_space<vmem>>)
    %dma_wait3A_439 = arith.constant 0 : i32
    %dma_wait3A_440 = arith.constant 0 : i32
    %dma_wait3A_441 = tpu.memref_slice %arg4[%dma_wait3A_439, %dma_wait3A_440] : memref<330000x128xf32, #tpu.memory_space<hbm>> -> memref<330000x128xf32, #tpu.memory_space<hbm>>
    tpu.wait_indirect_dma semaphore(%arg42 : memref<!tpu.dma_semaphore, #tpu.memory_space<semaphore_mem>>) src(%dma_wait3A_441 : memref<330000x128xf32, #tpu.memory_space<hbm>>) dst(%arg25 : memref<80x128xf32, #tpu.memory_space<vmem>>)
    %dma_wait3A_442 = arith.constant 0 : i32
    %dma_wait3A_443 = tpu.memref_slice %arg2[%dma_wait3A_442] : memref<640000xi32, #tpu.memory_space<hbm>> -> memref<80xi32, #tpu.memory_space<hbm>>
    %dma_wait3A_444 = arith.constant 0 : i32
    %dma_wait3A_445 = tpu.memref_slice %arg2[%dma_wait3A_444] : memref<640000xi32, #tpu.memory_space<hbm>> -> memref<80xi32, #tpu.memory_space<hbm>>
    tpu.wait_dma2 semaphore(%arg38 : memref<!tpu.dma_semaphore, #tpu.memory_space<semaphore_mem>>) src(%dma_wait3A_445 : memref<80xi32, #tpu.memory_space<hbm>>) dst(%arg17 : memref<80xi32, #tpu.memory_space<vmem>>)
    %dma_wait3A_446 = arith.constant 0 : i32
    %dma_wait3A_447 = arith.constant 0 : i32
    %dma_wait3A_448 = tpu.memref_slice %arg4[%dma_wait3A_446, %dma_wait3A_447] : memref<330000x128xf32, #tpu.memory_space<hbm>> -> memref<330000x128xf32, #tpu.memory_space<hbm>>
    tpu.wait_indirect_dma semaphore(%arg43 : memref<!tpu.dma_semaphore, #tpu.memory_space<semaphore_mem>>) src(%dma_wait3A_448 : memref<330000x128xf32, #tpu.memory_space<hbm>>) dst(%arg26 : memref<80x128xf32, #tpu.memory_space<vmem>>)
    %dma_wait3A_449 = arith.constant 0 : i32
    %dma_wait3A_450 = tpu.memref_slice %arg2[%dma_wait3A_449] : memref<640000xi32, #tpu.memory_space<hbm>> -> memref<80xi32, #tpu.memory_space<hbm>>
    %dma_wait3A_451 = arith.constant 0 : i32
    %dma_wait3A_452 = tpu.memref_slice %arg2[%dma_wait3A_451] : memref<640000xi32, #tpu.memory_space<hbm>> -> memref<80xi32, #tpu.memory_space<hbm>>
    tpu.wait_dma2 semaphore(%arg39 : memref<!tpu.dma_semaphore, #tpu.memory_space<semaphore_mem>>) src(%dma_wait3A_452 : memref<80xi32, #tpu.memory_space<hbm>>) dst(%arg18 : memref<80xi32, #tpu.memory_space<vmem>>)
    %dma_wait3A_453 = arith.constant 0 : i32
    %dma_wait3A_454 = arith.constant 0 : i32
    %dma_wait3A_455 = tpu.memref_slice %arg27[%dma_wait3A_453, %dma_wait3A_454] : memref<10112x128xf32, #tpu.memory_space<vmem_shared>> -> memref<10112x128xf32, #tpu.memory_space<vmem_shared>>
    tpu.wait_indirect_dma semaphore(%arg44 : memref<!tpu.dma_semaphore, #tpu.memory_space<semaphore_mem>>) src(%arg23 : memref<80x128xf32, #tpu.memory_space<vmem>>) dst(%dma_wait3A_455 : memref<10112x128xf32, #tpu.memory_space<vmem_shared>>)
    %barrier3A_456 = arith.constant 0 : index
    tpu.barrier barrier_id(%barrier3A_456)
    %mul3A_457 = arith.constant 632 : i32
    %mul3A_458 = arith.muli %arg1, %mul3A_457 : i32
    %mul3A_459 = arith.constant 10112 : i32
    %mul3A_460 = arith.muli %arg0, %mul3A_459 : i32
    %mul3A_461 = arith.constant 632 : i32
    %mul3A_462 = arith.muli %arg1, %mul3A_461 : i32
    %add3A_463 = arith.addi %mul3A_460, %mul3A_462 : i32
    "tpu.region"() ({
      %run_scoped3A = tpu.sem_alloc : memref<!tpu.dma_semaphore, #tpu.memory_space<semaphore_mem>>
      %dma_start3A_464 = arith.constant 0 : i32
      %dma_start3A_465 = tpu.memref_slice %arg6[%add3A_463, %dma_start3A_464] : memref<20224x128xf32, #tpu.memory_space<hbm>> -> memref<632x128xf32, #tpu.memory_space<hbm>>
      %dma_start3A_466 = arith.constant 0 : i32
      %dma_start3A_467 = tpu.memref_slice %arg27[%mul3A_458, %dma_start3A_466] : memref<10112x128xf32, #tpu.memory_space<vmem_shared>> -> memref<632x128xf32, #tpu.memory_space<vmem_shared>>
      tpu.enqueue_dma source(%dma_start3A_467 : memref<632x128xf32, #tpu.memory_space<vmem_shared>>) target(%dma_start3A_465 : memref<632x128xf32, #tpu.memory_space<hbm>>) target_semaphore(%run_scoped3A : memref<!tpu.dma_semaphore, #tpu.memory_space<semaphore_mem>>)
      %dma_wait3A_468 = arith.constant 0 : i32
      %dma_wait3A_469 = tpu.memref_slice %arg6[%add3A_463, %dma_wait3A_468] : memref<20224x128xf32, #tpu.memory_space<hbm>> -> memref<632x128xf32, #tpu.memory_space<hbm>>
      %dma_wait3A_470 = arith.constant 0 : i32
      %dma_wait3A_471 = tpu.memref_slice %arg27[%mul3A_458, %dma_wait3A_470] : memref<10112x128xf32, #tpu.memory_space<vmem_shared>> -> memref<632x128xf32, #tpu.memory_space<vmem_shared>>
      tpu.wait_dma2 semaphore(%run_scoped3A : memref<!tpu.dma_semaphore, #tpu.memory_space<semaphore_mem>>) src(%dma_wait3A_471 : memref<632x128xf32, #tpu.memory_space<vmem_shared>>) dst(%dma_wait3A_469 : memref<632x128xf32, #tpu.memory_space<hbm>>)
      tpu.yield
    }) : () -> ()
    return
  }
}

module attributes {stable_mosaic.version = 14 : i64} {
  func.func @_combine_body(%arg0: i32, %arg1: memref<20224x128xf32, #tpu.memory_space<vmem>>, %arg2: memref<10000x128xf32, #tpu.memory_space<vmem>>, %arg3: memref<1x128xf32, #tpu.memory_space<vmem>>, %arg4: memref<10000x128xf32, #tpu.memory_space<vmem>>) attributes {dimension_semantics = [#tpu.dimension_semantics<arbitrary>], iteration_bounds = array<i64: 1>, scalar_prefetch = 0 : i64, scratch_operands = 0 : i64, tpu.core_type = #tpu.core_type<tc>, window_params = [{pipeline_mode = #tpu.pipeline_mode<synchronous>, transform_indices = @transform_0, window_bounds = array<i64: 20224, 128>}, {transform_indices = @transform_1, window_bounds = array<i64: 10000, 128>}, {pipeline_mode = #tpu.pipeline_mode<synchronous>, transform_indices = @transform_2, window_bounds = array<i64: 1, 128>}, {pipeline_mode = #tpu.pipeline_mode<synchronous>, transform_indices = @transform_3, window_bounds = array<i64: 10000, 128>}]} {
    %get3A = arith.constant 0 : index
    %get3A_0 = arith.constant 0 : index
    %get3A_1 = vector.load %arg1[%get3A, %get3A_0] : memref<20224x128xf32, #tpu.memory_space<vmem>>, vector<10000x128xf32>
    %get3A_2 = arith.constant 10112 : index
    %get3A_3 = arith.constant 0 : index
    %get3A_4 = vector.load %arg1[%get3A_2, %get3A_3] : memref<20224x128xf32, #tpu.memory_space<vmem>>, vector<10000x128xf32>
    %add3A = arith.addf %get3A_1, %get3A_4 : vector<10000x128xf32>
    %get3A_5 = arith.constant 0 : index
    %get3A_6 = arith.constant 0 : index
    %get3A_7 = vector.load %arg2[%get3A_5, %get3A_6] : memref<10000x128xf32, #tpu.memory_space<vmem>>, vector<10000x128xf32>
    %add3A_8 = arith.addf %add3A, %get3A_7 : vector<10000x128xf32>
    %get3A_9 = arith.constant 0 : index
    %get3A_10 = arith.constant 0 : index
    %get3A_11 = vector.load %arg3[%get3A_9, %get3A_10] : memref<1x128xf32, #tpu.memory_space<vmem>>, vector<1x128xf32>
    %add3A_12 = vector.broadcast %get3A_11 : vector<1x128xf32> to vector<10000x128xf32>
    %add3A_13 = arith.addf %add3A_8, %add3A_12 : vector<10000x128xf32>
    %max3A = arith.constant 0.000000e+00 : f32
    %max3A_14 = vector.broadcast %max3A : f32 to vector<10000x128xf32>
    %max3A_15 = arith.maximumf %add3A_13, %max3A_14 : vector<10000x128xf32>
    %swap3A = arith.constant 0 : index
    %swap3A_16 = arith.constant 0 : index
    %swap3A_17 = vector.load %arg4[%swap3A, %swap3A_16] : memref<10000x128xf32, #tpu.memory_space<vmem>>, vector<10000x128xf32>
    tpu.vector_store %arg4[%swap3A, %swap3A_16], %max3A_15 {strides = array<i32>} : memref<10000x128xf32, #tpu.memory_space<vmem>>, vector<10000x128xf32>,
    return
  }
  func.func @transform_0(%arg0: i32) -> (i32, i32) {
    %c0_i32 = arith.constant 0 : i32
    %c0_i32_0 = arith.constant 0 : i32
    %c0_i32_1 = arith.constant 0 : i32
    return %c0_i32, %c0_i32_0 : i32, i32
  }
  func.func @transform_1(%arg0: i32) -> (i32, i32) {
    %c32_i32 = arith.constant 32 : i32
    %c0_i32 = arith.constant 0 : i32
    %c0_i32_0 = arith.constant 0 : i32
    return %c32_i32, %c0_i32 : i32, i32
  }
  func.func @transform_2(%arg0: i32) -> (i32, i32) {
    %c0_i32 = arith.constant 0 : i32
    %c0_i32_0 = arith.constant 0 : i32
    %c0_i32_1 = arith.constant 0 : i32
    return %c0_i32, %c0_i32_0 : i32, i32
  }
  func.func @transform_3(%arg0: i32) -> (i32, i32) {
    %c0_i32 = arith.constant 0 : i32
    %c0_i32_0 = arith.constant 0 : i32
    %c0_i32_1 = arith.constant 0 : i32
    return %c0_i32, %c0_i32_0 : i32, i32
  }
}

module attributes {stable_mosaic.version = 14 : i64} {
  func.func @_expand_body(%arg0: i32, %arg1: memref<1x1x5xf32, #tpu.memory_space<vmem>>, %arg2: memref<5x128x128xf32, #tpu.memory_space<vmem>>, %arg3: memref<10000x128xf32, #tpu.memory_space<vmem>>, %arg4: memref<10000x128xf32, #tpu.memory_space<vmem>>) attributes {dimension_semantics = [#tpu.dimension_semantics<arbitrary>], iteration_bounds = array<i64: 33>, scalar_prefetch = 0 : i64, scratch_operands = 0 : i64, tpu.core_type = #tpu.core_type<tc>, window_params = [{transform_indices = @transform_0, window_bounds = array<i64: 1, 1, 5>}, {pipeline_mode = #tpu.pipeline_mode<synchronous>, transform_indices = @transform_1, window_bounds = array<i64: 5, 128, 128>}, {pipeline_mode = #tpu.pipeline_mode<synchronous>, transform_indices = @transform_2, window_bounds = array<i64: 10000, 128>}, {transform_indices = @transform_3, window_bounds = array<i64: 10000, 128>}]} {
    %get3A = arith.constant 0 : index
    %get3A_0 = arith.constant 0 : index
    %get3A_1 = arith.constant 0 : index
    %get3A_2 = vector.load %arg1[%get3A, %get3A_0, %get3A_1] : memref<1x1x5xf32, #tpu.memory_space<vmem>>, vector<1x1x5xf32>
    %get3A_3 = vector.shape_cast %get3A_2 : vector<1x1x5xf32> to vector<5xf32>
    %broadcast_in_dim3A = vector.shape_cast %get3A_3 : vector<5xf32> to vector<5x1x1xf32>
    %get3A_4 = arith.constant 0 : index
    %get3A_5 = arith.constant 0 : index
    %get3A_6 = arith.constant 0 : index
    %get3A_7 = vector.load %arg2[%get3A_4, %get3A_5, %get3A_6] : memref<5x128x128xf32, #tpu.memory_space<vmem>>, vector<5x128x128xf32>
    %mul3A = vector.broadcast %broadcast_in_dim3A : vector<5x1x1xf32> to vector<5x128x128xf32>
    %mul3A_8 = arith.mulf %mul3A, %get3A_7 : vector<5x128x128xf32>
    %reduce_sum3A = arith.constant dense<0.000000e+00> : vector<128x128xf32>
    %reduce_sum3A_9 = vector.multi_reduction <add>, %mul3A_8, %reduce_sum3A [0] : vector<5x128x128xf32> to vector<128x128xf32>
    %get3A_10 = arith.constant 0 : index
    %get3A_11 = arith.constant 0 : index
    %get3A_12 = vector.load %arg3[%get3A_10, %get3A_11] : memref<10000x128xf32, #tpu.memory_space<vmem>>, vector<10000x128xf32>
    %dot_general3A = arith.constant dense<0.000000e+00> : vector<10000x128xf32>
    %dot_general3A_13 = tpu.matmul %get3A_12, %reduce_sum3A_9, %dot_general3A {dimension_numbers = #tpu.dot_dimension_numbers<[1], [0], [0], [1], [0, 0, 1, 1], [], []>, transpose_lhs_hint = false} : vector<10000x128xf32>, vector<128x128xf32>, vector<10000x128xf32> -> vector<10000x128xf32>
    %swap3A = arith.constant 0 : index
    %swap3A_14 = arith.constant 0 : index
    %swap3A_15 = vector.load %arg4[%swap3A, %swap3A_14] : memref<10000x128xf32, #tpu.memory_space<vmem>>, vector<10000x128xf32>
    tpu.vector_store %arg4[%swap3A, %swap3A_14], %dot_general3A_13 {strides = array<i32>} : memref<10000x128xf32, #tpu.memory_space<vmem>>, vector<10000x128xf32>,
    return
  }
  func.func @transform_0(%arg0: i32) -> (i32, i32, i32) {
    %c0_i32 = arith.constant 0 : i32
    %c0_i32_0 = arith.constant 0 : i32
    %c0_i32_1 = arith.constant 0 : i32
    return %arg0, %c0_i32, %c0_i32_0 : i32, i32, i32
  }
  func.func @transform_1(%arg0: i32) -> (i32, i32, i32) {
    %c0_i32 = arith.constant 0 : i32
    %c0_i32_0 = arith.constant 0 : i32
    %c0_i32_1 = arith.constant 0 : i32
    %c0_i32_2 = arith.constant 0 : i32
    return %c0_i32, %c0_i32_0, %c0_i32_1 : i32, i32, i32
  }
  func.func @transform_2(%arg0: i32) -> (i32, i32) {
    %c0_i32 = arith.constant 0 : i32
    %c0_i32_0 = arith.constant 0 : i32
    %c0_i32_1 = arith.constant 0 : i32
    return %c0_i32, %c0_i32_0 : i32, i32
  }
  func.func @transform_3(%arg0: i32) -> (i32, i32) {
    %c0_i32 = arith.constant 0 : i32
    %c0_i32_0 = arith.constant 0 : i32
    return %arg0, %c0_i32 : i32, i32
  }
}

module attributes {stable_mosaic.version = 14 : i64} {
  func.func @_combine_body(%arg0: i32, %arg1: memref<20224x128xf32, #tpu.memory_space<vmem>>, %arg2: memref<10000x128xf32, #tpu.memory_space<vmem>>, %arg3: memref<1x128xf32, #tpu.memory_space<vmem>>, %arg4: memref<10000x128xf32, #tpu.memory_space<vmem>>) attributes {dimension_semantics = [#tpu.dimension_semantics<arbitrary>], iteration_bounds = array<i64: 1>, scalar_prefetch = 0 : i64, scratch_operands = 0 : i64, tpu.core_type = #tpu.core_type<tc>, window_params = [{pipeline_mode = #tpu.pipeline_mode<synchronous>, transform_indices = @transform_0, window_bounds = array<i64: 20224, 128>}, {transform_indices = @transform_1, window_bounds = array<i64: 10000, 128>}, {pipeline_mode = #tpu.pipeline_mode<synchronous>, transform_indices = @transform_2, window_bounds = array<i64: 1, 128>}, {pipeline_mode = #tpu.pipeline_mode<synchronous>, transform_indices = @transform_3, window_bounds = array<i64: 10000, 128>}]} {
    %get3A = arith.constant 0 : index
    %get3A_0 = arith.constant 0 : index
    %get3A_1 = vector.load %arg1[%get3A, %get3A_0] : memref<20224x128xf32, #tpu.memory_space<vmem>>, vector<10000x128xf32>
    %get3A_2 = arith.constant 10112 : index
    %get3A_3 = arith.constant 0 : index
    %get3A_4 = vector.load %arg1[%get3A_2, %get3A_3] : memref<20224x128xf32, #tpu.memory_space<vmem>>, vector<10000x128xf32>
    %add3A = arith.addf %get3A_1, %get3A_4 : vector<10000x128xf32>
    %get3A_5 = arith.constant 0 : index
    %get3A_6 = arith.constant 0 : index
    %get3A_7 = vector.load %arg2[%get3A_5, %get3A_6] : memref<10000x128xf32, #tpu.memory_space<vmem>>, vector<10000x128xf32>
    %add3A_8 = arith.addf %add3A, %get3A_7 : vector<10000x128xf32>
    %get3A_9 = arith.constant 0 : index
    %get3A_10 = arith.constant 0 : index
    %get3A_11 = vector.load %arg3[%get3A_9, %get3A_10] : memref<1x128xf32, #tpu.memory_space<vmem>>, vector<1x128xf32>
    %add3A_12 = vector.broadcast %get3A_11 : vector<1x128xf32> to vector<10000x128xf32>
    %add3A_13 = arith.addf %add3A_8, %add3A_12 : vector<10000x128xf32>
    %swap3A = arith.constant 0 : index
    %swap3A_14 = arith.constant 0 : index
    %swap3A_15 = vector.load %arg4[%swap3A, %swap3A_14] : memref<10000x128xf32, #tpu.memory_space<vmem>>, vector<10000x128xf32>
    tpu.vector_store %arg4[%swap3A, %swap3A_14], %add3A_13 {strides = array<i32>} : memref<10000x128xf32, #tpu.memory_space<vmem>>, vector<10000x128xf32>,
    return
  }
  func.func @transform_0(%arg0: i32) -> (i32, i32) {
    %c0_i32 = arith.constant 0 : i32
    %c0_i32_0 = arith.constant 0 : i32
    %c0_i32_1 = arith.constant 0 : i32
    return %c0_i32, %c0_i32_0 : i32, i32
  }
  func.func @transform_1(%arg0: i32) -> (i32, i32) {
    %c32_i32 = arith.constant 32 : i32
    %c0_i32 = arith.constant 0 : i32
    %c0_i32_0 = arith.constant 0 : i32
    return %c32_i32, %c0_i32 : i32, i32
  }
  func.func @transform_2(%arg0: i32) -> (i32, i32) {
    %c0_i32 = arith.constant 0 : i32
    %c0_i32_0 = arith.constant 0 : i32
    %c0_i32_1 = arith.constant 0 : i32
    return %c0_i32, %c0_i32_0 : i32, i32
  }
  func.func @transform_3(%arg0: i32) -> (i32, i32) {
    %c0_i32 = arith.constant 0 : i32
    %c0_i32_0 = arith.constant 0 : i32
    %c0_i32_1 = arith.constant 0 : i32
    return %c0_i32, %c0_i32_0 : i32, i32
  }
}

</mosaic_0001>

<sc_bundles>
// kernel: kernel.11.cloned.1.call-start
scs
__scs_entry_jumppad:
0x0: {  	(pc) =	sbr.rel $0x88, $3  }
0x1: {  	(tag) =	ssettag $0x0;
	lr =	simm.s32 $0x1  }
0x2: {  	[smem:$0x3F96] =	sst lr;
	_ =	strace $0xD0000000  }
0x3: {  	_ = 	snop  }
0x4: {  	_ = 	snop  }
0x5: {  	_ = 	snop  }
0x6: {  	_ = 	snop  }
0x7: {  	_ = 	snop  }
__scs_overlays_trampoline_lowered:
0x8: {  	[smem:$0x3FA5] =	sst s0  }
0x9: {  	[smem:$0x3FA6] =	sst s1  }
0xa: {  	[smem:$0x3FA7] =	sst s2  }
0xb: {  	[smem:$0x3FA8] =	sst s3  }
0xc: {  	[smem:$0x3FA9] =	sst s4  }
0xd: {  	[smem:$0x3FAA] =	sst s5  }
0xe: {  	[smem:$0x3FAB] =	sst s6  }
0xf: {  	[smem:$0x3FAC] =	sst s7  }
0x10: {  	[smem:$0x3FAD] =	sst s8  }
0x11: {  	[smem:$0x3FAE] =	sst s9;
	s0 =	simm.s32 @!p0 $0x0  }
0x12: {  	s1 =	sld [smem:$0x3F94];
	s0 =	simm.s32 @p0 $0x1  }
0x13: {  	[smem:$0x3FAF] =	sst s0;
	s0 =	simm.s32 @!p1 $0x0  }
0x14: {  	s2 =	sld [smem:$0x3F93];
	s0 =	simm.s32 @p1 $0x1  }
0x15: {  	[smem:$0x3FB0] =	sst s0;
	s0 =	simm.s32 @!p2 $0x0  }
0x16: {  	s3 =	sld [smem:$0x3FDB];
	s0 =	simm.s32 @p2 $0x1  }
0x17: {  	s4 =	simm.s32 $0x1BF5;
	[smem:$0x3FB2] =	sst s0  }
0x18: {  	s0 =	sld [smem:$0x3F95];
	_ =	swait.ge [sflag:s4], $0x0  }
0x19: {  	s7 =	sld [smem:$0x3F96]  }
0x1a: {  	s8 =	sadd.s32 $0xFFFFE003, lr  }
0x1b: {  	s9 =	sadd.s32 $0xFFFFFEF7, lr;
	s5 =	simm.s32 $0xFFFFFFFF;
	p2 =	slt.u32 s8, $0xFFFFF086  }
0x1c: {  	p1 =	slt.u32 s9, $0xF7A;
	s5 =	simm.s32 @!p2 $0x0  }
0x1d: {  	s5 =	simm.s32 @p1 $0x1;
	p0 =	seq.s32 s7, s2  }
0x1e: {  	s7 =	smul.u32 @!p0 $0xF7A, s2;
	p2 =	seq.s32 @!p0 s5, $0x0  }
0x1f: {  	s9 =	smul.u32 $0xF7A, s1;
	s8 =	simm.s32 @!p0 $0x1BF5;
	p2 =	por !p2, p0  }
0x20: {  	[sflag:s8] =	ssyncset.s32 @!p0 $0xFFFFF086;
	s6 =	sadd.s32 @!p0 s3, s7;
	s7 =	simm.s32 @!p0 $0x108  }
0x21: {  	s3 =	sadd.s32 s3, s9;
	s6 =	sadd.s32 @!p0 $0x88, s6;
	s7 =	simm.s32 @p2 $0x1082  }
0x22: {  	[simem:s7], [sflag:s8] =	dma.local @!p0 [hbm:s6], $0xF7A  }
0x23: {  	s9 =	sor.u32 $0xD0000000, s2;
	s6 =	simm.s32 $0x108;
	_ =	swait.ge @!p0 [sflag:s8], $0x0  }
0x24: {  	s3 =	sadd.s32 $0x88, s3;
	s6 =	simm.s32 @!p1 $0x1082;
	[sflag:s4] =	ssyncset.s32 $0xFFFFF086  }
0x25: {  	[simem:s6], [sflag:s4] =	dma.local [hbm:s3], $0xF7A  }
0x26: {  	[smem:$0x3F96] =	sst s1;
	(tag) =	ssettag s2;
	_ =	strace s9  }
0x27: {  	s1 =	sld [smem:$0x3FA6]  }
0x28: {  	s2 =	sld [smem:$0x3FA7]  }
0x29: {  	s4 =	sld [smem:$0x3FA9]  }
0x2a: {  	p0 =	seq.s32 s5, $0x0;
	s5 =	sld [smem:$0x3FAA]  }
0x2b: {  	s6 =	sld [smem:$0x3FAB]  }
0x2c: {  	s7 =	sld [smem:$0x3FAC]  }
0x2d: {  	s3 =	simm.s32 $0x108;
	s8 =	sld [smem:$0x3FAD]  }
0x2e: {  	s3 =	simm.s32 @!p0 $0x1082;
	s9 =	sld [smem:$0x3FAE]  }
0x2f: {  	lr =	sadd.s32 s0, s3;
	s0 =	sld [smem:$0x3FA5]  }
0x30: {  	s3 =	sld [smem:$0x3FA8]  }
0x31: {  	[smem:$0x3FB1] =	sst s10  }
0x32: {  	s10 =	sld [smem:$0x3FAF];
	_ =	sdelay $0x3  }
0x33: {  	p0 =	seq.s32 s10, $0x1;
	s10 =	sld [smem:$0x3FB1];
	_ =	sdelay $0x3  }
0x34: {  	[smem:$0x3FB1] =	sst s10  }
0x35: {  	s10 =	sld [smem:$0x3FB0];
	_ =	sdelay $0x3  }
0x36: {  	p1 =	seq.s32 s10, $0x1;
	s10 =	sld [smem:$0x3FB1];
	_ =	sdelay $0x3  }
0x37: {  	[smem:$0x3FB1] =	sst s10  }
0x38: {  	s10 =	sld [smem:$0x3FB2]  }
0x39: {  	_ = 	snop;
	(pc) =	sbr.ind lr, $3  }
0x3a: {  	_ = 	snop  }
0x3b: {  	_ = 	snop  }
0x3c: {  	p2 =	seq.s32 s10, $0x1;
	s10 =	sld [smem:$0x3FB1]  }
0x3d: {  	_ =	shalt  }
0x3e: {  	_ =	shalt  }
0x3f: {  	_ =	shalt  }
0x40: {  	_ =	shalt  }
0x41: {  	_ =	shalt  }
0x42: {  	_ =	shalt  }
0x43: {  	_ =	shalt  }
0x44: {  	_ =	shalt  }
0x45: {  	_ =	shalt  }
0x46: {  	_ =	shalt  }
0x47: {  	_ =	shalt  }
0x48: {  	_ =	shalt  }
0x49: {  	_ =	shalt  }
0x4a: {  	_ =	shalt  }
0x4b: {  	_ =	shalt  }
0x4c: {  	_ =	shalt  }
0x4d: {  	_ =	shalt  }
0x4e: {  	_ =	shalt  }
0x4f: {  	_ =	shalt  }
0x50: {  	_ =	shalt  }
0x51: {  	_ =	shalt  }
0x52: {  	_ =	shalt  }
0x53: {  	_ =	shalt  }
0x54: {  	_ =	shalt  }
0x55: {  	_ =	shalt  }
0x56: {  	_ =	shalt  }
0x57: {  	_ =	shalt  }
0x58: {  	_ =	shalt  }
0x59: {  	_ =	shalt  }
0x5a: {  	_ =	shalt  }
0x5b: {  	_ =	shalt  }
0x5c: {  	_ =	shalt  }
0x5d: {  	_ =	shalt  }
0x5e: {  	_ =	shalt  }
0x5f: {  	_ =	shalt  }
0x60: {  	_ =	shalt  }
0x61: {  	_ =	shalt  }
0x62: {  	_ =	shalt  }
0x63: {  	_ =	shalt  }
0x64: {  	_ =	shalt  }
0x65: {  	_ =	shalt  }
0x66: {  	_ =	shalt  }
0x67: {  	_ =	shalt  }
0x68: {  	_ =	shalt  }
0x69: {  	_ =	shalt  }
0x6a: {  	_ =	shalt  }
0x6b: {  	_ =	shalt  }
0x6c: {  	_ =	shalt  }
0x6d: {  	_ =	shalt  }
0x6e: {  	_ =	shalt  }
0x6f: {  	_ =	shalt  }
0x70: {  	_ =	shalt  }
0x71: {  	_ =	shalt  }
0x72: {  	_ =	shalt  }
0x73: {  	_ =	shalt  }
0x74: {  	_ =	shalt  }
0x75: {  	_ =	shalt  }
0x76: {  	_ =	shalt  }
0x77: {  	_ =	shalt  }
0x78: {  	_ =	shalt  }
0x79: {  	_ =	shalt  }
0x7a: {  	_ =	shalt  }
0x7b: {  	_ =	shalt  }
0x7c: {  	_ =	shalt  }
0x7d: {  	_ =	shalt  }
0x7e: {  	_ =	shalt  }
0x7f: {  	_ =	shalt  }
0x80: {  	_ =	shalt  }
0x81: {  	_ =	shalt  }
0x82: {  	_ =	shalt  }
0x83: {  	_ =	shalt  }
0x84: {  	_ =	shalt  }
0x85: {  	_ =	shalt  }
0x86: {  	_ =	shalt  }
0x87: {  	_ =	shalt  }
.Lfunc_end0:
.L_simem_size_0:
called_computation.1_lowered:
.L_overlay_start_0:
0x88: {  	s2 =	sld [smem:$0x3FD9]  }
0x89: {  	s3 =	sld [smem:$0x3FFE];
	_ =	sdelay $0x1  }
0x8a: {  	s1 =	srdreg.scid  }
0x8b: {  	s0 =	sand.u32 $0x1, s1  }
0x8c: {  	s17 =	sshll.u32 s0, $0xA;
	s2 =	sadd.s32 s3, s2  }
0x8d: {  	s2 =	sadd.s32 s2, s17  }
0x8e: {  	[smem:$0x3FBD] =	sst s2  }
0x8f: {  	_ = 	snop  }
0x90: {  	s2 =	sld [smem:$0x3FC8]  }
0x91: {  	s18 =	sld [smem:$0x3FD0];
	(tm) =	ssettm $0x1  }
0x92: {  	s4 =	sld [smem:$0x3FFB];
	_ =	sdelay $0x3  }
0x93: {  	_ =	strace s4  }
0x94: {  	s4 =	sld [smem:$0x3FFC];
	_ =	sdelay $0x3  }
0x95: {  	_ =	strace s4  }
0x96: {  	s4 =	sld [smem:$0x3FFD];
	_ =	sdelay $0x3  }
0x97: {  	_ =	strace s4  }
0x98: {  	_ =	strace $0x8FFFFFFF  }
0x99: {  	s19 =	sld [smem:$0x3FDB];
	_ =	sdelay $0x1  }
0x9a: {  	s5 =	simm.s32 $_scs_section_size  }
0x9b: {  	s6 =	simm.s32 $_size__tile_overlayer_lowered;
	s7 =	simm.s32 $_tile_overlayer_lowered  }
0x9c: {  	s22 =	simm.s32 $0x1BFF;
	s21 =	sshll.u32 s7, $0x1;
	s4 =	sadd.s32 s5, s19  }
0x9d: {  	s8 =	simm.s32 $0x0;
	s20 =	sshll.u32 s6, $0x1;
	s6 =	sadd.s32 s21, s4  }
0x9e: {  	[timem:s8], [sflag:s22] =	dma.local [hbm:s6], s20  }
0x9f: {  	_ =	swait.ge [sflag:s22], s20  }
0xa0: {  	s5 =	ssub.s32 $0x0, s20;
	[sflag:s22] =	ssyncset.done $0x0  }
0xa1: {  	[sflag:s22] =	ssyncadd.s32 s5;
	_ =	sdelay $0x1  }
0xa2: {  	s23 =	simm.s32 $0x1B8B  }
0xa3: {  	_ =	swait.ge [sflag:s23], $0x1  }
0xa4: {  	[sflag:s23] =	ssyncset.done $0x0  }
0xa5: {  	s25 =	simm.s32 $0x1B8E;
	s24 =	sld [smem:$0x3FFE];
	[sflag:s23] =	ssyncadd.s32 $0xFFFFFFFF  }
0xa6: {  	s26 =	simm.s32 $execute0_lowered;
	[smem:$0x3FD2] =	sst s25  }
0xa7: {  	s6 =	sshll.u32 s26, $0x1;
	_ =	strace $0x80000049;
	[dreg:$0x1] =	wrdreg $0xFFFFFFFF  }
0xa8: {  	s28 =	simm.s32 $_size_execute0_lowered;
	s4 =	sadd.s32 s4, s6;
	[dreg:$0x0] =	wrdreg $0x0  }
0xa9: {  	s6 =	sshll.u32 s28, $0x1;
	[dreg:$0x2] =	wrdreg s4  }
0xaa: {  	[dreg:$0x3] =	wrdreg s6  }
0xab: {  	[dreg:$0x4] =	wrdreg $0xC0  }
0xac: {  	_ =	task [dreg:s8], $0x5FFFF  }
0xad: {  	[dreg:$0x1] =	wrdreg $0xFFFFFFFF  }
0xae: {  	[dreg:$0x0] =	wrdreg $0x60  }
0xaf: {  	[dreg:$0x2] =	wrdreg s18  }
0xb0: {  	[dreg:$0x3] =	wrdreg s2  }
0xb1: {  	[dreg:$0x4] =	wrdreg s24  }
0xb2: {  	[dreg:$0x5] =	wrdreg $0xA8000  }
0xb3: {  	[dreg:$0x6] =	wrdreg $0x9  }
0xb4: {  	_ =	task.clear_ibuf [dreg:s8], $0x7FFFF;
	_ =	strace $0x90000049  }
0xb5: {  	s29 =	simm.s32 $0x9;
	_ =	strace $0x8000004B  }
0xb6: {  	_ =	swait.ge [sflag:s29], $0x1  }
0xb7: {  	[sflag:s29] =	ssyncadd.s32 $0xFFFFFFFF  }
0xb8: {  	_ =	strace $0x9000004B  }
0xb9: {  	_ =	sfence  }
0xba: {  	s30 =	sld [smem:$0x0];
	_ =	sdelay $0x2  }
0xbb: {  	s31 =	sshll.u32 s1, $0xD;
	s1 =	sshrl.u32 s1, $0x2  }
0xbc: {  	s3 =	sand.u32 $0x4000, s31;
	s1 =	sadd.s32 s1, s30  }
0xbd: {  	s0 =	sor.u32 s3, s0;
	s1 =	sshll.u32 s1, $0x11  }
0xbe: {  	s0 =	sor.u32 s1, s0  }
0xbf: {  	s0 =	sadd.s32 $0x8F2B, s0  }
0xc0: {  	[sflag:s0] =	ssyncadd.remote.s32 $0x1  }
0xc1: {  	_ =	sfence.sel $0xFFFF  }
0xc2: {  	[dreg:$0x0] =	wrdreg $0xFFFFFFFF;
	(pc) =	sbr.abs _section_cstart, $3  }
0xc3: {  	[dreg:$0x1] =	wrdreg $0xFFFFFFFF  }
0xc4: {  	_ =	task.clear_ibuf [dreg:s8], $0x2FFFF;
	_ =	strace $0x9FFFFFFF  }
0xc5: {  	(tm) =	ssettm $0x7FFFFFFF  }
tec
execute0_lowered:
.L_overlay_start_1:
0x0: {  	(tag) =	ssettag $0x1  }
0x1: {  	s20 =	rddreg [dreg:$0x0]  }
0x2: {  	s16 =	rddreg [dreg:$0x1]  }
0x3: {  	s0 =	rddreg [dreg:$0x2]  }
0x4: {  	s4 =	rddreg [dreg:$0x3]  }
0x5: {  	s5 =	simm.s32 $0x0;
	s11 =	stileid.u32;
	s1 =	srdreg.scid  }
0x6: {  	s31 =	simm.s32 $0x300;
	s28 =	simm.s32 $0x1;
	s2 =	smul.u32 $0x2780, s11  }
0x7: {  	[smem:$0x7FF] =	sst s5;
	s1 =	sand.u32 $0x1, s1;
	s8 =	smul.u32 $0x4F000, s11  }
0x8: {  	s6 =	sadd.s32 $0x1A00, s0;
	s9 =	sshll.u32 s11, $0x1;
	s25 =	smul.u32 $0xFA, s11  }
0x9: {  	s19 =	sshll.u32 s11, $0x6;
	_ =	strace $0x8000004A;
	s3 =	smul.u32 $0x27800, s1  }
0xa: {  	s15 =	ssub.s32 $0x2, s1;
	s9 =	sor.u32 s1, s9;
	s14 =	sor.u32 $0x1C15, s19  }
0xb: {  	s29 =	smul.u32 $0x7D, s1;
	s7 =	sadd.s32 s2, s0;
	s10 =	sshrl.u32 s15, $0x1  }
0xc: {  	s8 =	sshrl.u32 s8, $0x2;
	s9 =	smul.u32 $0x2710, s9;
	[dreg:$0x8] =	wrdreg s14  }
0xd: {  	s2 =	sadd.s32 s2, s3;
	s17 =	sadd.s32 s8, s4;
	s18 =	sadd.s32 $0x50AE00, s7  }
0xe: {  	s0 =	sadd.s32 s2, s0;
	s2 =	ssub.s32 s15, s10;
	s15 =	smul.u32 $0x9C4, s11  }
0xf: {  	[dreg:$0x6] =	wrdreg s17;
	s21 =	sshrl.u32 s9, $0x3;
	s17 =	smul.u32 $0x4E2, s1  }
0x10: {  	[dreg:$0x7] =	wrdreg s18;
	s18 =	smul.u32 $0x4E20, s11;
	s22 =	sadd.s32 s16, s21  }
0x11: {  	s1 =	smul.u32 $0x2710, s1;
	s0 =	sadd.s32 $0x532600, s0;
	[dreg:$0xa] =	wrdreg s22  }
0x12: {  	s12 =	sadd.s32 s20, s21;
	s24 =	sadd.s32 $0xA, s21;
	[dreg:$0x14] =	wrdreg s0  }
0x13: {  	s10 =	sadd.s32 $0x14, s21;
	s23 =	sadd.s32 $0x9C40, s12;
	[dreg:$0x9] =	wrdreg s12  }
0x14: {  	s7 =	sadd.s32 $0x1E, s21;
	s26 =	sadd.s32 s20, s24;
	[dreg:$0xb] =	wrdreg s23  }
0x15: {  	s3 =	sadd.s32 s16, s24;
	s30 =	sadd.s32 $0x9C4A, s12;
	[dreg:$0xc] =	wrdreg s26  }
0x16: {  	s13 =	sadd.s32 s20, s10;
	s9 =	sadd.s32 s16, s10;
	[dreg:$0xd] =	wrdreg s3  }
0x17: {  	s19 =	sadd.s32 s15, s16;
	s10 =	sadd.s32 s15, s20;
	[dreg:$0xe] =	wrdreg s30  }
0x18: {  	s21 =	sadd.s32 $0x9C54, s12;
	s1 =	sadd.s32 s1, s18;
	[dreg:$0xf] =	wrdreg s13  }
0x19: {  	s22 =	sadd.s32 s20, s7;
	s15 =	simm.s32 $0x500;
	[dreg:$0x10] =	wrdreg s9  }
0x1a: {  	s3 =	sadd.s32 s29, s25;
	s9 =	sadd.s32 s17, s19;
	[dreg:$0x11] =	wrdreg s21  }
0x1b: {  	s8 =	sadd.s32 s17, s10;
	[dreg:$0x12] =	wrdreg s22;
	s23 =	sadd.s32 s16, s7  }
0x1c: {  	s24 =	sadd.s32 $0x4E340, s1;
	s25 =	smax.u32 s2, $0x1;
	s30 =	sadd.s32 $0x9C5E, s12  }
0x1d: {  	s2 =	simm.s32 $0x15;
	s21 =	simm.s32 $0x200;
	s10 =	simm.s32 $0x80  }
0x1e: {  	s19 =	simm.s32 $0x280;
	s17 =	simm.s32 $0x50;
	[dreg:$0x5] =	wrdreg s3  }
0x1f: {  	s7 =	simm.s32 $0x2;
	s12 =	simm.s32 $0x3;
	[dreg:$0x13] =	wrdreg s23  }
0x20: {  	s13 =	simm.s32 $0x7;
	[dreg:$0x15] =	wrdreg s25;
	s26 =	sadd.s32 $0x28, s9  }
0x21: {  	s0 =	sshrl.u32 s24, $0x3;
	s29 =	sadd.s32 $0x28, s8;
	[dreg:$0x19] =	wrdreg s30  }
0x22: {  	s9 =	simm.s32 $0x480;
	s24 =	simm.s32 $0x100;
	[dreg:$0x16] =	wrdreg s26  }
0x23: {  	s8 =	simm.s32 $0x6;
	[dreg:$0x17] =	wrdreg s29;
	s0 =	sadd.s32 s0, s20  }
0x24: {  	s26 =	simm.s32 $0x180;
	[dreg:$0x18] =	wrdreg s0;
	s0 =	simm.s32 $0x0  }
.LBB2_1:
0x25: {  	[dreg:$0x1a] =	wrdreg s0  }
0x26: {  	s1 =	rddreg [dreg:$0x6]  }
0x27: {  	s25 =	rddreg [dreg:$0x7];
	s23 =	sshrl.u32 s1, $0x3  }
0x28: {  	[dreg:$0x1b] =	wrdreg s23  }
0x29: {  	[spmem:s23], [sflag:s14] =	dma.local [hbm:s25], $0x2780  }
0x2a: {  	_ =	swait.ge [sflag:s2], $0x2780  }
0x2b: {  	[sflag:s2] =	ssyncset.done $0x0  }
0x2c: {  	[sflag:s2] =	ssyncadd.s32 $0xFFFFD880  }
0x2d: {  	[bflag:$0x0] =	sbarrier.arrive $0xFFFF  }
0x2e: {  	s29 =	rddreg [dreg:$0x9]  }
0x2f: {  	[tilespmem:s5], [sflag:$0x1] =	stream.linear.gather [hbm4b:s29+s5], $0x50, $0x38;
	[tilespmem:$0x1E400] =	vst v63  }
0x30: {  	s30 =	rddreg [dreg:$0xa]  }
0x31: {  	[tilespmem:s21], [sflag:$0x5] =	stream.linear.gather [hbm4b:s30+s5], $0x50, $0x38;
	[tilespmem:$0x1E400] =	vst v63  }
0x32: {  	s3 =	simm.s32 $0x400;
	s0 =	rddreg [dreg:$0xb]  }
0x33: {  	[tilespmem:s3], [sflag:$0x9] =	stream.linear.gather [hbm4b:s0+s5], $0x50, $0x38;
	[tilespmem:$0x1E400] =	vst v63  }
0x34: {  	s2 =	rddreg [dreg:$0xc]  }
0x35: {  	[tilespmem:s10], [sflag:$0x2] =	stream.linear.gather [hbm4b:s2+s5], $0x50, $0x38;
	[tilespmem:$0x1E400] =	vst v63  }
0x36: {  	s11 =	rddreg [dreg:$0xd]  }
0x37: {  	[tilespmem:s19], [sflag:$0x6] =	stream.linear.gather [hbm4b:s11+s5], $0x50, $0x38;
	[tilespmem:$0x1E400] =	vst v63  }
0x38: {  	s14 =	rddreg [dreg:$0xe]  }
0x39: {  	[tilespmem:s9], [sflag:$0xA] =	stream.linear.gather [hbm4b:s14+s5], $0x50, $0x38;
	[tilespmem:$0x1E400] =	vst v63  }
0x3a: {  	s18 =	rddreg [dreg:$0xf]  }
0x3b: {  	[tilespmem:s24], [sflag:$0x3] =	stream.linear.gather [hbm4b:s18+s5], $0x50, $0x38;
	[tilespmem:$0x1E400] =	vst v63  }
0x3c: {  	s22 =	rddreg [dreg:$0x10]  }
0x3d: {  	[tilespmem:s31], [sflag:$0x7] =	stream.linear.gather [hbm4b:s22+s5], $0x50, $0x38;
	[tilespmem:$0x1E400] =	vst v63  }
0x3e: {  	s23 =	rddreg [dreg:$0x11]  }
0x3f: {  	[tilespmem:s15], [sflag:$0xB] =	stream.linear.gather [hbm4b:s23+s5], $0x50, $0x38;
	[tilespmem:$0x1E400] =	vst v63  }
0x40: {  	s25 =	rddreg [dreg:$0x12]  }
0x41: {  	[tilespmem:s26], [sflag:$0x4] =	stream.linear.gather [hbm4b:s25+s5], $0x50, $0x38;
	[tilespmem:$0x1E400] =	vst v63  }
0x42: {  	s29 =	rddreg [dreg:$0x13];
	s30 =	simm.s32 $0x380  }
0x43: {  	[tilespmem:s30], [sflag:$0x8] =	stream.linear.gather [hbm4b:s29+s5], $0x50, $0x38;
	[tilespmem:$0x1E400] =	vst v63  }
0x44: {  	s0 =	rddreg [dreg:$0x19];
	s2 =	simm.s32 $0x580  }
0x45: {  	[tilespmem:s2], [sflag:$0xC] =	stream.linear.gather [hbm4b:s0+s5], $0x50, $0x38;
	[tilespmem:$0x1E400] =	vst v63  }
0x46: {  	_ =	swait.ge [sflag:s28], $0x50  }
0x47: {  	[sflag:s28] =	ssyncset.done $0x0  }
0x48: {  	s0 =	simm.s32 $0x5;
	[sflag:s28] =	ssyncadd.s32 $0xFFFFFFB0  }
0x49: {  	_ =	swait.ge [sflag:s0], $0x50  }
0x4a: {  	[sflag:s0] =	ssyncset.done $0x0  }
0x4b: {  	[sflag:s0] =	ssyncadd.s32 $0xFFFFFFB0  }
0x4c: {  	v0 =	vld [tilespmem:$0x200]  }
0x4d: {  	v1 =	vld [tilespmem:$0x0]  }
0x4e: {  	v2 =	vld [tilespmem:$0x210]  }
0x4f: {  	v3 =	vld [tilespmem:$0x10]  }
0x50: {  	v4 =	vld [tilespmem:$0x220]  }
0x51: {  	v5 =	vld [tilespmem:$0x20]  }
0x52: {  	v6 =	vld [tilespmem:$0x230]  }
0x53: {  	v7 =	vld [tilespmem:$0x240]  }
0x54: {  	v8 =	vld [tilespmem:$0x30];
	v0 =	vmul.u32 $0x2710, v0  }
0x55: {  	v9 =	vld [tilespmem:$0x40];
	v2 =	vmul.u32 $0x2710, v2  }
0x56: {  	v0 =	vadd.s32 v1, v0;
	v1 =	vmul.u32 $0x2710, v4  }
0x57: {  	[tilespmem:$0x600] =	vst v0;
	v0 =	vadd.s32 v3, v2;
	v2 =	vmul.u32 $0x2710, v6  }
0x58: {  	[tilespmem:$0x610] =	vst v0;
	v0 =	vadd.s32 v5, v1;
	v1 =	vmul.u32 $0x2710, v7  }
0x59: {  	[tilespmem:$0x620] =	vst v0;
	v0 =	vadd.s32 v8, v2  }
0x5a: {  	[tilespmem:$0x630] =	vst v0;
	v0 =	vadd.s32 v9, v1  }
0x5b: {  	s11 =	simm.s32 $0x600;
	s25 =	simm.s32 $0x800;
	[tilespmem:$0x640] =	vst v0  }
0x5c: {  	[tilespmem:s25], [sflag:$0xD] =	stream.indirect.gather [hbm4b:s6+s17], $0x80, s11, s17, $0xb8;
	[tilespmem:$0x1E400] =	vst v63  }
0x5d: {  	_ =	swait.ge [sflag:s7], $0x50  }
0x5e: {  	[sflag:s7] =	ssyncset.done $0x0  }
0x5f: {  	[sflag:s7] =	ssyncadd.s32 $0xFFFFFFB0  }
0x60: {  	_ =	swait.ge [sflag:s8], $0x50  }
0x61: {  	[sflag:s8] =	ssyncset.done $0x0  }
0x62: {  	[sflag:s8] =	ssyncadd.s32 $0xFFFFFFB0  }
0x63: {  	v0 =	vld [tilespmem:$0x280]  }
0x64: {  	v1 =	vld [tilespmem:$0x80]  }
0x65: {  	v2 =	vld [tilespmem:$0x290]  }
0x66: {  	v3 =	vld [tilespmem:$0x90]  }
0x67: {  	v4 =	vld [tilespmem:$0x2A0]  }
0x68: {  	v5 =	vld [tilespmem:$0xA0]  }
0x69: {  	v6 =	vld [tilespmem:$0x2B0]  }
0x6a: {  	v7 =	vld [tilespmem:$0x2C0]  }
0x6b: {  	v53 =	vld [tilespmem:$0xB0];
	v0 =	vmul.u32 $0x2710, v0  }
0x6c: {  	v54 =	vld [tilespmem:$0xC0];
	v2 =	vmul.u32 $0x2710, v2  }
0x6d: {  	v0 =	vadd.s32 v1, v0;
	v1 =	vmul.u32 $0x2710, v4  }
0x6e: {  	[tilespmem:$0x680] =	vst v0;
	v0 =	vadd.s32 v3, v2;
	v2 =	vmul.u32 $0x2710, v6  }
0x6f: {  	[tilespmem:$0x690] =	vst v0;
	v0 =	vadd.s32 v5, v1;
	v1 =	vmul.u32 $0x2710, v7  }
0x70: {  	[tilespmem:$0x6A0] =	vst v0;
	v0 =	vadd.s32 v53, v2  }
0x71: {  	[tilespmem:$0x6B0] =	vst v0;
	v0 =	vadd.s32 v54, v1  }
0x72: {  	s23 =	simm.s32 $0x3000;
	s11 =	simm.s32 $0x680;
	[tilespmem:$0x6C0] =	vst v0  }
0x73: {  	[tilespmem:s23], [sflag:$0xE] =	stream.indirect.gather [hbm4b:s6+s17], $0x80, s11, s17, $0xb8;
	[tilespmem:$0x1E400] =	vst v63  }
0x74: {  	_ =	swait.ge [sflag:s12], $0x50  }
0x75: {  	[sflag:s12] =	ssyncset.done $0x0  }
0x76: {  	[sflag:s12] =	ssyncadd.s32 $0xFFFFFFB0  }
0x77: {  	_ =	swait.ge [sflag:s13], $0x50  }
0x78: {  	[sflag:s13] =	ssyncset.done $0x0  }
0x79: {  	[sflag:s13] =	ssyncadd.s32 $0xFFFFFFB0  }
0x7a: {  	v0 =	vld [tilespmem:$0x300]  }
0x7b: {  	v1 =	vld [tilespmem:$0x100]  }
0x7c: {  	v2 =	vld [tilespmem:$0x310]  }
0x7d: {  	v3 =	vld [tilespmem:$0x110]  }
0x7e: {  	v4 =	vld [tilespmem:$0x320]  }
0x7f: {  	v5 =	vld [tilespmem:$0x120]  }
0x80: {  	v6 =	vld [tilespmem:$0x330]  }
0x81: {  	v7 =	vld [tilespmem:$0x340]  }
0x82: {  	v55 =	vld [tilespmem:$0x130];
	v0 =	vmul.u32 $0x2710, v0  }
0x83: {  	v56 =	vld [tilespmem:$0x140];
	v2 =	vmul.u32 $0x2710, v2  }
0x84: {  	v0 =	vadd.s32 v1, v0;
	v1 =	vmul.u32 $0x2710, v4  }
0x85: {  	[tilespmem:$0x700] =	vst v0;
	v0 =	vadd.s32 v3, v2;
	v2 =	vmul.u32 $0x2710, v6  }
0x86: {  	[tilespmem:$0x710] =	vst v0;
	v0 =	vadd.s32 v5, v1;
	v1 =	vmul.u32 $0x2710, v7  }
0x87: {  	[tilespmem:$0x720] =	vst v0;
	v0 =	vadd.s32 v55, v2  }
0x88: {  	[tilespmem:$0x730] =	vst v0;
	v0 =	vadd.s32 v56, v1  }
0x89: {  	s14 =	simm.s32 $0x700;
	s18 =	simm.s32 $0x5800;
	s15 =	simm.s32 $0x4;
	[tilespmem:$0x740] =	vst v0  }
0x8a: {  	[tilespmem:s18], [sflag:$0xF] =	stream.indirect.gather [hbm4b:s6+s17], $0x80, s14, s17, $0xb8;
	[tilespmem:$0x1E400] =	vst v63  }
0x8b: {  	_ =	swait.ge [sflag:s15], $0x50  }
0x8c: {  	[sflag:s15] =	ssyncset.done $0x0  }
0x8d: {  	s22 =	simm.s32 $0x8;
	[sflag:s15] =	ssyncadd.s32 $0xFFFFFFB0  }
0x8e: {  	_ =	swait.ge [sflag:s22], $0x50  }
0x8f: {  	[sflag:s22] =	ssyncset.done $0x0  }
0x90: {  	[sflag:s22] =	ssyncadd.s32 $0xFFFFFFB0  }
0x91: {  	v0 =	vld [tilespmem:$0x380]  }
0x92: {  	v1 =	vld [tilespmem:$0x180]  }
0x93: {  	v2 =	vld [tilespmem:$0x390]  }
0x94: {  	v3 =	vld [tilespmem:$0x190]  }
0x95: {  	v4 =	vld [tilespmem:$0x3A0]  }
0x96: {  	v5 =	vld [tilespmem:$0x1A0]  }
0x97: {  	v6 =	vld [tilespmem:$0x3B0]  }
0x98: {  	v7 =	vld [tilespmem:$0x3C0]  }
0x99: {  	v57 =	vld [tilespmem:$0x1B0];
	v0 =	vmul.u32 $0x2710, v0  }
0x9a: {  	v58 =	vld [tilespmem:$0x1C0];
	v2 =	vmul.u32 $0x2710, v2  }
0x9b: {  	v0 =	vadd.s32 v1, v0;
	v1 =	vmul.u32 $0x2710, v4  }
0x9c: {  	[tilespmem:$0x780] =	vst v0;
	v0 =	vadd.s32 v3, v2;
	v2 =	vmul.u32 $0x2710, v6  }
0x9d: {  	[tilespmem:$0x790] =	vst v0;
	v0 =	vadd.s32 v5, v1;
	v1 =	vmul.u32 $0x2710, v7  }
0x9e: {  	[tilespmem:$0x7A0] =	vst v0;
	v0 =	vadd.s32 v57, v2  }
0x9f: {  	[tilespmem:$0x7B0] =	vst v0;
	v0 =	vadd.s32 v58, v1  }
0xa0: {  	s26 =	simm.s32 $0x780;
	s29 =	simm.s32 $0xD;
	s22 =	simm.s32 $0x8000;
	[tilespmem:$0x7C0] =	vst v0  }
0xa1: {  	[tilespmem:s22], [sflag:$0x10] =	stream.indirect.gather [hbm4b:s6+s17], $0x80, s26, s17, $0xb8;
	[tilespmem:$0x1E400] =	vst v63  }
0xa2: {  	_ =	swait.ge [sflag:s29], $0x2800  }
0xa3: {  	[sflag:s29] =	ssyncset.done $0x0  }
0xa4: {  	s30 =	simm.s32 $0x9;
	[sflag:s29] =	ssyncadd.s32 $0xFFFFD800  }
0xa5: {  	_ =	swait.ge [sflag:s30], $0x50  }
0xa6: {  	[sflag:s30] =	ssyncset.done $0x0  }
0xa7: {  	[sflag:s30] =	ssyncadd.s32 $0xFFFFFFB0  }
0xa8: {  	[spmem:s4] =	stream.indirect.scatter.add.f32 [tilespmem:s25], [sflag:$0x11], $0x80, s3, s17, $0xb8;
	[tilespmem:$0x1E400] =	vst v63  }
0xa9: {  	s26 =	rddreg [dreg:$0x17]  }
0xaa: {  	[tilespmem:s5], [sflag:$0x1] =	stream.linear.gather [hbm4b:s26+s5], $0x50, $0x38;
	[tilespmem:$0x1E400] =	vst v63  }
0xab: {  	s2 =	simm.s32 $0xE;
	s15 =	rddreg [dreg:$0x16]  }
0xac: {  	[tilespmem:s21], [sflag:$0x5] =	stream.linear.gather [hbm4b:s15+s5], $0x50, $0x38;
	[tilespmem:$0x1E400] =	vst v63  }
0xad: {  	_ =	swait.ge [sflag:s2], $0x2800  }
0xae: {  	[sflag:s2] =	ssyncset.done $0x0  }
0xaf: {  	[sflag:s2] =	ssyncadd.s32 $0xFFFFD800;
	s2 =	simm.s32 $0xA  }
0xb0: {  	_ =	swait.ge [sflag:s2], $0x50  }
0xb1: {  	s14 =	rddreg [dreg:$0x5]  }
0xb2: {  	s14 =	sadd.s32 $0x0, s14  }
0xb3: {  	s1 =	sadd.s32 $0x5, s14  }
0xb4: {  	p0 =	slt.s32 s1, $0xF9F  }
0xb5: {  	[sflag:s2] =	ssyncset.done $0x0;
	s1 =	simm.s32 @!p0 $0xF9F  }
0xb6: {  	[sflag:s2] =	ssyncadd.s32 $0xFFFFFFB0;
	s1 =	smul.u32 $0x50, s1  }
0xb7: {  	[spmem:s4] =	stream.indirect.scatter.add.f32 [tilespmem:s23], [sflag:$0x12], $0x80, s9, s17, $0xb8;
	[tilespmem:$0x1E400] =	vst v63  }
0xb8: {  	s1 =	sshrl.u32 s1, $0x3  }
0xb9: {  	s2 =	sadd.s32 s20, s1  }
0xba: {  	[tilespmem:s10], [sflag:$0x2] =	stream.linear.gather [hbm4b:s2+s5], $0x50, $0x38;
	[tilespmem:$0x1E400] =	vst v63  }
0xbb: {  	s1 =	sadd.s32 s16, s1;
	s10 =	simm.s32 $0xF  }
0xbc: {  	[tilespmem:s19], [sflag:$0x6] =	stream.linear.gather [hbm4b:s1+s5], $0x50, $0x38;
	[tilespmem:$0x1E400] =	vst v63  }
0xbd: {  	s1 =	sadd.s32 $0x6, s14;
	_ =	swait.ge [sflag:s10], $0x2800  }
0xbe: {  	p0 =	slt.s32 s1, $0xF9F;
	[sflag:s10] =	ssyncset.done $0x0  }
0xbf: {  	s19 =	simm.s32 $0xB;
	s1 =	simm.s32 @!p0 $0xF9F;
	[sflag:s10] =	ssyncadd.s32 $0xFFFFD800  }
0xc0: {  	s1 =	smul.u32 $0x50, s1;
	_ =	swait.ge [sflag:s19], $0x50  }
0xc1: {  	[sflag:s19] =	ssyncset.done $0x0  }
0xc2: {  	s30 =	simm.s32 $0x500;
	s10 =	sshrl.u32 s1, $0x3;
	[sflag:s19] =	ssyncadd.s32 $0xFFFFFFB0  }
0xc3: {  	[spmem:s4] =	stream.indirect.scatter.add.f32 [tilespmem:s18], [sflag:$0x13], $0x80, s30, s17, $0xb8;
	[tilespmem:$0x1E400] =	vst v63  }
0xc4: {  	s1 =	sadd.s32 s20, s10  }
0xc5: {  	[tilespmem:s24], [sflag:$0x3] =	stream.linear.gather [hbm4b:s1+s5], $0x50, $0x38;
	[tilespmem:$0x1E400] =	vst v63  }
0xc6: {  	s19 =	sadd.s32 s16, s10;
	s10 =	simm.s32 $0x10  }
0xc7: {  	[tilespmem:s31], [sflag:$0x7] =	stream.linear.gather [hbm4b:s19+s5], $0x50, $0x38;
	[tilespmem:$0x1E400] =	vst v63  }
0xc8: {  	s14 =	sadd.s32 $0x7, s14;
	_ =	swait.ge [sflag:s10], $0x2800  }
0xc9: {  	p0 =	slt.s32 s14, $0xF9F;
	[sflag:s10] =	ssyncset.done $0x0  }
0xca: {  	s14 =	simm.s32 @!p0 $0xF9F;
	s18 =	simm.s32 $0xC;
	[sflag:s10] =	ssyncadd.s32 $0xFFFFD800  }
0xcb: {  	s14 =	smul.u32 $0x50, s14;
	_ =	swait.ge [sflag:s18], $0x50  }
0xcc: {  	[sflag:s18] =	ssyncset.done $0x0  }
0xcd: {  	s14 =	sshrl.u32 s14, $0x3;
	s19 =	simm.s32 $0x580;
	[sflag:s18] =	ssyncadd.s32 $0xFFFFFFB0  }
0xce: {  	[spmem:s4] =	stream.indirect.scatter.add.f32 [tilespmem:s22], [sflag:$0x14], $0x80, s19, s17, $0xb8;
	[tilespmem:$0x1E400] =	vst v63  }
0xcf: {  	s29 =	simm.s32 $0x180;
	s31 =	sadd.s32 s20, s14  }
0xd0: {  	[tilespmem:s29], [sflag:$0x4] =	stream.linear.gather [hbm4b:s31+s5], $0x50, $0x38;
	[tilespmem:$0x1E400] =	vst v63  }
0xd1: {  	s14 =	sadd.s32 s16, s14;
	s22 =	simm.s32 $0x380  }
0xd2: {  	[tilespmem:s22], [sflag:$0x8] =	stream.linear.gather [hbm4b:s14+s5], $0x50, $0x38;
	[tilespmem:$0x1E400] =	vst v63  }
0xd3: {  	_ =	swait.ge [sflag:s28], $0x50  }
0xd4: {  	[sflag:s28] =	ssyncset.done $0x0  }
0xd5: {  	[sflag:s28] =	ssyncadd.s32 $0xFFFFFFB0  }
0xd6: {  	_ =	swait.ge [sflag:s0], $0x50  }
0xd7: {  	[sflag:s0] =	ssyncset.done $0x0  }
0xd8: {  	s24 =	simm.s32 $0x11;
	[sflag:s0] =	ssyncadd.s32 $0xFFFFFFB0  }
0xd9: {  	_ =	swait.ge [sflag:s24], $0x2800  }
0xda: {  	[sflag:s24] =	ssyncset.done $0x0  }
0xdb: {  	[sflag:s24] =	ssyncadd.s32 $0xFFFFD800;
	s24 =	rddreg [dreg:$0x18]  }
0xdc: {  	[tilespmem:s3], [sflag:$0x9] =	stream.linear.gather [hbm4b:s24+s5], $0x50, $0x38;
	[tilespmem:$0x1E400] =	vst v63  }
0xdd: {  	v0 =	vld [tilespmem:$0x30]  }
0xde: {  	v1 =	vld [tilespmem:$0x20]  }
0xdf: {  	v2 =	vld [tilespmem:$0x40]  }
0xe0: {  	v3 =	vld [tilespmem:$0x240]  }
0xe1: {  	v4 =	vld [tilespmem:$0x230]  }
0xe2: {  	v5 =	vld [tilespmem:$0x220]  }
0xe3: {  	v6 =	vld [tilespmem:$0x210]  }
0xe4: {  	v7 =	vld [tilespmem:$0x200]  }
0xe5: {  	v59 =	vld [tilespmem:$0x10];
	v3 =	vmul.u32 $0x2710, v3  }
0xe6: {  	v60 =	vld [tilespmem:$0x0];
	v4 =	vmul.u32 $0x2710, v4  }
0xe7: {  	v5 =	vmul.u32 $0x2710, v5;
	v2 =	vadd.s32 v2, v3  }
0xe8: {  	v3 =	vmul.u32 $0x2710, v6;
	v0 =	vadd.s32 v0, v4;
	[tilespmem:$0x640] =	vst v2  }
0xe9: {  	v1 =	vadd.s32 v1, v5;
	v2 =	vmul.u32 $0x2710, v7;
	[tilespmem:$0x630] =	vst v0  }
0xea: {  	[tilespmem:$0x620] =	vst v1;
	v0 =	vadd.s32 v59, v3  }
0xeb: {  	v1 =	vadd.s32 v60, v2;
	[tilespmem:$0x610] =	vst v0  }
0xec: {  	s29 =	simm.s32 $0x600;
	[tilespmem:$0x600] =	vst v1  }
0xed: {  	[tilespmem:s25], [sflag:$0xD] =	stream.indirect.gather [hbm4b:s6+s17], $0x80, s29, s17, $0xb8;
	[tilespmem:$0x1E400] =	vst v63  }
0xee: {  	_ =	swait.ge [sflag:s7], $0x50  }
0xef: {  	[sflag:s7] =	ssyncset.done $0x0  }
0xf0: {  	[sflag:s7] =	ssyncadd.s32 $0xFFFFFFB0  }
0xf1: {  	_ =	swait.ge [sflag:s8], $0x50  }
0xf2: {  	[sflag:s8] =	ssyncset.done $0x0  }
0xf3: {  	s3 =	simm.s32 $0x12;
	[sflag:s8] =	ssyncadd.s32 $0xFFFFFFB0  }
0xf4: {  	_ =	swait.ge [sflag:s3], $0x2800  }
0xf5: {  	[sflag:s3] =	ssyncset.done $0x0  }
0xf6: {  	s2 =	sadd.s32 $0x9C40, s2;
	s28 =	simm.s32 $0x480;
	[sflag:s3] =	ssyncadd.s32 $0xFFFFD800  }
0xf7: {  	[tilespmem:s28], [sflag:$0xA] =	stream.linear.gather [hbm4b:s2+s5], $0x50, $0x38;
	[tilespmem:$0x1E400] =	vst v63  }
0xf8: {  	v0 =	vld [tilespmem:$0xA0]  }
0xf9: {  	v1 =	vld [tilespmem:$0xB0]  }
0xfa: {  	v2 =	vld [tilespmem:$0x80]  }
0xfb: {  	v3 =	vld [tilespmem:$0x2B0]  }
0xfc: {  	v4 =	vld [tilespmem:$0x2A0]  }
0xfd: {  	v5 =	vld [tilespmem:$0x280]  }
0xfe: {  	v6 =	vld [tilespmem:$0x2C0]  }
0xff: {  	v7 =	vld [tilespmem:$0x290]  }
0x100: {  	v61 =	vld [tilespmem:$0xC0];
	v3 =	vmul.u32 $0x2710, v3  }
0x101: {  	v62 =	vld [tilespmem:$0x90];
	v4 =	vmul.u32 $0x2710, v4  }
0x102: {  	v5 =	vmul.u32 $0x2710, v5;
	v1 =	vadd.s32 v1, v3  }
0x103: {  	v0 =	vadd.s32 v0, v4;
	[tilespmem:$0x6B0] =	vst v1;
	v1 =	vmul.u32 $0x2710, v6  }
0x104: {  	v2 =	vadd.s32 v2, v5;
	v3 =	vmul.u32 $0x2710, v7;
	[tilespmem:$0x6A0] =	vst v0  }
0x105: {  	[tilespmem:$0x680] =	vst v2;
	v0 =	vadd.s32 v61, v1  }
0x106: {  	v1 =	vadd.s32 v62, v3;
	[tilespmem:$0x6C0] =	vst v0  }
0x107: {  	[tilespmem:$0x690] =	vst v1  }
0x108: {  	[tilespmem:s23], [sflag:$0xE] =	stream.indirect.gather [hbm4b:s6+s17], $0x80, s11, s17, $0xb8;
	[tilespmem:$0x1E400] =	vst v63  }
0x109: {  	_ =	swait.ge [sflag:s12], $0x50  }
0x10a: {  	[sflag:s12] =	ssyncset.done $0x0  }
0x10b: {  	[sflag:s12] =	ssyncadd.s32 $0xFFFFFFB0  }
0x10c: {  	_ =	swait.ge [sflag:s13], $0x50  }
0x10d: {  	[sflag:s13] =	ssyncset.done $0x0  }
0x10e: {  	s11 =	simm.s32 $0x13;
	[sflag:s13] =	ssyncadd.s32 $0xFFFFFFB0  }
0x10f: {  	_ =	swait.ge [sflag:s11], $0x2800  }
0x110: {  	[sflag:s11] =	ssyncset.done $0x0  }
0x111: {  	s1 =	sadd.s32 $0x9C40, s1;
	[sflag:s11] =	ssyncadd.s32 $0xFFFFD800  }
0x112: {  	[tilespmem:s30], [sflag:$0xB] =	stream.linear.gather [hbm4b:s1+s5], $0x50, $0x38;
	[tilespmem:$0x1E400] =	vst v63  }
0x113: {  	v0 =	vld [tilespmem:$0x120]  }
0x114: {  	v1 =	vld [tilespmem:$0x130]  }
0x115: {  	v2 =	vld [tilespmem:$0x320]  }
0x116: {  	v3 =	vld [tilespmem:$0x330]  }
0x117: {  	v4 =	vld [tilespmem:$0x340]  }
0x118: {  	v5 =	vld [tilespmem:$0x140]  }
0x119: {  	v6 =	vld [tilespmem:$0x300]  }
0x11a: {  	v7 =	vmul.u32 $0x2710, v2  }
0x11b: {  	v3 =	vmul.u32 $0x2710, v3  }
0x11c: {  	v2 =	vld [tilespmem:$0x310];
	v63 =	vmul.u32 $0x2710, v4;
	v7 =	vadd.s32 v0, v7  }
0x11d: {  	v0 =	vld [tilespmem:$0x100];
	v3 =	vadd.s32 v1, v3;
	[tilespmem:$0x720] =	vst v7  }
0x11e: {  	s9 =	simm.s32 $0x14;
	s19 =	smov.u32 s15;
	s14 =	simm.s32 $0x4;
	v4 =	vmul.u32 $0x2710, v6;
	v1 =	vld [tilespmem:$0x110];
	[tilespmem:$0x730] =	vst v3;
	v3 =	vadd.s32 v5, v63  }
.LBB2_2:
0x11f: {  	_ =	sdelay $0x1  }
0x120: {  	v2 =	vmul.u32 $0x2710, v2  }
0x121: {  	[tilespmem:$0x740] =	vst v3;
	v0 =	vadd.s32 v0, v4  }
0x122: {  	[tilespmem:$0x700] =	vst v0;
	v0 =	vadd.s32 v1, v2  }
0x123: {  	s2 =	simm.s32 $0x700;
	s25 =	simm.s32 $0x5800;
	s29 =	simm.s32 $0x4;
	[tilespmem:$0x710] =	vst v0  }
0x124: {  	[tilespmem:s25], [sflag:$0xF] =	stream.indirect.gather [hbm4b:s6+s17], $0x80, s2, s17, $0xb8;
	[tilespmem:$0x1E400] =	vst v63  }
0x125: {  	_ =	swait.ge [sflag:s29], $0x50  }
0x126: {  	[sflag:s29] =	ssyncset.done $0x0  }
0x127: {  	s30 =	simm.s32 $0x8;
	[sflag:s29] =	ssyncadd.s32 $0xFFFFFFB0  }
0x128: {  	_ =	swait.ge [sflag:s30], $0x50  }
0x129: {  	[sflag:s30] =	ssyncset.done $0x0  }
0x12a: {  	[sflag:s30] =	ssyncadd.s32 $0xFFFFFFB0  }
0x12b: {  	_ =	swait.ge [sflag:s9], $0x2800  }
0x12c: {  	[sflag:s9] =	ssyncset.done $0x0  }
0x12d: {  	s0 =	sadd.s32 $0x9C40, s31;
	s28 =	simm.s32 $0x580;
	[sflag:s9] =	ssyncadd.s32 $0xFFFFD800  }
0x12e: {  	[tilespmem:s28], [sflag:$0xC] =	stream.linear.gather [hbm4b:s0+s5], $0x50, $0x38;
	[tilespmem:$0x1E400] =	vst v63  }
0x12f: {  	v0 =	vld [tilespmem:$0x1B0]  }
0x130: {  	v1 =	vld [tilespmem:$0x1A0]  }
0x131: {  	v2 =	vld [tilespmem:$0x1C0]  }
0x132: {  	v3 =	vld [tilespmem:$0x3B0]  }
0x133: {  	v5 =	vld [tilespmem:$0x3A0]  }
0x134: {  	v4 =	vld [tilespmem:$0x3C0]  }
0x135: {  	v6 =	vld [tilespmem:$0x390]  }
0x136: {  	v7 =	vld [tilespmem:$0x380]  }
0x137: {  	v8 =	vld [tilespmem:$0x190];
	v3 =	vmul.u32 $0x2710, v3  }
0x138: {  	v9 =	vld [tilespmem:$0x180];
	v5 =	vmul.u32 $0x2710, v5  }
0x139: {  	v4 =	vmul.u32 $0x2710, v4;
	v0 =	vadd.s32 v0, v3  }
0x13a: {  	v3 =	vmul.u32 $0x2710, v6;
	v1 =	vadd.s32 v1, v5;
	[tilespmem:$0x7B0] =	vst v0  }
0x13b: {  	v0 =	vadd.s32 v2, v4;
	v2 =	vmul.u32 $0x2710, v7;
	[tilespmem:$0x7A0] =	vst v1  }
0x13c: {  	[tilespmem:$0x7C0] =	vst v0;
	v0 =	vadd.s32 v8, v3  }
0x13d: {  	v1 =	vadd.s32 v9, v2;
	[tilespmem:$0x790] =	vst v0  }
0x13e: {  	s7 =	simm.s32 $0x780;
	s23 =	simm.s32 $0x8000;
	s10 =	simm.s32 $0xD;
	[tilespmem:$0x780] =	vst v1  }
0x13f: {  	[tilespmem:s23], [sflag:$0x10] =	stream.indirect.gather [hbm4b:s6+s17], $0x80, s7, s17, $0xb8;
	[tilespmem:$0x1E400] =	vst v63  }
0x140: {  	_ =	swait.ge [sflag:s10], $0x2800  }
0x141: {  	[sflag:s10] =	ssyncset.done $0x0  }
0x142: {  	s15 =	simm.s32 $0x9;
	[sflag:s10] =	ssyncadd.s32 $0xFFFFD800  }
0x143: {  	_ =	swait.ge [sflag:s15], $0x50  }
0x144: {  	[sflag:s15] =	ssyncset.done $0x0  }
0x145: {  	s7 =	simm.s32 $0x800;
	s10 =	simm.s32 $0x400;
	[sflag:s15] =	ssyncadd.s32 $0xFFFFFFB0  }
0x146: {  	[spmem:s4] =	stream.indirect.scatter.add.f32 [tilespmem:s7], [sflag:$0x11], $0x80, s10, s17, $0xb8;
	[tilespmem:$0x1E400] =	vst v63  }
0x147: {  	s26 =	sadd.s32 $0x28, s26  }
0x148: {  	[tilespmem:s5], [sflag:$0x1] =	stream.linear.gather [hbm4b:s26+s5], $0x50, $0x38;
	[tilespmem:$0x1E400] =	vst v63  }
0x149: {  	s19 =	sadd.s32 $0x28, s19;
	s18 =	simm.s32 $0xE  }
0x14a: {  	[tilespmem:s21], [sflag:$0x5] =	stream.linear.gather [hbm4b:s19+s5], $0x50, $0x38;
	[tilespmem:$0x1E400] =	vst v63  }
0x14b: {  	_ =	swait.ge [sflag:s18], $0x2800  }
0x14c: {  	[sflag:s18] =	ssyncset.done $0x0  }
0x14d: {  	s15 =	simm.s32 $0xA;
	[sflag:s18] =	ssyncadd.s32 $0xFFFFD800  }
0x14e: {  	_ =	swait.ge [sflag:s15], $0x50  }
0x14f: {  	s1 =	smov.u32 s14;
	s21 =	rddreg [dreg:$0x5]  }
0x150: {  	s1 =	sadd.s32 s1, s21  }
0x151: {  	s2 =	sadd.s32 $0x5, s1  }
0x152: {  	p1 =	slt.s32 s2, $0xF9F  }
0x153: {  	s29 =	simm.s32 $0x3000;
	[sflag:s15] =	ssyncset.done $0x0;
	s2 =	simm.s32 @!p1 $0xF9F  }
0x154: {  	s0 =	simm.s32 $0x480;
	[sflag:s15] =	ssyncadd.s32 $0xFFFFFFB0;
	s2 =	smul.u32 $0x50, s2  }
0x155: {  	[spmem:s4] =	stream.indirect.scatter.add.f32 [tilespmem:s29], [sflag:$0x12], $0x80, s0, s17, $0xb8;
	[tilespmem:$0x1E400] =	vst v63  }
0x156: {  	s22 =	sshrl.u32 s2, $0x3  }
0x157: {  	s18 =	simm.s32 $0x80;
	s2 =	sadd.s32 s20, s22  }
0x158: {  	[tilespmem:s18], [sflag:$0x2] =	stream.linear.gather [hbm4b:s2+s5], $0x50, $0x38;
	[tilespmem:$0x1E400] =	vst v63  }
0x159: {  	s30 =	simm.s32 $0x280;
	s15 =	sadd.s32 s16, s22  }
0x15a: {  	[tilespmem:s30], [sflag:$0x6] =	stream.linear.gather [hbm4b:s15+s5], $0x50, $0x38;
	[tilespmem:$0x1E400] =	vst v63  }
0x15b: {  	s31 =	sadd.s32 $0x6, s1;
	s15 =	simm.s32 $0xF  }
0x15c: {  	p2 =	slt.s32 s31, $0xF9F;
	_ =	swait.ge [sflag:s15], $0x2800  }
0x15d: {  	s1 =	sadd.s32 $0x7, s1;
	s31 =	simm.s32 @!p2 $0xF9F;
	[sflag:s15] =	ssyncset.done $0x0  }
0x15e: {  	p1 =	slt.s32 s1, $0xF9F;
	s18 =	simm.s32 $0xB;
	[sflag:s15] =	ssyncadd.s32 $0xFFFFD800  }
0x15f: {  	s31 =	smul.u32 $0x50, s31;
	s1 =	simm.s32 @!p1 $0xF9F;
	_ =	swait.ge [sflag:s18], $0x50  }
0x160: {  	s1 =	smul.u32 $0x50, s1;
	[sflag:s18] =	ssyncset.done $0x0  }
0x161: {  	s31 =	sshrl.u32 s31, $0x3;
	s30 =	simm.s32 $0x500;
	[sflag:s18] =	ssyncadd.s32 $0xFFFFFFB0  }
0x162: {  	[spmem:s4] =	stream.indirect.scatter.add.f32 [tilespmem:s25], [sflag:$0x13], $0x80, s30, s17, $0xb8;
	[tilespmem:$0x1E400] =	vst v63  }
0x163: {  	s21 =	sshrl.u32 s1, $0x3;
	s1 =	sadd.s32 s20, s31;
	s22 =	simm.s32 $0x100  }
0x164: {  	[tilespmem:s22], [sflag:$0x3] =	stream.linear.gather [hbm4b:s1+s5], $0x50, $0x38;
	[tilespmem:$0x1E400] =	vst v63  }
0x165: {  	s25 =	sadd.s32 s16, s31;
	s22 =	simm.s32 $0x300  }
0x166: {  	[tilespmem:s22], [sflag:$0x7] =	stream.linear.gather [hbm4b:s25+s5], $0x50, $0x38;
	[tilespmem:$0x1E400] =	vst v63  }
0x167: {  	s25 =	simm.s32 $0x10  }
0x168: {  	_ =	swait.ge [sflag:s25], $0x2800  }
0x169: {  	[sflag:s25] =	ssyncset.done $0x0  }
0x16a: {  	s22 =	simm.s32 $0xC;
	[sflag:s25] =	ssyncadd.s32 $0xFFFFD800  }
0x16b: {  	_ =	swait.ge [sflag:s22], $0x50  }
0x16c: {  	[sflag:s22] =	ssyncset.done $0x0  }
0x16d: {  	[sflag:s22] =	ssyncadd.s32 $0xFFFFFFB0  }
0x16e: {  	[spmem:s4] =	stream.indirect.scatter.add.f32 [tilespmem:s23], [sflag:$0x14], $0x80, s28, s17, $0xb8;
	[tilespmem:$0x1E400] =	vst v63  }
0x16f: {  	s31 =	sadd.s32 s20, s21;
	s23 =	simm.s32 $0x180  }
0x170: {  	[tilespmem:s23], [sflag:$0x4] =	stream.linear.gather [hbm4b:s31+s5], $0x50, $0x38;
	[tilespmem:$0x1E400] =	vst v63  }
0x171: {  	s15 =	sadd.s32 s16, s21;
	s28 =	simm.s32 $0x1;
	s23 =	simm.s32 $0x380  }
0x172: {  	[tilespmem:s23], [sflag:$0x8] =	stream.linear.gather [hbm4b:s15+s5], $0x50, $0x38;
	[tilespmem:$0x1E400] =	vst v63  }
0x173: {  	_ =	swait.ge [sflag:s28], $0x50  }
0x174: {  	[sflag:s28] =	ssyncset.done $0x0  }
0x175: {  	s23 =	simm.s32 $0x5;
	[sflag:s28] =	ssyncadd.s32 $0xFFFFFFB0  }
0x176: {  	_ =	swait.ge [sflag:s23], $0x50  }
0x177: {  	[sflag:s23] =	ssyncset.done $0x0  }
0x178: {  	[sflag:s23] =	ssyncadd.s32 $0xFFFFFFB0;
	s23 =	simm.s32 $0x11  }
0x179: {  	_ =	swait.ge [sflag:s23], $0x2800  }
0x17a: {  	[sflag:s23] =	ssyncset.done $0x0  }
0x17b: {  	s24 =	sadd.s32 $0x28, s24;
	[sflag:s23] =	ssyncadd.s32 $0xFFFFD800  }
0x17c: {  	[tilespmem:s10], [sflag:$0x9] =	stream.linear.gather [hbm4b:s24+s5], $0x50, $0x38;
	[tilespmem:$0x1E400] =	vst v63  }
0x17d: {  	v1 =	vld [tilespmem:$0x30]  }
0x17e: {  	v2 =	vld [tilespmem:$0x20]  }
0x17f: {  	v3 =	vld [tilespmem:$0x40]  }
0x180: {  	v4 =	vld [tilespmem:$0x240]  }
0x181: {  	v5 =	vld [tilespmem:$0x230]  }
0x182: {  	v6 =	vld [tilespmem:$0x220]  }
0x183: {  	v7 =	vld [tilespmem:$0x210]  }
0x184: {  	v58 =	vld [tilespmem:$0x200]  }
0x185: {  	v0 =	vld [tilespmem:$0x10];
	v4 =	vmul.u32 $0x2710, v4  }
0x186: {  	v59 =	vld [tilespmem:$0x0];
	v5 =	vmul.u32 $0x2710, v5  }
0x187: {  	v6 =	vmul.u32 $0x2710, v6;
	v3 =	vadd.s32 v3, v4  }
0x188: {  	v4 =	vmul.u32 $0x2710, v7;
	v1 =	vadd.s32 v1, v5;
	[tilespmem:$0x640] =	vst v3  }
0x189: {  	v2 =	vadd.s32 v2, v6;
	v3 =	vmul.u32 $0x2710, v58;
	[tilespmem:$0x630] =	vst v1  }
0x18a: {  	[tilespmem:$0x620] =	vst v2;
	v0 =	vadd.s32 v0, v4  }
0x18b: {  	v1 =	vadd.s32 v59, v3;
	[tilespmem:$0x610] =	vst v0  }
0x18c: {  	s23 =	simm.s32 $0x600;
	[tilespmem:$0x600] =	vst v1  }
0x18d: {  	[tilespmem:s7], [sflag:$0xD] =	stream.indirect.gather [hbm4b:s6+s17], $0x80, s23, s17, $0xb8;
	[tilespmem:$0x1E400] =	vst v63  }
0x18e: {  	s7 =	simm.s32 $0x2  }
0x18f: {  	_ =	swait.ge [sflag:s7], $0x50  }
0x190: {  	[sflag:s7] =	ssyncset.done $0x0  }
0x191: {  	[sflag:s7] =	ssyncadd.s32 $0xFFFFFFB0  }
0x192: {  	_ =	swait.ge [sflag:s8], $0x50  }
0x193: {  	[sflag:s8] =	ssyncset.done $0x0  }
0x194: {  	[sflag:s8] =	ssyncadd.s32 $0xFFFFFFB0  }
0x195: {  	_ =	swait.ge [sflag:s3], $0x2800  }
0x196: {  	[sflag:s3] =	ssyncset.done $0x0  }
0x197: {  	s2 =	sadd.s32 $0x9C40, s2;
	[sflag:s3] =	ssyncadd.s32 $0xFFFFD800  }
0x198: {  	[tilespmem:s0], [sflag:$0xA] =	stream.linear.gather [hbm4b:s2+s5], $0x50, $0x38;
	[tilespmem:$0x1E400] =	vst v63  }
0x199: {  	v0 =	vld [tilespmem:$0xA0]  }
0x19a: {  	v1 =	vld [tilespmem:$0xB0]  }
0x19b: {  	v2 =	vld [tilespmem:$0x80]  }
0x19c: {  	v3 =	vld [tilespmem:$0x2B0]  }
0x19d: {  	v4 =	vld [tilespmem:$0x2A0]  }
0x19e: {  	v5 =	vld [tilespmem:$0x280]  }
0x19f: {  	v6 =	vld [tilespmem:$0x2C0]  }
0x1a0: {  	v7 =	vld [tilespmem:$0x290]  }
0x1a1: {  	v60 =	vld [tilespmem:$0xC0];
	v3 =	vmul.u32 $0x2710, v3  }
0x1a2: {  	v61 =	vld [tilespmem:$0x90];
	v4 =	vmul.u32 $0x2710, v4  }
0x1a3: {  	v5 =	vmul.u32 $0x2710, v5;
	v1 =	vadd.s32 v1, v3  }
0x1a4: {  	v0 =	vadd.s32 v0, v4;
	[tilespmem:$0x6B0] =	vst v1;
	v1 =	vmul.u32 $0x2710, v6  }
0x1a5: {  	v2 =	vadd.s32 v2, v5;
	v3 =	vmul.u32 $0x2710, v7;
	[tilespmem:$0x6A0] =	vst v0  }
0x1a6: {  	[tilespmem:$0x680] =	vst v2;
	v0 =	vadd.s32 v60, v1  }
0x1a7: {  	v1 =	vadd.s32 v61, v3;
	[tilespmem:$0x6C0] =	vst v0  }
0x1a8: {  	s23 =	simm.s32 $0x680;
	[tilespmem:$0x690] =	vst v1  }
0x1a9: {  	[tilespmem:s29], [sflag:$0xE] =	stream.indirect.gather [hbm4b:s6+s17], $0x80, s23, s17, $0xb8;
	[tilespmem:$0x1E400] =	vst v63  }
0x1aa: {  	_ =	swait.ge [sflag:s12], $0x50  }
0x1ab: {  	[sflag:s12] =	ssyncset.done $0x0  }
0x1ac: {  	[sflag:s12] =	ssyncadd.s32 $0xFFFFFFB0  }
0x1ad: {  	_ =	swait.ge [sflag:s13], $0x50  }
0x1ae: {  	[sflag:s13] =	ssyncset.done $0x0  }
0x1af: {  	[sflag:s13] =	ssyncadd.s32 $0xFFFFFFB0  }
0x1b0: {  	_ =	swait.ge [sflag:s11], $0x2800  }
0x1b1: {  	[sflag:s11] =	ssyncset.done $0x0  }
0x1b2: {  	s1 =	sadd.s32 $0x9C40, s1;
	[sflag:s11] =	ssyncadd.s32 $0xFFFFD800  }
0x1b3: {  	[tilespmem:s30], [sflag:$0xB] =	stream.linear.gather [hbm4b:s1+s5], $0x50, $0x38;
	[tilespmem:$0x1E400] =	vst v63  }
0x1b4: {  	v3 =	vld [tilespmem:$0x120]  }
0x1b5: {  	v4 =	vld [tilespmem:$0x130]  }
0x1b6: {  	v0 =	vld [tilespmem:$0x320]  }
0x1b7: {  	v1 =	vld [tilespmem:$0x330]  }
0x1b8: {  	v5 =	vld [tilespmem:$0x340]  }
0x1b9: {  	v6 =	vld [tilespmem:$0x140]  }
0x1ba: {  	p0 =	sne.s32 s14, $0x78;
	v7 =	vld [tilespmem:$0x300]  }
.Ltmp0:
0x1bb: {  	v62 =	vmul.u32 $0x2710, v0;
	(pc) =	sbr.rel @p0 .LBB2_2-.Ltmp0, $4  }
0x1bc: {  	v63 =	vmul.u32 $0x2710, v1  }
0x1bd: {  	s14 =	sadd.s32 $0x4, s14;
	v2 =	vld [tilespmem:$0x310];
	v5 =	vmul.u32 $0x2710, v5;
	v3 =	vadd.s32 v3, v62  }
0x1be: {  	s18 =	simm.s32 $0x5800;
	s21 =	simm.s32 $0x200;
	s25 =	simm.s32 $0x580;
	v0 =	vld [tilespmem:$0x100];
	[tilespmem:$0x720] =	vst v3;
	v3 =	vadd.s32 v4, v63  }
0x1bf: {  	s22 =	simm.s32 $0x8000;
	s15 =	simm.s32 $0x400;
	s10 =	simm.s32 $0x800;
	v1 =	vld [tilespmem:$0x110];
	v4 =	vmul.u32 $0x2710, v7;
	[tilespmem:$0x730] =	vst v3;
	v3 =	vadd.s32 v6, v5  }
0x1c0: {  	_ =	sdelay $0x1  }
0x1c1: {  	v2 =	vmul.u32 $0x2710, v2  }
0x1c2: {  	[tilespmem:$0x740] =	vst v3;
	v0 =	vadd.s32 v0, v4  }
0x1c3: {  	[tilespmem:$0x700] =	vst v0;
	v53 =	vadd.s32 v1, v2  }
0x1c4: {  	s0 =	simm.s32 $0x700;
	s1 =	simm.s32 $0x4;
	[tilespmem:$0x710] =	vst v53  }
0x1c5: {  	[tilespmem:s18], [sflag:$0xF] =	stream.indirect.gather [hbm4b:s6+s17], $0x80, s0, s17, $0xb8;
	[tilespmem:$0x1E400] =	vst v63  }
0x1c6: {  	_ =	swait.ge [sflag:s1], $0x50  }
0x1c7: {  	[sflag:s1] =	ssyncset.done $0x0  }
0x1c8: {  	s2 =	simm.s32 $0x8;
	[sflag:s1] =	ssyncadd.s32 $0xFFFFFFB0  }
0x1c9: {  	_ =	swait.ge [sflag:s2], $0x50  }
0x1ca: {  	[sflag:s2] =	ssyncset.done $0x0  }
0x1cb: {  	[sflag:s2] =	ssyncadd.s32 $0xFFFFFFB0  }
0x1cc: {  	_ =	swait.ge [sflag:s9], $0x2800  }
0x1cd: {  	[sflag:s9] =	ssyncset.done $0x0  }
0x1ce: {  	s1 =	sadd.s32 $0x9C40, s31;
	[sflag:s9] =	ssyncadd.s32 $0xFFFFD800  }
0x1cf: {  	[tilespmem:s25], [sflag:$0xC] =	stream.linear.gather [hbm4b:s1+s5], $0x50, $0x38;
	[tilespmem:$0x1E400] =	vst v63  }
0x1d0: {  	v54 =	vld [tilespmem:$0x1B0]  }
0x1d1: {  	v55 =	vld [tilespmem:$0x1A0]  }
0x1d2: {  	v56 =	vld [tilespmem:$0x1C0]  }
0x1d3: {  	v57 =	vld [tilespmem:$0x3B0]  }
0x1d4: {  	v58 =	vld [tilespmem:$0x3C0]  }
0x1d5: {  	v5 =	vld [tilespmem:$0x3A0]  }
0x1d6: {  	v6 =	vld [tilespmem:$0x390]  }
0x1d7: {  	v7 =	vld [tilespmem:$0x380]  }
0x1d8: {  	v8 =	vld [tilespmem:$0x190];
	v3 =	vmul.u32 $0x2710, v57  }
0x1d9: {  	v9 =	vld [tilespmem:$0x180];
	v4 =	vmul.u32 $0x2710, v58  }
0x1da: {  	v5 =	vmul.u32 $0x2710, v5;
	v0 =	vadd.s32 v54, v3  }
0x1db: {  	v59 =	vmul.u32 $0x2710, v6;
	v60 =	vadd.s32 v56, v4;
	[tilespmem:$0x7B0] =	vst v0  }
0x1dc: {  	v61 =	vmul.u32 $0x2710, v7;
	v1 =	vadd.s32 v55, v5;
	[tilespmem:$0x7C0] =	vst v60  }
0x1dd: {  	v62 =	vadd.s32 v8, v59;
	[tilespmem:$0x7A0] =	vst v1  }
0x1de: {  	v63 =	vadd.s32 v9, v61;
	[tilespmem:$0x790] =	vst v62  }
0x1df: {  	s3 =	simm.s32 $0x780;
	s9 =	simm.s32 $0xD;
	[tilespmem:$0x780] =	vst v63  }
0x1e0: {  	[tilespmem:s22], [sflag:$0x10] =	stream.indirect.gather [hbm4b:s6+s17], $0x80, s3, s17, $0xb8;
	[tilespmem:$0x1E400] =	vst v63  }
0x1e1: {  	_ =	swait.ge [sflag:s9], $0x2800  }
0x1e2: {  	[sflag:s9] =	ssyncset.done $0x0  }
0x1e3: {  	s11 =	simm.s32 $0x9;
	[sflag:s9] =	ssyncadd.s32 $0xFFFFD800  }
0x1e4: {  	_ =	swait.ge [sflag:s11], $0x50  }
0x1e5: {  	[sflag:s11] =	ssyncset.done $0x0  }
0x1e6: {  	s14 =	simm.s32 $0xE;
	[sflag:s11] =	ssyncadd.s32 $0xFFFFFFB0  }
0x1e7: {  	[spmem:s4] =	stream.indirect.scatter.add.f32 [tilespmem:s10], [sflag:$0x11], $0x80, s15, s17, $0xb8;
	[tilespmem:$0x1E400] =	vst v63  }
0x1e8: {  	_ =	swait.ge [sflag:s14], $0x2800  }
0x1e9: {  	[sflag:s14] =	ssyncset.done $0x0  }
0x1ea: {  	s15 =	simm.s32 $0xA;
	[sflag:s14] =	ssyncadd.s32 $0xFFFFD800  }
0x1eb: {  	_ =	swait.ge [sflag:s15], $0x50  }
0x1ec: {  	[sflag:s15] =	ssyncset.done $0x0  }
0x1ed: {  	s18 =	simm.s32 $0xF;
	[sflag:s15] =	ssyncadd.s32 $0xFFFFFFB0  }
0x1ee: {  	_ =	swait.ge [sflag:s18], $0x2800  }
0x1ef: {  	[sflag:s18] =	ssyncset.done $0x0  }
0x1f0: {  	s19 =	simm.s32 $0xB;
	[sflag:s18] =	ssyncadd.s32 $0xFFFFD800  }
0x1f1: {  	_ =	swait.ge [sflag:s19], $0x50  }
0x1f2: {  	[sflag:s19] =	ssyncset.done $0x0  }
0x1f3: {  	s22 =	simm.s32 $0x10;
	[sflag:s19] =	ssyncadd.s32 $0xFFFFFFB0  }
0x1f4: {  	_ =	swait.ge [sflag:s22], $0x2800  }
0x1f5: {  	[sflag:s22] =	ssyncset.done $0x0  }
0x1f6: {  	s23 =	simm.s32 $0xC;
	[sflag:s22] =	ssyncadd.s32 $0xFFFFD800  }
0x1f7: {  	_ =	swait.ge [sflag:s23], $0x50  }
0x1f8: {  	[sflag:s23] =	ssyncset.done $0x0  }
0x1f9: {  	s24 =	simm.s32 $0x11;
	[sflag:s23] =	ssyncadd.s32 $0xFFFFFFB0  }
0x1fa: {  	_ =	swait.ge [sflag:s24], $0x2800  }
0x1fb: {  	[sflag:s24] =	ssyncset.done $0x0  }
0x1fc: {  	[sflag:s24] =	ssyncadd.s32 $0xFFFFD800  }
0x1fd: {  	[bflag:$0x0] =	sbarrier.arrive $0xFFFF  }
0x1fe: {  	s14 =	rddreg [dreg:$0x8]  }
0x1ff: {  	s25 =	rddreg [dreg:$0x14]  }
0x200: {  	s2 =	simm.s32 $0x15;
	s26 =	rddreg [dreg:$0x1b]  }
0x201: {  	[hbm:s25], [sflag:s14] =	dma.local [spmem:s26], $0x2780  }
0x202: {  	_ =	swait.ge [sflag:s2], $0x2780  }
0x203: {  	s29 =	rddreg [dreg:$0x1a]  }
0x204: {  	s30 =	rddreg [dreg:$0x15];
	s0 =	sadd.s32 $0x1, s29  }
0x205: {  	p0 =	sne.s32 s0, s30  }
.Ltmp1:
0x206: {  	_ = 	snop;
	(pc) =	sbr.rel @p0 .LBB2_1-.Ltmp1, $4  }
0x207: {  	_ = 	snop  }
0x208: {  	s31 =	simm.s32 $0x300;
	s9 =	simm.s32 $0x480;
	s10 =	simm.s32 $0x80  }
0x209: {  	s15 =	simm.s32 $0x500;
	s19 =	simm.s32 $0x280;
	[sflag:s2] =	ssyncset.done $0x0  }
0x20a: {  	s24 =	simm.s32 $0x100;
	s26 =	simm.s32 $0x180;
	[sflag:s2] =	ssyncadd.s32 $0xFFFFD880  }
0x20b: {  	_ =	sfence.sel $0x180000  }
0x20c: {  	[bflag:$0x0] =	sbarrier.arrive $0xFFFF  }
0x20d: {  	_ =	strace $0x9000004A  }
0x20e: {  	s0 =	stileid.u32;
	[bflag:$0x2] =	sbarrier.arrive $0xFFFF  }
0x20f: {  	p0 =	sne.s32 s0, $0x0;
	s0 =	rddreg [dreg:$0x4]  }
0x210: {  	s0 =	sadd.s32 @!p0 $0x100000, s0  }
0x211: {  	[sflag:s0] =	ssyncadd.tile.s32 @!p0 $0x1;
	_ =	shalt  }
.Lfunc_end2:
_tile_overlayer_lowered:
.L_overlay_start_2:
0x212: {  	(tag) =	ssettag $0x2  }
0x213: {  	s0 =	rddreg [dreg:$0x0];
	s2 =	stileid.u32  }
0x214: {  	s1 =	rddreg [dreg:$0x1];
	p0 =	sne.s32 s2, $0x0  }
0x215: {  	s3 =	rddreg [dreg:$0x2];
	[bflag:$0x3] =	sbarrier.arrive $0xFFFF;
	s2 =	simm.s32 @!p0 $0x1C15  }
0x216: {  	[timem:s3], [sflag:s2] =	dma.local @!p0 [hbm:s0], s1  }
0x217: {  	s0 =	simm.s32 @!p0 $0x15  }
0x218: {  	_ =	swait.ge @!p0 [sflag:s0], s1  }
0x219: {  	s1 =	ssub.s32 @!p0 $0x0, s1;
	[sflag:s0] =	ssyncset.done @!p0 $0x0  }
0x21a: {  	[sflag:s0] =	ssyncadd.s32 @!p0 s1  }
0x21b: {  	[bflag:$0x3] =	sbarrier.arrive $0xFFFF  }
0x21c: {  	_ =	shalt  }

// kernel: kernel.8.cloned.1.call-start
scs
__scs_entry_jumppad:
0x0: {  	(pc) =	sbr.rel $0x88, $3  }
0x1: {  	(tag) =	ssettag $0x0;
	lr =	simm.s32 $0x1  }
0x2: {  	[smem:$0x3F96] =	sst lr;
	_ =	strace $0xD0000000  }
0x3: {  	_ = 	snop  }
0x4: {  	_ = 	snop  }
0x5: {  	_ = 	snop  }
0x6: {  	_ = 	snop  }
0x7: {  	_ = 	snop  }
__scs_overlays_trampoline_lowered:
0x8: {  	[smem:$0x3FA5] =	sst s0  }
0x9: {  	[smem:$0x3FA6] =	sst s1  }
0xa: {  	[smem:$0x3FA7] =	sst s2  }
0xb: {  	[smem:$0x3FA8] =	sst s3  }
0xc: {  	[smem:$0x3FA9] =	sst s4  }
0xd: {  	[smem:$0x3FAA] =	sst s5  }
0xe: {  	[smem:$0x3FAB] =	sst s6  }
0xf: {  	[smem:$0x3FAC] =	sst s7  }
0x10: {  	[smem:$0x3FAD] =	sst s8  }
0x11: {  	[smem:$0x3FAE] =	sst s9;
	s0 =	simm.s32 @!p0 $0x0  }
0x12: {  	s1 =	sld [smem:$0x3F94];
	s0 =	simm.s32 @p0 $0x1  }
0x13: {  	[smem:$0x3FAF] =	sst s0;
	s0 =	simm.s32 @!p1 $0x0  }
0x14: {  	s2 =	sld [smem:$0x3F93];
	s0 =	simm.s32 @p1 $0x1  }
0x15: {  	[smem:$0x3FB0] =	sst s0;
	s0 =	simm.s32 @!p2 $0x0  }
0x16: {  	s3 =	sld [smem:$0x3FDB];
	s0 =	simm.s32 @p2 $0x1  }
0x17: {  	s4 =	simm.s32 $0x1BF5;
	[smem:$0x3FB2] =	sst s0  }
0x18: {  	s0 =	sld [smem:$0x3F95];
	_ =	swait.ge [sflag:s4], $0x0  }
0x19: {  	s7 =	sld [smem:$0x3F96]  }
0x1a: {  	s8 =	sadd.s32 $0xFFFFE003, lr  }
0x1b: {  	s9 =	sadd.s32 $0xFFFFFEF7, lr;
	s5 =	simm.s32 $0xFFFFFFFF;
	p2 =	slt.u32 s8, $0xFFFFF086  }
0x1c: {  	p1 =	slt.u32 s9, $0xF7A;
	s5 =	simm.s32 @!p2 $0x0  }
0x1d: {  	s5 =	simm.s32 @p1 $0x1;
	p0 =	seq.s32 s7, s2  }
0x1e: {  	s7 =	smul.u32 @!p0 $0xF7A, s2;
	p2 =	seq.s32 @!p0 s5, $0x0  }
0x1f: {  	s9 =	smul.u32 $0xF7A, s1;
	s8 =	simm.s32 @!p0 $0x1BF5;
	p2 =	por !p2, p0  }
0x20: {  	[sflag:s8] =	ssyncset.s32 @!p0 $0xFFFFF086;
	s6 =	sadd.s32 @!p0 s3, s7;
	s7 =	simm.s32 @!p0 $0x108  }
0x21: {  	s3 =	sadd.s32 s3, s9;
	s6 =	sadd.s32 @!p0 $0x88, s6;
	s7 =	simm.s32 @p2 $0x1082  }
0x22: {  	[simem:s7], [sflag:s8] =	dma.local @!p0 [hbm:s6], $0xF7A  }
0x23: {  	s9 =	sor.u32 $0xD0000000, s2;
	s6 =	simm.s32 $0x108;
	_ =	swait.ge @!p0 [sflag:s8], $0x0  }
0x24: {  	s3 =	sadd.s32 $0x88, s3;
	s6 =	simm.s32 @!p1 $0x1082;
	[sflag:s4] =	ssyncset.s32 $0xFFFFF086  }
0x25: {  	[simem:s6], [sflag:s4] =	dma.local [hbm:s3], $0xF7A  }
0x26: {  	[smem:$0x3F96] =	sst s1;
	(tag) =	ssettag s2;
	_ =	strace s9  }
0x27: {  	s1 =	sld [smem:$0x3FA6]  }
0x28: {  	s2 =	sld [smem:$0x3FA7]  }
0x29: {  	s4 =	sld [smem:$0x3FA9]  }
0x2a: {  	p0 =	seq.s32 s5, $0x0;
	s5 =	sld [smem:$0x3FAA]  }
0x2b: {  	s6 =	sld [smem:$0x3FAB]  }
0x2c: {  	s7 =	sld [smem:$0x3FAC]  }
0x2d: {  	s3 =	simm.s32 $0x108;
	s8 =	sld [smem:$0x3FAD]  }
0x2e: {  	s3 =	simm.s32 @!p0 $0x1082;
	s9 =	sld [smem:$0x3FAE]  }
0x2f: {  	lr =	sadd.s32 s0, s3;
	s0 =	sld [smem:$0x3FA5]  }
0x30: {  	s3 =	sld [smem:$0x3FA8]  }
0x31: {  	[smem:$0x3FB1] =	sst s10  }
0x32: {  	s10 =	sld [smem:$0x3FAF];
	_ =	sdelay $0x3  }
0x33: {  	p0 =	seq.s32 s10, $0x1;
	s10 =	sld [smem:$0x3FB1];
	_ =	sdelay $0x3  }
0x34: {  	[smem:$0x3FB1] =	sst s10  }
0x35: {  	s10 =	sld [smem:$0x3FB0];
	_ =	sdelay $0x3  }
0x36: {  	p1 =	seq.s32 s10, $0x1;
	s10 =	sld [smem:$0x3FB1];
	_ =	sdelay $0x3  }
0x37: {  	[smem:$0x3FB1] =	sst s10  }
0x38: {  	s10 =	sld [smem:$0x3FB2]  }
0x39: {  	_ = 	snop;
	(pc) =	sbr.ind lr, $3  }
0x3a: {  	_ = 	snop  }
0x3b: {  	_ = 	snop  }
0x3c: {  	p2 =	seq.s32 s10, $0x1;
	s10 =	sld [smem:$0x3FB1]  }
0x3d: {  	_ =	shalt  }
0x3e: {  	_ =	shalt  }
0x3f: {  	_ =	shalt  }
0x40: {  	_ =	shalt  }
0x41: {  	_ =	shalt  }
0x42: {  	_ =	shalt  }
0x43: {  	_ =	shalt  }
0x44: {  	_ =	shalt  }
0x45: {  	_ =	shalt  }
0x46: {  	_ =	shalt  }
0x47: {  	_ =	shalt  }
0x48: {  	_ =	shalt  }
0x49: {  	_ =	shalt  }
0x4a: {  	_ =	shalt  }
0x4b: {  	_ =	shalt  }
0x4c: {  	_ =	shalt  }
0x4d: {  	_ =	shalt  }
0x4e: {  	_ =	shalt  }
0x4f: {  	_ =	shalt  }
0x50: {  	_ =	shalt  }
0x51: {  	_ =	shalt  }
0x52: {  	_ =	shalt  }
0x53: {  	_ =	shalt  }
0x54: {  	_ =	shalt  }
0x55: {  	_ =	shalt  }
0x56: {  	_ =	shalt  }
0x57: {  	_ =	shalt  }
0x58: {  	_ =	shalt  }
0x59: {  	_ =	shalt  }
0x5a: {  	_ =	shalt  }
0x5b: {  	_ =	shalt  }
0x5c: {  	_ =	shalt  }
0x5d: {  	_ =	shalt  }
0x5e: {  	_ =	shalt  }
0x5f: {  	_ =	shalt  }
0x60: {  	_ =	shalt  }
0x61: {  	_ =	shalt  }
0x62: {  	_ =	shalt  }
0x63: {  	_ =	shalt  }
0x64: {  	_ =	shalt  }
0x65: {  	_ =	shalt  }
0x66: {  	_ =	shalt  }
0x67: {  	_ =	shalt  }
0x68: {  	_ =	shalt  }
0x69: {  	_ =	shalt  }
0x6a: {  	_ =	shalt  }
0x6b: {  	_ =	shalt  }
0x6c: {  	_ =	shalt  }
0x6d: {  	_ =	shalt  }
0x6e: {  	_ =	shalt  }
0x6f: {  	_ =	shalt  }
0x70: {  	_ =	shalt  }
0x71: {  	_ =	shalt  }
0x72: {  	_ =	shalt  }
0x73: {  	_ =	shalt  }
0x74: {  	_ =	shalt  }
0x75: {  	_ =	shalt  }
0x76: {  	_ =	shalt  }
0x77: {  	_ =	shalt  }
0x78: {  	_ =	shalt  }
0x79: {  	_ =	shalt  }
0x7a: {  	_ =	shalt  }
0x7b: {  	_ =	shalt  }
0x7c: {  	_ =	shalt  }
0x7d: {  	_ =	shalt  }
0x7e: {  	_ =	shalt  }
0x7f: {  	_ =	shalt  }
0x80: {  	_ =	shalt  }
0x81: {  	_ =	shalt  }
0x82: {  	_ =	shalt  }
0x83: {  	_ =	shalt  }
0x84: {  	_ =	shalt  }
0x85: {  	_ =	shalt  }
0x86: {  	_ =	shalt  }
0x87: {  	_ =	shalt  }
.Lfunc_end0:
.L_simem_size_0:
called_computation_lowered:
.L_overlay_start_0:
0x88: {  	s2 =	sld [smem:$0x3FD9]  }
0x89: {  	s3 =	sld [smem:$0x3FFE];
	_ =	sdelay $0x1  }
0x8a: {  	s1 =	srdreg.scid  }
0x8b: {  	s0 =	sand.u32 $0x1, s1  }
0x8c: {  	s17 =	sshll.u32 s0, $0xA;
	s2 =	sadd.s32 s3, s2  }
0x8d: {  	s2 =	sadd.s32 s2, s17  }
0x8e: {  	[smem:$0x3FBD] =	sst s2  }
0x8f: {  	_ = 	snop  }
0x90: {  	s2 =	sld [smem:$0x3FC8]  }
0x91: {  	s18 =	sld [smem:$0x3FD0];
	(tm) =	ssettm $0x1  }
0x92: {  	s4 =	sld [smem:$0x3FFB];
	_ =	sdelay $0x3  }
0x93: {  	_ =	strace s4  }
0x94: {  	s4 =	sld [smem:$0x3FFC];
	_ =	sdelay $0x3  }
0x95: {  	_ =	strace s4  }
0x96: {  	s4 =	sld [smem:$0x3FFD];
	_ =	sdelay $0x3  }
0x97: {  	_ =	strace s4  }
0x98: {  	_ =	strace $0x8FFFFFFF  }
0x99: {  	s19 =	sld [smem:$0x3FDB];
	_ =	sdelay $0x1  }
0x9a: {  	s5 =	simm.s32 $_scs_section_size  }
0x9b: {  	s6 =	simm.s32 $_size__tile_overlayer_lowered;
	s7 =	simm.s32 $_tile_overlayer_lowered  }
0x9c: {  	s22 =	simm.s32 $0x1BFF;
	s21 =	sshll.u32 s7, $0x1;
	s4 =	sadd.s32 s5, s19  }
0x9d: {  	s8 =	simm.s32 $0x0;
	s20 =	sshll.u32 s6, $0x1;
	s6 =	sadd.s32 s21, s4  }
0x9e: {  	[timem:s8], [sflag:s22] =	dma.local [hbm:s6], s20  }
0x9f: {  	_ =	swait.ge [sflag:s22], s20  }
0xa0: {  	s5 =	ssub.s32 $0x0, s20;
	[sflag:s22] =	ssyncset.done $0x0  }
0xa1: {  	[sflag:s22] =	ssyncadd.s32 s5;
	_ =	sdelay $0x1  }
0xa2: {  	s23 =	simm.s32 $0x1B8B  }
0xa3: {  	_ =	swait.ge [sflag:s23], $0x1  }
0xa4: {  	[sflag:s23] =	ssyncset.done $0x0  }
0xa5: {  	s25 =	simm.s32 $0x1B8E;
	s24 =	sld [smem:$0x3FFE];
	[sflag:s23] =	ssyncadd.s32 $0xFFFFFFFF  }
0xa6: {  	s26 =	simm.s32 $execute0_lowered;
	[smem:$0x3FD2] =	sst s25  }
0xa7: {  	s6 =	sshll.u32 s26, $0x1;
	_ =	strace $0x80000046;
	[dreg:$0x1] =	wrdreg $0xFFFFFFFF  }
0xa8: {  	s28 =	simm.s32 $_size_execute0_lowered;
	s4 =	sadd.s32 s4, s6;
	[dreg:$0x0] =	wrdreg $0x0  }
0xa9: {  	s6 =	sshll.u32 s28, $0x1;
	[dreg:$0x2] =	wrdreg s4  }
0xaa: {  	[dreg:$0x3] =	wrdreg s6  }
0xab: {  	[dreg:$0x4] =	wrdreg $0xC0  }
0xac: {  	_ =	task [dreg:s8], $0x5FFFF  }
0xad: {  	[dreg:$0x1] =	wrdreg $0xFFFFFFFF  }
0xae: {  	[dreg:$0x0] =	wrdreg $0x60  }
0xaf: {  	[dreg:$0x2] =	wrdreg s18  }
0xb0: {  	[dreg:$0x3] =	wrdreg s2  }
0xb1: {  	[dreg:$0x4] =	wrdreg s24  }
0xb2: {  	[dreg:$0x5] =	wrdreg $0xA8000  }
0xb3: {  	[dreg:$0x6] =	wrdreg $0x9  }
0xb4: {  	_ =	task.clear_ibuf [dreg:s8], $0x7FFFF;
	_ =	strace $0x90000046  }
0xb5: {  	s29 =	simm.s32 $0x9;
	_ =	strace $0x80000048  }
0xb6: {  	_ =	swait.ge [sflag:s29], $0x1  }
0xb7: {  	[sflag:s29] =	ssyncadd.s32 $0xFFFFFFFF  }
0xb8: {  	_ =	strace $0x90000048  }
0xb9: {  	_ =	sfence  }
0xba: {  	s30 =	sld [smem:$0x0];
	_ =	sdelay $0x2  }
0xbb: {  	s31 =	sshll.u32 s1, $0xD;
	s1 =	sshrl.u32 s1, $0x2  }
0xbc: {  	s3 =	sand.u32 $0x4000, s31;
	s1 =	sadd.s32 s1, s30  }
0xbd: {  	s0 =	sor.u32 s3, s0;
	s1 =	sshll.u32 s1, $0x11  }
0xbe: {  	s0 =	sor.u32 s1, s0  }
0xbf: {  	s0 =	sadd.s32 $0x8F2B, s0  }
0xc0: {  	[sflag:s0] =	ssyncadd.remote.s32 $0x1  }
0xc1: {  	_ =	sfence.sel $0xFFFF  }
0xc2: {  	[dreg:$0x0] =	wrdreg $0xFFFFFFFF;
	(pc) =	sbr.abs _section_cstart, $3  }
0xc3: {  	[dreg:$0x1] =	wrdreg $0xFFFFFFFF  }
0xc4: {  	_ =	task.clear_ibuf [dreg:s8], $0x2FFFF;
	_ =	strace $0x9FFFFFFF  }
0xc5: {  	(tm) =	ssettm $0x7FFFFFFF  }
tec
execute0_lowered:
.L_overlay_start_1:
0x0: {  	(tag) =	ssettag $0x1  }
0x1: {  	s20 =	rddreg [dreg:$0x0]  }
0x2: {  	s16 =	rddreg [dreg:$0x1]  }
0x3: {  	s0 =	rddreg [dreg:$0x2]  }
0x4: {  	s4 =	rddreg [dreg:$0x3]  }
0x5: {  	s5 =	simm.s32 $0x0;
	s11 =	stileid.u32;
	s1 =	srdreg.scid  }
0x6: {  	s31 =	simm.s32 $0x300;
	s28 =	simm.s32 $0x1;
	s2 =	smul.u32 $0x2780, s11  }
0x7: {  	[smem:$0x7FF] =	sst s5;
	s1 =	sand.u32 $0x1, s1;
	s8 =	smul.u32 $0x4F000, s11  }
0x8: {  	s6 =	sadd.s32 $0x1C00, s0;
	s9 =	sshll.u32 s11, $0x1;
	s25 =	smul.u32 $0xFA, s11  }
0x9: {  	s19 =	sshll.u32 s11, $0x6;
	_ =	strace $0x80000047;
	s3 =	smul.u32 $0x27800, s1  }
0xa: {  	s15 =	ssub.s32 $0x2, s1;
	s9 =	sor.u32 s1, s9;
	s14 =	sor.u32 $0x1C15, s19  }
0xb: {  	s29 =	smul.u32 $0x7D, s1;
	s7 =	sadd.s32 s2, s0;
	s10 =	sshrl.u32 s15, $0x1  }
0xc: {  	s8 =	sshrl.u32 s8, $0x2;
	s9 =	smul.u32 $0x2710, s9;
	[dreg:$0x8] =	wrdreg s14  }
0xd: {  	s2 =	sadd.s32 s2, s3;
	s17 =	sadd.s32 s8, s4;
	s18 =	sadd.s32 $0x50AE00, s7  }
0xe: {  	s0 =	sadd.s32 s2, s0;
	s2 =	ssub.s32 s15, s10;
	s15 =	smul.u32 $0x9C4, s11  }
0xf: {  	[dreg:$0x6] =	wrdreg s17;
	s21 =	sshrl.u32 s9, $0x3;
	s17 =	smul.u32 $0x4E2, s1  }
0x10: {  	[dreg:$0x7] =	wrdreg s18;
	s18 =	smul.u32 $0x4E20, s11;
	s22 =	sadd.s32 s16, s21  }
0x11: {  	s1 =	smul.u32 $0x2710, s1;
	s0 =	sadd.s32 $0x532600, s0;
	[dreg:$0xa] =	wrdreg s22  }
0x12: {  	s12 =	sadd.s32 s20, s21;
	s24 =	sadd.s32 $0xA, s21;
	[dreg:$0x14] =	wrdreg s0  }
0x13: {  	s10 =	sadd.s32 $0x14, s21;
	s23 =	sadd.s32 $0x9C40, s12;
	[dreg:$0x9] =	wrdreg s12  }
0x14: {  	s7 =	sadd.s32 $0x1E, s21;
	s26 =	sadd.s32 s20, s24;
	[dreg:$0xb] =	wrdreg s23  }
0x15: {  	s3 =	sadd.s32 s16, s24;
	s30 =	sadd.s32 $0x9C4A, s12;
	[dreg:$0xc] =	wrdreg s26  }
0x16: {  	s13 =	sadd.s32 s20, s10;
	s9 =	sadd.s32 s16, s10;
	[dreg:$0xd] =	wrdreg s3  }
0x17: {  	s19 =	sadd.s32 s15, s16;
	s10 =	sadd.s32 s15, s20;
	[dreg:$0xe] =	wrdreg s30  }
0x18: {  	s21 =	sadd.s32 $0x9C54, s12;
	s1 =	sadd.s32 s1, s18;
	[dreg:$0xf] =	wrdreg s13  }
0x19: {  	s22 =	sadd.s32 s20, s7;
	s15 =	simm.s32 $0x500;
	[dreg:$0x10] =	wrdreg s9  }
0x1a: {  	s3 =	sadd.s32 s29, s25;
	s9 =	sadd.s32 s17, s19;
	[dreg:$0x11] =	wrdreg s21  }
0x1b: {  	s8 =	sadd.s32 s17, s10;
	[dreg:$0x12] =	wrdreg s22;
	s23 =	sadd.s32 s16, s7  }
0x1c: {  	s24 =	sadd.s32 $0x4E340, s1;
	s25 =	smax.u32 s2, $0x1;
	s30 =	sadd.s32 $0x9C5E, s12  }
0x1d: {  	s2 =	simm.s32 $0x15;
	s21 =	simm.s32 $0x200;
	s10 =	simm.s32 $0x80  }
0x1e: {  	s19 =	simm.s32 $0x280;
	s17 =	simm.s32 $0x50;
	[dreg:$0x5] =	wrdreg s3  }
0x1f: {  	s7 =	simm.s32 $0x2;
	s12 =	simm.s32 $0x3;
	[dreg:$0x13] =	wrdreg s23  }
0x20: {  	s13 =	simm.s32 $0x7;
	[dreg:$0x15] =	wrdreg s25;
	s26 =	sadd.s32 $0x28, s9  }
0x21: {  	s0 =	sshrl.u32 s24, $0x3;
	s29 =	sadd.s32 $0x28, s8;
	[dreg:$0x19] =	wrdreg s30  }
0x22: {  	s9 =	simm.s32 $0x480;
	s24 =	simm.s32 $0x100;
	[dreg:$0x16] =	wrdreg s26  }
0x23: {  	s8 =	simm.s32 $0x6;
	[dreg:$0x17] =	wrdreg s29;
	s0 =	sadd.s32 s0, s20  }
0x24: {  	s26 =	simm.s32 $0x180;
	[dreg:$0x18] =	wrdreg s0;
	s0 =	simm.s32 $0x0  }
.LBB2_1:
0x25: {  	[dreg:$0x1a] =	wrdreg s0  }
0x26: {  	s1 =	rddreg [dreg:$0x6]  }
0x27: {  	s25 =	rddreg [dreg:$0x7];
	s23 =	sshrl.u32 s1, $0x3  }
0x28: {  	[dreg:$0x1b] =	wrdreg s23  }
0x29: {  	[spmem:s23], [sflag:s14] =	dma.local [hbm:s25], $0x2780  }
0x2a: {  	_ =	swait.ge [sflag:s2], $0x2780  }
0x2b: {  	[sflag:s2] =	ssyncset.done $0x0  }
0x2c: {  	[sflag:s2] =	ssyncadd.s32 $0xFFFFD880  }
0x2d: {  	[bflag:$0x0] =	sbarrier.arrive $0xFFFF  }
0x2e: {  	s29 =	rddreg [dreg:$0x9]  }
0x2f: {  	[tilespmem:s5], [sflag:$0x1] =	stream.linear.gather [hbm4b:s29+s5], $0x50, $0x38;
	[tilespmem:$0x1E400] =	vst v63  }
0x30: {  	s30 =	rddreg [dreg:$0xa]  }
0x31: {  	[tilespmem:s21], [sflag:$0x5] =	stream.linear.gather [hbm4b:s30+s5], $0x50, $0x38;
	[tilespmem:$0x1E400] =	vst v63  }
0x32: {  	s3 =	simm.s32 $0x400;
	s0 =	rddreg [dreg:$0xb]  }
0x33: {  	[tilespmem:s3], [sflag:$0x9] =	stream.linear.gather [hbm4b:s0+s5], $0x50, $0x38;
	[tilespmem:$0x1E400] =	vst v63  }
0x34: {  	s2 =	rddreg [dreg:$0xc]  }
0x35: {  	[tilespmem:s10], [sflag:$0x2] =	stream.linear.gather [hbm4b:s2+s5], $0x50, $0x38;
	[tilespmem:$0x1E400] =	vst v63  }
0x36: {  	s11 =	rddreg [dreg:$0xd]  }
0x37: {  	[tilespmem:s19], [sflag:$0x6] =	stream.linear.gather [hbm4b:s11+s5], $0x50, $0x38;
	[tilespmem:$0x1E400] =	vst v63  }
0x38: {  	s14 =	rddreg [dreg:$0xe]  }
0x39: {  	[tilespmem:s9], [sflag:$0xA] =	stream.linear.gather [hbm4b:s14+s5], $0x50, $0x38;
	[tilespmem:$0x1E400] =	vst v63  }
0x3a: {  	s18 =	rddreg [dreg:$0xf]  }
0x3b: {  	[tilespmem:s24], [sflag:$0x3] =	stream.linear.gather [hbm4b:s18+s5], $0x50, $0x38;
	[tilespmem:$0x1E400] =	vst v63  }
0x3c: {  	s22 =	rddreg [dreg:$0x10]  }
0x3d: {  	[tilespmem:s31], [sflag:$0x7] =	stream.linear.gather [hbm4b:s22+s5], $0x50, $0x38;
	[tilespmem:$0x1E400] =	vst v63  }
0x3e: {  	s23 =	rddreg [dreg:$0x11]  }
0x3f: {  	[tilespmem:s15], [sflag:$0xB] =	stream.linear.gather [hbm4b:s23+s5], $0x50, $0x38;
	[tilespmem:$0x1E400] =	vst v63  }
0x40: {  	s25 =	rddreg [dreg:$0x12]  }
0x41: {  	[tilespmem:s26], [sflag:$0x4] =	stream.linear.gather [hbm4b:s25+s5], $0x50, $0x38;
	[tilespmem:$0x1E400] =	vst v63  }
0x42: {  	s29 =	rddreg [dreg:$0x13];
	s30 =	simm.s32 $0x380  }
0x43: {  	[tilespmem:s30], [sflag:$0x8] =	stream.linear.gather [hbm4b:s29+s5], $0x50, $0x38;
	[tilespmem:$0x1E400] =	vst v63  }
0x44: {  	s0 =	rddreg [dreg:$0x19];
	s2 =	simm.s32 $0x580  }
0x45: {  	[tilespmem:s2], [sflag:$0xC] =	stream.linear.gather [hbm4b:s0+s5], $0x50, $0x38;
	[tilespmem:$0x1E400] =	vst v63  }
0x46: {  	_ =	swait.ge [sflag:s28], $0x50  }
0x47: {  	[sflag:s28] =	ssyncset.done $0x0  }
0x48: {  	s0 =	simm.s32 $0x5;
	[sflag:s28] =	ssyncadd.s32 $0xFFFFFFB0  }
0x49: {  	_ =	swait.ge [sflag:s0], $0x50  }
0x4a: {  	[sflag:s0] =	ssyncset.done $0x0  }
0x4b: {  	[sflag:s0] =	ssyncadd.s32 $0xFFFFFFB0  }
0x4c: {  	v0 =	vld [tilespmem:$0x200]  }
0x4d: {  	v1 =	vld [tilespmem:$0x0]  }
0x4e: {  	v2 =	vld [tilespmem:$0x210]  }
0x4f: {  	v3 =	vld [tilespmem:$0x10]  }
0x50: {  	v4 =	vld [tilespmem:$0x220]  }
0x51: {  	v5 =	vld [tilespmem:$0x20]  }
0x52: {  	v6 =	vld [tilespmem:$0x230]  }
0x53: {  	v7 =	vld [tilespmem:$0x240]  }
0x54: {  	v8 =	vld [tilespmem:$0x30];
	v0 =	vmul.u32 $0x2710, v0  }
0x55: {  	v9 =	vld [tilespmem:$0x40];
	v2 =	vmul.u32 $0x2710, v2  }
0x56: {  	v0 =	vadd.s32 v1, v0;
	v1 =	vmul.u32 $0x2710, v4  }
0x57: {  	[tilespmem:$0x600] =	vst v0;
	v0 =	vadd.s32 v3, v2;
	v2 =	vmul.u32 $0x2710, v6  }
0x58: {  	[tilespmem:$0x610] =	vst v0;
	v0 =	vadd.s32 v5, v1;
	v1 =	vmul.u32 $0x2710, v7  }
0x59: {  	[tilespmem:$0x620] =	vst v0;
	v0 =	vadd.s32 v8, v2  }
0x5a: {  	[tilespmem:$0x630] =	vst v0;
	v0 =	vadd.s32 v9, v1  }
0x5b: {  	s11 =	simm.s32 $0x600;
	s25 =	simm.s32 $0x800;
	[tilespmem:$0x640] =	vst v0  }
0x5c: {  	[tilespmem:s25], [sflag:$0xD] =	stream.indirect.gather [hbm4b:s6+s17], $0x80, s11, s17, $0xb8;
	[tilespmem:$0x1E400] =	vst v63  }
0x5d: {  	_ =	swait.ge [sflag:s7], $0x50  }
0x5e: {  	[sflag:s7] =	ssyncset.done $0x0  }
0x5f: {  	[sflag:s7] =	ssyncadd.s32 $0xFFFFFFB0  }
0x60: {  	_ =	swait.ge [sflag:s8], $0x50  }
0x61: {  	[sflag:s8] =	ssyncset.done $0x0  }
0x62: {  	[sflag:s8] =	ssyncadd.s32 $0xFFFFFFB0  }
0x63: {  	v0 =	vld [tilespmem:$0x280]  }
0x64: {  	v1 =	vld [tilespmem:$0x80]  }
0x65: {  	v2 =	vld [tilespmem:$0x290]  }
0x66: {  	v3 =	vld [tilespmem:$0x90]  }
0x67: {  	v4 =	vld [tilespmem:$0x2A0]  }
0x68: {  	v5 =	vld [tilespmem:$0xA0]  }
0x69: {  	v6 =	vld [tilespmem:$0x2B0]  }
0x6a: {  	v7 =	vld [tilespmem:$0x2C0]  }
0x6b: {  	v53 =	vld [tilespmem:$0xB0];
	v0 =	vmul.u32 $0x2710, v0  }
0x6c: {  	v54 =	vld [tilespmem:$0xC0];
	v2 =	vmul.u32 $0x2710, v2  }
0x6d: {  	v0 =	vadd.s32 v1, v0;
	v1 =	vmul.u32 $0x2710, v4  }
0x6e: {  	[tilespmem:$0x680] =	vst v0;
	v0 =	vadd.s32 v3, v2;
	v2 =	vmul.u32 $0x2710, v6  }
0x6f: {  	[tilespmem:$0x690] =	vst v0;
	v0 =	vadd.s32 v5, v1;
	v1 =	vmul.u32 $0x2710, v7  }
0x70: {  	[tilespmem:$0x6A0] =	vst v0;
	v0 =	vadd.s32 v53, v2  }
0x71: {  	[tilespmem:$0x6B0] =	vst v0;
	v0 =	vadd.s32 v54, v1  }
0x72: {  	s23 =	simm.s32 $0x3000;
	s11 =	simm.s32 $0x680;
	[tilespmem:$0x6C0] =	vst v0  }
0x73: {  	[tilespmem:s23], [sflag:$0xE] =	stream.indirect.gather [hbm4b:s6+s17], $0x80, s11, s17, $0xb8;
	[tilespmem:$0x1E400] =	vst v63  }
0x74: {  	_ =	swait.ge [sflag:s12], $0x50  }
0x75: {  	[sflag:s12] =	ssyncset.done $0x0  }
0x76: {  	[sflag:s12] =	ssyncadd.s32 $0xFFFFFFB0  }
0x77: {  	_ =	swait.ge [sflag:s13], $0x50  }
0x78: {  	[sflag:s13] =	ssyncset.done $0x0  }
0x79: {  	[sflag:s13] =	ssyncadd.s32 $0xFFFFFFB0  }
0x7a: {  	v0 =	vld [tilespmem:$0x300]  }
0x7b: {  	v1 =	vld [tilespmem:$0x100]  }
0x7c: {  	v2 =	vld [tilespmem:$0x310]  }
0x7d: {  	v3 =	vld [tilespmem:$0x110]  }
0x7e: {  	v4 =	vld [tilespmem:$0x320]  }
0x7f: {  	v5 =	vld [tilespmem:$0x120]  }
0x80: {  	v6 =	vld [tilespmem:$0x330]  }
0x81: {  	v7 =	vld [tilespmem:$0x340]  }
0x82: {  	v55 =	vld [tilespmem:$0x130];
	v0 =	vmul.u32 $0x2710, v0  }
0x83: {  	v56 =	vld [tilespmem:$0x140];
	v2 =	vmul.u32 $0x2710, v2  }
0x84: {  	v0 =	vadd.s32 v1, v0;
	v1 =	vmul.u32 $0x2710, v4  }
0x85: {  	[tilespmem:$0x700] =	vst v0;
	v0 =	vadd.s32 v3, v2;
	v2 =	vmul.u32 $0x2710, v6  }
0x86: {  	[tilespmem:$0x710] =	vst v0;
	v0 =	vadd.s32 v5, v1;
	v1 =	vmul.u32 $0x2710, v7  }
0x87: {  	[tilespmem:$0x720] =	vst v0;
	v0 =	vadd.s32 v55, v2  }
0x88: {  	[tilespmem:$0x730] =	vst v0;
	v0 =	vadd.s32 v56, v1  }
0x89: {  	s14 =	simm.s32 $0x700;
	s18 =	simm.s32 $0x5800;
	s15 =	simm.s32 $0x4;
	[tilespmem:$0x740] =	vst v0  }
0x8a: {  	[tilespmem:s18], [sflag:$0xF] =	stream.indirect.gather [hbm4b:s6+s17], $0x80, s14, s17, $0xb8;
	[tilespmem:$0x1E400] =	vst v63  }
0x8b: {  	_ =	swait.ge [sflag:s15], $0x50  }
0x8c: {  	[sflag:s15] =	ssyncset.done $0x0  }
0x8d: {  	s22 =	simm.s32 $0x8;
	[sflag:s15] =	ssyncadd.s32 $0xFFFFFFB0  }
0x8e: {  	_ =	swait.ge [sflag:s22], $0x50  }
0x8f: {  	[sflag:s22] =	ssyncset.done $0x0  }
0x90: {  	[sflag:s22] =	ssyncadd.s32 $0xFFFFFFB0  }
0x91: {  	v0 =	vld [tilespmem:$0x380]  }
0x92: {  	v1 =	vld [tilespmem:$0x180]  }
0x93: {  	v2 =	vld [tilespmem:$0x390]  }
0x94: {  	v3 =	vld [tilespmem:$0x190]  }
0x95: {  	v4 =	vld [tilespmem:$0x3A0]  }
0x96: {  	v5 =	vld [tilespmem:$0x1A0]  }
0x97: {  	v6 =	vld [tilespmem:$0x3B0]  }
0x98: {  	v7 =	vld [tilespmem:$0x3C0]  }
0x99: {  	v57 =	vld [tilespmem:$0x1B0];
	v0 =	vmul.u32 $0x2710, v0  }
0x9a: {  	v58 =	vld [tilespmem:$0x1C0];
	v2 =	vmul.u32 $0x2710, v2  }
0x9b: {  	v0 =	vadd.s32 v1, v0;
	v1 =	vmul.u32 $0x2710, v4  }
0x9c: {  	[tilespmem:$0x780] =	vst v0;
	v0 =	vadd.s32 v3, v2;
	v2 =	vmul.u32 $0x2710, v6  }
0x9d: {  	[tilespmem:$0x790] =	vst v0;
	v0 =	vadd.s32 v5, v1;
	v1 =	vmul.u32 $0x2710, v7  }
0x9e: {  	[tilespmem:$0x7A0] =	vst v0;
	v0 =	vadd.s32 v57, v2  }
0x9f: {  	[tilespmem:$0x7B0] =	vst v0;
	v0 =	vadd.s32 v58, v1  }
0xa0: {  	s26 =	simm.s32 $0x780;
	s29 =	simm.s32 $0xD;
	s22 =	simm.s32 $0x8000;
	[tilespmem:$0x7C0] =	vst v0  }
0xa1: {  	[tilespmem:s22], [sflag:$0x10] =	stream.indirect.gather [hbm4b:s6+s17], $0x80, s26, s17, $0xb8;
	[tilespmem:$0x1E400] =	vst v63  }
0xa2: {  	_ =	swait.ge [sflag:s29], $0x2800  }
0xa3: {  	[sflag:s29] =	ssyncset.done $0x0  }
0xa4: {  	s30 =	simm.s32 $0x9;
	[sflag:s29] =	ssyncadd.s32 $0xFFFFD800  }
0xa5: {  	_ =	swait.ge [sflag:s30], $0x50  }
0xa6: {  	[sflag:s30] =	ssyncset.done $0x0  }
0xa7: {  	[sflag:s30] =	ssyncadd.s32 $0xFFFFFFB0  }
0xa8: {  	[spmem:s4] =	stream.indirect.scatter.add.f32 [tilespmem:s25], [sflag:$0x11], $0x80, s3, s17, $0xb8;
	[tilespmem:$0x1E400] =	vst v63  }
0xa9: {  	s26 =	rddreg [dreg:$0x17]  }
0xaa: {  	[tilespmem:s5], [sflag:$0x1] =	stream.linear.gather [hbm4b:s26+s5], $0x50, $0x38;
	[tilespmem:$0x1E400] =	vst v63  }
0xab: {  	s2 =	simm.s32 $0xE;
	s15 =	rddreg [dreg:$0x16]  }
0xac: {  	[tilespmem:s21], [sflag:$0x5] =	stream.linear.gather [hbm4b:s15+s5], $0x50, $0x38;
	[tilespmem:$0x1E400] =	vst v63  }
0xad: {  	_ =	swait.ge [sflag:s2], $0x2800  }
0xae: {  	[sflag:s2] =	ssyncset.done $0x0  }
0xaf: {  	[sflag:s2] =	ssyncadd.s32 $0xFFFFD800;
	s2 =	simm.s32 $0xA  }
0xb0: {  	_ =	swait.ge [sflag:s2], $0x50  }
0xb1: {  	s14 =	rddreg [dreg:$0x5]  }
0xb2: {  	s14 =	sadd.s32 $0x0, s14  }
0xb3: {  	s1 =	sadd.s32 $0x5, s14  }
0xb4: {  	p0 =	slt.s32 s1, $0xF9F  }
0xb5: {  	[sflag:s2] =	ssyncset.done $0x0;
	s1 =	simm.s32 @!p0 $0xF9F  }
0xb6: {  	[sflag:s2] =	ssyncadd.s32 $0xFFFFFFB0;
	s1 =	smul.u32 $0x50, s1  }
0xb7: {  	[spmem:s4] =	stream.indirect.scatter.add.f32 [tilespmem:s23], [sflag:$0x12], $0x80, s9, s17, $0xb8;
	[tilespmem:$0x1E400] =	vst v63  }
0xb8: {  	s1 =	sshrl.u32 s1, $0x3  }
0xb9: {  	s2 =	sadd.s32 s20, s1  }
0xba: {  	[tilespmem:s10], [sflag:$0x2] =	stream.linear.gather [hbm4b:s2+s5], $0x50, $0x38;
	[tilespmem:$0x1E400] =	vst v63  }
0xbb: {  	s1 =	sadd.s32 s16, s1;
	s10 =	simm.s32 $0xF  }
0xbc: {  	[tilespmem:s19], [sflag:$0x6] =	stream.linear.gather [hbm4b:s1+s5], $0x50, $0x38;
	[tilespmem:$0x1E400] =	vst v63  }
0xbd: {  	s1 =	sadd.s32 $0x6, s14;
	_ =	swait.ge [sflag:s10], $0x2800  }
0xbe: {  	p0 =	slt.s32 s1, $0xF9F;
	[sflag:s10] =	ssyncset.done $0x0  }
0xbf: {  	s19 =	simm.s32 $0xB;
	s1 =	simm.s32 @!p0 $0xF9F;
	[sflag:s10] =	ssyncadd.s32 $0xFFFFD800  }
0xc0: {  	s1 =	smul.u32 $0x50, s1;
	_ =	swait.ge [sflag:s19], $0x50  }
0xc1: {  	[sflag:s19] =	ssyncset.done $0x0  }
0xc2: {  	s30 =	simm.s32 $0x500;
	s10 =	sshrl.u32 s1, $0x3;
	[sflag:s19] =	ssyncadd.s32 $0xFFFFFFB0  }
0xc3: {  	[spmem:s4] =	stream.indirect.scatter.add.f32 [tilespmem:s18], [sflag:$0x13], $0x80, s30, s17, $0xb8;
	[tilespmem:$0x1E400] =	vst v63  }
0xc4: {  	s1 =	sadd.s32 s20, s10  }
0xc5: {  	[tilespmem:s24], [sflag:$0x3] =	stream.linear.gather [hbm4b:s1+s5], $0x50, $0x38;
	[tilespmem:$0x1E400] =	vst v63  }
0xc6: {  	s19 =	sadd.s32 s16, s10;
	s10 =	simm.s32 $0x10  }
0xc7: {  	[tilespmem:s31], [sflag:$0x7] =	stream.linear.gather [hbm4b:s19+s5], $0x50, $0x38;
	[tilespmem:$0x1E400] =	vst v63  }
0xc8: {  	s14 =	sadd.s32 $0x7, s14;
	_ =	swait.ge [sflag:s10], $0x2800  }
0xc9: {  	p0 =	slt.s32 s14, $0xF9F;
	[sflag:s10] =	ssyncset.done $0x0  }
0xca: {  	s14 =	simm.s32 @!p0 $0xF9F;
	s18 =	simm.s32 $0xC;
	[sflag:s10] =	ssyncadd.s32 $0xFFFFD800  }
0xcb: {  	s14 =	smul.u32 $0x50, s14;
	_ =	swait.ge [sflag:s18], $0x50  }
0xcc: {  	[sflag:s18] =	ssyncset.done $0x0  }
0xcd: {  	s14 =	sshrl.u32 s14, $0x3;
	s19 =	simm.s32 $0x580;
	[sflag:s18] =	ssyncadd.s32 $0xFFFFFFB0  }
0xce: {  	[spmem:s4] =	stream.indirect.scatter.add.f32 [tilespmem:s22], [sflag:$0x14], $0x80, s19, s17, $0xb8;
	[tilespmem:$0x1E400] =	vst v63  }
0xcf: {  	s29 =	simm.s32 $0x180;
	s31 =	sadd.s32 s20, s14  }
0xd0: {  	[tilespmem:s29], [sflag:$0x4] =	stream.linear.gather [hbm4b:s31+s5], $0x50, $0x38;
	[tilespmem:$0x1E400] =	vst v63  }
0xd1: {  	s14 =	sadd.s32 s16, s14;
	s22 =	simm.s32 $0x380  }
0xd2: {  	[tilespmem:s22], [sflag:$0x8] =	stream.linear.gather [hbm4b:s14+s5], $0x50, $0x38;
	[tilespmem:$0x1E400] =	vst v63  }
0xd3: {  	_ =	swait.ge [sflag:s28], $0x50  }
0xd4: {  	[sflag:s28] =	ssyncset.done $0x0  }
0xd5: {  	[sflag:s28] =	ssyncadd.s32 $0xFFFFFFB0  }
0xd6: {  	_ =	swait.ge [sflag:s0], $0x50  }
0xd7: {  	[sflag:s0] =	ssyncset.done $0x0  }
0xd8: {  	s24 =	simm.s32 $0x11;
	[sflag:s0] =	ssyncadd.s32 $0xFFFFFFB0  }
0xd9: {  	_ =	swait.ge [sflag:s24], $0x2800  }
0xda: {  	[sflag:s24] =	ssyncset.done $0x0  }
0xdb: {  	[sflag:s24] =	ssyncadd.s32 $0xFFFFD800;
	s24 =	rddreg [dreg:$0x18]  }
0xdc: {  	[tilespmem:s3], [sflag:$0x9] =	stream.linear.gather [hbm4b:s24+s5], $0x50, $0x38;
	[tilespmem:$0x1E400] =	vst v63  }
0xdd: {  	v0 =	vld [tilespmem:$0x30]  }
0xde: {  	v1 =	vld [tilespmem:$0x20]  }
0xdf: {  	v2 =	vld [tilespmem:$0x40]  }
0xe0: {  	v3 =	vld [tilespmem:$0x240]  }
0xe1: {  	v4 =	vld [tilespmem:$0x230]  }
0xe2: {  	v5 =	vld [tilespmem:$0x220]  }
0xe3: {  	v6 =	vld [tilespmem:$0x210]  }
0xe4: {  	v7 =	vld [tilespmem:$0x200]  }
0xe5: {  	v59 =	vld [tilespmem:$0x10];
	v3 =	vmul.u32 $0x2710, v3  }
0xe6: {  	v60 =	vld [tilespmem:$0x0];
	v4 =	vmul.u32 $0x2710, v4  }
0xe7: {  	v5 =	vmul.u32 $0x2710, v5;
	v2 =	vadd.s32 v2, v3  }
0xe8: {  	v3 =	vmul.u32 $0x2710, v6;
	v0 =	vadd.s32 v0, v4;
	[tilespmem:$0x640] =	vst v2  }
0xe9: {  	v1 =	vadd.s32 v1, v5;
	v2 =	vmul.u32 $0x2710, v7;
	[tilespmem:$0x630] =	vst v0  }
0xea: {  	[tilespmem:$0x620] =	vst v1;
	v0 =	vadd.s32 v59, v3  }
0xeb: {  	v1 =	vadd.s32 v60, v2;
	[tilespmem:$0x610] =	vst v0  }
0xec: {  	s29 =	simm.s32 $0x600;
	[tilespmem:$0x600] =	vst v1  }
0xed: {  	[tilespmem:s25], [sflag:$0xD] =	stream.indirect.gather [hbm4b:s6+s17], $0x80, s29, s17, $0xb8;
	[tilespmem:$0x1E400] =	vst v63  }
0xee: {  	_ =	swait.ge [sflag:s7], $0x50  }
0xef: {  	[sflag:s7] =	ssyncset.done $0x0  }
0xf0: {  	[sflag:s7] =	ssyncadd.s32 $0xFFFFFFB0  }
0xf1: {  	_ =	swait.ge [sflag:s8], $0x50  }
0xf2: {  	[sflag:s8] =	ssyncset.done $0x0  }
0xf3: {  	s3 =	simm.s32 $0x12;
	[sflag:s8] =	ssyncadd.s32 $0xFFFFFFB0  }
0xf4: {  	_ =	swait.ge [sflag:s3], $0x2800  }
0xf5: {  	[sflag:s3] =	ssyncset.done $0x0  }
0xf6: {  	s2 =	sadd.s32 $0x9C40, s2;
	s28 =	simm.s32 $0x480;
	[sflag:s3] =	ssyncadd.s32 $0xFFFFD800  }
0xf7: {  	[tilespmem:s28], [sflag:$0xA] =	stream.linear.gather [hbm4b:s2+s5], $0x50, $0x38;
	[tilespmem:$0x1E400] =	vst v63  }
0xf8: {  	v0 =	vld [tilespmem:$0xA0]  }
0xf9: {  	v1 =	vld [tilespmem:$0xB0]  }
0xfa: {  	v2 =	vld [tilespmem:$0x80]  }
0xfb: {  	v3 =	vld [tilespmem:$0x2B0]  }
0xfc: {  	v4 =	vld [tilespmem:$0x2A0]  }
0xfd: {  	v5 =	vld [tilespmem:$0x280]  }
0xfe: {  	v6 =	vld [tilespmem:$0x2C0]  }
0xff: {  	v7 =	vld [tilespmem:$0x290]  }
0x100: {  	v61 =	vld [tilespmem:$0xC0];
	v3 =	vmul.u32 $0x2710, v3  }
0x101: {  	v62 =	vld [tilespmem:$0x90];
	v4 =	vmul.u32 $0x2710, v4  }
0x102: {  	v5 =	vmul.u32 $0x2710, v5;
	v1 =	vadd.s32 v1, v3  }
0x103: {  	v0 =	vadd.s32 v0, v4;
	[tilespmem:$0x6B0] =	vst v1;
	v1 =	vmul.u32 $0x2710, v6  }
0x104: {  	v2 =	vadd.s32 v2, v5;
	v3 =	vmul.u32 $0x2710, v7;
	[tilespmem:$0x6A0] =	vst v0  }
0x105: {  	[tilespmem:$0x680] =	vst v2;
	v0 =	vadd.s32 v61, v1  }
0x106: {  	v1 =	vadd.s32 v62, v3;
	[tilespmem:$0x6C0] =	vst v0  }
0x107: {  	[tilespmem:$0x690] =	vst v1  }
0x108: {  	[tilespmem:s23], [sflag:$0xE] =	stream.indirect.gather [hbm4b:s6+s17], $0x80, s11, s17, $0xb8;
	[tilespmem:$0x1E400] =	vst v63  }
0x109: {  	_ =	swait.ge [sflag:s12], $0x50  }
0x10a: {  	[sflag:s12] =	ssyncset.done $0x0  }
0x10b: {  	[sflag:s12] =	ssyncadd.s32 $0xFFFFFFB0  }
0x10c: {  	_ =	swait.ge [sflag:s13], $0x50  }
0x10d: {  	[sflag:s13] =	ssyncset.done $0x0  }
0x10e: {  	s11 =	simm.s32 $0x13;
	[sflag:s13] =	ssyncadd.s32 $0xFFFFFFB0  }
0x10f: {  	_ =	swait.ge [sflag:s11], $0x2800  }
0x110: {  	[sflag:s11] =	ssyncset.done $0x0  }
0x111: {  	s1 =	sadd.s32 $0x9C40, s1;
	[sflag:s11] =	ssyncadd.s32 $0xFFFFD800  }
0x112: {  	[tilespmem:s30], [sflag:$0xB] =	stream.linear.gather [hbm4b:s1+s5], $0x50, $0x38;
	[tilespmem:$0x1E400] =	vst v63  }
0x113: {  	v0 =	vld [tilespmem:$0x120]  }
0x114: {  	v1 =	vld [tilespmem:$0x130]  }
0x115: {  	v2 =	vld [tilespmem:$0x320]  }
0x116: {  	v3 =	vld [tilespmem:$0x330]  }
0x117: {  	v4 =	vld [tilespmem:$0x340]  }
0x118: {  	v5 =	vld [tilespmem:$0x140]  }
0x119: {  	v6 =	vld [tilespmem:$0x300]  }
0x11a: {  	v7 =	vmul.u32 $0x2710, v2  }
0x11b: {  	v3 =	vmul.u32 $0x2710, v3  }
0x11c: {  	v2 =	vld [tilespmem:$0x310];
	v63 =	vmul.u32 $0x2710, v4;
	v7 =	vadd.s32 v0, v7  }
0x11d: {  	v0 =	vld [tilespmem:$0x100];
	v3 =	vadd.s32 v1, v3;
	[tilespmem:$0x720] =	vst v7  }
0x11e: {  	s9 =	simm.s32 $0x14;
	s19 =	smov.u32 s15;
	s14 =	simm.s32 $0x4;
	v4 =	vmul.u32 $0x2710, v6;
	v1 =	vld [tilespmem:$0x110];
	[tilespmem:$0x730] =	vst v3;
	v3 =	vadd.s32 v5, v63  }
.LBB2_2:
0x11f: {  	_ =	sdelay $0x1  }
0x120: {  	v2 =	vmul.u32 $0x2710, v2  }
0x121: {  	[tilespmem:$0x740] =	vst v3;
	v0 =	vadd.s32 v0, v4  }
0x122: {  	[tilespmem:$0x700] =	vst v0;
	v0 =	vadd.s32 v1, v2  }
0x123: {  	s2 =	simm.s32 $0x700;
	s25 =	simm.s32 $0x5800;
	s29 =	simm.s32 $0x4;
	[tilespmem:$0x710] =	vst v0  }
0x124: {  	[tilespmem:s25], [sflag:$0xF] =	stream.indirect.gather [hbm4b:s6+s17], $0x80, s2, s17, $0xb8;
	[tilespmem:$0x1E400] =	vst v63  }
0x125: {  	_ =	swait.ge [sflag:s29], $0x50  }
0x126: {  	[sflag:s29] =	ssyncset.done $0x0  }
0x127: {  	s30 =	simm.s32 $0x8;
	[sflag:s29] =	ssyncadd.s32 $0xFFFFFFB0  }
0x128: {  	_ =	swait.ge [sflag:s30], $0x50  }
0x129: {  	[sflag:s30] =	ssyncset.done $0x0  }
0x12a: {  	[sflag:s30] =	ssyncadd.s32 $0xFFFFFFB0  }
0x12b: {  	_ =	swait.ge [sflag:s9], $0x2800  }
0x12c: {  	[sflag:s9] =	ssyncset.done $0x0  }
0x12d: {  	s0 =	sadd.s32 $0x9C40, s31;
	s28 =	simm.s32 $0x580;
	[sflag:s9] =	ssyncadd.s32 $0xFFFFD800  }
0x12e: {  	[tilespmem:s28], [sflag:$0xC] =	stream.linear.gather [hbm4b:s0+s5], $0x50, $0x38;
	[tilespmem:$0x1E400] =	vst v63  }
0x12f: {  	v0 =	vld [tilespmem:$0x1B0]  }
0x130: {  	v1 =	vld [tilespmem:$0x1A0]  }
0x131: {  	v2 =	vld [tilespmem:$0x1C0]  }
0x132: {  	v3 =	vld [tilespmem:$0x3B0]  }
0x133: {  	v5 =	vld [tilespmem:$0x3A0]  }
0x134: {  	v4 =	vld [tilespmem:$0x3C0]  }
0x135: {  	v6 =	vld [tilespmem:$0x390]  }
0x136: {  	v7 =	vld [tilespmem:$0x380]  }
0x137: {  	v8 =	vld [tilespmem:$0x190];
	v3 =	vmul.u32 $0x2710, v3  }
0x138: {  	v9 =	vld [tilespmem:$0x180];
	v5 =	vmul.u32 $0x2710, v5  }
0x139: {  	v4 =	vmul.u32 $0x2710, v4;
	v0 =	vadd.s32 v0, v3  }
0x13a: {  	v3 =	vmul.u32 $0x2710, v6;
	v1 =	vadd.s32 v1, v5;
	[tilespmem:$0x7B0] =	vst v0  }
0x13b: {  	v0 =	vadd.s32 v2, v4;
	v2 =	vmul.u32 $0x2710, v7;
	[tilespmem:$0x7A0] =	vst v1  }
0x13c: {  	[tilespmem:$0x7C0] =	vst v0;
	v0 =	vadd.s32 v8, v3  }
0x13d: {  	v1 =	vadd.s32 v9, v2;
	[tilespmem:$0x790] =	vst v0  }
0x13e: {  	s7 =	simm.s32 $0x780;
	s23 =	simm.s32 $0x8000;
	s10 =	simm.s32 $0xD;
	[tilespmem:$0x780] =	vst v1  }
0x13f: {  	[tilespmem:s23], [sflag:$0x10] =	stream.indirect.gather [hbm4b:s6+s17], $0x80, s7, s17, $0xb8;
	[tilespmem:$0x1E400] =	vst v63  }
0x140: {  	_ =	swait.ge [sflag:s10], $0x2800  }
0x141: {  	[sflag:s10] =	ssyncset.done $0x0  }
0x142: {  	s15 =	simm.s32 $0x9;
	[sflag:s10] =	ssyncadd.s32 $0xFFFFD800  }
0x143: {  	_ =	swait.ge [sflag:s15], $0x50  }
0x144: {  	[sflag:s15] =	ssyncset.done $0x0  }
0x145: {  	s7 =	simm.s32 $0x800;
	s10 =	simm.s32 $0x400;
	[sflag:s15] =	ssyncadd.s32 $0xFFFFFFB0  }
0x146: {  	[spmem:s4] =	stream.indirect.scatter.add.f32 [tilespmem:s7], [sflag:$0x11], $0x80, s10, s17, $0xb8;
	[tilespmem:$0x1E400] =	vst v63  }
0x147: {  	s26 =	sadd.s32 $0x28, s26  }
0x148: {  	[tilespmem:s5], [sflag:$0x1] =	stream.linear.gather [hbm4b:s26+s5], $0x50, $0x38;
	[tilespmem:$0x1E400] =	vst v63  }
0x149: {  	s19 =	sadd.s32 $0x28, s19;
	s18 =	simm.s32 $0xE  }
0x14a: {  	[tilespmem:s21], [sflag:$0x5] =	stream.linear.gather [hbm4b:s19+s5], $0x50, $0x38;
	[tilespmem:$0x1E400] =	vst v63  }
0x14b: {  	_ =	swait.ge [sflag:s18], $0x2800  }
0x14c: {  	[sflag:s18] =	ssyncset.done $0x0  }
0x14d: {  	s15 =	simm.s32 $0xA;
	[sflag:s18] =	ssyncadd.s32 $0xFFFFD800  }
0x14e: {  	_ =	swait.ge [sflag:s15], $0x50  }
0x14f: {  	s1 =	smov.u32 s14;
	s21 =	rddreg [dreg:$0x5]  }
0x150: {  	s1 =	sadd.s32 s1, s21  }
0x151: {  	s2 =	sadd.s32 $0x5, s1  }
0x152: {  	p1 =	slt.s32 s2, $0xF9F  }
0x153: {  	s29 =	simm.s32 $0x3000;
	[sflag:s15] =	ssyncset.done $0x0;
	s2 =	simm.s32 @!p1 $0xF9F  }
0x154: {  	s0 =	simm.s32 $0x480;
	[sflag:s15] =	ssyncadd.s32 $0xFFFFFFB0;
	s2 =	smul.u32 $0x50, s2  }
0x155: {  	[spmem:s4] =	stream.indirect.scatter.add.f32 [tilespmem:s29], [sflag:$0x12], $0x80, s0, s17, $0xb8;
	[tilespmem:$0x1E400] =	vst v63  }
0x156: {  	s22 =	sshrl.u32 s2, $0x3  }
0x157: {  	s18 =	simm.s32 $0x80;
	s2 =	sadd.s32 s20, s22  }
0x158: {  	[tilespmem:s18], [sflag:$0x2] =	stream.linear.gather [hbm4b:s2+s5], $0x50, $0x38;
	[tilespmem:$0x1E400] =	vst v63  }
0x159: {  	s30 =	simm.s32 $0x280;
	s15 =	sadd.s32 s16, s22  }
0x15a: {  	[tilespmem:s30], [sflag:$0x6] =	stream.linear.gather [hbm4b:s15+s5], $0x50, $0x38;
	[tilespmem:$0x1E400] =	vst v63  }
0x15b: {  	s31 =	sadd.s32 $0x6, s1;
	s15 =	simm.s32 $0xF  }
0x15c: {  	p2 =	slt.s32 s31, $0xF9F;
	_ =	swait.ge [sflag:s15], $0x2800  }
0x15d: {  	s1 =	sadd.s32 $0x7, s1;
	s31 =	simm.s32 @!p2 $0xF9F;
	[sflag:s15] =	ssyncset.done $0x0  }
0x15e: {  	p1 =	slt.s32 s1, $0xF9F;
	s18 =	simm.s32 $0xB;
	[sflag:s15] =	ssyncadd.s32 $0xFFFFD800  }
0x15f: {  	s31 =	smul.u32 $0x50, s31;
	s1 =	simm.s32 @!p1 $0xF9F;
	_ =	swait.ge [sflag:s18], $0x50  }
0x160: {  	s1 =	smul.u32 $0x50, s1;
	[sflag:s18] =	ssyncset.done $0x0  }
0x161: {  	s31 =	sshrl.u32 s31, $0x3;
	s30 =	simm.s32 $0x500;
	[sflag:s18] =	ssyncadd.s32 $0xFFFFFFB0  }
0x162: {  	[spmem:s4] =	stream.indirect.scatter.add.f32 [tilespmem:s25], [sflag:$0x13], $0x80, s30, s17, $0xb8;
	[tilespmem:$0x1E400] =	vst v63  }
0x163: {  	s21 =	sshrl.u32 s1, $0x3;
	s1 =	sadd.s32 s20, s31;
	s22 =	simm.s32 $0x100  }
0x164: {  	[tilespmem:s22], [sflag:$0x3] =	stream.linear.gather [hbm4b:s1+s5], $0x50, $0x38;
	[tilespmem:$0x1E400] =	vst v63  }
0x165: {  	s25 =	sadd.s32 s16, s31;
	s22 =	simm.s32 $0x300  }
0x166: {  	[tilespmem:s22], [sflag:$0x7] =	stream.linear.gather [hbm4b:s25+s5], $0x50, $0x38;
	[tilespmem:$0x1E400] =	vst v63  }
0x167: {  	s25 =	simm.s32 $0x10  }
0x168: {  	_ =	swait.ge [sflag:s25], $0x2800  }
0x169: {  	[sflag:s25] =	ssyncset.done $0x0  }
0x16a: {  	s22 =	simm.s32 $0xC;
	[sflag:s25] =	ssyncadd.s32 $0xFFFFD800  }
0x16b: {  	_ =	swait.ge [sflag:s22], $0x50  }
0x16c: {  	[sflag:s22] =	ssyncset.done $0x0  }
0x16d: {  	[sflag:s22] =	ssyncadd.s32 $0xFFFFFFB0  }
0x16e: {  	[spmem:s4] =	stream.indirect.scatter.add.f32 [tilespmem:s23], [sflag:$0x14], $0x80, s28, s17, $0xb8;
	[tilespmem:$0x1E400] =	vst v63  }
0x16f: {  	s31 =	sadd.s32 s20, s21;
	s23 =	simm.s32 $0x180  }
0x170: {  	[tilespmem:s23], [sflag:$0x4] =	stream.linear.gather [hbm4b:s31+s5], $0x50, $0x38;
	[tilespmem:$0x1E400] =	vst v63  }
0x171: {  	s15 =	sadd.s32 s16, s21;
	s28 =	simm.s32 $0x1;
	s23 =	simm.s32 $0x380  }
0x172: {  	[tilespmem:s23], [sflag:$0x8] =	stream.linear.gather [hbm4b:s15+s5], $0x50, $0x38;
	[tilespmem:$0x1E400] =	vst v63  }
0x173: {  	_ =	swait.ge [sflag:s28], $0x50  }
0x174: {  	[sflag:s28] =	ssyncset.done $0x0  }
0x175: {  	s23 =	simm.s32 $0x5;
	[sflag:s28] =	ssyncadd.s32 $0xFFFFFFB0  }
0x176: {  	_ =	swait.ge [sflag:s23], $0x50  }
0x177: {  	[sflag:s23] =	ssyncset.done $0x0  }
0x178: {  	[sflag:s23] =	ssyncadd.s32 $0xFFFFFFB0;
	s23 =	simm.s32 $0x11  }
0x179: {  	_ =	swait.ge [sflag:s23], $0x2800  }
0x17a: {  	[sflag:s23] =	ssyncset.done $0x0  }
0x17b: {  	s24 =	sadd.s32 $0x28, s24;
	[sflag:s23] =	ssyncadd.s32 $0xFFFFD800  }
0x17c: {  	[tilespmem:s10], [sflag:$0x9] =	stream.linear.gather [hbm4b:s24+s5], $0x50, $0x38;
	[tilespmem:$0x1E400] =	vst v63  }
0x17d: {  	v1 =	vld [tilespmem:$0x30]  }
0x17e: {  	v2 =	vld [tilespmem:$0x20]  }
0x17f: {  	v3 =	vld [tilespmem:$0x40]  }
0x180: {  	v4 =	vld [tilespmem:$0x240]  }
0x181: {  	v5 =	vld [tilespmem:$0x230]  }
0x182: {  	v6 =	vld [tilespmem:$0x220]  }
0x183: {  	v7 =	vld [tilespmem:$0x210]  }
0x184: {  	v58 =	vld [tilespmem:$0x200]  }
0x185: {  	v0 =	vld [tilespmem:$0x10];
	v4 =	vmul.u32 $0x2710, v4  }
0x186: {  	v59 =	vld [tilespmem:$0x0];
	v5 =	vmul.u32 $0x2710, v5  }
0x187: {  	v6 =	vmul.u32 $0x2710, v6;
	v3 =	vadd.s32 v3, v4  }
0x188: {  	v4 =	vmul.u32 $0x2710, v7;
	v1 =	vadd.s32 v1, v5;
	[tilespmem:$0x640] =	vst v3  }
0x189: {  	v2 =	vadd.s32 v2, v6;
	v3 =	vmul.u32 $0x2710, v58;
	[tilespmem:$0x630] =	vst v1  }
0x18a: {  	[tilespmem:$0x620] =	vst v2;
	v0 =	vadd.s32 v0, v4  }
0x18b: {  	v1 =	vadd.s32 v59, v3;
	[tilespmem:$0x610] =	vst v0  }
0x18c: {  	s23 =	simm.s32 $0x600;
	[tilespmem:$0x600] =	vst v1  }
0x18d: {  	[tilespmem:s7], [sflag:$0xD] =	stream.indirect.gather [hbm4b:s6+s17], $0x80, s23, s17, $0xb8;
	[tilespmem:$0x1E400] =	vst v63  }
0x18e: {  	s7 =	simm.s32 $0x2  }
0x18f: {  	_ =	swait.ge [sflag:s7], $0x50  }
0x190: {  	[sflag:s7] =	ssyncset.done $0x0  }
0x191: {  	[sflag:s7] =	ssyncadd.s32 $0xFFFFFFB0  }
0x192: {  	_ =	swait.ge [sflag:s8], $0x50  }
0x193: {  	[sflag:s8] =	ssyncset.done $0x0  }
0x194: {  	[sflag:s8] =	ssyncadd.s32 $0xFFFFFFB0  }
0x195: {  	_ =	swait.ge [sflag:s3], $0x2800  }
0x196: {  	[sflag:s3] =	ssyncset.done $0x0  }
0x197: {  	s2 =	sadd.s32 $0x9C40, s2;
	[sflag:s3] =	ssyncadd.s32 $0xFFFFD800  }
0x198: {  	[tilespmem:s0], [sflag:$0xA] =	stream.linear.gather [hbm4b:s2+s5], $0x50, $0x38;
	[tilespmem:$0x1E400] =	vst v63  }
0x199: {  	v0 =	vld [tilespmem:$0xA0]  }
0x19a: {  	v1 =	vld [tilespmem:$0xB0]  }
0x19b: {  	v2 =	vld [tilespmem:$0x80]  }
0x19c: {  	v3 =	vld [tilespmem:$0x2B0]  }
0x19d: {  	v4 =	vld [tilespmem:$0x2A0]  }
0x19e: {  	v5 =	vld [tilespmem:$0x280]  }
0x19f: {  	v6 =	vld [tilespmem:$0x2C0]  }
0x1a0: {  	v7 =	vld [tilespmem:$0x290]  }
0x1a1: {  	v60 =	vld [tilespmem:$0xC0];
	v3 =	vmul.u32 $0x2710, v3  }
0x1a2: {  	v61 =	vld [tilespmem:$0x90];
	v4 =	vmul.u32 $0x2710, v4  }
0x1a3: {  	v5 =	vmul.u32 $0x2710, v5;
	v1 =	vadd.s32 v1, v3  }
0x1a4: {  	v0 =	vadd.s32 v0, v4;
	[tilespmem:$0x6B0] =	vst v1;
	v1 =	vmul.u32 $0x2710, v6  }
0x1a5: {  	v2 =	vadd.s32 v2, v5;
	v3 =	vmul.u32 $0x2710, v7;
	[tilespmem:$0x6A0] =	vst v0  }
0x1a6: {  	[tilespmem:$0x680] =	vst v2;
	v0 =	vadd.s32 v60, v1  }
0x1a7: {  	v1 =	vadd.s32 v61, v3;
	[tilespmem:$0x6C0] =	vst v0  }
0x1a8: {  	s23 =	simm.s32 $0x680;
	[tilespmem:$0x690] =	vst v1  }
0x1a9: {  	[tilespmem:s29], [sflag:$0xE] =	stream.indirect.gather [hbm4b:s6+s17], $0x80, s23, s17, $0xb8;
	[tilespmem:$0x1E400] =	vst v63  }
0x1aa: {  	_ =	swait.ge [sflag:s12], $0x50  }
0x1ab: {  	[sflag:s12] =	ssyncset.done $0x0  }
0x1ac: {  	[sflag:s12] =	ssyncadd.s32 $0xFFFFFFB0  }
0x1ad: {  	_ =	swait.ge [sflag:s13], $0x50  }
0x1ae: {  	[sflag:s13] =	ssyncset.done $0x0  }
0x1af: {  	[sflag:s13] =	ssyncadd.s32 $0xFFFFFFB0  }
0x1b0: {  	_ =	swait.ge [sflag:s11], $0x2800  }
0x1b1: {  	[sflag:s11] =	ssyncset.done $0x0  }
0x1b2: {  	s1 =	sadd.s32 $0x9C40, s1;
	[sflag:s11] =	ssyncadd.s32 $0xFFFFD800  }
0x1b3: {  	[tilespmem:s30], [sflag:$0xB] =	stream.linear.gather [hbm4b:s1+s5], $0x50, $0x38;
	[tilespmem:$0x1E400] =	vst v63  }
0x1b4: {  	v3 =	vld [tilespmem:$0x120]  }
0x1b5: {  	v4 =	vld [tilespmem:$0x130]  }
0x1b6: {  	v0 =	vld [tilespmem:$0x320]  }
0x1b7: {  	v1 =	vld [tilespmem:$0x330]  }
0x1b8: {  	v5 =	vld [tilespmem:$0x340]  }
0x1b9: {  	v6 =	vld [tilespmem:$0x140]  }
0x1ba: {  	p0 =	sne.s32 s14, $0x78;
	v7 =	vld [tilespmem:$0x300]  }
.Ltmp0:
0x1bb: {  	v62 =	vmul.u32 $0x2710, v0;
	(pc) =	sbr.rel @p0 .LBB2_2-.Ltmp0, $4  }
0x1bc: {  	v63 =	vmul.u32 $0x2710, v1  }
0x1bd: {  	s14 =	sadd.s32 $0x4, s14;
	v2 =	vld [tilespmem:$0x310];
	v5 =	vmul.u32 $0x2710, v5;
	v3 =	vadd.s32 v3, v62  }
0x1be: {  	s18 =	simm.s32 $0x5800;
	s21 =	simm.s32 $0x200;
	s25 =	simm.s32 $0x580;
	v0 =	vld [tilespmem:$0x100];
	[tilespmem:$0x720] =	vst v3;
	v3 =	vadd.s32 v4, v63  }
0x1bf: {  	s22 =	simm.s32 $0x8000;
	s15 =	simm.s32 $0x400;
	s10 =	simm.s32 $0x800;
	v1 =	vld [tilespmem:$0x110];
	v4 =	vmul.u32 $0x2710, v7;
	[tilespmem:$0x730] =	vst v3;
	v3 =	vadd.s32 v6, v5  }
0x1c0: {  	_ =	sdelay $0x1  }
0x1c1: {  	v2 =	vmul.u32 $0x2710, v2  }
0x1c2: {  	[tilespmem:$0x740] =	vst v3;
	v0 =	vadd.s32 v0, v4  }
0x1c3: {  	[tilespmem:$0x700] =	vst v0;
	v53 =	vadd.s32 v1, v2  }
0x1c4: {  	s0 =	simm.s32 $0x700;
	s1 =	simm.s32 $0x4;
	[tilespmem:$0x710] =	vst v53  }
0x1c5: {  	[tilespmem:s18], [sflag:$0xF] =	stream.indirect.gather [hbm4b:s6+s17], $0x80, s0, s17, $0xb8;
	[tilespmem:$0x1E400] =	vst v63  }
0x1c6: {  	_ =	swait.ge [sflag:s1], $0x50  }
0x1c7: {  	[sflag:s1] =	ssyncset.done $0x0  }
0x1c8: {  	s2 =	simm.s32 $0x8;
	[sflag:s1] =	ssyncadd.s32 $0xFFFFFFB0  }
0x1c9: {  	_ =	swait.ge [sflag:s2], $0x50  }
0x1ca: {  	[sflag:s2] =	ssyncset.done $0x0  }
0x1cb: {  	[sflag:s2] =	ssyncadd.s32 $0xFFFFFFB0  }
0x1cc: {  	_ =	swait.ge [sflag:s9], $0x2800  }
0x1cd: {  	[sflag:s9] =	ssyncset.done $0x0  }
0x1ce: {  	s1 =	sadd.s32 $0x9C40, s31;
	[sflag:s9] =	ssyncadd.s32 $0xFFFFD800  }
0x1cf: {  	[tilespmem:s25], [sflag:$0xC] =	stream.linear.gather [hbm4b:s1+s5], $0x50, $0x38;
	[tilespmem:$0x1E400] =	vst v63  }
0x1d0: {  	v54 =	vld [tilespmem:$0x1B0]  }
0x1d1: {  	v55 =	vld [tilespmem:$0x1A0]  }
0x1d2: {  	v56 =	vld [tilespmem:$0x1C0]  }
0x1d3: {  	v57 =	vld [tilespmem:$0x3B0]  }
0x1d4: {  	v58 =	vld [tilespmem:$0x3C0]  }
0x1d5: {  	v5 =	vld [tilespmem:$0x3A0]  }
0x1d6: {  	v6 =	vld [tilespmem:$0x390]  }
0x1d7: {  	v7 =	vld [tilespmem:$0x380]  }
0x1d8: {  	v8 =	vld [tilespmem:$0x190];
	v3 =	vmul.u32 $0x2710, v57  }
0x1d9: {  	v9 =	vld [tilespmem:$0x180];
	v4 =	vmul.u32 $0x2710, v58  }
0x1da: {  	v5 =	vmul.u32 $0x2710, v5;
	v0 =	vadd.s32 v54, v3  }
0x1db: {  	v59 =	vmul.u32 $0x2710, v6;
	v60 =	vadd.s32 v56, v4;
	[tilespmem:$0x7B0] =	vst v0  }
0x1dc: {  	v61 =	vmul.u32 $0x2710, v7;
	v1 =	vadd.s32 v55, v5;
	[tilespmem:$0x7C0] =	vst v60  }
0x1dd: {  	v62 =	vadd.s32 v8, v59;
	[tilespmem:$0x7A0] =	vst v1  }
0x1de: {  	v63 =	vadd.s32 v9, v61;
	[tilespmem:$0x790] =	vst v62  }
0x1df: {  	s3 =	simm.s32 $0x780;
	s9 =	simm.s32 $0xD;
	[tilespmem:$0x780] =	vst v63  }
0x1e0: {  	[tilespmem:s22], [sflag:$0x10] =	stream.indirect.gather [hbm4b:s6+s17], $0x80, s3, s17, $0xb8;
	[tilespmem:$0x1E400] =	vst v63  }
0x1e1: {  	_ =	swait.ge [sflag:s9], $0x2800  }
0x1e2: {  	[sflag:s9] =	ssyncset.done $0x0  }
0x1e3: {  	s11 =	simm.s32 $0x9;
	[sflag:s9] =	ssyncadd.s32 $0xFFFFD800  }
0x1e4: {  	_ =	swait.ge [sflag:s11], $0x50  }
0x1e5: {  	[sflag:s11] =	ssyncset.done $0x0  }
0x1e6: {  	s14 =	simm.s32 $0xE;
	[sflag:s11] =	ssyncadd.s32 $0xFFFFFFB0  }
0x1e7: {  	[spmem:s4] =	stream.indirect.scatter.add.f32 [tilespmem:s10], [sflag:$0x11], $0x80, s15, s17, $0xb8;
	[tilespmem:$0x1E400] =	vst v63  }
0x1e8: {  	_ =	swait.ge [sflag:s14], $0x2800  }
0x1e9: {  	[sflag:s14] =	ssyncset.done $0x0  }
0x1ea: {  	s15 =	simm.s32 $0xA;
	[sflag:s14] =	ssyncadd.s32 $0xFFFFD800  }
0x1eb: {  	_ =	swait.ge [sflag:s15], $0x50  }
0x1ec: {  	[sflag:s15] =	ssyncset.done $0x0  }
0x1ed: {  	s18 =	simm.s32 $0xF;
	[sflag:s15] =	ssyncadd.s32 $0xFFFFFFB0  }
0x1ee: {  	_ =	swait.ge [sflag:s18], $0x2800  }
0x1ef: {  	[sflag:s18] =	ssyncset.done $0x0  }
0x1f0: {  	s19 =	simm.s32 $0xB;
	[sflag:s18] =	ssyncadd.s32 $0xFFFFD800  }
0x1f1: {  	_ =	swait.ge [sflag:s19], $0x50  }
0x1f2: {  	[sflag:s19] =	ssyncset.done $0x0  }
0x1f3: {  	s22 =	simm.s32 $0x10;
	[sflag:s19] =	ssyncadd.s32 $0xFFFFFFB0  }
0x1f4: {  	_ =	swait.ge [sflag:s22], $0x2800  }
0x1f5: {  	[sflag:s22] =	ssyncset.done $0x0  }
0x1f6: {  	s23 =	simm.s32 $0xC;
	[sflag:s22] =	ssyncadd.s32 $0xFFFFD800  }
0x1f7: {  	_ =	swait.ge [sflag:s23], $0x50  }
0x1f8: {  	[sflag:s23] =	ssyncset.done $0x0  }
0x1f9: {  	s24 =	simm.s32 $0x11;
	[sflag:s23] =	ssyncadd.s32 $0xFFFFFFB0  }
0x1fa: {  	_ =	swait.ge [sflag:s24], $0x2800  }
0x1fb: {  	[sflag:s24] =	ssyncset.done $0x0  }
0x1fc: {  	[sflag:s24] =	ssyncadd.s32 $0xFFFFD800  }
0x1fd: {  	[bflag:$0x0] =	sbarrier.arrive $0xFFFF  }
0x1fe: {  	s14 =	rddreg [dreg:$0x8]  }
0x1ff: {  	s25 =	rddreg [dreg:$0x14]  }
0x200: {  	s2 =	simm.s32 $0x15;
	s26 =	rddreg [dreg:$0x1b]  }
0x201: {  	[hbm:s25], [sflag:s14] =	dma.local [spmem:s26], $0x2780  }
0x202: {  	_ =	swait.ge [sflag:s2], $0x2780  }
0x203: {  	s29 =	rddreg [dreg:$0x1a]  }
0x204: {  	s30 =	rddreg [dreg:$0x15];
	s0 =	sadd.s32 $0x1, s29  }
0x205: {  	p0 =	sne.s32 s0, s30  }
.Ltmp1:
0x206: {  	_ = 	snop;
	(pc) =	sbr.rel @p0 .LBB2_1-.Ltmp1, $4  }
0x207: {  	_ = 	snop  }
0x208: {  	s31 =	simm.s32 $0x300;
	s9 =	simm.s32 $0x480;
	s10 =	simm.s32 $0x80  }
0x209: {  	s15 =	simm.s32 $0x500;
	s19 =	simm.s32 $0x280;
	[sflag:s2] =	ssyncset.done $0x0  }
0x20a: {  	s24 =	simm.s32 $0x100;
	s26 =	simm.s32 $0x180;
	[sflag:s2] =	ssyncadd.s32 $0xFFFFD880  }
0x20b: {  	_ =	sfence.sel $0x180000  }
0x20c: {  	[bflag:$0x0] =	sbarrier.arrive $0xFFFF  }
0x20d: {  	_ =	strace $0x90000047  }
0x20e: {  	s0 =	stileid.u32;
	[bflag:$0x2] =	sbarrier.arrive $0xFFFF  }
0x20f: {  	p0 =	sne.s32 s0, $0x0;
	s0 =	rddreg [dreg:$0x4]  }
0x210: {  	s0 =	sadd.s32 @!p0 $0x100000, s0  }
0x211: {  	[sflag:s0] =	ssyncadd.tile.s32 @!p0 $0x1;
	_ =	shalt  }
.Lfunc_end2:
_tile_overlayer_lowered:
.L_overlay_start_2:
0x212: {  	(tag) =	ssettag $0x2  }
0x213: {  	s0 =	rddreg [dreg:$0x0];
	s2 =	stileid.u32  }
0x214: {  	s1 =	rddreg [dreg:$0x1];
	p0 =	sne.s32 s2, $0x0  }
0x215: {  	s3 =	rddreg [dreg:$0x2];
	[bflag:$0x3] =	sbarrier.arrive $0xFFFF;
	s2 =	simm.s32 @!p0 $0x1C15  }
0x216: {  	[timem:s3], [sflag:s2] =	dma.local @!p0 [hbm:s0], s1  }
0x217: {  	s0 =	simm.s32 @!p0 $0x15  }
0x218: {  	_ =	swait.ge @!p0 [sflag:s0], s1  }
0x219: {  	s1 =	ssub.s32 @!p0 $0x0, s1;
	[sflag:s0] =	ssyncset.done @!p0 $0x0  }
0x21a: {  	[sflag:s0] =	ssyncadd.s32 @!p0 s1  }
0x21b: {  	[bflag:$0x3] =	sbarrier.arrive $0xFFFF  }
0x21c: {  	_ =	shalt  }

</sc_bundles>
